<compile_context>
chip_gen: v7x
topology: tpu7x:2x2x1
jax: 0.10.2.dev20260603
libtpu: 0.0.44.dev20260713+nightly
codegen_flags: <defaults>
</compile_context>

<pallas_src>
import functools

import jax
import jax.numpy as jnp
from jax.experimental import pallas as pl
from jax.experimental.pallas import tpu as pltpu
from jax.experimental.pallas import tpu_sc as plsc

_B = 256
_F = 128
_W = 16


def _make_sc_meta(n, R, grid):
    mesh = plsc.VectorSubcoreMesh(core_axis_name="c", subcore_axis_name="s")
    gp = ((grid + 15) // 16) * 16
    nbits = max(1, (n - 1).bit_length())

    @functools.partial(
        pl.kernel, mesh=mesh,
        out_type=[jax.ShapeDtypeStruct((2, _B), jnp.float32),
                  jax.ShapeDtypeStruct((2, gp), jnp.int32),
                  jax.ShapeDtypeStruct((2, gp), jnp.int32)],
        scratch_types=[pltpu.VMEM((16,), jnp.int32),
                       pltpu.VMEM((16,), jnp.int32),
                       pltpu.VMEM((16,), jnp.int32),
                       pltpu.VMEM((16,), jnp.int32),
                       pltpu.VMEM((16,), jnp.float32),
                       pltpu.VMEM((gp,), jnp.int32),
                       pltpu.VMEM((gp,), jnp.int32),
                       pltpu.SemaphoreType.DMA],
    )
    def sc_meta(b1_hbm, b2_hbm, cnt_hbm, base_hbm, mx_hbm,
                ia, ib, va, vb, cv, bsv, mxv, dsem):
        cid = jax.lax.axis_index("c")
        sid = jax.lax.axis_index("s")
        lanes = jax.lax.iota(jnp.int32, 16)

        def gather2(bh, idx_a, idx_b):
            ia[...] = idx_a
            ib[...] = idx_b
            ca = pltpu.async_copy(bh.at[ia], va, dsem)
            cb = pltpu.async_copy(bh.at[ib], vb, dsem)
            ca.wait()
            cb.wait()
            return va[...], vb[...]

        def run(bh):
            tgt_a = lanes + 16 * sid
            tgt_b = tgt_a + 1
            lo_a = jnp.zeros((16,), jnp.int32)
            hi_a = jnp.full((16,), n, jnp.int32)
            lo_b = lo_a
            hi_b = hi_a
            for _ in range(nbits):
                mid_a = (lo_a + hi_a) >> 1
                mid_b = (lo_b + hi_b) >> 1
                xa, xb = gather2(bh, mid_a, mid_b)
                pa = xa < tgt_a
                pb = xb < tgt_b
                lo_a = jnp.where(pa, mid_a + 1, lo_a)
                hi_a = jnp.where(pa, hi_a, mid_a)
                lo_b = jnp.where(pb, mid_b + 1, lo_b)
                hi_b = jnp.where(pb, hi_b, mid_b)
            cv[...] = (lo_b - lo_a).astype(jnp.float32)
            pltpu.sync_copy(cv, cnt_hbm.at[cid, pl.ds(16 * sid, 16)])

            @pl.when(sid == 0)
            def _():
                for k in range(gp // 16):
                    t = jnp.minimum(lanes + 16 * k, grid - 1)
                    xa, xb = gather2(bh, t * R, t * R + (R - 1))
                    bsv[pl.ds(16 * k, 16)] = xa
                    mxv[pl.ds(16 * k, 16)] = xb
                pltpu.sync_copy(bsv, base_hbm.at[cid])
                pltpu.sync_copy(mxv, mx_hbm.at[cid])

        @pl.when(cid == 0)
        def _():
            run(b1_hbm)

        @pl.when(cid == 1)
        def _():
            run(b2_hbm)

    return sc_meta


def _mm(a, b):
    return jax.lax.dot_general(a, b, (((1,), (0,)), ((), ())),
                               preferred_element_type=jnp.float32)


def _relu(x):
    return jnp.maximum(x, 0.0)


def _make_pass1(R, grid):
    def body(base, mx, br1, br2, x1, x2, u1, u2,
             A1, Bu1, b11, A2, Bu2, b12,
             s1o, s2o, t1, t2, sa1, sa2):
        step = pl.program_id(0)

        @pl.when(step == 0)
        def _init():
            t1[...] = jnp.zeros((_B + _W, _F), jnp.float32)
            t2[...] = jnp.zeros((_B + _W, _F), jnp.float32)
            t1[:_B, :] = _mm(u1[...], Bu1[...]) + b11[...]
            t2[:_B, :] = _mm(u2[...], Bu2[...]) + b12[...]
            sa1[...] = jnp.zeros((_B + _W, _F), jnp.float32)
            sa2[...] = jnp.zeros((_B + _W, _F), jnp.float32)

        iw_s = jax.lax.broadcasted_iota(jnp.int32, (_W, R), 0)
        if_s = jax.lax.broadcasted_iota(jnp.int32, (_B, R), 0)
        for g, (br, x, a, t, sa) in enumerate((
                (br1, x1, A1, t1, sa1),
                (br2, x2, A2, t2, sa2))):
            b0 = base[g, step]
            narrow = (mx[g, step] - b0) < _W

            @pl.when(narrow)
            def _fast():
                oht = (br[0] == iw_s + b0).astype(jnp.float32)
                oh = oht.T
                h = _relu(_mm(x[...], a[...])
                          + _mm(oh, t[pl.ds(b0, _W), :]))
                sa[pl.ds(b0, _W), :] += _mm(oht, h)

            @pl.when(jnp.logical_not(narrow))
            def _slow():
                oht = (br[0] == if_s).astype(jnp.float32)
                oh = oht.T
                h = _relu(_mm(x[...], a[...]) + _mm(oh, t[:_B, :]))
                sa[:_B, :] += _mm(oht, h)

        @pl.when(step == grid - 1)
        def _fini():
            s1o[...] = sa1[:_B, :]
            s2o[...] = sa2[:_B, :]
    return body


def _make_pass2(R, grid):
    def body(base, mx, br1, br2, x1, x2, u1, u2, s11, s12,
             cn1, cn2,
             A1, Bu1, b11, W21, b21, Va1, Vu1, d11, V21, d21,
             A2, Bu2, b12, W22, b22, Va2, Vu2, d12, V22, d22,
             Wfa, Wfb, bf1, Wf2, bf2,
             out,
             tc11, tc21, G1, un1, a1, tc12, tc22, G2, un2, a2):
        step = pl.program_id(0)

        @pl.when(step == 0)
        def _init():
            for (s1, cn, u, a, bu, b1, w2, b2, va, vu, d1, v2, d2,
                 tc1, tc2, g, un, acc) in (
                    (s11, cn1, u1, A1, Bu1, b11, W21, b21, Va1, Vu1, d11,
                     V21, d21, tc11, tc21, G1, un1, a1),
                    (s12, cn2, u2, A2, Bu2, b12, W22, b22, Va2, Vu2, d12,
                     V22, d22, tc12, tc22, G2, un2, a2)):
                agg1 = _mm(s1[...], w2[...]) + cn[...] * b2[...]
                zz = _relu(_mm(agg1, va[...]) + _mm(u[...], vu[...]) + d1[...])
                unew = _mm(zz, v2[...]) + d2[...]
                un[...] = unew
                tc1[...] = jnp.zeros((_B + _W, _F), jnp.float32)
                tc2[...] = jnp.zeros((_B + _W, _F), jnp.float32)
                tc1[:_B, :] = _mm(u[...], bu[...]) + b1[...]
                g[...] = _mm(w2[...], a[...])
                e = _mm(b2[...], a[...])
                tc2[:_B, :] = _mm(unew, bu[...]) + b1[...] + e
                acc[...] = jnp.zeros((_B + _W, _F), jnp.float32)
            zf = _relu(_mm(un1[...], Wfa[...]) + _mm(un2[...], Wfb[...])
                       + bf1[...])
            out[0, :, :] = _mm(zf, Wf2[...]) + bf2[...]

        iw_s = jax.lax.broadcasted_iota(jnp.int32, (_W, R), 0)
        if_s = jax.lax.broadcasted_iota(jnp.int32, (_B, R), 0)
        for g, (br, x, a, tc1, tc2, gm, acc) in enumerate((
                (br1, x1, A1, tc11, tc21, G1, a1),
                (br2, x2, A2, tc12, tc22, G2, a2))):
            b0 = base[g, step]
            narrow = (mx[g, step] - b0) < _W

            @pl.when(narrow)
            def _fast():
                oht = (br[0] == iw_s + b0).astype(jnp.float32)
                oh = oht.T
                h = _relu(_mm(x[...], a[...])
                          + _mm(oh, tc1[pl.ds(b0, _W), :]))
                h2 = _relu(_mm(h, gm[...])
                           + _mm(oh, tc2[pl.ds(b0, _W), :]))
                acc[pl.ds(b0, _W), :] += _mm(oht, h2)

            @pl.when(jnp.logical_not(narrow))
            def _slow():
                oht = (br[0] == if_s).astype(jnp.float32)
                oh = oht.T
                h = _relu(_mm(x[...], a[...]) + _mm(oh, tc1[:_B, :]))
                h2 = _relu(_mm(h, gm[...]) + _mm(oh, tc2[:_B, :]))
                acc[:_B, :] += _mm(oht, h2)

        @pl.when(step == grid - 1)
        def _fini():
            u2s = []
            for cn, w2, b2, va, vu, d1, v2, d2, un, acc in (
                    (cn1, W21, b21, Va1, Vu1, d11, V21, d21, un1, a1),
                    (cn2, W22, b22, Va2, Vu2, d12, V22, d22, un2, a2)):
                agg2 = _mm(acc[:_B, :], w2[...]) + cn[...] * b2[...]
                zz = _relu(_mm(agg2, va[...]) + _mm(un[...], vu[...])
                           + d1[...])
                u2s.append(_mm(zz, v2[...]) + d2[...])
            zf = _relu(_mm(u2s[0], Wfa[...]) + _mm(u2s[1], Wfb[...])
                       + bf1[...])
            out[1, :, :] = _mm(zf, Wf2[...]) + bf2[...]
    return body


def kernel(x1, u1, x2, u2, batch1, batch2, params):
    n = x1.shape[0]
    R = 4000 if n % 4000 == 0 else 8
    assert n % R == 0
    grid = n // R

    (W11, b11), (W21, b21) = params['gnn1_node']
    (W12, b12), (W22, b22) = params['gnn2_node']
    (Vg11, d11), (Vg21, d21) = params['gnn1_glob']
    (Vg12, d12), (Vg22, d22) = params['gnn2_glob']
    (Wf1, bf1), (Wf2, bf2) = params['final']

    A1, Bu1 = W11[:_F], W11[_F:]
    A2, Bu2 = W12[:_F], W12[_F:]
    Va1, Vu1 = Vg11[:_F], Vg11[_F:]
    Va2, Vu2 = Vg12[:_F], Vg12[_F:]
    Wfa, Wfb = Wf1[:_F], Wf1[_F:]

    row = lambda v: v.reshape(1, -1)
    br1 = batch1.reshape(grid, 1, R)
    br2 = batch2.reshape(grid, 1, R)

    sm_spec = pl.BlockSpec(memory_space=pltpu.SMEM)
    br_spec = pl.BlockSpec((1, 1, R), lambda i: (i, 0, 0))
    x_spec = pl.BlockSpec((R, _F), lambda i: (i, 0))
    full = lambda arr: pl.BlockSpec(arr.shape, lambda i: (0,) * arr.ndim)
    acc_spec = pl.BlockSpec((_B, _F), lambda i: (0, 0))
    cnt_spec = pl.BlockSpec((_B, 1), lambda i: (0, 0))
    f32 = jnp.float32
    vmem = lambda shape: pltpu.VMEM(shape, f32)

    cnt, base_p, mx_p = _make_sc_meta(n, R, grid)(batch1, batch2)
    base = base_p[:, :grid]
    mx = mx_p[:, :grid]
    cn1 = cnt[0].reshape(_B, 1)
    cn2 = cnt[1].reshape(_B, 1)

    p1_weights = (A1, Bu1, row(b11), A2, Bu2, row(b12))
    s11, s12 = pl.pallas_call(
        _make_pass1(R, grid),
        grid=(grid,),
        in_specs=[sm_spec, sm_spec, br_spec, br_spec,
                  x_spec, x_spec, full(u1), full(u2)]
                 + [full(w) for w in p1_weights],
        out_specs=[acc_spec, acc_spec],
        out_shape=[jax.ShapeDtypeStruct((_B, _F), f32),
                   jax.ShapeDtypeStruct((_B, _F), f32)],
        scratch_shapes=[vmem((_B + _W, _F)), vmem((_B + _W, _F)),
                        vmem((_B + _W, _F)), vmem((_B + _W, _F))],
        compiler_params=pltpu.CompilerParams(
            dimension_semantics=("arbitrary",)),
    )(base, mx, br1, br2, x1, x2, u1, u2, *p1_weights)

    p2_weights = (A1, Bu1, row(b11), W21, row(b21), Va1, Vu1, row(d11),
                  Vg21, row(d21),
                  A2, Bu2, row(b12), W22, row(b22), Va2, Vu2, row(d12),
                  Vg22, row(d22),
                  Wfa, Wfb, row(bf1), Wf2, row(bf2))
    out = pl.pallas_call(
        _make_pass2(R, grid),
        grid=(grid,),
        in_specs=[sm_spec, sm_spec, br_spec, br_spec,
                  x_spec, x_spec, full(u1), full(u2), acc_spec, acc_spec,
                  cnt_spec, cnt_spec] + [full(w) for w in p2_weights],
        out_specs=pl.BlockSpec((2, _B, 2), lambda i: (0, 0, 0)),
        out_shape=jax.ShapeDtypeStruct((2, _B, 2), f32),
        scratch_shapes=[vmem((_B + _W, _F)), vmem((_B + _W, _F)),
                        vmem((_F, _F)), vmem((_B, _F)),
                        vmem((_B + _W, _F)), vmem((_B + _W, _F)),
                        vmem((_B + _W, _F)), vmem((_F, _F)),
                        vmem((_B, _F)), vmem((_B + _W, _F))],
        compiler_params=pltpu.CompilerParams(
            dimension_semantics=("arbitrary",)),
    )(base, mx, br1, br2, x1, x2, u1, u2, s11, s12, cn1, cn2,
      *p2_weights)
    return out

# --- scband reference (transcript-rebuilt; emitter-appended) ---
"""Pipeline reference for scband-parallel-rds-39247411151547 (READ-ONLY COPY).

The authoritative reference and input builder live on the scoring server;
editing this copy changes nothing except your own understanding.
"""

import jax, jax.numpy as jnp
import numpy as np

N_NODES = 100000
B = 256
F_X = 128
F_U = 128
H = 128
F_OUT = 2
N_STEPS = 2


def _init_mlp(key, f_in, f_out, hidden=(H,)):
    sizes = (f_in,) + tuple(hidden) + (f_out,)
    params = []
    for i in range(len(sizes) - 1):
        key, k1, k2 = jax.random.split(key, 3)
        lim = 1.0 / np.sqrt(sizes[i])
        W = jax.random.uniform(k1, (sizes[i], sizes[i + 1]), minval=-lim, maxval=lim, dtype=jnp.float32)
        b = jax.random.uniform(k2, (sizes[i + 1],), minval=-lim, maxval=lim, dtype=jnp.float32)
        params.append((W, b))
    return params, key


def setup_inputs(seed: int = 0) -> dict:
    key = jax.random.key(seed)
    ks = jax.random.split(key, 6)
    x1 = jax.random.normal(ks[0], (N_NODES, F_X), dtype=jnp.float32)
    x2 = jax.random.normal(ks[1], (N_NODES, F_X), dtype=jnp.float32)
    u1 = jax.random.normal(ks[2], (B, F_U), dtype=jnp.float32)
    u2 = jax.random.normal(ks[3], (B, F_U), dtype=jnp.float32)
    batch1 = jnp.sort(jax.random.randint(ks[4], (N_NODES,), 0, B, dtype=jnp.int32))
    batch2 = jnp.sort(jax.random.randint(ks[5], (N_NODES,), 0, B, dtype=jnp.int32))
    pkey = jax.random.key(1)
    params = {}
    params['gnn1_node'], pkey = _init_mlp(pkey, F_X + F_U, F_X)
    params['gnn1_glob'], pkey = _init_mlp(pkey, F_X + F_U, F_U)
    params['gnn2_node'], pkey = _init_mlp(pkey, F_X + F_U, F_X)
    params['gnn2_glob'], pkey = _init_mlp(pkey, F_X + F_U, F_U)
    params['final'], pkey = _init_mlp(pkey, 2 * F_U, F_OUT)
    return {"x1": x1, "u1": u1, "x2": x2, "u2": u2, "batch1": batch1, "batch2": batch2, "params": params}


def _mlp(params, x):
    for W, b in params[:-1]:
        x = jax.nn.relu(x @ W + b)
    W, b = params[-1]
    return x @ W + b


def reference(x1, u1, x2, u2, batch1, batch2, params):
    # ParallelRDS: N recurrent DeepSetPlus steps on each of the two graphs,
    # readout MLP on concatenated globals at every step.
    outs = []
    for _ in range(N_STEPS):
        # gnn1: DS_NodeModel then DS_GlobalModel (DeepSetPlus)
        x1 = _mlp(params['gnn1_node'], jnp.concatenate([x1, u1[batch1]], axis=1))
        agg1 = jax.ops.segment_sum(x1, batch1, num_segments=B)
        u1 = _mlp(params['gnn1_glob'], jnp.concatenate([agg1, u1], axis=1))
        # gnn2
        x2 = _mlp(params['gnn2_node'], jnp.concatenate([x2, u2[batch2]], axis=1))
        agg2 = jax.ops.segment_sum(x2, batch2, num_segments=B)
        u2 = _mlp(params['gnn2_glob'], jnp.concatenate([agg2, u2], axis=1))
        outs.append(_mlp(params['final'], jnp.concatenate([u1, u2], axis=1)))
    return jnp.stack(outs, axis=0)  # [N_STEPS, B, F_OUT]

if __name__ == "__main__":
    import jax
    _d = setup_inputs()
    print(jax.jit(kernel)(*tuple(_d.values())))

</pallas_src>

<mosaic_0001>
#map = affine_map<(d0, d1) -> (0)>
#map1 = affine_map<(d0, d1) -> (0, 0)>
module attributes {stable_mosaic.version = 14 : i64} {
  func.func @sc_meta(%arg0: i32, %arg1: i32, %arg2: memref<100000xi32, #tpu.memory_space<hbm>>, %arg3: memref<100000xi32, #tpu.memory_space<hbm>>, %arg4: memref<2x256xf32, #tpu.memory_space<hbm>>, %arg5: memref<2x32xi32, #tpu.memory_space<hbm>>, %arg6: memref<2x32xi32, #tpu.memory_space<hbm>>, %arg7: memref<16xi32, #tpu.memory_space<vmem>>, %arg8: memref<16xi32, #tpu.memory_space<vmem>>, %arg9: memref<16xi32, #tpu.memory_space<vmem>>, %arg10: memref<16xi32, #tpu.memory_space<vmem>>, %arg11: memref<16xf32, #tpu.memory_space<vmem>>, %arg12: memref<32xi32, #tpu.memory_space<vmem>>, %arg13: memref<32xi32, #tpu.memory_space<vmem>>, %arg14: memref<!tpu.dma_semaphore, #tpu.memory_space<semaphore_mem>>) attributes {dimension_semantics = [#tpu.dimension_semantics<core_parallel>, #tpu.dimension_semantics<subcore_parallel>], iteration_bounds = array<i64: 2, 16>, scalar_prefetch = 0 : i64, scratch_operands = 8 : i64, tpu.core_type = #tpu.core_type<sc_vector_subcore>, window_params = [{transform_indices = #map}, {transform_indices = #map}, {transform_indices = #map1}, {transform_indices = #map1}, {transform_indices = #map1}]} {
    %iota3A = tpu.iota {dimensions = array<i32: 0>} : vector<16xi32>
    %eq3A = arith.constant 0 : i32
    %eq3A_0 = arith.cmpi eq, %arg0, %eq3A : i32
    %convert_element_type3A = arith.extui %eq3A_0 : i1 to i32
    %cond3A = arith.constant 0 : i32
    %cond3A_1 = arith.cmpi ne, %convert_element_type3A, %cond3A : i32
    scf.if %cond3A_1 {
      %mul3A = arith.constant 16 : i32
      %mul3A_7 = arith.muli %mul3A, %arg1 : i32
      %add3A = vector.broadcast %mul3A_7 : i32 to vector<16xi32>
      %add3A_8 = arith.addi %iota3A, %add3A : vector<16xi32>
      %add3A_9 = arith.constant 1 : i32
      %add3A_10 = vector.broadcast %add3A_9 : i32 to vector<16xi32>
      %add3A_11 = arith.addi %add3A_8, %add3A_10 : vector<16xi32>
      %broadcast_in_dim3A = arith.constant 0 : i32
      %broadcast_in_dim3A_12 = vector.broadcast %broadcast_in_dim3A : i32 to vector<16xi32>
      %broadcast_in_dim3A_13 = arith.constant 100000 : i32
      %broadcast_in_dim3A_14 = vector.broadcast %broadcast_in_dim3A_13 : i32 to vector<16xi32>
      %add3A_15 = arith.addi %broadcast_in_dim3A_12, %broadcast_in_dim3A_14 : vector<16xi32>
      %shift_right_arithmetic3A = arith.constant 1 : i32
      %shift_right_arithmetic3A_16 = vector.broadcast %shift_right_arithmetic3A : i32 to vector<16xi32>
      %shift_right_arithmetic3A_17 = arith.shrsi %add3A_15, %shift_right_arithmetic3A_16 : vector<16xi32>
      %add3A_18 = arith.addi %broadcast_in_dim3A_12, %broadcast_in_dim3A_14 : vector<16xi32>
      %shift_right_arithmetic3A_19 = arith.constant 1 : i32
      %shift_right_arithmetic3A_20 = vector.broadcast %shift_right_arithmetic3A_19 : i32 to vector<16xi32>
      %shift_right_arithmetic3A_21 = arith.shrsi %add3A_18, %shift_right_arithmetic3A_20 : vector<16xi32>
      %swap3A = arith.constant 0 : index
      %swap3A_22 = tpu.vector_load %arg7[%swap3A] {strides = array<i32>} : memref<16xi32, #tpu.memory_space<vmem>>, vector<16xi32>,
      %swap3A_23 = vector.shape_cast %swap3A_22 : vector<16xi32> to vector<16xi32>
      %swap3A_24 = vector.shape_cast %shift_right_arithmetic3A_17 : vector<16xi32> to vector<16xi32>
      tpu.vector_store %arg7[%swap3A], %swap3A_24 {strides = array<i32>} : memref<16xi32, #tpu.memory_space<vmem>>, vector<16xi32>,
      %swap3A_25 = arith.constant 0 : index
      %swap3A_26 = tpu.vector_load %arg8[%swap3A_25] {strides = array<i32>} : memref<16xi32, #tpu.memory_space<vmem>>, vector<16xi32>,
      %swap3A_27 = vector.shape_cast %swap3A_26 : vector<16xi32> to vector<16xi32>
      %swap3A_28 = vector.shape_cast %shift_right_arithmetic3A_21 : vector<16xi32> to vector<16xi32>
      tpu.vector_store %arg8[%swap3A_25], %swap3A_28 {strides = array<i32>} : memref<16xi32, #tpu.memory_space<vmem>>, vector<16xi32>,
      %dma_start3A = arith.constant 0 : i32
      %dma_start3A_29 = tpu.memref_slice %arg2[%dma_start3A] : memref<100000xi32, #tpu.memory_space<hbm>> -> memref<100000xi32, #tpu.memory_space<hbm>>
      tpu.enqueue_indirect_dma source(%dma_start3A_29 : memref<100000xi32, #tpu.memory_space<hbm>>) target(%arg9 : memref<16xi32, #tpu.memory_space<vmem>>) offsets(%arg7 : memref<16xi32, #tpu.memory_space<vmem>>) semaphore(%arg14 : memref<!tpu.dma_semaphore, #tpu.memory_space<semaphore_mem>>)
      %dma_start3A_30 = arith.constant 0 : i32
      %dma_start3A_31 = tpu.memref_slice %arg2[%dma_start3A_30] : memref<100000xi32, #tpu.memory_space<hbm>> -> memref<100000xi32, #tpu.memory_space<hbm>>
      tpu.enqueue_indirect_dma source(%dma_start3A_31 : memref<100000xi32, #tpu.memory_space<hbm>>) target(%arg10 : memref<16xi32, #tpu.memory_space<vmem>>) offsets(%arg8 : memref<16xi32, #tpu.memory_space<vmem>>) semaphore(%arg14 : memref<!tpu.dma_semaphore, #tpu.memory_space<semaphore_mem>>)
      %dma_wait3A = arith.constant 0 : i32
      %dma_wait3A_32 = tpu.memref_slice %arg2[%dma_wait3A] : memref<100000xi32, #tpu.memory_space<hbm>> -> memref<100000xi32, #tpu.memory_space<hbm>>
      tpu.wait_indirect_dma semaphore(%arg14 : memref<!tpu.dma_semaphore, #tpu.memory_space<semaphore_mem>>) src(%dma_wait3A_32 : memref<100000xi32, #tpu.memory_space<hbm>>) dst(%arg9 : memref<16xi32, #tpu.memory_space<vmem>>)
      %dma_wait3A_33 = arith.constant 0 : i32
      %dma_wait3A_34 = tpu.memref_slice %arg2[%dma_wait3A_33] : memref<100000xi32, #tpu.memory_space<hbm>> -> memref<100000xi32, #tpu.memory_space<hbm>>
      tpu.wait_indirect_dma semaphore(%arg14 : memref<!tpu.dma_semaphore, #tpu.memory_space<semaphore_mem>>) src(%dma_wait3A_34 : memref<100000xi32, #tpu.memory_space<hbm>>) dst(%arg10 : memref<16xi32, #tpu.memory_space<vmem>>)
      %get3A = arith.constant 0 : index
      %get3A_35 = tpu.vector_load %arg9[%get3A] {strides = array<i32>} : memref<16xi32, #tpu.memory_space<vmem>>, vector<16xi32>,
      %get3A_36 = vector.shape_cast %get3A_35 : vector<16xi32> to vector<16xi32>
      %get3A_37 = arith.constant 0 : index
      %get3A_38 = tpu.vector_load %arg10[%get3A_37] {strides = array<i32>} : memref<16xi32, #tpu.memory_space<vmem>>, vector<16xi32>,
      %get3A_39 = vector.shape_cast %get3A_38 : vector<16xi32> to vector<16xi32>
      %lt3A = arith.cmpi slt, %get3A_36, %add3A_8 : vector<16xi32>
      %lt3A_40 = arith.cmpi slt, %get3A_39, %add3A_11 : vector<16xi32>
      %add3A_41 = arith.constant 1 : i32
      %add3A_42 = vector.broadcast %add3A_41 : i32 to vector<16xi32>
      %add3A_43 = arith.addi %shift_right_arithmetic3A_17, %add3A_42 : vector<16xi32>
      %select_n3A = arith.select %lt3A, %add3A_43, %broadcast_in_dim3A_12 : vector<16xi1>, vector<16xi32>
      %select_n3A_44 = arith.select %lt3A, %broadcast_in_dim3A_14, %shift_right_arithmetic3A_17 : vector<16xi1>, vector<16xi32>
      %add3A_45 = arith.constant 1 : i32
      %add3A_46 = vector.broadcast %add3A_45 : i32 to vector<16xi32>
      %add3A_47 = arith.addi %shift_right_arithmetic3A_21, %add3A_46 : vector<16xi32>
      %select_n3A_48 = arith.select %lt3A_40, %add3A_47, %broadcast_in_dim3A_12 : vector<16xi1>, vector<16xi32>
      %select_n3A_49 = arith.select %lt3A_40, %broadcast_in_dim3A_14, %shift_right_arithmetic3A_21 : vector<16xi1>, vector<16xi32>
      %add3A_50 = arith.addi %select_n3A, %select_n3A_44 : vector<16xi32>
      %shift_right_arithmetic3A_51 = arith.constant 1 : i32
      %shift_right_arithmetic3A_52 = vector.broadcast %shift_right_arithmetic3A_51 : i32 to vector<16xi32>
      %shift_right_arithmetic3A_53 = arith.shrsi %add3A_50, %shift_right_arithmetic3A_52 : vector<16xi32>
      %add3A_54 = arith.addi %select_n3A_48, %select_n3A_49 : vector<16xi32>
      %shift_right_arithmetic3A_55 = arith.constant 1 : i32
      %shift_right_arithmetic3A_56 = vector.broadcast %shift_right_arithmetic3A_55 : i32 to vector<16xi32>
      %shift_right_arithmetic3A_57 = arith.shrsi %add3A_54, %shift_right_arithmetic3A_56 : vector<16xi32>
      %swap3A_58 = arith.constant 0 : index
      %swap3A_59 = tpu.vector_load %arg7[%swap3A_58] {strides = array<i32>} : memref<16xi32, #tpu.memory_space<vmem>>, vector<16xi32>,
      %swap3A_60 = vector.shape_cast %swap3A_59 : vector<16xi32> to vector<16xi32>
      %swap3A_61 = vector.shape_cast %shift_right_arithmetic3A_53 : vector<16xi32> to vector<16xi32>
      tpu.vector_store %arg7[%swap3A_58], %swap3A_61 {strides = array<i32>} : memref<16xi32, #tpu.memory_space<vmem>>, vector<16xi32>,
      %swap3A_62 = arith.constant 0 : index
      %swap3A_63 = tpu.vector_load %arg8[%swap3A_62] {strides = array<i32>} : memref<16xi32, #tpu.memory_space<vmem>>, vector<16xi32>,
      %swap3A_64 = vector.shape_cast %swap3A_63 : vector<16xi32> to vector<16xi32>
      %swap3A_65 = vector.shape_cast %shift_right_arithmetic3A_57 : vector<16xi32> to vector<16xi32>
      tpu.vector_store %arg8[%swap3A_62], %swap3A_65 {strides = array<i32>} : memref<16xi32, #tpu.memory_space<vmem>>, vector<16xi32>,
      %dma_start3A_66 = arith.constant 0 : i32
      %dma_start3A_67 = tpu.memref_slice %arg2[%dma_start3A_66] : memref<100000xi32, #tpu.memory_space<hbm>> -> memref<100000xi32, #tpu.memory_space<hbm>>
      tpu.enqueue_indirect_dma source(%dma_start3A_67 : memref<100000xi32, #tpu.memory_space<hbm>>) target(%arg9 : memref<16xi32, #tpu.memory_space<vmem>>) offsets(%arg7 : memref<16xi32, #tpu.memory_space<vmem>>) semaphore(%arg14 : memref<!tpu.dma_semaphore, #tpu.memory_space<semaphore_mem>>)
      %dma_start3A_68 = arith.constant 0 : i32
      %dma_start3A_69 = tpu.memref_slice %arg2[%dma_start3A_68] : memref<100000xi32, #tpu.memory_space<hbm>> -> memref<100000xi32, #tpu.memory_space<hbm>>
      tpu.enqueue_indirect_dma source(%dma_start3A_69 : memref<100000xi32, #tpu.memory_space<hbm>>) target(%arg10 : memref<16xi32, #tpu.memory_space<vmem>>) offsets(%arg8 : memref<16xi32, #tpu.memory_space<vmem>>) semaphore(%arg14 : memref<!tpu.dma_semaphore, #tpu.memory_space<semaphore_mem>>)
      %dma_wait3A_70 = arith.constant 0 : i32
      %dma_wait3A_71 = tpu.memref_slice %arg2[%dma_wait3A_70] : memref<100000xi32, #tpu.memory_space<hbm>> -> memref<100000xi32, #tpu.memory_space<hbm>>
      tpu.wait_indirect_dma semaphore(%arg14 : memref<!tpu.dma_semaphore, #tpu.memory_space<semaphore_mem>>) src(%dma_wait3A_71 : memref<100000xi32, #tpu.memory_space<hbm>>) dst(%arg9 : memref<16xi32, #tpu.memory_space<vmem>>)
      %dma_wait3A_72 = arith.constant 0 : i32
      %dma_wait3A_73 = tpu.memref_slice %arg2[%dma_wait3A_72] : memref<100000xi32, #tpu.memory_space<hbm>> -> memref<100000xi32, #tpu.memory_space<hbm>>
      tpu.wait_indirect_dma semaphore(%arg14 : memref<!tpu.dma_semaphore, #tpu.memory_space<semaphore_mem>>) src(%dma_wait3A_73 : memref<100000xi32, #tpu.memory_space<hbm>>) dst(%arg10 : memref<16xi32, #tpu.memory_space<vmem>>)
      %get3A_74 = arith.constant 0 : index
      %get3A_75 = tpu.vector_load %arg9[%get3A_74] {strides = array<i32>} : memref<16xi32, #tpu.memory_space<vmem>>, vector<16xi32>,
      %get3A_76 = vector.shape_cast %get3A_75 : vector<16xi32> to vector<16xi32>
      %get3A_77 = arith.constant 0 : index
      %get3A_78 = tpu.vector_load %arg10[%get3A_77] {strides = array<i32>} : memref<16xi32, #tpu.memory_space<vmem>>, vector<16xi32>,
      %get3A_79 = vector.shape_cast %get3A_78 : vector<16xi32> to vector<16xi32>
      %lt3A_80 = arith.cmpi slt, %get3A_76, %add3A_8 : vector<16xi32>
      %lt3A_81 = arith.cmpi slt, %get3A_79, %add3A_11 : vector<16xi32>
      %add3A_82 = arith.constant 1 : i32
      %add3A_83 = vector.broadcast %add3A_82 : i32 to vector<16xi32>
      %add3A_84 = arith.addi %shift_right_arithmetic3A_53, %add3A_83 : vector<16xi32>
      %select_n3A_85 = arith.select %lt3A_80, %add3A_84, %select_n3A : vector<16xi1>, vector<16xi32>
      %select_n3A_86 = arith.select %lt3A_80, %select_n3A_44, %shift_right_arithmetic3A_53 : vector<16xi1>, vector<16xi32>
      %add3A_87 = arith.constant 1 : i32
      %add3A_88 = vector.broadcast %add3A_87 : i32 to vector<16xi32>
      %add3A_89 = arith.addi %shift_right_arithmetic3A_57, %add3A_88 : vector<16xi32>
      %select_n3A_90 = arith.select %lt3A_81, %add3A_89, %select_n3A_48 : vector<16xi1>, vector<16xi32>
      %select_n3A_91 = arith.select %lt3A_81, %select_n3A_49, %shift_right_arithmetic3A_57 : vector<16xi1>, vector<16xi32>
      %add3A_92 = arith.addi %select_n3A_85, %select_n3A_86 : vector<16xi32>
      %shift_right_arithmetic3A_93 = arith.constant 1 : i32
      %shift_right_arithmetic3A_94 = vector.broadcast %shift_right_arithmetic3A_93 : i32 to vector<16xi32>
      %shift_right_arithmetic3A_95 = arith.shrsi %add3A_92, %shift_right_arithmetic3A_94 : vector<16xi32>
      %add3A_96 = arith.addi %select_n3A_90, %select_n3A_91 : vector<16xi32>
      %shift_right_arithmetic3A_97 = arith.constant 1 : i32
      %shift_right_arithmetic3A_98 = vector.broadcast %shift_right_arithmetic3A_97 : i32 to vector<16xi32>
      %shift_right_arithmetic3A_99 = arith.shrsi %add3A_96, %shift_right_arithmetic3A_98 : vector<16xi32>
      %swap3A_100 = arith.constant 0 : index
      %swap3A_101 = tpu.vector_load %arg7[%swap3A_100] {strides = array<i32>} : memref<16xi32, #tpu.memory_space<vmem>>, vector<16xi32>,
      %swap3A_102 = vector.shape_cast %swap3A_101 : vector<16xi32> to vector<16xi32>
      %swap3A_103 = vector.shape_cast %shift_right_arithmetic3A_95 : vector<16xi32> to vector<16xi32>
      tpu.vector_store %arg7[%swap3A_100], %swap3A_103 {strides = array<i32>} : memref<16xi32, #tpu.memory_space<vmem>>, vector<16xi32>,
      %swap3A_104 = arith.constant 0 : index
      %swap3A_105 = tpu.vector_load %arg8[%swap3A_104] {strides = array<i32>} : memref<16xi32, #tpu.memory_space<vmem>>, vector<16xi32>,
      %swap3A_106 = vector.shape_cast %swap3A_105 : vector<16xi32> to vector<16xi32>
      %swap3A_107 = vector.shape_cast %shift_right_arithmetic3A_99 : vector<16xi32> to vector<16xi32>
      tpu.vector_store %arg8[%swap3A_104], %swap3A_107 {strides = array<i32>} : memref<16xi32, #tpu.memory_space<vmem>>, vector<16xi32>,
      %dma_start3A_108 = arith.constant 0 : i32
      %dma_start3A_109 = tpu.memref_slice %arg2[%dma_start3A_108] : memref<100000xi32, #tpu.memory_space<hbm>> -> memref<100000xi32, #tpu.memory_space<hbm>>
      tpu.enqueue_indirect_dma source(%dma_start3A_109 : memref<100000xi32, #tpu.memory_space<hbm>>) target(%arg9 : memref<16xi32, #tpu.memory_space<vmem>>) offsets(%arg7 : memref<16xi32, #tpu.memory_space<vmem>>) semaphore(%arg14 : memref<!tpu.dma_semaphore, #tpu.memory_space<semaphore_mem>>)
      %dma_start3A_110 = arith.constant 0 : i32
      %dma_start3A_111 = tpu.memref_slice %arg2[%dma_start3A_110] : memref<100000xi32, #tpu.memory_space<hbm>> -> memref<100000xi32, #tpu.memory_space<hbm>>
      tpu.enqueue_indirect_dma source(%dma_start3A_111 : memref<100000xi32, #tpu.memory_space<hbm>>) target(%arg10 : memref<16xi32, #tpu.memory_space<vmem>>) offsets(%arg8 : memref<16xi32, #tpu.memory_space<vmem>>) semaphore(%arg14 : memref<!tpu.dma_semaphore, #tpu.memory_space<semaphore_mem>>)
      %dma_wait3A_112 = arith.constant 0 : i32
      %dma_wait3A_113 = tpu.memref_slice %arg2[%dma_wait3A_112] : memref<100000xi32, #tpu.memory_space<hbm>> -> memref<100000xi32, #tpu.memory_space<hbm>>
      tpu.wait_indirect_dma semaphore(%arg14 : memref<!tpu.dma_semaphore, #tpu.memory_space<semaphore_mem>>) src(%dma_wait3A_113 : memref<100000xi32, #tpu.memory_space<hbm>>) dst(%arg9 : memref<16xi32, #tpu.memory_space<vmem>>)
      %dma_wait3A_114 = arith.constant 0 : i32
      %dma_wait3A_115 = tpu.memref_slice %arg2[%dma_wait3A_114] : memref<100000xi32, #tpu.memory_space<hbm>> -> memref<100000xi32, #tpu.memory_space<hbm>>
      tpu.wait_indirect_dma semaphore(%arg14 : memref<!tpu.dma_semaphore, #tpu.memory_space<semaphore_mem>>) src(%dma_wait3A_115 : memref<100000xi32, #tpu.memory_space<hbm>>) dst(%arg10 : memref<16xi32, #tpu.memory_space<vmem>>)
      %get3A_116 = arith.constant 0 : index
      %get3A_117 = tpu.vector_load %arg9[%get3A_116] {strides = array<i32>} : memref<16xi32, #tpu.memory_space<vmem>>, vector<16xi32>,
      %get3A_118 = vector.shape_cast %get3A_117 : vector<16xi32> to vector<16xi32>
      %get3A_119 = arith.constant 0 : index
      %get3A_120 = tpu.vector_load %arg10[%get3A_119] {strides = array<i32>} : memref<16xi32, #tpu.memory_space<vmem>>, vector<16xi32>,
      %get3A_121 = vector.shape_cast %get3A_120 : vector<16xi32> to vector<16xi32>
      %lt3A_122 = arith.cmpi slt, %get3A_118, %add3A_8 : vector<16xi32>
      %lt3A_123 = arith.cmpi slt, %get3A_121, %add3A_11 : vector<16xi32>
      %add3A_124 = arith.constant 1 : i32
      %add3A_125 = vector.broadcast %add3A_124 : i32 to vector<16xi32>
      %add3A_126 = arith.addi %shift_right_arithmetic3A_95, %add3A_125 : vector<16xi32>
      %select_n3A_127 = arith.select %lt3A_122, %add3A_126, %select_n3A_85 : vector<16xi1>, vector<16xi32>
      %select_n3A_128 = arith.select %lt3A_122, %select_n3A_86, %shift_right_arithmetic3A_95 : vector<16xi1>, vector<16xi32>
      %add3A_129 = arith.constant 1 : i32
      %add3A_130 = vector.broadcast %add3A_129 : i32 to vector<16xi32>
      %add3A_131 = arith.addi %shift_right_arithmetic3A_99, %add3A_130 : vector<16xi32>
      %select_n3A_132 = arith.select %lt3A_123, %add3A_131, %select_n3A_90 : vector<16xi1>, vector<16xi32>
      %select_n3A_133 = arith.select %lt3A_123, %select_n3A_91, %shift_right_arithmetic3A_99 : vector<16xi1>, vector<16xi32>
      %add3A_134 = arith.addi %select_n3A_127, %select_n3A_128 : vector<16xi32>
      %shift_right_arithmetic3A_135 = arith.constant 1 : i32
      %shift_right_arithmetic3A_136 = vector.broadcast %shift_right_arithmetic3A_135 : i32 to vector<16xi32>
      %shift_right_arithmetic3A_137 = arith.shrsi %add3A_134, %shift_right_arithmetic3A_136 : vector<16xi32>
      %add3A_138 = arith.addi %select_n3A_132, %select_n3A_133 : vector<16xi32>
      %shift_right_arithmetic3A_139 = arith.constant 1 : i32
      %shift_right_arithmetic3A_140 = vector.broadcast %shift_right_arithmetic3A_139 : i32 to vector<16xi32>
      %shift_right_arithmetic3A_141 = arith.shrsi %add3A_138, %shift_right_arithmetic3A_140 : vector<16xi32>
      %swap3A_142 = arith.constant 0 : index
      %swap3A_143 = tpu.vector_load %arg7[%swap3A_142] {strides = array<i32>} : memref<16xi32, #tpu.memory_space<vmem>>, vector<16xi32>,
      %swap3A_144 = vector.shape_cast %swap3A_143 : vector<16xi32> to vector<16xi32>
      %swap3A_145 = vector.shape_cast %shift_right_arithmetic3A_137 : vector<16xi32> to vector<16xi32>
      tpu.vector_store %arg7[%swap3A_142], %swap3A_145 {strides = array<i32>} : memref<16xi32, #tpu.memory_space<vmem>>, vector<16xi32>,
      %swap3A_146 = arith.constant 0 : index
      %swap3A_147 = tpu.vector_load %arg8[%swap3A_146] {strides = array<i32>} : memref<16xi32, #tpu.memory_space<vmem>>, vector<16xi32>,
      %swap3A_148 = vector.shape_cast %swap3A_147 : vector<16xi32> to vector<16xi32>
      %swap3A_149 = vector.shape_cast %shift_right_arithmetic3A_141 : vector<16xi32> to vector<16xi32>
      tpu.vector_store %arg8[%swap3A_146], %swap3A_149 {strides = array<i32>} : memref<16xi32, #tpu.memory_space<vmem>>, vector<16xi32>,
      %dma_start3A_150 = arith.constant 0 : i32
      %dma_start3A_151 = tpu.memref_slice %arg2[%dma_start3A_150] : memref<100000xi32, #tpu.memory_space<hbm>> -> memref<100000xi32, #tpu.memory_space<hbm>>
      tpu.enqueue_indirect_dma source(%dma_start3A_151 : memref<100000xi32, #tpu.memory_space<hbm>>) target(%arg9 : memref<16xi32, #tpu.memory_space<vmem>>) offsets(%arg7 : memref<16xi32, #tpu.memory_space<vmem>>) semaphore(%arg14 : memref<!tpu.dma_semaphore, #tpu.memory_space<semaphore_mem>>)
      %dma_start3A_152 = arith.constant 0 : i32
      %dma_start3A_153 = tpu.memref_slice %arg2[%dma_start3A_152] : memref<100000xi32, #tpu.memory_space<hbm>> -> memref<100000xi32, #tpu.memory_space<hbm>>
      tpu.enqueue_indirect_dma source(%dma_start3A_153 : memref<100000xi32, #tpu.memory_space<hbm>>) target(%arg10 : memref<16xi32, #tpu.memory_space<vmem>>) offsets(%arg8 : memref<16xi32, #tpu.memory_space<vmem>>) semaphore(%arg14 : memref<!tpu.dma_semaphore, #tpu.memory_space<semaphore_mem>>)
      %dma_wait3A_154 = arith.constant 0 : i32
      %dma_wait3A_155 = tpu.memref_slice %arg2[%dma_wait3A_154] : memref<100000xi32, #tpu.memory_space<hbm>> -> memref<100000xi32, #tpu.memory_space<hbm>>
      tpu.wait_indirect_dma semaphore(%arg14 : memref<!tpu.dma_semaphore, #tpu.memory_space<semaphore_mem>>) src(%dma_wait3A_155 : memref<100000xi32, #tpu.memory_space<hbm>>) dst(%arg9 : memref<16xi32, #tpu.memory_space<vmem>>)
      %dma_wait3A_156 = arith.constant 0 : i32
      %dma_wait3A_157 = tpu.memref_slice %arg2[%dma_wait3A_156] : memref<100000xi32, #tpu.memory_space<hbm>> -> memref<100000xi32, #tpu.memory_space<hbm>>
      tpu.wait_indirect_dma semaphore(%arg14 : memref<!tpu.dma_semaphore, #tpu.memory_space<semaphore_mem>>) src(%dma_wait3A_157 : memref<100000xi32, #tpu.memory_space<hbm>>) dst(%arg10 : memref<16xi32, #tpu.memory_space<vmem>>)
      %get3A_158 = arith.constant 0 : index
      %get3A_159 = tpu.vector_load %arg9[%get3A_158] {strides = array<i32>} : memref<16xi32, #tpu.memory_space<vmem>>, vector<16xi32>,
      %get3A_160 = vector.shape_cast %get3A_159 : vector<16xi32> to vector<16xi32>
      %get3A_161 = arith.constant 0 : index
      %get3A_162 = tpu.vector_load %arg10[%get3A_161] {strides = array<i32>} : memref<16xi32, #tpu.memory_space<vmem>>, vector<16xi32>,
      %get3A_163 = vector.shape_cast %get3A_162 : vector<16xi32> to vector<16xi32>
      %lt3A_164 = arith.cmpi slt, %get3A_160, %add3A_8 : vector<16xi32>
      %lt3A_165 = arith.cmpi slt, %get3A_163, %add3A_11 : vector<16xi32>
      %add3A_166 = arith.constant 1 : i32
      %add3A_167 = vector.broadcast %add3A_166 : i32 to vector<16xi32>
      %add3A_168 = arith.addi %shift_right_arithmetic3A_137, %add3A_167 : vector<16xi32>
      %select_n3A_169 = arith.select %lt3A_164, %add3A_168, %select_n3A_127 : vector<16xi1>, vector<16xi32>
      %select_n3A_170 = arith.select %lt3A_164, %select_n3A_128, %shift_right_arithmetic3A_137 : vector<16xi1>, vector<16xi32>
      %add3A_171 = arith.constant 1 : i32
      %add3A_172 = vector.broadcast %add3A_171 : i32 to vector<16xi32>
      %add3A_173 = arith.addi %shift_right_arithmetic3A_141, %add3A_172 : vector<16xi32>
      %select_n3A_174 = arith.select %lt3A_165, %add3A_173, %select_n3A_132 : vector<16xi1>, vector<16xi32>
      %select_n3A_175 = arith.select %lt3A_165, %select_n3A_133, %shift_right_arithmetic3A_141 : vector<16xi1>, vector<16xi32>
      %add3A_176 = arith.addi %select_n3A_169, %select_n3A_170 : vector<16xi32>
      %shift_right_arithmetic3A_177 = arith.constant 1 : i32
      %shift_right_arithmetic3A_178 = vector.broadcast %shift_right_arithmetic3A_177 : i32 to vector<16xi32>
      %shift_right_arithmetic3A_179 = arith.shrsi %add3A_176, %shift_right_arithmetic3A_178 : vector<16xi32>
      %add3A_180 = arith.addi %select_n3A_174, %select_n3A_175 : vector<16xi32>
      %shift_right_arithmetic3A_181 = arith.constant 1 : i32
      %shift_right_arithmetic3A_182 = vector.broadcast %shift_right_arithmetic3A_181 : i32 to vector<16xi32>
      %shift_right_arithmetic3A_183 = arith.shrsi %add3A_180, %shift_right_arithmetic3A_182 : vector<16xi32>
      %swap3A_184 = arith.constant 0 : index
      %swap3A_185 = tpu.vector_load %arg7[%swap3A_184] {strides = array<i32>} : memref<16xi32, #tpu.memory_space<vmem>>, vector<16xi32>,
      %swap3A_186 = vector.shape_cast %swap3A_185 : vector<16xi32> to vector<16xi32>
      %swap3A_187 = vector.shape_cast %shift_right_arithmetic3A_179 : vector<16xi32> to vector<16xi32>
      tpu.vector_store %arg7[%swap3A_184], %swap3A_187 {strides = array<i32>} : memref<16xi32, #tpu.memory_space<vmem>>, vector<16xi32>,
      %swap3A_188 = arith.constant 0 : index
      %swap3A_189 = tpu.vector_load %arg8[%swap3A_188] {strides = array<i32>} : memref<16xi32, #tpu.memory_space<vmem>>, vector<16xi32>,
      %swap3A_190 = vector.shape_cast %swap3A_189 : vector<16xi32> to vector<16xi32>
      %swap3A_191 = vector.shape_cast %shift_right_arithmetic3A_183 : vector<16xi32> to vector<16xi32>
      tpu.vector_store %arg8[%swap3A_188], %swap3A_191 {strides = array<i32>} : memref<16xi32, #tpu.memory_space<vmem>>, vector<16xi32>,
      %dma_start3A_192 = arith.constant 0 : i32
      %dma_start3A_193 = tpu.memref_slice %arg2[%dma_start3A_192] : memref<100000xi32, #tpu.memory_space<hbm>> -> memref<100000xi32, #tpu.memory_space<hbm>>
      tpu.enqueue_indirect_dma source(%dma_start3A_193 : memref<100000xi32, #tpu.memory_space<hbm>>) target(%arg9 : memref<16xi32, #tpu.memory_space<vmem>>) offsets(%arg7 : memref<16xi32, #tpu.memory_space<vmem>>) semaphore(%arg14 : memref<!tpu.dma_semaphore, #tpu.memory_space<semaphore_mem>>)
      %dma_start3A_194 = arith.constant 0 : i32
      %dma_start3A_195 = tpu.memref_slice %arg2[%dma_start3A_194] : memref<100000xi32, #tpu.memory_space<hbm>> -> memref<100000xi32, #tpu.memory_space<hbm>>
      tpu.enqueue_indirect_dma source(%dma_start3A_195 : memref<100000xi32, #tpu.memory_space<hbm>>) target(%arg10 : memref<16xi32, #tpu.memory_space<vmem>>) offsets(%arg8 : memref<16xi32, #tpu.memory_space<vmem>>) semaphore(%arg14 : memref<!tpu.dma_semaphore, #tpu.memory_space<semaphore_mem>>)
      %dma_wait3A_196 = arith.constant 0 : i32
      %dma_wait3A_197 = tpu.memref_slice %arg2[%dma_wait3A_196] : memref<100000xi32, #tpu.memory_space<hbm>> -> memref<100000xi32, #tpu.memory_space<hbm>>
      tpu.wait_indirect_dma semaphore(%arg14 : memref<!tpu.dma_semaphore, #tpu.memory_space<semaphore_mem>>) src(%dma_wait3A_197 : memref<100000xi32, #tpu.memory_space<hbm>>) dst(%arg9 : memref<16xi32, #tpu.memory_space<vmem>>)
      %dma_wait3A_198 = arith.constant 0 : i32
      %dma_wait3A_199 = tpu.memref_slice %arg2[%dma_wait3A_198] : memref<100000xi32, #tpu.memory_space<hbm>> -> memref<100000xi32, #tpu.memory_space<hbm>>
      tpu.wait_indirect_dma semaphore(%arg14 : memref<!tpu.dma_semaphore, #tpu.memory_space<semaphore_mem>>) src(%dma_wait3A_199 : memref<100000xi32, #tpu.memory_space<hbm>>) dst(%arg10 : memref<16xi32, #tpu.memory_space<vmem>>)
      %get3A_200 = arith.constant 0 : index
      %get3A_201 = tpu.vector_load %arg9[%get3A_200] {strides = array<i32>} : memref<16xi32, #tpu.memory_space<vmem>>, vector<16xi32>,
      %get3A_202 = vector.shape_cast %get3A_201 : vector<16xi32> to vector<16xi32>
      %get3A_203 = arith.constant 0 : index
      %get3A_204 = tpu.vector_load %arg10[%get3A_203] {strides = array<i32>} : memref<16xi32, #tpu.memory_space<vmem>>, vector<16xi32>,
      %get3A_205 = vector.shape_cast %get3A_204 : vector<16xi32> to vector<16xi32>
      %lt3A_206 = arith.cmpi slt, %get3A_202, %add3A_8 : vector<16xi32>
      %lt3A_207 = arith.cmpi slt, %get3A_205, %add3A_11 : vector<16xi32>
      %add3A_208 = arith.constant 1 : i32
      %add3A_209 = vector.broadcast %add3A_208 : i32 to vector<16xi32>
      %add3A_210 = arith.addi %shift_right_arithmetic3A_179, %add3A_209 : vector<16xi32>
      %select_n3A_211 = arith.select %lt3A_206, %add3A_210, %select_n3A_169 : vector<16xi1>, vector<16xi32>
      %select_n3A_212 = arith.select %lt3A_206, %select_n3A_170, %shift_right_arithmetic3A_179 : vector<16xi1>, vector<16xi32>
      %add3A_213 = arith.constant 1 : i32
      %add3A_214 = vector.broadcast %add3A_213 : i32 to vector<16xi32>
      %add3A_215 = arith.addi %shift_right_arithmetic3A_183, %add3A_214 : vector<16xi32>
      %select_n3A_216 = arith.select %lt3A_207, %add3A_215, %select_n3A_174 : vector<16xi1>, vector<16xi32>
      %select_n3A_217 = arith.select %lt3A_207, %select_n3A_175, %shift_right_arithmetic3A_183 : vector<16xi1>, vector<16xi32>
      %add3A_218 = arith.addi %select_n3A_211, %select_n3A_212 : vector<16xi32>
      %shift_right_arithmetic3A_219 = arith.constant 1 : i32
      %shift_right_arithmetic3A_220 = vector.broadcast %shift_right_arithmetic3A_219 : i32 to vector<16xi32>
      %shift_right_arithmetic3A_221 = arith.shrsi %add3A_218, %shift_right_arithmetic3A_220 : vector<16xi32>
      %add3A_222 = arith.addi %select_n3A_216, %select_n3A_217 : vector<16xi32>
      %shift_right_arithmetic3A_223 = arith.constant 1 : i32
      %shift_right_arithmetic3A_224 = vector.broadcast %shift_right_arithmetic3A_223 : i32 to vector<16xi32>
      %shift_right_arithmetic3A_225 = arith.shrsi %add3A_222, %shift_right_arithmetic3A_224 : vector<16xi32>
      %swap3A_226 = arith.constant 0 : index
      %swap3A_227 = tpu.vector_load %arg7[%swap3A_226] {strides = array<i32>} : memref<16xi32, #tpu.memory_space<vmem>>, vector<16xi32>,
      %swap3A_228 = vector.shape_cast %swap3A_227 : vector<16xi32> to vector<16xi32>
      %swap3A_229 = vector.shape_cast %shift_right_arithmetic3A_221 : vector<16xi32> to vector<16xi32>
      tpu.vector_store %arg7[%swap3A_226], %swap3A_229 {strides = array<i32>} : memref<16xi32, #tpu.memory_space<vmem>>, vector<16xi32>,
      %swap3A_230 = arith.constant 0 : index
      %swap3A_231 = tpu.vector_load %arg8[%swap3A_230] {strides = array<i32>} : memref<16xi32, #tpu.memory_space<vmem>>, vector<16xi32>,
      %swap3A_232 = vector.shape_cast %swap3A_231 : vector<16xi32> to vector<16xi32>
      %swap3A_233 = vector.shape_cast %shift_right_arithmetic3A_225 : vector<16xi32> to vector<16xi32>
      tpu.vector_store %arg8[%swap3A_230], %swap3A_233 {strides = array<i32>} : memref<16xi32, #tpu.memory_space<vmem>>, vector<16xi32>,
      %dma_start3A_234 = arith.constant 0 : i32
      %dma_start3A_235 = tpu.memref_slice %arg2[%dma_start3A_234] : memref<100000xi32, #tpu.memory_space<hbm>> -> memref<100000xi32, #tpu.memory_space<hbm>>
      tpu.enqueue_indirect_dma source(%dma_start3A_235 : memref<100000xi32, #tpu.memory_space<hbm>>) target(%arg9 : memref<16xi32, #tpu.memory_space<vmem>>) offsets(%arg7 : memref<16xi32, #tpu.memory_space<vmem>>) semaphore(%arg14 : memref<!tpu.dma_semaphore, #tpu.memory_space<semaphore_mem>>)
      %dma_start3A_236 = arith.constant 0 : i32
      %dma_start3A_237 = tpu.memref_slice %arg2[%dma_start3A_236] : memref<100000xi32, #tpu.memory_space<hbm>> -> memref<100000xi32, #tpu.memory_space<hbm>>
      tpu.enqueue_indirect_dma source(%dma_start3A_237 : memref<100000xi32, #tpu.memory_space<hbm>>) target(%arg10 : memref<16xi32, #tpu.memory_space<vmem>>) offsets(%arg8 : memref<16xi32, #tpu.memory_space<vmem>>) semaphore(%arg14 : memref<!tpu.dma_semaphore, #tpu.memory_space<semaphore_mem>>)
      %dma_wait3A_238 = arith.constant 0 : i32
      %dma_wait3A_239 = tpu.memref_slice %arg2[%dma_wait3A_238] : memref<100000xi32, #tpu.memory_space<hbm>> -> memref<100000xi32, #tpu.memory_space<hbm>>
      tpu.wait_indirect_dma semaphore(%arg14 : memref<!tpu.dma_semaphore, #tpu.memory_space<semaphore_mem>>) src(%dma_wait3A_239 : memref<100000xi32, #tpu.memory_space<hbm>>) dst(%arg9 : memref<16xi32, #tpu.memory_space<vmem>>)
      %dma_wait3A_240 = arith.constant 0 : i32
      %dma_wait3A_241 = tpu.memref_slice %arg2[%dma_wait3A_240] : memref<100000xi32, #tpu.memory_space<hbm>> -> memref<100000xi32, #tpu.memory_space<hbm>>
      tpu.wait_indirect_dma semaphore(%arg14 : memref<!tpu.dma_semaphore, #tpu.memory_space<semaphore_mem>>) src(%dma_wait3A_241 : memref<100000xi32, #tpu.memory_space<hbm>>) dst(%arg10 : memref<16xi32, #tpu.memory_space<vmem>>)
      %get3A_242 = arith.constant 0 : index
      %get3A_243 = tpu.vector_load %arg9[%get3A_242] {strides = array<i32>} : memref<16xi32, #tpu.memory_space<vmem>>, vector<16xi32>,
      %get3A_244 = vector.shape_cast %get3A_243 : vector<16xi32> to vector<16xi32>
      %get3A_245 = arith.constant 0 : index
      %get3A_246 = tpu.vector_load %arg10[%get3A_245] {strides = array<i32>} : memref<16xi32, #tpu.memory_space<vmem>>, vector<16xi32>,
      %get3A_247 = vector.shape_cast %get3A_246 : vector<16xi32> to vector<16xi32>
      %lt3A_248 = arith.cmpi slt, %get3A_244, %add3A_8 : vector<16xi32>
      %lt3A_249 = arith.cmpi slt, %get3A_247, %add3A_11 : vector<16xi32>
      %add3A_250 = arith.constant 1 : i32
      %add3A_251 = vector.broadcast %add3A_250 : i32 to vector<16xi32>
      %add3A_252 = arith.addi %shift_right_arithmetic3A_221, %add3A_251 : vector<16xi32>
      %select_n3A_253 = arith.select %lt3A_248, %add3A_252, %select_n3A_211 : vector<16xi1>, vector<16xi32>
      %select_n3A_254 = arith.select %lt3A_248, %select_n3A_212, %shift_right_arithmetic3A_221 : vector<16xi1>, vector<16xi32>
      %add3A_255 = arith.constant 1 : i32
      %add3A_256 = vector.broadcast %add3A_255 : i32 to vector<16xi32>
      %add3A_257 = arith.addi %shift_right_arithmetic3A_225, %add3A_256 : vector<16xi32>
      %select_n3A_258 = arith.select %lt3A_249, %add3A_257, %select_n3A_216 : vector<16xi1>, vector<16xi32>
      %select_n3A_259 = arith.select %lt3A_249, %select_n3A_217, %shift_right_arithmetic3A_225 : vector<16xi1>, vector<16xi32>
      %add3A_260 = arith.addi %select_n3A_253, %select_n3A_254 : vector<16xi32>
      %shift_right_arithmetic3A_261 = arith.constant 1 : i32
      %shift_right_arithmetic3A_262 = vector.broadcast %shift_right_arithmetic3A_261 : i32 to vector<16xi32>
      %shift_right_arithmetic3A_263 = arith.shrsi %add3A_260, %shift_right_arithmetic3A_262 : vector<16xi32>
      %add3A_264 = arith.addi %select_n3A_258, %select_n3A_259 : vector<16xi32>
      %shift_right_arithmetic3A_265 = arith.constant 1 : i32
      %shift_right_arithmetic3A_266 = vector.broadcast %shift_right_arithmetic3A_265 : i32 to vector<16xi32>
      %shift_right_arithmetic3A_267 = arith.shrsi %add3A_264, %shift_right_arithmetic3A_266 : vector<16xi32>
      %swap3A_268 = arith.constant 0 : index
      %swap3A_269 = tpu.vector_load %arg7[%swap3A_268] {strides = array<i32>} : memref<16xi32, #tpu.memory_space<vmem>>, vector<16xi32>,
      %swap3A_270 = vector.shape_cast %swap3A_269 : vector<16xi32> to vector<16xi32>
      %swap3A_271 = vector.shape_cast %shift_right_arithmetic3A_263 : vector<16xi32> to vector<16xi32>
      tpu.vector_store %arg7[%swap3A_268], %swap3A_271 {strides = array<i32>} : memref<16xi32, #tpu.memory_space<vmem>>, vector<16xi32>,
      %swap3A_272 = arith.constant 0 : index
      %swap3A_273 = tpu.vector_load %arg8[%swap3A_272] {strides = array<i32>} : memref<16xi32, #tpu.memory_space<vmem>>, vector<16xi32>,
      %swap3A_274 = vector.shape_cast %swap3A_273 : vector<16xi32> to vector<16xi32>
      %swap3A_275 = vector.shape_cast %shift_right_arithmetic3A_267 : vector<16xi32> to vector<16xi32>
      tpu.vector_store %arg8[%swap3A_272], %swap3A_275 {strides = array<i32>} : memref<16xi32, #tpu.memory_space<vmem>>, vector<16xi32>,
      %dma_start3A_276 = arith.constant 0 : i32
      %dma_start3A_277 = tpu.memref_slice %arg2[%dma_start3A_276] : memref<100000xi32, #tpu.memory_space<hbm>> -> memref<100000xi32, #tpu.memory_space<hbm>>
      tpu.enqueue_indirect_dma source(%dma_start3A_277 : memref<100000xi32, #tpu.memory_space<hbm>>) target(%arg9 : memref<16xi32, #tpu.memory_space<vmem>>) offsets(%arg7 : memref<16xi32, #tpu.memory_space<vmem>>) semaphore(%arg14 : memref<!tpu.dma_semaphore, #tpu.memory_space<semaphore_mem>>)
      %dma_start3A_278 = arith.constant 0 : i32
      %dma_start3A_279 = tpu.memref_slice %arg2[%dma_start3A_278] : memref<100000xi32, #tpu.memory_space<hbm>> -> memref<100000xi32, #tpu.memory_space<hbm>>
      tpu.enqueue_indirect_dma source(%dma_start3A_279 : memref<100000xi32, #tpu.memory_space<hbm>>) target(%arg10 : memref<16xi32, #tpu.memory_space<vmem>>) offsets(%arg8 : memref<16xi32, #tpu.memory_space<vmem>>) semaphore(%arg14 : memref<!tpu.dma_semaphore, #tpu.memory_space<semaphore_mem>>)
      %dma_wait3A_280 = arith.constant 0 : i32
      %dma_wait3A_281 = tpu.memref_slice %arg2[%dma_wait3A_280] : memref<100000xi32, #tpu.memory_space<hbm>> -> memref<100000xi32, #tpu.memory_space<hbm>>
      tpu.wait_indirect_dma semaphore(%arg14 : memref<!tpu.dma_semaphore, #tpu.memory_space<semaphore_mem>>) src(%dma_wait3A_281 : memref<100000xi32, #tpu.memory_space<hbm>>) dst(%arg9 : memref<16xi32, #tpu.memory_space<vmem>>)
      %dma_wait3A_282 = arith.constant 0 : i32
      %dma_wait3A_283 = tpu.memref_slice %arg2[%dma_wait3A_282] : memref<100000xi32, #tpu.memory_space<hbm>> -> memref<100000xi32, #tpu.memory_space<hbm>>
      tpu.wait_indirect_dma semaphore(%arg14 : memref<!tpu.dma_semaphore, #tpu.memory_space<semaphore_mem>>) src(%dma_wait3A_283 : memref<100000xi32, #tpu.memory_space<hbm>>) dst(%arg10 : memref<16xi32, #tpu.memory_space<vmem>>)
      %get3A_284 = arith.constant 0 : index
      %get3A_285 = tpu.vector_load %arg9[%get3A_284] {strides = array<i32>} : memref<16xi32, #tpu.memory_space<vmem>>, vector<16xi32>,
      %get3A_286 = vector.shape_cast %get3A_285 : vector<16xi32> to vector<16xi32>
      %get3A_287 = arith.constant 0 : index
      %get3A_288 = tpu.vector_load %arg10[%get3A_287] {strides = array<i32>} : memref<16xi32, #tpu.memory_space<vmem>>, vector<16xi32>,
      %get3A_289 = vector.shape_cast %get3A_288 : vector<16xi32> to vector<16xi32>
      %lt3A_290 = arith.cmpi slt, %get3A_286, %add3A_8 : vector<16xi32>
      %lt3A_291 = arith.cmpi slt, %get3A_289, %add3A_11 : vector<16xi32>
      %add3A_292 = arith.constant 1 : i32
      %add3A_293 = vector.broadcast %add3A_292 : i32 to vector<16xi32>
      %add3A_294 = arith.addi %shift_right_arithmetic3A_263, %add3A_293 : vector<16xi32>
      %select_n3A_295 = arith.select %lt3A_290, %add3A_294, %select_n3A_253 : vector<16xi1>, vector<16xi32>
      %select_n3A_296 = arith.select %lt3A_290, %select_n3A_254, %shift_right_arithmetic3A_263 : vector<16xi1>, vector<16xi32>
      %add3A_297 = arith.constant 1 : i32
      %add3A_298 = vector.broadcast %add3A_297 : i32 to vector<16xi32>
      %add3A_299 = arith.addi %shift_right_arithmetic3A_267, %add3A_298 : vector<16xi32>
      %select_n3A_300 = arith.select %lt3A_291, %add3A_299, %select_n3A_258 : vector<16xi1>, vector<16xi32>
      %select_n3A_301 = arith.select %lt3A_291, %select_n3A_259, %shift_right_arithmetic3A_267 : vector<16xi1>, vector<16xi32>
      %add3A_302 = arith.addi %select_n3A_295, %select_n3A_296 : vector<16xi32>
      %shift_right_arithmetic3A_303 = arith.constant 1 : i32
      %shift_right_arithmetic3A_304 = vector.broadcast %shift_right_arithmetic3A_303 : i32 to vector<16xi32>
      %shift_right_arithmetic3A_305 = arith.shrsi %add3A_302, %shift_right_arithmetic3A_304 : vector<16xi32>
      %add3A_306 = arith.addi %select_n3A_300, %select_n3A_301 : vector<16xi32>
      %shift_right_arithmetic3A_307 = arith.constant 1 : i32
      %shift_right_arithmetic3A_308 = vector.broadcast %shift_right_arithmetic3A_307 : i32 to vector<16xi32>
      %shift_right_arithmetic3A_309 = arith.shrsi %add3A_306, %shift_right_arithmetic3A_308 : vector<16xi32>
      %swap3A_310 = arith.constant 0 : index
      %swap3A_311 = tpu.vector_load %arg7[%swap3A_310] {strides = array<i32>} : memref<16xi32, #tpu.memory_space<vmem>>, vector<16xi32>,
      %swap3A_312 = vector.shape_cast %swap3A_311 : vector<16xi32> to vector<16xi32>
      %swap3A_313 = vector.shape_cast %shift_right_arithmetic3A_305 : vector<16xi32> to vector<16xi32>
      tpu.vector_store %arg7[%swap3A_310], %swap3A_313 {strides = array<i32>} : memref<16xi32, #tpu.memory_space<vmem>>, vector<16xi32>,
      %swap3A_314 = arith.constant 0 : index
      %swap3A_315 = tpu.vector_load %arg8[%swap3A_314] {strides = array<i32>} : memref<16xi32, #tpu.memory_space<vmem>>, vector<16xi32>,
      %swap3A_316 = vector.shape_cast %swap3A_315 : vector<16xi32> to vector<16xi32>
      %swap3A_317 = vector.shape_cast %shift_right_arithmetic3A_309 : vector<16xi32> to vector<16xi32>
      tpu.vector_store %arg8[%swap3A_314], %swap3A_317 {strides = array<i32>} : memref<16xi32, #tpu.memory_space<vmem>>, vector<16xi32>,
      %dma_start3A_318 = arith.constant 0 : i32
      %dma_start3A_319 = tpu.memref_slice %arg2[%dma_start3A_318] : memref<100000xi32, #tpu.memory_space<hbm>> -> memref<100000xi32, #tpu.memory_space<hbm>>
      tpu.enqueue_indirect_dma source(%dma_start3A_319 : memref<100000xi32, #tpu.memory_space<hbm>>) target(%arg9 : memref<16xi32, #tpu.memory_space<vmem>>) offsets(%arg7 : memref<16xi32, #tpu.memory_space<vmem>>) semaphore(%arg14 : memref<!tpu.dma_semaphore, #tpu.memory_space<semaphore_mem>>)
      %dma_start3A_320 = arith.constant 0 : i32
      %dma_start3A_321 = tpu.memref_slice %arg2[%dma_start3A_320] : memref<100000xi32, #tpu.memory_space<hbm>> -> memref<100000xi32, #tpu.memory_space<hbm>>
      tpu.enqueue_indirect_dma source(%dma_start3A_321 : memref<100000xi32, #tpu.memory_space<hbm>>) target(%arg10 : memref<16xi32, #tpu.memory_space<vmem>>) offsets(%arg8 : memref<16xi32, #tpu.memory_space<vmem>>) semaphore(%arg14 : memref<!tpu.dma_semaphore, #tpu.memory_space<semaphore_mem>>)
      %dma_wait3A_322 = arith.constant 0 : i32
      %dma_wait3A_323 = tpu.memref_slice %arg2[%dma_wait3A_322] : memref<100000xi32, #tpu.memory_space<hbm>> -> memref<100000xi32, #tpu.memory_space<hbm>>
      tpu.wait_indirect_dma semaphore(%arg14 : memref<!tpu.dma_semaphore, #tpu.memory_space<semaphore_mem>>) src(%dma_wait3A_323 : memref<100000xi32, #tpu.memory_space<hbm>>) dst(%arg9 : memref<16xi32, #tpu.memory_space<vmem>>)
      %dma_wait3A_324 = arith.constant 0 : i32
      %dma_wait3A_325 = tpu.memref_slice %arg2[%dma_wait3A_324] : memref<100000xi32, #tpu.memory_space<hbm>> -> memref<100000xi32, #tpu.memory_space<hbm>>
      tpu.wait_indirect_dma semaphore(%arg14 : memref<!tpu.dma_semaphore, #tpu.memory_space<semaphore_mem>>) src(%dma_wait3A_325 : memref<100000xi32, #tpu.memory_space<hbm>>) dst(%arg10 : memref<16xi32, #tpu.memory_space<vmem>>)
      %get3A_326 = arith.constant 0 : index
      %get3A_327 = tpu.vector_load %arg9[%get3A_326] {strides = array<i32>} : memref<16xi32, #tpu.memory_space<vmem>>, vector<16xi32>,
      %get3A_328 = vector.shape_cast %get3A_327 : vector<16xi32> to vector<16xi32>
      %get3A_329 = arith.constant 0 : index
      %get3A_330 = tpu.vector_load %arg10[%get3A_329] {strides = array<i32>} : memref<16xi32, #tpu.memory_space<vmem>>, vector<16xi32>,
      %get3A_331 = vector.shape_cast %get3A_330 : vector<16xi32> to vector<16xi32>
      %lt3A_332 = arith.cmpi slt, %get3A_328, %add3A_8 : vector<16xi32>
      %lt3A_333 = arith.cmpi slt, %get3A_331, %add3A_11 : vector<16xi32>
      %add3A_334 = arith.constant 1 : i32
      %add3A_335 = vector.broadcast %add3A_334 : i32 to vector<16xi32>
      %add3A_336 = arith.addi %shift_right_arithmetic3A_305, %add3A_335 : vector<16xi32>
      %select_n3A_337 = arith.select %lt3A_332, %add3A_336, %select_n3A_295 : vector<16xi1>, vector<16xi32>
      %select_n3A_338 = arith.select %lt3A_332, %select_n3A_296, %shift_right_arithmetic3A_305 : vector<16xi1>, vector<16xi32>
      %add3A_339 = arith.constant 1 : i32
      %add3A_340 = vector.broadcast %add3A_339 : i32 to vector<16xi32>
      %add3A_341 = arith.addi %shift_right_arithmetic3A_309, %add3A_340 : vector<16xi32>
      %select_n3A_342 = arith.select %lt3A_333, %add3A_341, %select_n3A_300 : vector<16xi1>, vector<16xi32>
      %select_n3A_343 = arith.select %lt3A_333, %select_n3A_301, %shift_right_arithmetic3A_309 : vector<16xi1>, vector<16xi32>
      %add3A_344 = arith.addi %select_n3A_337, %select_n3A_338 : vector<16xi32>
      %shift_right_arithmetic3A_345 = arith.constant 1 : i32
      %shift_right_arithmetic3A_346 = vector.broadcast %shift_right_arithmetic3A_345 : i32 to vector<16xi32>
      %shift_right_arithmetic3A_347 = arith.shrsi %add3A_344, %shift_right_arithmetic3A_346 : vector<16xi32>
      %add3A_348 = arith.addi %select_n3A_342, %select_n3A_343 : vector<16xi32>
      %shift_right_arithmetic3A_349 = arith.constant 1 : i32
      %shift_right_arithmetic3A_350 = vector.broadcast %shift_right_arithmetic3A_349 : i32 to vector<16xi32>
      %shift_right_arithmetic3A_351 = arith.shrsi %add3A_348, %shift_right_arithmetic3A_350 : vector<16xi32>
      %swap3A_352 = arith.constant 0 : index
      %swap3A_353 = tpu.vector_load %arg7[%swap3A_352] {strides = array<i32>} : memref<16xi32, #tpu.memory_space<vmem>>, vector<16xi32>,
      %swap3A_354 = vector.shape_cast %swap3A_353 : vector<16xi32> to vector<16xi32>
      %swap3A_355 = vector.shape_cast %shift_right_arithmetic3A_347 : vector<16xi32> to vector<16xi32>
      tpu.vector_store %arg7[%swap3A_352], %swap3A_355 {strides = array<i32>} : memref<16xi32, #tpu.memory_space<vmem>>, vector<16xi32>,
      %swap3A_356 = arith.constant 0 : index
      %swap3A_357 = tpu.vector_load %arg8[%swap3A_356] {strides = array<i32>} : memref<16xi32, #tpu.memory_space<vmem>>, vector<16xi32>,
      %swap3A_358 = vector.shape_cast %swap3A_357 : vector<16xi32> to vector<16xi32>
      %swap3A_359 = vector.shape_cast %shift_right_arithmetic3A_351 : vector<16xi32> to vector<16xi32>
      tpu.vector_store %arg8[%swap3A_356], %swap3A_359 {strides = array<i32>} : memref<16xi32, #tpu.memory_space<vmem>>, vector<16xi32>,
      %dma_start3A_360 = arith.constant 0 : i32
      %dma_start3A_361 = tpu.memref_slice %arg2[%dma_start3A_360] : memref<100000xi32, #tpu.memory_space<hbm>> -> memref<100000xi32, #tpu.memory_space<hbm>>
      tpu.enqueue_indirect_dma source(%dma_start3A_361 : memref<100000xi32, #tpu.memory_space<hbm>>) target(%arg9 : memref<16xi32, #tpu.memory_space<vmem>>) offsets(%arg7 : memref<16xi32, #tpu.memory_space<vmem>>) semaphore(%arg14 : memref<!tpu.dma_semaphore, #tpu.memory_space<semaphore_mem>>)
      %dma_start3A_362 = arith.constant 0 : i32
      %dma_start3A_363 = tpu.memref_slice %arg2[%dma_start3A_362] : memref<100000xi32, #tpu.memory_space<hbm>> -> memref<100000xi32, #tpu.memory_space<hbm>>
      tpu.enqueue_indirect_dma source(%dma_start3A_363 : memref<100000xi32, #tpu.memory_space<hbm>>) target(%arg10 : memref<16xi32, #tpu.memory_space<vmem>>) offsets(%arg8 : memref<16xi32, #tpu.memory_space<vmem>>) semaphore(%arg14 : memref<!tpu.dma_semaphore, #tpu.memory_space<semaphore_mem>>)
      %dma_wait3A_364 = arith.constant 0 : i32
      %dma_wait3A_365 = tpu.memref_slice %arg2[%dma_wait3A_364] : memref<100000xi32, #tpu.memory_space<hbm>> -> memref<100000xi32, #tpu.memory_space<hbm>>
      tpu.wait_indirect_dma semaphore(%arg14 : memref<!tpu.dma_semaphore, #tpu.memory_space<semaphore_mem>>) src(%dma_wait3A_365 : memref<100000xi32, #tpu.memory_space<hbm>>) dst(%arg9 : memref<16xi32, #tpu.memory_space<vmem>>)
      %dma_wait3A_366 = arith.constant 0 : i32
      %dma_wait3A_367 = tpu.memref_slice %arg2[%dma_wait3A_366] : memref<100000xi32, #tpu.memory_space<hbm>> -> memref<100000xi32, #tpu.memory_space<hbm>>
      tpu.wait_indirect_dma semaphore(%arg14 : memref<!tpu.dma_semaphore, #tpu.memory_space<semaphore_mem>>) src(%dma_wait3A_367 : memref<100000xi32, #tpu.memory_space<hbm>>) dst(%arg10 : memref<16xi32, #tpu.memory_space<vmem>>)
      %get3A_368 = arith.constant 0 : index
      %get3A_369 = tpu.vector_load %arg9[%get3A_368] {strides = array<i32>} : memref<16xi32, #tpu.memory_space<vmem>>, vector<16xi32>,
      %get3A_370 = vector.shape_cast %get3A_369 : vector<16xi32> to vector<16xi32>
      %get3A_371 = arith.constant 0 : index
      %get3A_372 = tpu.vector_load %arg10[%get3A_371] {strides = array<i32>} : memref<16xi32, #tpu.memory_space<vmem>>, vector<16xi32>,
      %get3A_373 = vector.shape_cast %get3A_372 : vector<16xi32> to vector<16xi32>
      %lt3A_374 = arith.cmpi slt, %get3A_370, %add3A_8 : vector<16xi32>
      %lt3A_375 = arith.cmpi slt, %get3A_373, %add3A_11 : vector<16xi32>
      %add3A_376 = arith.constant 1 : i32
      %add3A_377 = vector.broadcast %add3A_376 : i32 to vector<16xi32>
      %add3A_378 = arith.addi %shift_right_arithmetic3A_347, %add3A_377 : vector<16xi32>
      %select_n3A_379 = arith.select %lt3A_374, %add3A_378, %select_n3A_337 : vector<16xi1>, vector<16xi32>
      %select_n3A_380 = arith.select %lt3A_374, %select_n3A_338, %shift_right_arithmetic3A_347 : vector<16xi1>, vector<16xi32>
      %add3A_381 = arith.constant 1 : i32
      %add3A_382 = vector.broadcast %add3A_381 : i32 to vector<16xi32>
      %add3A_383 = arith.addi %shift_right_arithmetic3A_351, %add3A_382 : vector<16xi32>
      %select_n3A_384 = arith.select %lt3A_375, %add3A_383, %select_n3A_342 : vector<16xi1>, vector<16xi32>
      %select_n3A_385 = arith.select %lt3A_375, %select_n3A_343, %shift_right_arithmetic3A_351 : vector<16xi1>, vector<16xi32>
      %add3A_386 = arith.addi %select_n3A_379, %select_n3A_380 : vector<16xi32>
      %shift_right_arithmetic3A_387 = arith.constant 1 : i32
      %shift_right_arithmetic3A_388 = vector.broadcast %shift_right_arithmetic3A_387 : i32 to vector<16xi32>
      %shift_right_arithmetic3A_389 = arith.shrsi %add3A_386, %shift_right_arithmetic3A_388 : vector<16xi32>
      %add3A_390 = arith.addi %select_n3A_384, %select_n3A_385 : vector<16xi32>
      %shift_right_arithmetic3A_391 = arith.constant 1 : i32
      %shift_right_arithmetic3A_392 = vector.broadcast %shift_right_arithmetic3A_391 : i32 to vector<16xi32>
      %shift_right_arithmetic3A_393 = arith.shrsi %add3A_390, %shift_right_arithmetic3A_392 : vector<16xi32>
      %swap3A_394 = arith.constant 0 : index
      %swap3A_395 = tpu.vector_load %arg7[%swap3A_394] {strides = array<i32>} : memref<16xi32, #tpu.memory_space<vmem>>, vector<16xi32>,
      %swap3A_396 = vector.shape_cast %swap3A_395 : vector<16xi32> to vector<16xi32>
      %swap3A_397 = vector.shape_cast %shift_right_arithmetic3A_389 : vector<16xi32> to vector<16xi32>
      tpu.vector_store %arg7[%swap3A_394], %swap3A_397 {strides = array<i32>} : memref<16xi32, #tpu.memory_space<vmem>>, vector<16xi32>,
      %swap3A_398 = arith.constant 0 : index
      %swap3A_399 = tpu.vector_load %arg8[%swap3A_398] {strides = array<i32>} : memref<16xi32, #tpu.memory_space<vmem>>, vector<16xi32>,
      %swap3A_400 = vector.shape_cast %swap3A_399 : vector<16xi32> to vector<16xi32>
      %swap3A_401 = vector.shape_cast %shift_right_arithmetic3A_393 : vector<16xi32> to vector<16xi32>
      tpu.vector_store %arg8[%swap3A_398], %swap3A_401 {strides = array<i32>} : memref<16xi32, #tpu.memory_space<vmem>>, vector<16xi32>,
      %dma_start3A_402 = arith.constant 0 : i32
      %dma_start3A_403 = tpu.memref_slice %arg2[%dma_start3A_402] : memref<100000xi32, #tpu.memory_space<hbm>> -> memref<100000xi32, #tpu.memory_space<hbm>>
      tpu.enqueue_indirect_dma source(%dma_start3A_403 : memref<100000xi32, #tpu.memory_space<hbm>>) target(%arg9 : memref<16xi32, #tpu.memory_space<vmem>>) offsets(%arg7 : memref<16xi32, #tpu.memory_space<vmem>>) semaphore(%arg14 : memref<!tpu.dma_semaphore, #tpu.memory_space<semaphore_mem>>)
      %dma_start3A_404 = arith.constant 0 : i32
      %dma_start3A_405 = tpu.memref_slice %arg2[%dma_start3A_404] : memref<100000xi32, #tpu.memory_space<hbm>> -> memref<100000xi32, #tpu.memory_space<hbm>>
      tpu.enqueue_indirect_dma source(%dma_start3A_405 : memref<100000xi32, #tpu.memory_space<hbm>>) target(%arg10 : memref<16xi32, #tpu.memory_space<vmem>>) offsets(%arg8 : memref<16xi32, #tpu.memory_space<vmem>>) semaphore(%arg14 : memref<!tpu.dma_semaphore, #tpu.memory_space<semaphore_mem>>)
      %dma_wait3A_406 = arith.constant 0 : i32
      %dma_wait3A_407 = tpu.memref_slice %arg2[%dma_wait3A_406] : memref<100000xi32, #tpu.memory_space<hbm>> -> memref<100000xi32, #tpu.memory_space<hbm>>
      tpu.wait_indirect_dma semaphore(%arg14 : memref<!tpu.dma_semaphore, #tpu.memory_space<semaphore_mem>>) src(%dma_wait3A_407 : memref<100000xi32, #tpu.memory_space<hbm>>) dst(%arg9 : memref<16xi32, #tpu.memory_space<vmem>>)
      %dma_wait3A_408 = arith.constant 0 : i32
      %dma_wait3A_409 = tpu.memref_slice %arg2[%dma_wait3A_408] : memref<100000xi32, #tpu.memory_space<hbm>> -> memref<100000xi32, #tpu.memory_space<hbm>>
      tpu.wait_indirect_dma semaphore(%arg14 : memref<!tpu.dma_semaphore, #tpu.memory_space<semaphore_mem>>) src(%dma_wait3A_409 : memref<100000xi32, #tpu.memory_space<hbm>>) dst(%arg10 : memref<16xi32, #tpu.memory_space<vmem>>)
      %get3A_410 = arith.constant 0 : index
      %get3A_411 = tpu.vector_load %arg9[%get3A_410] {strides = array<i32>} : memref<16xi32, #tpu.memory_space<vmem>>, vector<16xi32>,
      %get3A_412 = vector.shape_cast %get3A_411 : vector<16xi32> to vector<16xi32>
      %get3A_413 = arith.constant 0 : index
      %get3A_414 = tpu.vector_load %arg10[%get3A_413] {strides = array<i32>} : memref<16xi32, #tpu.memory_space<vmem>>, vector<16xi32>,
      %get3A_415 = vector.shape_cast %get3A_414 : vector<16xi32> to vector<16xi32>
      %lt3A_416 = arith.cmpi slt, %get3A_412, %add3A_8 : vector<16xi32>
      %lt3A_417 = arith.cmpi slt, %get3A_415, %add3A_11 : vector<16xi32>
      %add3A_418 = arith.constant 1 : i32
      %add3A_419 = vector.broadcast %add3A_418 : i32 to vector<16xi32>
      %add3A_420 = arith.addi %shift_right_arithmetic3A_389, %add3A_419 : vector<16xi32>
      %select_n3A_421 = arith.select %lt3A_416, %add3A_420, %select_n3A_379 : vector<16xi1>, vector<16xi32>
      %select_n3A_422 = arith.select %lt3A_416, %select_n3A_380, %shift_right_arithmetic3A_389 : vector<16xi1>, vector<16xi32>
      %add3A_423 = arith.constant 1 : i32
      %add3A_424 = vector.broadcast %add3A_423 : i32 to vector<16xi32>
      %add3A_425 = arith.addi %shift_right_arithmetic3A_393, %add3A_424 : vector<16xi32>
      %select_n3A_426 = arith.select %lt3A_417, %add3A_425, %select_n3A_384 : vector<16xi1>, vector<16xi32>
      %select_n3A_427 = arith.select %lt3A_417, %select_n3A_385, %shift_right_arithmetic3A_393 : vector<16xi1>, vector<16xi32>
      %add3A_428 = arith.addi %select_n3A_421, %select_n3A_422 : vector<16xi32>
      %shift_right_arithmetic3A_429 = arith.constant 1 : i32
      %shift_right_arithmetic3A_430 = vector.broadcast %shift_right_arithmetic3A_429 : i32 to vector<16xi32>
      %shift_right_arithmetic3A_431 = arith.shrsi %add3A_428, %shift_right_arithmetic3A_430 : vector<16xi32>
      %add3A_432 = arith.addi %select_n3A_426, %select_n3A_427 : vector<16xi32>
      %shift_right_arithmetic3A_433 = arith.constant 1 : i32
      %shift_right_arithmetic3A_434 = vector.broadcast %shift_right_arithmetic3A_433 : i32 to vector<16xi32>
      %shift_right_arithmetic3A_435 = arith.shrsi %add3A_432, %shift_right_arithmetic3A_434 : vector<16xi32>
      %swap3A_436 = arith.constant 0 : index
      %swap3A_437 = tpu.vector_load %arg7[%swap3A_436] {strides = array<i32>} : memref<16xi32, #tpu.memory_space<vmem>>, vector<16xi32>,
      %swap3A_438 = vector.shape_cast %swap3A_437 : vector<16xi32> to vector<16xi32>
      %swap3A_439 = vector.shape_cast %shift_right_arithmetic3A_431 : vector<16xi32> to vector<16xi32>
      tpu.vector_store %arg7[%swap3A_436], %swap3A_439 {strides = array<i32>} : memref<16xi32, #tpu.memory_space<vmem>>, vector<16xi32>,
      %swap3A_440 = arith.constant 0 : index
      %swap3A_441 = tpu.vector_load %arg8[%swap3A_440] {strides = array<i32>} : memref<16xi32, #tpu.memory_space<vmem>>, vector<16xi32>,
      %swap3A_442 = vector.shape_cast %swap3A_441 : vector<16xi32> to vector<16xi32>
      %swap3A_443 = vector.shape_cast %shift_right_arithmetic3A_435 : vector<16xi32> to vector<16xi32>
      tpu.vector_store %arg8[%swap3A_440], %swap3A_443 {strides = array<i32>} : memref<16xi32, #tpu.memory_space<vmem>>, vector<16xi32>,
      %dma_start3A_444 = arith.constant 0 : i32
      %dma_start3A_445 = tpu.memref_slice %arg2[%dma_start3A_444] : memref<100000xi32, #tpu.memory_space<hbm>> -> memref<100000xi32, #tpu.memory_space<hbm>>
      tpu.enqueue_indirect_dma source(%dma_start3A_445 : memref<100000xi32, #tpu.memory_space<hbm>>) target(%arg9 : memref<16xi32, #tpu.memory_space<vmem>>) offsets(%arg7 : memref<16xi32, #tpu.memory_space<vmem>>) semaphore(%arg14 : memref<!tpu.dma_semaphore, #tpu.memory_space<semaphore_mem>>)
      %dma_start3A_446 = arith.constant 0 : i32
      %dma_start3A_447 = tpu.memref_slice %arg2[%dma_start3A_446] : memref<100000xi32, #tpu.memory_space<hbm>> -> memref<100000xi32, #tpu.memory_space<hbm>>
      tpu.enqueue_indirect_dma source(%dma_start3A_447 : memref<100000xi32, #tpu.memory_space<hbm>>) target(%arg10 : memref<16xi32, #tpu.memory_space<vmem>>) offsets(%arg8 : memref<16xi32, #tpu.memory_space<vmem>>) semaphore(%arg14 : memref<!tpu.dma_semaphore, #tpu.memory_space<semaphore_mem>>)
      %dma_wait3A_448 = arith.constant 0 : i32
      %dma_wait3A_449 = tpu.memref_slice %arg2[%dma_wait3A_448] : memref<100000xi32, #tpu.memory_space<hbm>> -> memref<100000xi32, #tpu.memory_space<hbm>>
      tpu.wait_indirect_dma semaphore(%arg14 : memref<!tpu.dma_semaphore, #tpu.memory_space<semaphore_mem>>) src(%dma_wait3A_449 : memref<100000xi32, #tpu.memory_space<hbm>>) dst(%arg9 : memref<16xi32, #tpu.memory_space<vmem>>)
      %dma_wait3A_450 = arith.constant 0 : i32
      %dma_wait3A_451 = tpu.memref_slice %arg2[%dma_wait3A_450] : memref<100000xi32, #tpu.memory_space<hbm>> -> memref<100000xi32, #tpu.memory_space<hbm>>
      tpu.wait_indirect_dma semaphore(%arg14 : memref<!tpu.dma_semaphore, #tpu.memory_space<semaphore_mem>>) src(%dma_wait3A_451 : memref<100000xi32, #tpu.memory_space<hbm>>) dst(%arg10 : memref<16xi32, #tpu.memory_space<vmem>>)
      %get3A_452 = arith.constant 0 : index
      %get3A_453 = tpu.vector_load %arg9[%get3A_452] {strides = array<i32>} : memref<16xi32, #tpu.memory_space<vmem>>, vector<16xi32>,
      %get3A_454 = vector.shape_cast %get3A_453 : vector<16xi32> to vector<16xi32>
      %get3A_455 = arith.constant 0 : index
      %get3A_456 = tpu.vector_load %arg10[%get3A_455] {strides = array<i32>} : memref<16xi32, #tpu.memory_space<vmem>>, vector<16xi32>,
      %get3A_457 = vector.shape_cast %get3A_456 : vector<16xi32> to vector<16xi32>
      %lt3A_458 = arith.cmpi slt, %get3A_454, %add3A_8 : vector<16xi32>
      %lt3A_459 = arith.cmpi slt, %get3A_457, %add3A_11 : vector<16xi32>
      %add3A_460 = arith.constant 1 : i32
      %add3A_461 = vector.broadcast %add3A_460 : i32 to vector<16xi32>
      %add3A_462 = arith.addi %shift_right_arithmetic3A_431, %add3A_461 : vector<16xi32>
      %select_n3A_463 = arith.select %lt3A_458, %add3A_462, %select_n3A_421 : vector<16xi1>, vector<16xi32>
      %select_n3A_464 = arith.select %lt3A_458, %select_n3A_422, %shift_right_arithmetic3A_431 : vector<16xi1>, vector<16xi32>
      %add3A_465 = arith.constant 1 : i32
      %add3A_466 = vector.broadcast %add3A_465 : i32 to vector<16xi32>
      %add3A_467 = arith.addi %shift_right_arithmetic3A_435, %add3A_466 : vector<16xi32>
      %select_n3A_468 = arith.select %lt3A_459, %add3A_467, %select_n3A_426 : vector<16xi1>, vector<16xi32>
      %select_n3A_469 = arith.select %lt3A_459, %select_n3A_427, %shift_right_arithmetic3A_435 : vector<16xi1>, vector<16xi32>
      %add3A_470 = arith.addi %select_n3A_463, %select_n3A_464 : vector<16xi32>
      %shift_right_arithmetic3A_471 = arith.constant 1 : i32
      %shift_right_arithmetic3A_472 = vector.broadcast %shift_right_arithmetic3A_471 : i32 to vector<16xi32>
      %shift_right_arithmetic3A_473 = arith.shrsi %add3A_470, %shift_right_arithmetic3A_472 : vector<16xi32>
      %add3A_474 = arith.addi %select_n3A_468, %select_n3A_469 : vector<16xi32>
      %shift_right_arithmetic3A_475 = arith.constant 1 : i32
      %shift_right_arithmetic3A_476 = vector.broadcast %shift_right_arithmetic3A_475 : i32 to vector<16xi32>
      %shift_right_arithmetic3A_477 = arith.shrsi %add3A_474, %shift_right_arithmetic3A_476 : vector<16xi32>
      %swap3A_478 = arith.constant 0 : index
      %swap3A_479 = tpu.vector_load %arg7[%swap3A_478] {strides = array<i32>} : memref<16xi32, #tpu.memory_space<vmem>>, vector<16xi32>,
      %swap3A_480 = vector.shape_cast %swap3A_479 : vector<16xi32> to vector<16xi32>
      %swap3A_481 = vector.shape_cast %shift_right_arithmetic3A_473 : vector<16xi32> to vector<16xi32>
      tpu.vector_store %arg7[%swap3A_478], %swap3A_481 {strides = array<i32>} : memref<16xi32, #tpu.memory_space<vmem>>, vector<16xi32>,
      %swap3A_482 = arith.constant 0 : index
      %swap3A_483 = tpu.vector_load %arg8[%swap3A_482] {strides = array<i32>} : memref<16xi32, #tpu.memory_space<vmem>>, vector<16xi32>,
      %swap3A_484 = vector.shape_cast %swap3A_483 : vector<16xi32> to vector<16xi32>
      %swap3A_485 = vector.shape_cast %shift_right_arithmetic3A_477 : vector<16xi32> to vector<16xi32>
      tpu.vector_store %arg8[%swap3A_482], %swap3A_485 {strides = array<i32>} : memref<16xi32, #tpu.memory_space<vmem>>, vector<16xi32>,
      %dma_start3A_486 = arith.constant 0 : i32
      %dma_start3A_487 = tpu.memref_slice %arg2[%dma_start3A_486] : memref<100000xi32, #tpu.memory_space<hbm>> -> memref<100000xi32, #tpu.memory_space<hbm>>
      tpu.enqueue_indirect_dma source(%dma_start3A_487 : memref<100000xi32, #tpu.memory_space<hbm>>) target(%arg9 : memref<16xi32, #tpu.memory_space<vmem>>) offsets(%arg7 : memref<16xi32, #tpu.memory_space<vmem>>) semaphore(%arg14 : memref<!tpu.dma_semaphore, #tpu.memory_space<semaphore_mem>>)
      %dma_start3A_488 = arith.constant 0 : i32
      %dma_start3A_489 = tpu.memref_slice %arg2[%dma_start3A_488] : memref<100000xi32, #tpu.memory_space<hbm>> -> memref<100000xi32, #tpu.memory_space<hbm>>
      tpu.enqueue_indirect_dma source(%dma_start3A_489 : memref<100000xi32, #tpu.memory_space<hbm>>) target(%arg10 : memref<16xi32, #tpu.memory_space<vmem>>) offsets(%arg8 : memref<16xi32, #tpu.memory_space<vmem>>) semaphore(%arg14 : memref<!tpu.dma_semaphore, #tpu.memory_space<semaphore_mem>>)
      %dma_wait3A_490 = arith.constant 0 : i32
      %dma_wait3A_491 = tpu.memref_slice %arg2[%dma_wait3A_490] : memref<100000xi32, #tpu.memory_space<hbm>> -> memref<100000xi32, #tpu.memory_space<hbm>>
      tpu.wait_indirect_dma semaphore(%arg14 : memref<!tpu.dma_semaphore, #tpu.memory_space<semaphore_mem>>) src(%dma_wait3A_491 : memref<100000xi32, #tpu.memory_space<hbm>>) dst(%arg9 : memref<16xi32, #tpu.memory_space<vmem>>)
      %dma_wait3A_492 = arith.constant 0 : i32
      %dma_wait3A_493 = tpu.memref_slice %arg2[%dma_wait3A_492] : memref<100000xi32, #tpu.memory_space<hbm>> -> memref<100000xi32, #tpu.memory_space<hbm>>
      tpu.wait_indirect_dma semaphore(%arg14 : memref<!tpu.dma_semaphore, #tpu.memory_space<semaphore_mem>>) src(%dma_wait3A_493 : memref<100000xi32, #tpu.memory_space<hbm>>) dst(%arg10 : memref<16xi32, #tpu.memory_space<vmem>>)
      %get3A_494 = arith.constant 0 : index
      %get3A_495 = tpu.vector_load %arg9[%get3A_494] {strides = array<i32>} : memref<16xi32, #tpu.memory_space<vmem>>, vector<16xi32>,
      %get3A_496 = vector.shape_cast %get3A_495 : vector<16xi32> to vector<16xi32>
      %get3A_497 = arith.constant 0 : index
      %get3A_498 = tpu.vector_load %arg10[%get3A_497] {strides = array<i32>} : memref<16xi32, #tpu.memory_space<vmem>>, vector<16xi32>,
      %get3A_499 = vector.shape_cast %get3A_498 : vector<16xi32> to vector<16xi32>
      %lt3A_500 = arith.cmpi slt, %get3A_496, %add3A_8 : vector<16xi32>
      %lt3A_501 = arith.cmpi slt, %get3A_499, %add3A_11 : vector<16xi32>
      %add3A_502 = arith.constant 1 : i32
      %add3A_503 = vector.broadcast %add3A_502 : i32 to vector<16xi32>
      %add3A_504 = arith.addi %shift_right_arithmetic3A_473, %add3A_503 : vector<16xi32>
      %select_n3A_505 = arith.select %lt3A_500, %add3A_504, %select_n3A_463 : vector<16xi1>, vector<16xi32>
      %select_n3A_506 = arith.select %lt3A_500, %select_n3A_464, %shift_right_arithmetic3A_473 : vector<16xi1>, vector<16xi32>
      %add3A_507 = arith.constant 1 : i32
      %add3A_508 = vector.broadcast %add3A_507 : i32 to vector<16xi32>
      %add3A_509 = arith.addi %shift_right_arithmetic3A_477, %add3A_508 : vector<16xi32>
      %select_n3A_510 = arith.select %lt3A_501, %add3A_509, %select_n3A_468 : vector<16xi1>, vector<16xi32>
      %select_n3A_511 = arith.select %lt3A_501, %select_n3A_469, %shift_right_arithmetic3A_477 : vector<16xi1>, vector<16xi32>
      %add3A_512 = arith.addi %select_n3A_505, %select_n3A_506 : vector<16xi32>
      %shift_right_arithmetic3A_513 = arith.constant 1 : i32
      %shift_right_arithmetic3A_514 = vector.broadcast %shift_right_arithmetic3A_513 : i32 to vector<16xi32>
      %shift_right_arithmetic3A_515 = arith.shrsi %add3A_512, %shift_right_arithmetic3A_514 : vector<16xi32>
      %add3A_516 = arith.addi %select_n3A_510, %select_n3A_511 : vector<16xi32>
      %shift_right_arithmetic3A_517 = arith.constant 1 : i32
      %shift_right_arithmetic3A_518 = vector.broadcast %shift_right_arithmetic3A_517 : i32 to vector<16xi32>
      %shift_right_arithmetic3A_519 = arith.shrsi %add3A_516, %shift_right_arithmetic3A_518 : vector<16xi32>
      %swap3A_520 = arith.constant 0 : index
      %swap3A_521 = tpu.vector_load %arg7[%swap3A_520] {strides = array<i32>} : memref<16xi32, #tpu.memory_space<vmem>>, vector<16xi32>,
      %swap3A_522 = vector.shape_cast %swap3A_521 : vector<16xi32> to vector<16xi32>
      %swap3A_523 = vector.shape_cast %shift_right_arithmetic3A_515 : vector<16xi32> to vector<16xi32>
      tpu.vector_store %arg7[%swap3A_520], %swap3A_523 {strides = array<i32>} : memref<16xi32, #tpu.memory_space<vmem>>, vector<16xi32>,
      %swap3A_524 = arith.constant 0 : index
      %swap3A_525 = tpu.vector_load %arg8[%swap3A_524] {strides = array<i32>} : memref<16xi32, #tpu.memory_space<vmem>>, vector<16xi32>,
      %swap3A_526 = vector.shape_cast %swap3A_525 : vector<16xi32> to vector<16xi32>
      %swap3A_527 = vector.shape_cast %shift_right_arithmetic3A_519 : vector<16xi32> to vector<16xi32>
      tpu.vector_store %arg8[%swap3A_524], %swap3A_527 {strides = array<i32>} : memref<16xi32, #tpu.memory_space<vmem>>, vector<16xi32>,
      %dma_start3A_528 = arith.constant 0 : i32
      %dma_start3A_529 = tpu.memref_slice %arg2[%dma_start3A_528] : memref<100000xi32, #tpu.memory_space<hbm>> -> memref<100000xi32, #tpu.memory_space<hbm>>
      tpu.enqueue_indirect_dma source(%dma_start3A_529 : memref<100000xi32, #tpu.memory_space<hbm>>) target(%arg9 : memref<16xi32, #tpu.memory_space<vmem>>) offsets(%arg7 : memref<16xi32, #tpu.memory_space<vmem>>) semaphore(%arg14 : memref<!tpu.dma_semaphore, #tpu.memory_space<semaphore_mem>>)
      %dma_start3A_530 = arith.constant 0 : i32
      %dma_start3A_531 = tpu.memref_slice %arg2[%dma_start3A_530] : memref<100000xi32, #tpu.memory_space<hbm>> -> memref<100000xi32, #tpu.memory_space<hbm>>
      tpu.enqueue_indirect_dma source(%dma_start3A_531 : memref<100000xi32, #tpu.memory_space<hbm>>) target(%arg10 : memref<16xi32, #tpu.memory_space<vmem>>) offsets(%arg8 : memref<16xi32, #tpu.memory_space<vmem>>) semaphore(%arg14 : memref<!tpu.dma_semaphore, #tpu.memory_space<semaphore_mem>>)
      %dma_wait3A_532 = arith.constant 0 : i32
      %dma_wait3A_533 = tpu.memref_slice %arg2[%dma_wait3A_532] : memref<100000xi32, #tpu.memory_space<hbm>> -> memref<100000xi32, #tpu.memory_space<hbm>>
      tpu.wait_indirect_dma semaphore(%arg14 : memref<!tpu.dma_semaphore, #tpu.memory_space<semaphore_mem>>) src(%dma_wait3A_533 : memref<100000xi32, #tpu.memory_space<hbm>>) dst(%arg9 : memref<16xi32, #tpu.memory_space<vmem>>)
      %dma_wait3A_534 = arith.constant 0 : i32
      %dma_wait3A_535 = tpu.memref_slice %arg2[%dma_wait3A_534] : memref<100000xi32, #tpu.memory_space<hbm>> -> memref<100000xi32, #tpu.memory_space<hbm>>
      tpu.wait_indirect_dma semaphore(%arg14 : memref<!tpu.dma_semaphore, #tpu.memory_space<semaphore_mem>>) src(%dma_wait3A_535 : memref<100000xi32, #tpu.memory_space<hbm>>) dst(%arg10 : memref<16xi32, #tpu.memory_space<vmem>>)
      %get3A_536 = arith.constant 0 : index
      %get3A_537 = tpu.vector_load %arg9[%get3A_536] {strides = array<i32>} : memref<16xi32, #tpu.memory_space<vmem>>, vector<16xi32>,
      %get3A_538 = vector.shape_cast %get3A_537 : vector<16xi32> to vector<16xi32>
      %get3A_539 = arith.constant 0 : index
      %get3A_540 = tpu.vector_load %arg10[%get3A_539] {strides = array<i32>} : memref<16xi32, #tpu.memory_space<vmem>>, vector<16xi32>,
      %get3A_541 = vector.shape_cast %get3A_540 : vector<16xi32> to vector<16xi32>
      %lt3A_542 = arith.cmpi slt, %get3A_538, %add3A_8 : vector<16xi32>
      %lt3A_543 = arith.cmpi slt, %get3A_541, %add3A_11 : vector<16xi32>
      %add3A_544 = arith.constant 1 : i32
      %add3A_545 = vector.broadcast %add3A_544 : i32 to vector<16xi32>
      %add3A_546 = arith.addi %shift_right_arithmetic3A_515, %add3A_545 : vector<16xi32>
      %select_n3A_547 = arith.select %lt3A_542, %add3A_546, %select_n3A_505 : vector<16xi1>, vector<16xi32>
      %select_n3A_548 = arith.select %lt3A_542, %select_n3A_506, %shift_right_arithmetic3A_515 : vector<16xi1>, vector<16xi32>
      %add3A_549 = arith.constant 1 : i32
      %add3A_550 = vector.broadcast %add3A_549 : i32 to vector<16xi32>
      %add3A_551 = arith.addi %shift_right_arithmetic3A_519, %add3A_550 : vector<16xi32>
      %select_n3A_552 = arith.select %lt3A_543, %add3A_551, %select_n3A_510 : vector<16xi1>, vector<16xi32>
      %select_n3A_553 = arith.select %lt3A_543, %select_n3A_511, %shift_right_arithmetic3A_519 : vector<16xi1>, vector<16xi32>
      %add3A_554 = arith.addi %select_n3A_547, %select_n3A_548 : vector<16xi32>
      %shift_right_arithmetic3A_555 = arith.constant 1 : i32
      %shift_right_arithmetic3A_556 = vector.broadcast %shift_right_arithmetic3A_555 : i32 to vector<16xi32>
      %shift_right_arithmetic3A_557 = arith.shrsi %add3A_554, %shift_right_arithmetic3A_556 : vector<16xi32>
      %add3A_558 = arith.addi %select_n3A_552, %select_n3A_553 : vector<16xi32>
      %shift_right_arithmetic3A_559 = arith.constant 1 : i32
      %shift_right_arithmetic3A_560 = vector.broadcast %shift_right_arithmetic3A_559 : i32 to vector<16xi32>
      %shift_right_arithmetic3A_561 = arith.shrsi %add3A_558, %shift_right_arithmetic3A_560 : vector<16xi32>
      %swap3A_562 = arith.constant 0 : index
      %swap3A_563 = tpu.vector_load %arg7[%swap3A_562] {strides = array<i32>} : memref<16xi32, #tpu.memory_space<vmem>>, vector<16xi32>,
      %swap3A_564 = vector.shape_cast %swap3A_563 : vector<16xi32> to vector<16xi32>
      %swap3A_565 = vector.shape_cast %shift_right_arithmetic3A_557 : vector<16xi32> to vector<16xi32>
      tpu.vector_store %arg7[%swap3A_562], %swap3A_565 {strides = array<i32>} : memref<16xi32, #tpu.memory_space<vmem>>, vector<16xi32>,
      %swap3A_566 = arith.constant 0 : index
      %swap3A_567 = tpu.vector_load %arg8[%swap3A_566] {strides = array<i32>} : memref<16xi32, #tpu.memory_space<vmem>>, vector<16xi32>,
      %swap3A_568 = vector.shape_cast %swap3A_567 : vector<16xi32> to vector<16xi32>
      %swap3A_569 = vector.shape_cast %shift_right_arithmetic3A_561 : vector<16xi32> to vector<16xi32>
      tpu.vector_store %arg8[%swap3A_566], %swap3A_569 {strides = array<i32>} : memref<16xi32, #tpu.memory_space<vmem>>, vector<16xi32>,
      %dma_start3A_570 = arith.constant 0 : i32
      %dma_start3A_571 = tpu.memref_slice %arg2[%dma_start3A_570] : memref<100000xi32, #tpu.memory_space<hbm>> -> memref<100000xi32, #tpu.memory_space<hbm>>
      tpu.enqueue_indirect_dma source(%dma_start3A_571 : memref<100000xi32, #tpu.memory_space<hbm>>) target(%arg9 : memref<16xi32, #tpu.memory_space<vmem>>) offsets(%arg7 : memref<16xi32, #tpu.memory_space<vmem>>) semaphore(%arg14 : memref<!tpu.dma_semaphore, #tpu.memory_space<semaphore_mem>>)
      %dma_start3A_572 = arith.constant 0 : i32
      %dma_start3A_573 = tpu.memref_slice %arg2[%dma_start3A_572] : memref<100000xi32, #tpu.memory_space<hbm>> -> memref<100000xi32, #tpu.memory_space<hbm>>
      tpu.enqueue_indirect_dma source(%dma_start3A_573 : memref<100000xi32, #tpu.memory_space<hbm>>) target(%arg10 : memref<16xi32, #tpu.memory_space<vmem>>) offsets(%arg8 : memref<16xi32, #tpu.memory_space<vmem>>) semaphore(%arg14 : memref<!tpu.dma_semaphore, #tpu.memory_space<semaphore_mem>>)
      %dma_wait3A_574 = arith.constant 0 : i32
      %dma_wait3A_575 = tpu.memref_slice %arg2[%dma_wait3A_574] : memref<100000xi32, #tpu.memory_space<hbm>> -> memref<100000xi32, #tpu.memory_space<hbm>>
      tpu.wait_indirect_dma semaphore(%arg14 : memref<!tpu.dma_semaphore, #tpu.memory_space<semaphore_mem>>) src(%dma_wait3A_575 : memref<100000xi32, #tpu.memory_space<hbm>>) dst(%arg9 : memref<16xi32, #tpu.memory_space<vmem>>)
      %dma_wait3A_576 = arith.constant 0 : i32
      %dma_wait3A_577 = tpu.memref_slice %arg2[%dma_wait3A_576] : memref<100000xi32, #tpu.memory_space<hbm>> -> memref<100000xi32, #tpu.memory_space<hbm>>
      tpu.wait_indirect_dma semaphore(%arg14 : memref<!tpu.dma_semaphore, #tpu.memory_space<semaphore_mem>>) src(%dma_wait3A_577 : memref<100000xi32, #tpu.memory_space<hbm>>) dst(%arg10 : memref<16xi32, #tpu.memory_space<vmem>>)
      %get3A_578 = arith.constant 0 : index
      %get3A_579 = tpu.vector_load %arg9[%get3A_578] {strides = array<i32>} : memref<16xi32, #tpu.memory_space<vmem>>, vector<16xi32>,
      %get3A_580 = vector.shape_cast %get3A_579 : vector<16xi32> to vector<16xi32>
      %get3A_581 = arith.constant 0 : index
      %get3A_582 = tpu.vector_load %arg10[%get3A_581] {strides = array<i32>} : memref<16xi32, #tpu.memory_space<vmem>>, vector<16xi32>,
      %get3A_583 = vector.shape_cast %get3A_582 : vector<16xi32> to vector<16xi32>
      %lt3A_584 = arith.cmpi slt, %get3A_580, %add3A_8 : vector<16xi32>
      %lt3A_585 = arith.cmpi slt, %get3A_583, %add3A_11 : vector<16xi32>
      %add3A_586 = arith.constant 1 : i32
      %add3A_587 = vector.broadcast %add3A_586 : i32 to vector<16xi32>
      %add3A_588 = arith.addi %shift_right_arithmetic3A_557, %add3A_587 : vector<16xi32>
      %select_n3A_589 = arith.select %lt3A_584, %add3A_588, %select_n3A_547 : vector<16xi1>, vector<16xi32>
      %select_n3A_590 = arith.select %lt3A_584, %select_n3A_548, %shift_right_arithmetic3A_557 : vector<16xi1>, vector<16xi32>
      %add3A_591 = arith.constant 1 : i32
      %add3A_592 = vector.broadcast %add3A_591 : i32 to vector<16xi32>
      %add3A_593 = arith.addi %shift_right_arithmetic3A_561, %add3A_592 : vector<16xi32>
      %select_n3A_594 = arith.select %lt3A_585, %add3A_593, %select_n3A_552 : vector<16xi1>, vector<16xi32>
      %select_n3A_595 = arith.select %lt3A_585, %select_n3A_553, %shift_right_arithmetic3A_561 : vector<16xi1>, vector<16xi32>
      %add3A_596 = arith.addi %select_n3A_589, %select_n3A_590 : vector<16xi32>
      %shift_right_arithmetic3A_597 = arith.constant 1 : i32
      %shift_right_arithmetic3A_598 = vector.broadcast %shift_right_arithmetic3A_597 : i32 to vector<16xi32>
      %shift_right_arithmetic3A_599 = arith.shrsi %add3A_596, %shift_right_arithmetic3A_598 : vector<16xi32>
      %add3A_600 = arith.addi %select_n3A_594, %select_n3A_595 : vector<16xi32>
      %shift_right_arithmetic3A_601 = arith.constant 1 : i32
      %shift_right_arithmetic3A_602 = vector.broadcast %shift_right_arithmetic3A_601 : i32 to vector<16xi32>
      %shift_right_arithmetic3A_603 = arith.shrsi %add3A_600, %shift_right_arithmetic3A_602 : vector<16xi32>
      %swap3A_604 = arith.constant 0 : index
      %swap3A_605 = tpu.vector_load %arg7[%swap3A_604] {strides = array<i32>} : memref<16xi32, #tpu.memory_space<vmem>>, vector<16xi32>,
      %swap3A_606 = vector.shape_cast %swap3A_605 : vector<16xi32> to vector<16xi32>
      %swap3A_607 = vector.shape_cast %shift_right_arithmetic3A_599 : vector<16xi32> to vector<16xi32>
      tpu.vector_store %arg7[%swap3A_604], %swap3A_607 {strides = array<i32>} : memref<16xi32, #tpu.memory_space<vmem>>, vector<16xi32>,
      %swap3A_608 = arith.constant 0 : index
      %swap3A_609 = tpu.vector_load %arg8[%swap3A_608] {strides = array<i32>} : memref<16xi32, #tpu.memory_space<vmem>>, vector<16xi32>,
      %swap3A_610 = vector.shape_cast %swap3A_609 : vector<16xi32> to vector<16xi32>
      %swap3A_611 = vector.shape_cast %shift_right_arithmetic3A_603 : vector<16xi32> to vector<16xi32>
      tpu.vector_store %arg8[%swap3A_608], %swap3A_611 {strides = array<i32>} : memref<16xi32, #tpu.memory_space<vmem>>, vector<16xi32>,
      %dma_start3A_612 = arith.constant 0 : i32
      %dma_start3A_613 = tpu.memref_slice %arg2[%dma_start3A_612] : memref<100000xi32, #tpu.memory_space<hbm>> -> memref<100000xi32, #tpu.memory_space<hbm>>
      tpu.enqueue_indirect_dma source(%dma_start3A_613 : memref<100000xi32, #tpu.memory_space<hbm>>) target(%arg9 : memref<16xi32, #tpu.memory_space<vmem>>) offsets(%arg7 : memref<16xi32, #tpu.memory_space<vmem>>) semaphore(%arg14 : memref<!tpu.dma_semaphore, #tpu.memory_space<semaphore_mem>>)
      %dma_start3A_614 = arith.constant 0 : i32
      %dma_start3A_615 = tpu.memref_slice %arg2[%dma_start3A_614] : memref<100000xi32, #tpu.memory_space<hbm>> -> memref<100000xi32, #tpu.memory_space<hbm>>
      tpu.enqueue_indirect_dma source(%dma_start3A_615 : memref<100000xi32, #tpu.memory_space<hbm>>) target(%arg10 : memref<16xi32, #tpu.memory_space<vmem>>) offsets(%arg8 : memref<16xi32, #tpu.memory_space<vmem>>) semaphore(%arg14 : memref<!tpu.dma_semaphore, #tpu.memory_space<semaphore_mem>>)
      %dma_wait3A_616 = arith.constant 0 : i32
      %dma_wait3A_617 = tpu.memref_slice %arg2[%dma_wait3A_616] : memref<100000xi32, #tpu.memory_space<hbm>> -> memref<100000xi32, #tpu.memory_space<hbm>>
      tpu.wait_indirect_dma semaphore(%arg14 : memref<!tpu.dma_semaphore, #tpu.memory_space<semaphore_mem>>) src(%dma_wait3A_617 : memref<100000xi32, #tpu.memory_space<hbm>>) dst(%arg9 : memref<16xi32, #tpu.memory_space<vmem>>)
      %dma_wait3A_618 = arith.constant 0 : i32
      %dma_wait3A_619 = tpu.memref_slice %arg2[%dma_wait3A_618] : memref<100000xi32, #tpu.memory_space<hbm>> -> memref<100000xi32, #tpu.memory_space<hbm>>
      tpu.wait_indirect_dma semaphore(%arg14 : memref<!tpu.dma_semaphore, #tpu.memory_space<semaphore_mem>>) src(%dma_wait3A_619 : memref<100000xi32, #tpu.memory_space<hbm>>) dst(%arg10 : memref<16xi32, #tpu.memory_space<vmem>>)
      %get3A_620 = arith.constant 0 : index
      %get3A_621 = tpu.vector_load %arg9[%get3A_620] {strides = array<i32>} : memref<16xi32, #tpu.memory_space<vmem>>, vector<16xi32>,
      %get3A_622 = vector.shape_cast %get3A_621 : vector<16xi32> to vector<16xi32>
      %get3A_623 = arith.constant 0 : index
      %get3A_624 = tpu.vector_load %arg10[%get3A_623] {strides = array<i32>} : memref<16xi32, #tpu.memory_space<vmem>>, vector<16xi32>,
      %get3A_625 = vector.shape_cast %get3A_624 : vector<16xi32> to vector<16xi32>
      %lt3A_626 = arith.cmpi slt, %get3A_622, %add3A_8 : vector<16xi32>
      %lt3A_627 = arith.cmpi slt, %get3A_625, %add3A_11 : vector<16xi32>
      %add3A_628 = arith.constant 1 : i32
      %add3A_629 = vector.broadcast %add3A_628 : i32 to vector<16xi32>
      %add3A_630 = arith.addi %shift_right_arithmetic3A_599, %add3A_629 : vector<16xi32>
      %select_n3A_631 = arith.select %lt3A_626, %add3A_630, %select_n3A_589 : vector<16xi1>, vector<16xi32>
      %select_n3A_632 = arith.select %lt3A_626, %select_n3A_590, %shift_right_arithmetic3A_599 : vector<16xi1>, vector<16xi32>
      %add3A_633 = arith.constant 1 : i32
      %add3A_634 = vector.broadcast %add3A_633 : i32 to vector<16xi32>
      %add3A_635 = arith.addi %shift_right_arithmetic3A_603, %add3A_634 : vector<16xi32>
      %select_n3A_636 = arith.select %lt3A_627, %add3A_635, %select_n3A_594 : vector<16xi1>, vector<16xi32>
      %select_n3A_637 = arith.select %lt3A_627, %select_n3A_595, %shift_right_arithmetic3A_603 : vector<16xi1>, vector<16xi32>
      %add3A_638 = arith.addi %select_n3A_631, %select_n3A_632 : vector<16xi32>
      %shift_right_arithmetic3A_639 = arith.constant 1 : i32
      %shift_right_arithmetic3A_640 = vector.broadcast %shift_right_arithmetic3A_639 : i32 to vector<16xi32>
      %shift_right_arithmetic3A_641 = arith.shrsi %add3A_638, %shift_right_arithmetic3A_640 : vector<16xi32>
      %add3A_642 = arith.addi %select_n3A_636, %select_n3A_637 : vector<16xi32>
      %shift_right_arithmetic3A_643 = arith.constant 1 : i32
      %shift_right_arithmetic3A_644 = vector.broadcast %shift_right_arithmetic3A_643 : i32 to vector<16xi32>
      %shift_right_arithmetic3A_645 = arith.shrsi %add3A_642, %shift_right_arithmetic3A_644 : vector<16xi32>
      %swap3A_646 = arith.constant 0 : index
      %swap3A_647 = tpu.vector_load %arg7[%swap3A_646] {strides = array<i32>} : memref<16xi32, #tpu.memory_space<vmem>>, vector<16xi32>,
      %swap3A_648 = vector.shape_cast %swap3A_647 : vector<16xi32> to vector<16xi32>
      %swap3A_649 = vector.shape_cast %shift_right_arithmetic3A_641 : vector<16xi32> to vector<16xi32>
      tpu.vector_store %arg7[%swap3A_646], %swap3A_649 {strides = array<i32>} : memref<16xi32, #tpu.memory_space<vmem>>, vector<16xi32>,
      %swap3A_650 = arith.constant 0 : index
      %swap3A_651 = tpu.vector_load %arg8[%swap3A_650] {strides = array<i32>} : memref<16xi32, #tpu.memory_space<vmem>>, vector<16xi32>,
      %swap3A_652 = vector.shape_cast %swap3A_651 : vector<16xi32> to vector<16xi32>
      %swap3A_653 = vector.shape_cast %shift_right_arithmetic3A_645 : vector<16xi32> to vector<16xi32>
      tpu.vector_store %arg8[%swap3A_650], %swap3A_653 {strides = array<i32>} : memref<16xi32, #tpu.memory_space<vmem>>, vector<16xi32>,
      %dma_start3A_654 = arith.constant 0 : i32
      %dma_start3A_655 = tpu.memref_slice %arg2[%dma_start3A_654] : memref<100000xi32, #tpu.memory_space<hbm>> -> memref<100000xi32, #tpu.memory_space<hbm>>
      tpu.enqueue_indirect_dma source(%dma_start3A_655 : memref<100000xi32, #tpu.memory_space<hbm>>) target(%arg9 : memref<16xi32, #tpu.memory_space<vmem>>) offsets(%arg7 : memref<16xi32, #tpu.memory_space<vmem>>) semaphore(%arg14 : memref<!tpu.dma_semaphore, #tpu.memory_space<semaphore_mem>>)
      %dma_start3A_656 = arith.constant 0 : i32
      %dma_start3A_657 = tpu.memref_slice %arg2[%dma_start3A_656] : memref<100000xi32, #tpu.memory_space<hbm>> -> memref<100000xi32, #tpu.memory_space<hbm>>
      tpu.enqueue_indirect_dma source(%dma_start3A_657 : memref<100000xi32, #tpu.memory_space<hbm>>) target(%arg10 : memref<16xi32, #tpu.memory_space<vmem>>) offsets(%arg8 : memref<16xi32, #tpu.memory_space<vmem>>) semaphore(%arg14 : memref<!tpu.dma_semaphore, #tpu.memory_space<semaphore_mem>>)
      %dma_wait3A_658 = arith.constant 0 : i32
      %dma_wait3A_659 = tpu.memref_slice %arg2[%dma_wait3A_658] : memref<100000xi32, #tpu.memory_space<hbm>> -> memref<100000xi32, #tpu.memory_space<hbm>>
      tpu.wait_indirect_dma semaphore(%arg14 : memref<!tpu.dma_semaphore, #tpu.memory_space<semaphore_mem>>) src(%dma_wait3A_659 : memref<100000xi32, #tpu.memory_space<hbm>>) dst(%arg9 : memref<16xi32, #tpu.memory_space<vmem>>)
      %dma_wait3A_660 = arith.constant 0 : i32
      %dma_wait3A_661 = tpu.memref_slice %arg2[%dma_wait3A_660] : memref<100000xi32, #tpu.memory_space<hbm>> -> memref<100000xi32, #tpu.memory_space<hbm>>
      tpu.wait_indirect_dma semaphore(%arg14 : memref<!tpu.dma_semaphore, #tpu.memory_space<semaphore_mem>>) src(%dma_wait3A_661 : memref<100000xi32, #tpu.memory_space<hbm>>) dst(%arg10 : memref<16xi32, #tpu.memory_space<vmem>>)
      %get3A_662 = arith.constant 0 : index
      %get3A_663 = tpu.vector_load %arg9[%get3A_662] {strides = array<i32>} : memref<16xi32, #tpu.memory_space<vmem>>, vector<16xi32>,
      %get3A_664 = vector.shape_cast %get3A_663 : vector<16xi32> to vector<16xi32>
      %get3A_665 = arith.constant 0 : index
      %get3A_666 = tpu.vector_load %arg10[%get3A_665] {strides = array<i32>} : memref<16xi32, #tpu.memory_space<vmem>>, vector<16xi32>,
      %get3A_667 = vector.shape_cast %get3A_666 : vector<16xi32> to vector<16xi32>
      %lt3A_668 = arith.cmpi slt, %get3A_664, %add3A_8 : vector<16xi32>
      %lt3A_669 = arith.cmpi slt, %get3A_667, %add3A_11 : vector<16xi32>
      %add3A_670 = arith.constant 1 : i32
      %add3A_671 = vector.broadcast %add3A_670 : i32 to vector<16xi32>
      %add3A_672 = arith.addi %shift_right_arithmetic3A_641, %add3A_671 : vector<16xi32>
      %select_n3A_673 = arith.select %lt3A_668, %add3A_672, %select_n3A_631 : vector<16xi1>, vector<16xi32>
      %select_n3A_674 = arith.select %lt3A_668, %select_n3A_632, %shift_right_arithmetic3A_641 : vector<16xi1>, vector<16xi32>
      %add3A_675 = arith.constant 1 : i32
      %add3A_676 = vector.broadcast %add3A_675 : i32 to vector<16xi32>
      %add3A_677 = arith.addi %shift_right_arithmetic3A_645, %add3A_676 : vector<16xi32>
      %select_n3A_678 = arith.select %lt3A_669, %add3A_677, %select_n3A_636 : vector<16xi1>, vector<16xi32>
      %select_n3A_679 = arith.select %lt3A_669, %select_n3A_637, %shift_right_arithmetic3A_645 : vector<16xi1>, vector<16xi32>
      %add3A_680 = arith.addi %select_n3A_673, %select_n3A_674 : vector<16xi32>
      %shift_right_arithmetic3A_681 = arith.constant 1 : i32
      %shift_right_arithmetic3A_682 = vector.broadcast %shift_right_arithmetic3A_681 : i32 to vector<16xi32>
      %shift_right_arithmetic3A_683 = arith.shrsi %add3A_680, %shift_right_arithmetic3A_682 : vector<16xi32>
      %add3A_684 = arith.addi %select_n3A_678, %select_n3A_679 : vector<16xi32>
      %shift_right_arithmetic3A_685 = arith.constant 1 : i32
      %shift_right_arithmetic3A_686 = vector.broadcast %shift_right_arithmetic3A_685 : i32 to vector<16xi32>
      %shift_right_arithmetic3A_687 = arith.shrsi %add3A_684, %shift_right_arithmetic3A_686 : vector<16xi32>
      %swap3A_688 = arith.constant 0 : index
      %swap3A_689 = tpu.vector_load %arg7[%swap3A_688] {strides = array<i32>} : memref<16xi32, #tpu.memory_space<vmem>>, vector<16xi32>,
      %swap3A_690 = vector.shape_cast %swap3A_689 : vector<16xi32> to vector<16xi32>
      %swap3A_691 = vector.shape_cast %shift_right_arithmetic3A_683 : vector<16xi32> to vector<16xi32>
      tpu.vector_store %arg7[%swap3A_688], %swap3A_691 {strides = array<i32>} : memref<16xi32, #tpu.memory_space<vmem>>, vector<16xi32>,
      %swap3A_692 = arith.constant 0 : index
      %swap3A_693 = tpu.vector_load %arg8[%swap3A_692] {strides = array<i32>} : memref<16xi32, #tpu.memory_space<vmem>>, vector<16xi32>,
      %swap3A_694 = vector.shape_cast %swap3A_693 : vector<16xi32> to vector<16xi32>
      %swap3A_695 = vector.shape_cast %shift_right_arithmetic3A_687 : vector<16xi32> to vector<16xi32>
      tpu.vector_store %arg8[%swap3A_692], %swap3A_695 {strides = array<i32>} : memref<16xi32, #tpu.memory_space<vmem>>, vector<16xi32>,
      %dma_start3A_696 = arith.constant 0 : i32
      %dma_start3A_697 = tpu.memref_slice %arg2[%dma_start3A_696] : memref<100000xi32, #tpu.memory_space<hbm>> -> memref<100000xi32, #tpu.memory_space<hbm>>
      tpu.enqueue_indirect_dma source(%dma_start3A_697 : memref<100000xi32, #tpu.memory_space<hbm>>) target(%arg9 : memref<16xi32, #tpu.memory_space<vmem>>) offsets(%arg7 : memref<16xi32, #tpu.memory_space<vmem>>) semaphore(%arg14 : memref<!tpu.dma_semaphore, #tpu.memory_space<semaphore_mem>>)
      %dma_start3A_698 = arith.constant 0 : i32
      %dma_start3A_699 = tpu.memref_slice %arg2[%dma_start3A_698] : memref<100000xi32, #tpu.memory_space<hbm>> -> memref<100000xi32, #tpu.memory_space<hbm>>
      tpu.enqueue_indirect_dma source(%dma_start3A_699 : memref<100000xi32, #tpu.memory_space<hbm>>) target(%arg10 : memref<16xi32, #tpu.memory_space<vmem>>) offsets(%arg8 : memref<16xi32, #tpu.memory_space<vmem>>) semaphore(%arg14 : memref<!tpu.dma_semaphore, #tpu.memory_space<semaphore_mem>>)
      %dma_wait3A_700 = arith.constant 0 : i32
      %dma_wait3A_701 = tpu.memref_slice %arg2[%dma_wait3A_700] : memref<100000xi32, #tpu.memory_space<hbm>> -> memref<100000xi32, #tpu.memory_space<hbm>>
      tpu.wait_indirect_dma semaphore(%arg14 : memref<!tpu.dma_semaphore, #tpu.memory_space<semaphore_mem>>) src(%dma_wait3A_701 : memref<100000xi32, #tpu.memory_space<hbm>>) dst(%arg9 : memref<16xi32, #tpu.memory_space<vmem>>)
      %dma_wait3A_702 = arith.constant 0 : i32
      %dma_wait3A_703 = tpu.memref_slice %arg2[%dma_wait3A_702] : memref<100000xi32, #tpu.memory_space<hbm>> -> memref<100000xi32, #tpu.memory_space<hbm>>
      tpu.wait_indirect_dma semaphore(%arg14 : memref<!tpu.dma_semaphore, #tpu.memory_space<semaphore_mem>>) src(%dma_wait3A_703 : memref<100000xi32, #tpu.memory_space<hbm>>) dst(%arg10 : memref<16xi32, #tpu.memory_space<vmem>>)
      %get3A_704 = arith.constant 0 : index
      %get3A_705 = tpu.vector_load %arg9[%get3A_704] {strides = array<i32>} : memref<16xi32, #tpu.memory_space<vmem>>, vector<16xi32>,
      %get3A_706 = vector.shape_cast %get3A_705 : vector<16xi32> to vector<16xi32>
      %get3A_707 = arith.constant 0 : index
      %get3A_708 = tpu.vector_load %arg10[%get3A_707] {strides = array<i32>} : memref<16xi32, #tpu.memory_space<vmem>>, vector<16xi32>,
      %get3A_709 = vector.shape_cast %get3A_708 : vector<16xi32> to vector<16xi32>
      %lt3A_710 = arith.cmpi slt, %get3A_706, %add3A_8 : vector<16xi32>
      %lt3A_711 = arith.cmpi slt, %get3A_709, %add3A_11 : vector<16xi32>
      %add3A_712 = arith.constant 1 : i32
      %add3A_713 = vector.broadcast %add3A_712 : i32 to vector<16xi32>
      %add3A_714 = arith.addi %shift_right_arithmetic3A_683, %add3A_713 : vector<16xi32>
      %select_n3A_715 = arith.select %lt3A_710, %add3A_714, %select_n3A_673 : vector<16xi1>, vector<16xi32>
      %select_n3A_716 = arith.select %lt3A_710, %select_n3A_674, %shift_right_arithmetic3A_683 : vector<16xi1>, vector<16xi32>
      %add3A_717 = arith.constant 1 : i32
      %add3A_718 = vector.broadcast %add3A_717 : i32 to vector<16xi32>
      %add3A_719 = arith.addi %shift_right_arithmetic3A_687, %add3A_718 : vector<16xi32>
      %select_n3A_720 = arith.select %lt3A_711, %add3A_719, %select_n3A_678 : vector<16xi1>, vector<16xi32>
      %select_n3A_721 = arith.select %lt3A_711, %select_n3A_679, %shift_right_arithmetic3A_687 : vector<16xi1>, vector<16xi32>
      %sub3A = arith.subi %select_n3A_720, %select_n3A_715 : vector<16xi32>
      %convert_element_type3A_722 = arith.sitofp %sub3A : vector<16xi32> to vector<16xf32>
      %swap3A_723 = arith.constant 0 : index
      %swap3A_724 = tpu.vector_load %arg11[%swap3A_723] {strides = array<i32>} : memref<16xf32, #tpu.memory_space<vmem>>, vector<16xf32>,
      %swap3A_725 = vector.shape_cast %swap3A_724 : vector<16xf32> to vector<16xf32>
      %swap3A_726 = vector.shape_cast %convert_element_type3A_722 : vector<16xf32> to vector<16xf32>
      tpu.vector_store %arg11[%swap3A_723], %swap3A_726 {strides = array<i32>} : memref<16xf32, #tpu.memory_space<vmem>>, vector<16xf32>,
      %mul3A_727 = arith.constant 16 : i32
      %mul3A_728 = arith.muli %mul3A_727, %arg1 : i32
      "tpu.region"() ({
        %run_scoped3A = tpu.sem_alloc : memref<!tpu.dma_semaphore, #tpu.memory_space<semaphore_mem>>
        %dma_start3A_734 = tpu.memref_slice %arg4[%arg0, %mul3A_728] : memref<2x256xf32, #tpu.memory_space<hbm>> -> memref<1x16xf32, #tpu.memory_space<hbm>>
        %dma_start3A_735 = tpu.memref_squeeze %dma_start3A_734 : memref<1x16xf32, #tpu.memory_space<hbm>> -> memref<16xf32, #tpu.memory_space<hbm>>
        %dma_start3A_736 = tpu.memref_slice %arg4[%arg0, %mul3A_728] : memref<2x256xf32, #tpu.memory_space<hbm>> -> memref<1x16xf32, #tpu.memory_space<hbm>>
        %dma_start3A_737 = tpu.memref_squeeze %dma_start3A_736 : memref<1x16xf32, #tpu.memory_space<hbm>> -> memref<16xf32, #tpu.memory_space<hbm>>
        tpu.enqueue_dma source(%arg11 : memref<16xf32, #tpu.memory_space<vmem>>) target(%dma_start3A_737 : memref<16xf32, #tpu.memory_space<hbm>>) target_semaphore(%run_scoped3A : memref<!tpu.dma_semaphore, #tpu.memory_space<semaphore_mem>>)
        %dma_wait3A_738 = tpu.memref_slice %arg4[%arg0, %mul3A_728] : memref<2x256xf32, #tpu.memory_space<hbm>> -> memref<1x16xf32, #tpu.memory_space<hbm>>
        %dma_wait3A_739 = tpu.memref_squeeze %dma_wait3A_738 : memref<1x16xf32, #tpu.memory_space<hbm>> -> memref<16xf32, #tpu.memory_space<hbm>>
        %dma_wait3A_740 = tpu.memref_slice %arg4[%arg0, %mul3A_728] : memref<2x256xf32, #tpu.memory_space<hbm>> -> memref<1x16xf32, #tpu.memory_space<hbm>>
        %dma_wait3A_741 = tpu.memref_squeeze %dma_wait3A_740 : memref<1x16xf32, #tpu.memory_space<hbm>> -> memref<16xf32, #tpu.memory_space<hbm>>
        tpu.wait_dma2 semaphore(%run_scoped3A : memref<!tpu.dma_semaphore, #tpu.memory_space<semaphore_mem>>) src(%arg11 : memref<16xf32, #tpu.memory_space<vmem>>) dst(%dma_wait3A_741 : memref<16xf32, #tpu.memory_space<hbm>>)
        tpu.yield
      }) : () -> ()
      %eq3A_729 = arith.constant 0 : i32
      %eq3A_730 = arith.cmpi eq, %arg1, %eq3A_729 : i32
      %convert_element_type3A_731 = arith.extui %eq3A_730 : i1 to i32
      %cond3A_732 = arith.constant 0 : i32
      %cond3A_733 = arith.cmpi ne, %convert_element_type3A_731, %cond3A_732 : i32
      scf.if %cond3A_733 {
        %add3A_734 = arith.constant 0 : i32
        %add3A_735 = vector.broadcast %add3A_734 : i32 to vector<16xi32>
        %add3A_736 = arith.addi %iota3A, %add3A_735 : vector<16xi32>
        %min3A = arith.constant 24 : i32
        %min3A_737 = vector.broadcast %min3A : i32 to vector<16xi32>
        %min3A_738 = arith.minsi %add3A_736, %min3A_737 : vector<16xi32>
        %mul3A_739 = arith.constant 4000 : i32
        %mul3A_740 = vector.broadcast %mul3A_739 : i32 to vector<16xi32>
        %mul3A_741 = arith.muli %min3A_738, %mul3A_740 : vector<16xi32>
        %mul3A_742 = arith.constant 4000 : i32
        %mul3A_743 = vector.broadcast %mul3A_742 : i32 to vector<16xi32>
        %mul3A_744 = arith.muli %min3A_738, %mul3A_743 : vector<16xi32>
        %add3A_745 = arith.constant 3999 : i32
        %add3A_746 = vector.broadcast %add3A_745 : i32 to vector<16xi32>
        %add3A_747 = arith.addi %mul3A_744, %add3A_746 : vector<16xi32>
        %swap3A_748 = arith.constant 0 : index
        %swap3A_749 = tpu.vector_load %arg7[%swap3A_748] {strides = array<i32>} : memref<16xi32, #tpu.memory_space<vmem>>, vector<16xi32>,
        %swap3A_750 = vector.shape_cast %swap3A_749 : vector<16xi32> to vector<16xi32>
        %swap3A_751 = vector.shape_cast %mul3A_741 : vector<16xi32> to vector<16xi32>
        tpu.vector_store %arg7[%swap3A_748], %swap3A_751 {strides = array<i32>} : memref<16xi32, #tpu.memory_space<vmem>>, vector<16xi32>,
        %swap3A_752 = arith.constant 0 : index
        %swap3A_753 = tpu.vector_load %arg8[%swap3A_752] {strides = array<i32>} : memref<16xi32, #tpu.memory_space<vmem>>, vector<16xi32>,
        %swap3A_754 = vector.shape_cast %swap3A_753 : vector<16xi32> to vector<16xi32>
        %swap3A_755 = vector.shape_cast %add3A_747 : vector<16xi32> to vector<16xi32>
        tpu.vector_store %arg8[%swap3A_752], %swap3A_755 {strides = array<i32>} : memref<16xi32, #tpu.memory_space<vmem>>, vector<16xi32>,
        %dma_start3A_756 = arith.constant 0 : i32
        %dma_start3A_757 = tpu.memref_slice %arg2[%dma_start3A_756] : memref<100000xi32, #tpu.memory_space<hbm>> -> memref<100000xi32, #tpu.memory_space<hbm>>
        tpu.enqueue_indirect_dma source(%dma_start3A_757 : memref<100000xi32, #tpu.memory_space<hbm>>) target(%arg9 : memref<16xi32, #tpu.memory_space<vmem>>) offsets(%arg7 : memref<16xi32, #tpu.memory_space<vmem>>) semaphore(%arg14 : memref<!tpu.dma_semaphore, #tpu.memory_space<semaphore_mem>>)
        %dma_start3A_758 = arith.constant 0 : i32
        %dma_start3A_759 = tpu.memref_slice %arg2[%dma_start3A_758] : memref<100000xi32, #tpu.memory_space<hbm>> -> memref<100000xi32, #tpu.memory_space<hbm>>
        tpu.enqueue_indirect_dma source(%dma_start3A_759 : memref<100000xi32, #tpu.memory_space<hbm>>) target(%arg10 : memref<16xi32, #tpu.memory_space<vmem>>) offsets(%arg8 : memref<16xi32, #tpu.memory_space<vmem>>) semaphore(%arg14 : memref<!tpu.dma_semaphore, #tpu.memory_space<semaphore_mem>>)
        %dma_wait3A_760 = arith.constant 0 : i32
        %dma_wait3A_761 = tpu.memref_slice %arg2[%dma_wait3A_760] : memref<100000xi32, #tpu.memory_space<hbm>> -> memref<100000xi32, #tpu.memory_space<hbm>>
        tpu.wait_indirect_dma semaphore(%arg14 : memref<!tpu.dma_semaphore, #tpu.memory_space<semaphore_mem>>) src(%dma_wait3A_761 : memref<100000xi32, #tpu.memory_space<hbm>>) dst(%arg9 : memref<16xi32, #tpu.memory_space<vmem>>)
        %dma_wait3A_762 = arith.constant 0 : i32
        %dma_wait3A_763 = tpu.memref_slice %arg2[%dma_wait3A_762] : memref<100000xi32, #tpu.memory_space<hbm>> -> memref<100000xi32, #tpu.memory_space<hbm>>
        tpu.wait_indirect_dma semaphore(%arg14 : memref<!tpu.dma_semaphore, #tpu.memory_space<semaphore_mem>>) src(%dma_wait3A_763 : memref<100000xi32, #tpu.memory_space<hbm>>) dst(%arg10 : memref<16xi32, #tpu.memory_space<vmem>>)
        %get3A_764 = arith.constant 0 : index
        %get3A_765 = tpu.vector_load %arg9[%get3A_764] {strides = array<i32>} : memref<16xi32, #tpu.memory_space<vmem>>, vector<16xi32>,
        %get3A_766 = vector.shape_cast %get3A_765 : vector<16xi32> to vector<16xi32>
        %get3A_767 = arith.constant 0 : index
        %get3A_768 = tpu.vector_load %arg10[%get3A_767] {strides = array<i32>} : memref<16xi32, #tpu.memory_space<vmem>>, vector<16xi32>,
        %get3A_769 = vector.shape_cast %get3A_768 : vector<16xi32> to vector<16xi32>
        %swap3A_770 = arith.constant 0 : index
        %swap3A_771 = tpu.vector_load %arg12[%swap3A_770] {strides = array<i32>} : memref<32xi32, #tpu.memory_space<vmem>>, vector<16xi32>,
        %swap3A_772 = vector.shape_cast %swap3A_771 : vector<16xi32> to vector<16xi32>
        %swap3A_773 = vector.shape_cast %get3A_766 : vector<16xi32> to vector<16xi32>
        tpu.vector_store %arg12[%swap3A_770], %swap3A_773 {strides = array<i32>} : memref<32xi32, #tpu.memory_space<vmem>>, vector<16xi32>,
        %swap3A_774 = arith.constant 0 : index
        %swap3A_775 = tpu.vector_load %arg13[%swap3A_774] {strides = array<i32>} : memref<32xi32, #tpu.memory_space<vmem>>, vector<16xi32>,
        %swap3A_776 = vector.shape_cast %swap3A_775 : vector<16xi32> to vector<16xi32>
        %swap3A_777 = vector.shape_cast %get3A_769 : vector<16xi32> to vector<16xi32>
        tpu.vector_store %arg13[%swap3A_774], %swap3A_777 {strides = array<i32>} : memref<32xi32, #tpu.memory_space<vmem>>, vector<16xi32>,
        %add3A_778 = arith.constant 16 : i32
        %add3A_779 = vector.broadcast %add3A_778 : i32 to vector<16xi32>
        %add3A_780 = arith.addi %iota3A, %add3A_779 : vector<16xi32>
        %min3A_781 = arith.constant 24 : i32
        %min3A_782 = vector.broadcast %min3A_781 : i32 to vector<16xi32>
        %min3A_783 = arith.minsi %add3A_780, %min3A_782 : vector<16xi32>
        %mul3A_784 = arith.constant 4000 : i32
        %mul3A_785 = vector.broadcast %mul3A_784 : i32 to vector<16xi32>
        %mul3A_786 = arith.muli %min3A_783, %mul3A_785 : vector<16xi32>
        %mul3A_787 = arith.constant 4000 : i32
        %mul3A_788 = vector.broadcast %mul3A_787 : i32 to vector<16xi32>
        %mul3A_789 = arith.muli %min3A_783, %mul3A_788 : vector<16xi32>
        %add3A_790 = arith.constant 3999 : i32
        %add3A_791 = vector.broadcast %add3A_790 : i32 to vector<16xi32>
        %add3A_792 = arith.addi %mul3A_789, %add3A_791 : vector<16xi32>
        %swap3A_793 = arith.constant 0 : index
        %swap3A_794 = tpu.vector_load %arg7[%swap3A_793] {strides = array<i32>} : memref<16xi32, #tpu.memory_space<vmem>>, vector<16xi32>,
        %swap3A_795 = vector.shape_cast %swap3A_794 : vector<16xi32> to vector<16xi32>
        %swap3A_796 = vector.shape_cast %mul3A_786 : vector<16xi32> to vector<16xi32>
        tpu.vector_store %arg7[%swap3A_793], %swap3A_796 {strides = array<i32>} : memref<16xi32, #tpu.memory_space<vmem>>, vector<16xi32>,
        %swap3A_797 = arith.constant 0 : index
        %swap3A_798 = tpu.vector_load %arg8[%swap3A_797] {strides = array<i32>} : memref<16xi32, #tpu.memory_space<vmem>>, vector<16xi32>,
        %swap3A_799 = vector.shape_cast %swap3A_798 : vector<16xi32> to vector<16xi32>
        %swap3A_800 = vector.shape_cast %add3A_792 : vector<16xi32> to vector<16xi32>
        tpu.vector_store %arg8[%swap3A_797], %swap3A_800 {strides = array<i32>} : memref<16xi32, #tpu.memory_space<vmem>>, vector<16xi32>,
        %dma_start3A_801 = arith.constant 0 : i32
        %dma_start3A_802 = tpu.memref_slice %arg2[%dma_start3A_801] : memref<100000xi32, #tpu.memory_space<hbm>> -> memref<100000xi32, #tpu.memory_space<hbm>>
        tpu.enqueue_indirect_dma source(%dma_start3A_802 : memref<100000xi32, #tpu.memory_space<hbm>>) target(%arg9 : memref<16xi32, #tpu.memory_space<vmem>>) offsets(%arg7 : memref<16xi32, #tpu.memory_space<vmem>>) semaphore(%arg14 : memref<!tpu.dma_semaphore, #tpu.memory_space<semaphore_mem>>)
        %dma_start3A_803 = arith.constant 0 : i32
        %dma_start3A_804 = tpu.memref_slice %arg2[%dma_start3A_803] : memref<100000xi32, #tpu.memory_space<hbm>> -> memref<100000xi32, #tpu.memory_space<hbm>>
        tpu.enqueue_indirect_dma source(%dma_start3A_804 : memref<100000xi32, #tpu.memory_space<hbm>>) target(%arg10 : memref<16xi32, #tpu.memory_space<vmem>>) offsets(%arg8 : memref<16xi32, #tpu.memory_space<vmem>>) semaphore(%arg14 : memref<!tpu.dma_semaphore, #tpu.memory_space<semaphore_mem>>)
        %dma_wait3A_805 = arith.constant 0 : i32
        %dma_wait3A_806 = tpu.memref_slice %arg2[%dma_wait3A_805] : memref<100000xi32, #tpu.memory_space<hbm>> -> memref<100000xi32, #tpu.memory_space<hbm>>
        tpu.wait_indirect_dma semaphore(%arg14 : memref<!tpu.dma_semaphore, #tpu.memory_space<semaphore_mem>>) src(%dma_wait3A_806 : memref<100000xi32, #tpu.memory_space<hbm>>) dst(%arg9 : memref<16xi32, #tpu.memory_space<vmem>>)
        %dma_wait3A_807 = arith.constant 0 : i32
        %dma_wait3A_808 = tpu.memref_slice %arg2[%dma_wait3A_807] : memref<100000xi32, #tpu.memory_space<hbm>> -> memref<100000xi32, #tpu.memory_space<hbm>>
        tpu.wait_indirect_dma semaphore(%arg14 : memref<!tpu.dma_semaphore, #tpu.memory_space<semaphore_mem>>) src(%dma_wait3A_808 : memref<100000xi32, #tpu.memory_space<hbm>>) dst(%arg10 : memref<16xi32, #tpu.memory_space<vmem>>)
        %get3A_809 = arith.constant 0 : index
        %get3A_810 = tpu.vector_load %arg9[%get3A_809] {strides = array<i32>} : memref<16xi32, #tpu.memory_space<vmem>>, vector<16xi32>,
        %get3A_811 = vector.shape_cast %get3A_810 : vector<16xi32> to vector<16xi32>
        %get3A_812 = arith.constant 0 : index
        %get3A_813 = tpu.vector_load %arg10[%get3A_812] {strides = array<i32>} : memref<16xi32, #tpu.memory_space<vmem>>, vector<16xi32>,
        %get3A_814 = vector.shape_cast %get3A_813 : vector<16xi32> to vector<16xi32>
        %swap3A_815 = arith.constant 16 : index
        %swap3A_816 = tpu.vector_load %arg12[%swap3A_815] {strides = array<i32>} : memref<32xi32, #tpu.memory_space<vmem>>, vector<16xi32>,
        %swap3A_817 = vector.shape_cast %swap3A_816 : vector<16xi32> to vector<16xi32>
        %swap3A_818 = vector.shape_cast %get3A_811 : vector<16xi32> to vector<16xi32>
        tpu.vector_store %arg12[%swap3A_815], %swap3A_818 {strides = array<i32>} : memref<32xi32, #tpu.memory_space<vmem>>, vector<16xi32>,
        %swap3A_819 = arith.constant 16 : index
        %swap3A_820 = tpu.vector_load %arg13[%swap3A_819] {strides = array<i32>} : memref<32xi32, #tpu.memory_space<vmem>>, vector<16xi32>,
        %swap3A_821 = vector.shape_cast %swap3A_820 : vector<16xi32> to vector<16xi32>
        %swap3A_822 = vector.shape_cast %get3A_814 : vector<16xi32> to vector<16xi32>
        tpu.vector_store %arg13[%swap3A_819], %swap3A_822 {strides = array<i32>} : memref<32xi32, #tpu.memory_space<vmem>>, vector<16xi32>,
        "tpu.region"() ({
          %run_scoped3A = tpu.sem_alloc : memref<!tpu.dma_semaphore, #tpu.memory_space<semaphore_mem>>
          %dma_start3A_823 = arith.constant 0 : i32
          %dma_start3A_824 = tpu.memref_slice %arg5[%arg0, %dma_start3A_823] : memref<2x32xi32, #tpu.memory_space<hbm>> -> memref<1x32xi32, #tpu.memory_space<hbm>>
          %dma_start3A_825 = tpu.memref_squeeze %dma_start3A_824 : memref<1x32xi32, #tpu.memory_space<hbm>> -> memref<32xi32, #tpu.memory_space<hbm>>
          %dma_start3A_826 = arith.constant 0 : i32
          %dma_start3A_827 = tpu.memref_slice %arg5[%arg0, %dma_start3A_826] : memref<2x32xi32, #tpu.memory_space<hbm>> -> memref<1x32xi32, #tpu.memory_space<hbm>>
          %dma_start3A_828 = tpu.memref_squeeze %dma_start3A_827 : memref<1x32xi32, #tpu.memory_space<hbm>> -> memref<32xi32, #tpu.memory_space<hbm>>
          tpu.enqueue_dma source(%arg12 : memref<32xi32, #tpu.memory_space<vmem>>) target(%dma_start3A_828 : memref<32xi32, #tpu.memory_space<hbm>>) target_semaphore(%run_scoped3A : memref<!tpu.dma_semaphore, #tpu.memory_space<semaphore_mem>>)
          %dma_wait3A_829 = arith.constant 0 : i32
          %dma_wait3A_830 = tpu.memref_slice %arg5[%arg0, %dma_wait3A_829] : memref<2x32xi32, #tpu.memory_space<hbm>> -> memref<1x32xi32, #tpu.memory_space<hbm>>
          %dma_wait3A_831 = tpu.memref_squeeze %dma_wait3A_830 : memref<1x32xi32, #tpu.memory_space<hbm>> -> memref<32xi32, #tpu.memory_space<hbm>>
          %dma_wait3A_832 = arith.constant 0 : i32
          %dma_wait3A_833 = tpu.memref_slice %arg5[%arg0, %dma_wait3A_832] : memref<2x32xi32, #tpu.memory_space<hbm>> -> memref<1x32xi32, #tpu.memory_space<hbm>>
          %dma_wait3A_834 = tpu.memref_squeeze %dma_wait3A_833 : memref<1x32xi32, #tpu.memory_space<hbm>> -> memref<32xi32, #tpu.memory_space<hbm>>
          tpu.wait_dma2 semaphore(%run_scoped3A : memref<!tpu.dma_semaphore, #tpu.memory_space<semaphore_mem>>) src(%arg12 : memref<32xi32, #tpu.memory_space<vmem>>) dst(%dma_wait3A_834 : memref<32xi32, #tpu.memory_space<hbm>>)
          tpu.yield
        }) : () -> ()
        "tpu.region"() ({
          %run_scoped3A = tpu.sem_alloc : memref<!tpu.dma_semaphore, #tpu.memory_space<semaphore_mem>>
          %dma_start3A_823 = arith.constant 0 : i32
          %dma_start3A_824 = tpu.memref_slice %arg6[%arg0, %dma_start3A_823] : memref<2x32xi32, #tpu.memory_space<hbm>> -> memref<1x32xi32, #tpu.memory_space<hbm>>
          %dma_start3A_825 = tpu.memref_squeeze %dma_start3A_824 : memref<1x32xi32, #tpu.memory_space<hbm>> -> memref<32xi32, #tpu.memory_space<hbm>>
          %dma_start3A_826 = arith.constant 0 : i32
          %dma_start3A_827 = tpu.memref_slice %arg6[%arg0, %dma_start3A_826] : memref<2x32xi32, #tpu.memory_space<hbm>> -> memref<1x32xi32, #tpu.memory_space<hbm>>
          %dma_start3A_828 = tpu.memref_squeeze %dma_start3A_827 : memref<1x32xi32, #tpu.memory_space<hbm>> -> memref<32xi32, #tpu.memory_space<hbm>>
          tpu.enqueue_dma source(%arg13 : memref<32xi32, #tpu.memory_space<vmem>>) target(%dma_start3A_828 : memref<32xi32, #tpu.memory_space<hbm>>) target_semaphore(%run_scoped3A : memref<!tpu.dma_semaphore, #tpu.memory_space<semaphore_mem>>)
          %dma_wait3A_829 = arith.constant 0 : i32
          %dma_wait3A_830 = tpu.memref_slice %arg6[%arg0, %dma_wait3A_829] : memref<2x32xi32, #tpu.memory_space<hbm>> -> memref<1x32xi32, #tpu.memory_space<hbm>>
          %dma_wait3A_831 = tpu.memref_squeeze %dma_wait3A_830 : memref<1x32xi32, #tpu.memory_space<hbm>> -> memref<32xi32, #tpu.memory_space<hbm>>
          %dma_wait3A_832 = arith.constant 0 : i32
          %dma_wait3A_833 = tpu.memref_slice %arg6[%arg0, %dma_wait3A_832] : memref<2x32xi32, #tpu.memory_space<hbm>> -> memref<1x32xi32, #tpu.memory_space<hbm>>
          %dma_wait3A_834 = tpu.memref_squeeze %dma_wait3A_833 : memref<1x32xi32, #tpu.memory_space<hbm>> -> memref<32xi32, #tpu.memory_space<hbm>>
          tpu.wait_dma2 semaphore(%run_scoped3A : memref<!tpu.dma_semaphore, #tpu.memory_space<semaphore_mem>>) src(%arg13 : memref<32xi32, #tpu.memory_space<vmem>>) dst(%dma_wait3A_834 : memref<32xi32, #tpu.memory_space<hbm>>)
          tpu.yield
        }) : () -> ()
      } else {
      }
    } else {
    }
    %eq3A_2 = arith.constant 1 : i32
    %eq3A_3 = arith.cmpi eq, %arg0, %eq3A_2 : i32
    %convert_element_type3A_4 = arith.extui %eq3A_3 : i1 to i32
    %cond3A_5 = arith.constant 0 : i32
    %cond3A_6 = arith.cmpi ne, %convert_element_type3A_4, %cond3A_5 : i32
    scf.if %cond3A_6 {
      %mul3A = arith.constant 16 : i32
      %mul3A_7 = arith.muli %mul3A, %arg1 : i32
      %add3A = vector.broadcast %mul3A_7 : i32 to vector<16xi32>
      %add3A_8 = arith.addi %iota3A, %add3A : vector<16xi32>
      %add3A_9 = arith.constant 1 : i32
      %add3A_10 = vector.broadcast %add3A_9 : i32 to vector<16xi32>
      %add3A_11 = arith.addi %add3A_8, %add3A_10 : vector<16xi32>
      %broadcast_in_dim3A = arith.constant 0 : i32
      %broadcast_in_dim3A_12 = vector.broadcast %broadcast_in_dim3A : i32 to vector<16xi32>
      %broadcast_in_dim3A_13 = arith.constant 100000 : i32
      %broadcast_in_dim3A_14 = vector.broadcast %broadcast_in_dim3A_13 : i32 to vector<16xi32>
      %add3A_15 = arith.addi %broadcast_in_dim3A_12, %broadcast_in_dim3A_14 : vector<16xi32>
      %shift_right_arithmetic3A = arith.constant 1 : i32
      %shift_right_arithmetic3A_16 = vector.broadcast %shift_right_arithmetic3A : i32 to vector<16xi32>
      %shift_right_arithmetic3A_17 = arith.shrsi %add3A_15, %shift_right_arithmetic3A_16 : vector<16xi32>
      %add3A_18 = arith.addi %broadcast_in_dim3A_12, %broadcast_in_dim3A_14 : vector<16xi32>
      %shift_right_arithmetic3A_19 = arith.constant 1 : i32
      %shift_right_arithmetic3A_20 = vector.broadcast %shift_right_arithmetic3A_19 : i32 to vector<16xi32>
      %shift_right_arithmetic3A_21 = arith.shrsi %add3A_18, %shift_right_arithmetic3A_20 : vector<16xi32>
      %swap3A = arith.constant 0 : index
      %swap3A_22 = tpu.vector_load %arg7[%swap3A] {strides = array<i32>} : memref<16xi32, #tpu.memory_space<vmem>>, vector<16xi32>,
      %swap3A_23 = vector.shape_cast %swap3A_22 : vector<16xi32> to vector<16xi32>
      %swap3A_24 = vector.shape_cast %shift_right_arithmetic3A_17 : vector<16xi32> to vector<16xi32>
      tpu.vector_store %arg7[%swap3A], %swap3A_24 {strides = array<i32>} : memref<16xi32, #tpu.memory_space<vmem>>, vector<16xi32>,
      %swap3A_25 = arith.constant 0 : index
      %swap3A_26 = tpu.vector_load %arg8[%swap3A_25] {strides = array<i32>} : memref<16xi32, #tpu.memory_space<vmem>>, vector<16xi32>,
      %swap3A_27 = vector.shape_cast %swap3A_26 : vector<16xi32> to vector<16xi32>
      %swap3A_28 = vector.shape_cast %shift_right_arithmetic3A_21 : vector<16xi32> to vector<16xi32>
      tpu.vector_store %arg8[%swap3A_25], %swap3A_28 {strides = array<i32>} : memref<16xi32, #tpu.memory_space<vmem>>, vector<16xi32>,
      %dma_start3A = arith.constant 0 : i32
      %dma_start3A_29 = tpu.memref_slice %arg3[%dma_start3A] : memref<100000xi32, #tpu.memory_space<hbm>> -> memref<100000xi32, #tpu.memory_space<hbm>>
      tpu.enqueue_indirect_dma source(%dma_start3A_29 : memref<100000xi32, #tpu.memory_space<hbm>>) target(%arg9 : memref<16xi32, #tpu.memory_space<vmem>>) offsets(%arg7 : memref<16xi32, #tpu.memory_space<vmem>>) semaphore(%arg14 : memref<!tpu.dma_semaphore, #tpu.memory_space<semaphore_mem>>)
      %dma_start3A_30 = arith.constant 0 : i32
      %dma_start3A_31 = tpu.memref_slice %arg3[%dma_start3A_30] : memref<100000xi32, #tpu.memory_space<hbm>> -> memref<100000xi32, #tpu.memory_space<hbm>>
      tpu.enqueue_indirect_dma source(%dma_start3A_31 : memref<100000xi32, #tpu.memory_space<hbm>>) target(%arg10 : memref<16xi32, #tpu.memory_space<vmem>>) offsets(%arg8 : memref<16xi32, #tpu.memory_space<vmem>>) semaphore(%arg14 : memref<!tpu.dma_semaphore, #tpu.memory_space<semaphore_mem>>)
      %dma_wait3A = arith.constant 0 : i32
      %dma_wait3A_32 = tpu.memref_slice %arg3[%dma_wait3A] : memref<100000xi32, #tpu.memory_space<hbm>> -> memref<100000xi32, #tpu.memory_space<hbm>>
      tpu.wait_indirect_dma semaphore(%arg14 : memref<!tpu.dma_semaphore, #tpu.memory_space<semaphore_mem>>) src(%dma_wait3A_32 : memref<100000xi32, #tpu.memory_space<hbm>>) dst(%arg9 : memref<16xi32, #tpu.memory_space<vmem>>)
      %dma_wait3A_33 = arith.constant 0 : i32
      %dma_wait3A_34 = tpu.memref_slice %arg3[%dma_wait3A_33] : memref<100000xi32, #tpu.memory_space<hbm>> -> memref<100000xi32, #tpu.memory_space<hbm>>
      tpu.wait_indirect_dma semaphore(%arg14 : memref<!tpu.dma_semaphore, #tpu.memory_space<semaphore_mem>>) src(%dma_wait3A_34 : memref<100000xi32, #tpu.memory_space<hbm>>) dst(%arg10 : memref<16xi32, #tpu.memory_space<vmem>>)
      %get3A = arith.constant 0 : index
      %get3A_35 = tpu.vector_load %arg9[%get3A] {strides = array<i32>} : memref<16xi32, #tpu.memory_space<vmem>>, vector<16xi32>,
      %get3A_36 = vector.shape_cast %get3A_35 : vector<16xi32> to vector<16xi32>
      %get3A_37 = arith.constant 0 : index
      %get3A_38 = tpu.vector_load %arg10[%get3A_37] {strides = array<i32>} : memref<16xi32, #tpu.memory_space<vmem>>, vector<16xi32>,
      %get3A_39 = vector.shape_cast %get3A_38 : vector<16xi32> to vector<16xi32>
      %lt3A = arith.cmpi slt, %get3A_36, %add3A_8 : vector<16xi32>
      %lt3A_40 = arith.cmpi slt, %get3A_39, %add3A_11 : vector<16xi32>
      %add3A_41 = arith.constant 1 : i32
      %add3A_42 = vector.broadcast %add3A_41 : i32 to vector<16xi32>
      %add3A_43 = arith.addi %shift_right_arithmetic3A_17, %add3A_42 : vector<16xi32>
      %select_n3A = arith.select %lt3A, %add3A_43, %broadcast_in_dim3A_12 : vector<16xi1>, vector<16xi32>
      %select_n3A_44 = arith.select %lt3A, %broadcast_in_dim3A_14, %shift_right_arithmetic3A_17 : vector<16xi1>, vector<16xi32>
      %add3A_45 = arith.constant 1 : i32
      %add3A_46 = vector.broadcast %add3A_45 : i32 to vector<16xi32>
      %add3A_47 = arith.addi %shift_right_arithmetic3A_21, %add3A_46 : vector<16xi32>
      %select_n3A_48 = arith.select %lt3A_40, %add3A_47, %broadcast_in_dim3A_12 : vector<16xi1>, vector<16xi32>
      %select_n3A_49 = arith.select %lt3A_40, %broadcast_in_dim3A_14, %shift_right_arithmetic3A_21 : vector<16xi1>, vector<16xi32>
      %add3A_50 = arith.addi %select_n3A, %select_n3A_44 : vector<16xi32>
      %shift_right_arithmetic3A_51 = arith.constant 1 : i32
      %shift_right_arithmetic3A_52 = vector.broadcast %shift_right_arithmetic3A_51 : i32 to vector<16xi32>
      %shift_right_arithmetic3A_53 = arith.shrsi %add3A_50, %shift_right_arithmetic3A_52 : vector<16xi32>
      %add3A_54 = arith.addi %select_n3A_48, %select_n3A_49 : vector<16xi32>
      %shift_right_arithmetic3A_55 = arith.constant 1 : i32
      %shift_right_arithmetic3A_56 = vector.broadcast %shift_right_arithmetic3A_55 : i32 to vector<16xi32>
      %shift_right_arithmetic3A_57 = arith.shrsi %add3A_54, %shift_right_arithmetic3A_56 : vector<16xi32>
      %swap3A_58 = arith.constant 0 : index
      %swap3A_59 = tpu.vector_load %arg7[%swap3A_58] {strides = array<i32>} : memref<16xi32, #tpu.memory_space<vmem>>, vector<16xi32>,
      %swap3A_60 = vector.shape_cast %swap3A_59 : vector<16xi32> to vector<16xi32>
      %swap3A_61 = vector.shape_cast %shift_right_arithmetic3A_53 : vector<16xi32> to vector<16xi32>
      tpu.vector_store %arg7[%swap3A_58], %swap3A_61 {strides = array<i32>} : memref<16xi32, #tpu.memory_space<vmem>>, vector<16xi32>,
      %swap3A_62 = arith.constant 0 : index
      %swap3A_63 = tpu.vector_load %arg8[%swap3A_62] {strides = array<i32>} : memref<16xi32, #tpu.memory_space<vmem>>, vector<16xi32>,
      %swap3A_64 = vector.shape_cast %swap3A_63 : vector<16xi32> to vector<16xi32>
      %swap3A_65 = vector.shape_cast %shift_right_arithmetic3A_57 : vector<16xi32> to vector<16xi32>
      tpu.vector_store %arg8[%swap3A_62], %swap3A_65 {strides = array<i32>} : memref<16xi32, #tpu.memory_space<vmem>>, vector<16xi32>,
      %dma_start3A_66 = arith.constant 0 : i32
      %dma_start3A_67 = tpu.memref_slice %arg3[%dma_start3A_66] : memref<100000xi32, #tpu.memory_space<hbm>> -> memref<100000xi32, #tpu.memory_space<hbm>>
      tpu.enqueue_indirect_dma source(%dma_start3A_67 : memref<100000xi32, #tpu.memory_space<hbm>>) target(%arg9 : memref<16xi32, #tpu.memory_space<vmem>>) offsets(%arg7 : memref<16xi32, #tpu.memory_space<vmem>>) semaphore(%arg14 : memref<!tpu.dma_semaphore, #tpu.memory_space<semaphore_mem>>)
      %dma_start3A_68 = arith.constant 0 : i32
      %dma_start3A_69 = tpu.memref_slice %arg3[%dma_start3A_68] : memref<100000xi32, #tpu.memory_space<hbm>> -> memref<100000xi32, #tpu.memory_space<hbm>>
      tpu.enqueue_indirect_dma source(%dma_start3A_69 : memref<100000xi32, #tpu.memory_space<hbm>>) target(%arg10 : memref<16xi32, #tpu.memory_space<vmem>>) offsets(%arg8 : memref<16xi32, #tpu.memory_space<vmem>>) semaphore(%arg14 : memref<!tpu.dma_semaphore, #tpu.memory_space<semaphore_mem>>)
      %dma_wait3A_70 = arith.constant 0 : i32
      %dma_wait3A_71 = tpu.memref_slice %arg3[%dma_wait3A_70] : memref<100000xi32, #tpu.memory_space<hbm>> -> memref<100000xi32, #tpu.memory_space<hbm>>
      tpu.wait_indirect_dma semaphore(%arg14 : memref<!tpu.dma_semaphore, #tpu.memory_space<semaphore_mem>>) src(%dma_wait3A_71 : memref<100000xi32, #tpu.memory_space<hbm>>) dst(%arg9 : memref<16xi32, #tpu.memory_space<vmem>>)
      %dma_wait3A_72 = arith.constant 0 : i32
      %dma_wait3A_73 = tpu.memref_slice %arg3[%dma_wait3A_72] : memref<100000xi32, #tpu.memory_space<hbm>> -> memref<100000xi32, #tpu.memory_space<hbm>>
      tpu.wait_indirect_dma semaphore(%arg14 : memref<!tpu.dma_semaphore, #tpu.memory_space<semaphore_mem>>) src(%dma_wait3A_73 : memref<100000xi32, #tpu.memory_space<hbm>>) dst(%arg10 : memref<16xi32, #tpu.memory_space<vmem>>)
      %get3A_74 = arith.constant 0 : index
      %get3A_75 = tpu.vector_load %arg9[%get3A_74] {strides = array<i32>} : memref<16xi32, #tpu.memory_space<vmem>>, vector<16xi32>,
      %get3A_76 = vector.shape_cast %get3A_75 : vector<16xi32> to vector<16xi32>
      %get3A_77 = arith.constant 0 : index
      %get3A_78 = tpu.vector_load %arg10[%get3A_77] {strides = array<i32>} : memref<16xi32, #tpu.memory_space<vmem>>, vector<16xi32>,
      %get3A_79 = vector.shape_cast %get3A_78 : vector<16xi32> to vector<16xi32>
      %lt3A_80 = arith.cmpi slt, %get3A_76, %add3A_8 : vector<16xi32>
      %lt3A_81 = arith.cmpi slt, %get3A_79, %add3A_11 : vector<16xi32>
      %add3A_82 = arith.constant 1 : i32
      %add3A_83 = vector.broadcast %add3A_82 : i32 to vector<16xi32>
      %add3A_84 = arith.addi %shift_right_arithmetic3A_53, %add3A_83 : vector<16xi32>
      %select_n3A_85 = arith.select %lt3A_80, %add3A_84, %select_n3A : vector<16xi1>, vector<16xi32>
      %select_n3A_86 = arith.select %lt3A_80, %select_n3A_44, %shift_right_arithmetic3A_53 : vector<16xi1>, vector<16xi32>
      %add3A_87 = arith.constant 1 : i32
      %add3A_88 = vector.broadcast %add3A_87 : i32 to vector<16xi32>
      %add3A_89 = arith.addi %shift_right_arithmetic3A_57, %add3A_88 : vector<16xi32>
      %select_n3A_90 = arith.select %lt3A_81, %add3A_89, %select_n3A_48 : vector<16xi1>, vector<16xi32>
      %select_n3A_91 = arith.select %lt3A_81, %select_n3A_49, %shift_right_arithmetic3A_57 : vector<16xi1>, vector<16xi32>
      %add3A_92 = arith.addi %select_n3A_85, %select_n3A_86 : vector<16xi32>
      %shift_right_arithmetic3A_93 = arith.constant 1 : i32
      %shift_right_arithmetic3A_94 = vector.broadcast %shift_right_arithmetic3A_93 : i32 to vector<16xi32>
      %shift_right_arithmetic3A_95 = arith.shrsi %add3A_92, %shift_right_arithmetic3A_94 : vector<16xi32>
      %add3A_96 = arith.addi %select_n3A_90, %select_n3A_91 : vector<16xi32>
      %shift_right_arithmetic3A_97 = arith.constant 1 : i32
      %shift_right_arithmetic3A_98 = vector.broadcast %shift_right_arithmetic3A_97 : i32 to vector<16xi32>
      %shift_right_arithmetic3A_99 = arith.shrsi %add3A_96, %shift_right_arithmetic3A_98 : vector<16xi32>
      %swap3A_100 = arith.constant 0 : index
      %swap3A_101 = tpu.vector_load %arg7[%swap3A_100] {strides = array<i32>} : memref<16xi32, #tpu.memory_space<vmem>>, vector<16xi32>,
      %swap3A_102 = vector.shape_cast %swap3A_101 : vector<16xi32> to vector<16xi32>
      %swap3A_103 = vector.shape_cast %shift_right_arithmetic3A_95 : vector<16xi32> to vector<16xi32>
      tpu.vector_store %arg7[%swap3A_100], %swap3A_103 {strides = array<i32>} : memref<16xi32, #tpu.memory_space<vmem>>, vector<16xi32>,
      %swap3A_104 = arith.constant 0 : index
      %swap3A_105 = tpu.vector_load %arg8[%swap3A_104] {strides = array<i32>} : memref<16xi32, #tpu.memory_space<vmem>>, vector<16xi32>,
      %swap3A_106 = vector.shape_cast %swap3A_105 : vector<16xi32> to vector<16xi32>
      %swap3A_107 = vector.shape_cast %shift_right_arithmetic3A_99 : vector<16xi32> to vector<16xi32>
      tpu.vector_store %arg8[%swap3A_104], %swap3A_107 {strides = array<i32>} : memref<16xi32, #tpu.memory_space<vmem>>, vector<16xi32>,
      %dma_start3A_108 = arith.constant 0 : i32
      %dma_start3A_109 = tpu.memref_slice %arg3[%dma_start3A_108] : memref<100000xi32, #tpu.memory_space<hbm>> -> memref<100000xi32, #tpu.memory_space<hbm>>
      tpu.enqueue_indirect_dma source(%dma_start3A_109 : memref<100000xi32, #tpu.memory_space<hbm>>) target(%arg9 : memref<16xi32, #tpu.memory_space<vmem>>) offsets(%arg7 : memref<16xi32, #tpu.memory_space<vmem>>) semaphore(%arg14 : memref<!tpu.dma_semaphore, #tpu.memory_space<semaphore_mem>>)
      %dma_start3A_110 = arith.constant 0 : i32
      %dma_start3A_111 = tpu.memref_slice %arg3[%dma_start3A_110] : memref<100000xi32, #tpu.memory_space<hbm>> -> memref<100000xi32, #tpu.memory_space<hbm>>
      tpu.enqueue_indirect_dma source(%dma_start3A_111 : memref<100000xi32, #tpu.memory_space<hbm>>) target(%arg10 : memref<16xi32, #tpu.memory_space<vmem>>) offsets(%arg8 : memref<16xi32, #tpu.memory_space<vmem>>) semaphore(%arg14 : memref<!tpu.dma_semaphore, #tpu.memory_space<semaphore_mem>>)
      %dma_wait3A_112 = arith.constant 0 : i32
      %dma_wait3A_113 = tpu.memref_slice %arg3[%dma_wait3A_112] : memref<100000xi32, #tpu.memory_space<hbm>> -> memref<100000xi32, #tpu.memory_space<hbm>>
      tpu.wait_indirect_dma semaphore(%arg14 : memref<!tpu.dma_semaphore, #tpu.memory_space<semaphore_mem>>) src(%dma_wait3A_113 : memref<100000xi32, #tpu.memory_space<hbm>>) dst(%arg9 : memref<16xi32, #tpu.memory_space<vmem>>)
      %dma_wait3A_114 = arith.constant 0 : i32
      %dma_wait3A_115 = tpu.memref_slice %arg3[%dma_wait3A_114] : memref<100000xi32, #tpu.memory_space<hbm>> -> memref<100000xi32, #tpu.memory_space<hbm>>
      tpu.wait_indirect_dma semaphore(%arg14 : memref<!tpu.dma_semaphore, #tpu.memory_space<semaphore_mem>>) src(%dma_wait3A_115 : memref<100000xi32, #tpu.memory_space<hbm>>) dst(%arg10 : memref<16xi32, #tpu.memory_space<vmem>>)
      %get3A_116 = arith.constant 0 : index
      %get3A_117 = tpu.vector_load %arg9[%get3A_116] {strides = array<i32>} : memref<16xi32, #tpu.memory_space<vmem>>, vector<16xi32>,
      %get3A_118 = vector.shape_cast %get3A_117 : vector<16xi32> to vector<16xi32>
      %get3A_119 = arith.constant 0 : index
      %get3A_120 = tpu.vector_load %arg10[%get3A_119] {strides = array<i32>} : memref<16xi32, #tpu.memory_space<vmem>>, vector<16xi32>,
      %get3A_121 = vector.shape_cast %get3A_120 : vector<16xi32> to vector<16xi32>
      %lt3A_122 = arith.cmpi slt, %get3A_118, %add3A_8 : vector<16xi32>
      %lt3A_123 = arith.cmpi slt, %get3A_121, %add3A_11 : vector<16xi32>
      %add3A_124 = arith.constant 1 : i32
      %add3A_125 = vector.broadcast %add3A_124 : i32 to vector<16xi32>
      %add3A_126 = arith.addi %shift_right_arithmetic3A_95, %add3A_125 : vector<16xi32>
      %select_n3A_127 = arith.select %lt3A_122, %add3A_126, %select_n3A_85 : vector<16xi1>, vector<16xi32>
      %select_n3A_128 = arith.select %lt3A_122, %select_n3A_86, %shift_right_arithmetic3A_95 : vector<16xi1>, vector<16xi32>
      %add3A_129 = arith.constant 1 : i32
      %add3A_130 = vector.broadcast %add3A_129 : i32 to vector<16xi32>
      %add3A_131 = arith.addi %shift_right_arithmetic3A_99, %add3A_130 : vector<16xi32>
      %select_n3A_132 = arith.select %lt3A_123, %add3A_131, %select_n3A_90 : vector<16xi1>, vector<16xi32>
      %select_n3A_133 = arith.select %lt3A_123, %select_n3A_91, %shift_right_arithmetic3A_99 : vector<16xi1>, vector<16xi32>
      %add3A_134 = arith.addi %select_n3A_127, %select_n3A_128 : vector<16xi32>
      %shift_right_arithmetic3A_135 = arith.constant 1 : i32
      %shift_right_arithmetic3A_136 = vector.broadcast %shift_right_arithmetic3A_135 : i32 to vector<16xi32>
      %shift_right_arithmetic3A_137 = arith.shrsi %add3A_134, %shift_right_arithmetic3A_136 : vector<16xi32>
      %add3A_138 = arith.addi %select_n3A_132, %select_n3A_133 : vector<16xi32>
      %shift_right_arithmetic3A_139 = arith.constant 1 : i32
      %shift_right_arithmetic3A_140 = vector.broadcast %shift_right_arithmetic3A_139 : i32 to vector<16xi32>
      %shift_right_arithmetic3A_141 = arith.shrsi %add3A_138, %shift_right_arithmetic3A_140 : vector<16xi32>
      %swap3A_142 = arith.constant 0 : index
      %swap3A_143 = tpu.vector_load %arg7[%swap3A_142] {strides = array<i32>} : memref<16xi32, #tpu.memory_space<vmem>>, vector<16xi32>,
      %swap3A_144 = vector.shape_cast %swap3A_143 : vector<16xi32> to vector<16xi32>
      %swap3A_145 = vector.shape_cast %shift_right_arithmetic3A_137 : vector<16xi32> to vector<16xi32>
      tpu.vector_store %arg7[%swap3A_142], %swap3A_145 {strides = array<i32>} : memref<16xi32, #tpu.memory_space<vmem>>, vector<16xi32>,
      %swap3A_146 = arith.constant 0 : index
      %swap3A_147 = tpu.vector_load %arg8[%swap3A_146] {strides = array<i32>} : memref<16xi32, #tpu.memory_space<vmem>>, vector<16xi32>,
      %swap3A_148 = vector.shape_cast %swap3A_147 : vector<16xi32> to vector<16xi32>
      %swap3A_149 = vector.shape_cast %shift_right_arithmetic3A_141 : vector<16xi32> to vector<16xi32>
      tpu.vector_store %arg8[%swap3A_146], %swap3A_149 {strides = array<i32>} : memref<16xi32, #tpu.memory_space<vmem>>, vector<16xi32>,
      %dma_start3A_150 = arith.constant 0 : i32
      %dma_start3A_151 = tpu.memref_slice %arg3[%dma_start3A_150] : memref<100000xi32, #tpu.memory_space<hbm>> -> memref<100000xi32, #tpu.memory_space<hbm>>
      tpu.enqueue_indirect_dma source(%dma_start3A_151 : memref<100000xi32, #tpu.memory_space<hbm>>) target(%arg9 : memref<16xi32, #tpu.memory_space<vmem>>) offsets(%arg7 : memref<16xi32, #tpu.memory_space<vmem>>) semaphore(%arg14 : memref<!tpu.dma_semaphore, #tpu.memory_space<semaphore_mem>>)
      %dma_start3A_152 = arith.constant 0 : i32
      %dma_start3A_153 = tpu.memref_slice %arg3[%dma_start3A_152] : memref<100000xi32, #tpu.memory_space<hbm>> -> memref<100000xi32, #tpu.memory_space<hbm>>
      tpu.enqueue_indirect_dma source(%dma_start3A_153 : memref<100000xi32, #tpu.memory_space<hbm>>) target(%arg10 : memref<16xi32, #tpu.memory_space<vmem>>) offsets(%arg8 : memref<16xi32, #tpu.memory_space<vmem>>) semaphore(%arg14 : memref<!tpu.dma_semaphore, #tpu.memory_space<semaphore_mem>>)
      %dma_wait3A_154 = arith.constant 0 : i32
      %dma_wait3A_155 = tpu.memref_slice %arg3[%dma_wait3A_154] : memref<100000xi32, #tpu.memory_space<hbm>> -> memref<100000xi32, #tpu.memory_space<hbm>>
      tpu.wait_indirect_dma semaphore(%arg14 : memref<!tpu.dma_semaphore, #tpu.memory_space<semaphore_mem>>) src(%dma_wait3A_155 : memref<100000xi32, #tpu.memory_space<hbm>>) dst(%arg9 : memref<16xi32, #tpu.memory_space<vmem>>)
      %dma_wait3A_156 = arith.constant 0 : i32
      %dma_wait3A_157 = tpu.memref_slice %arg3[%dma_wait3A_156] : memref<100000xi32, #tpu.memory_space<hbm>> -> memref<100000xi32, #tpu.memory_space<hbm>>
      tpu.wait_indirect_dma semaphore(%arg14 : memref<!tpu.dma_semaphore, #tpu.memory_space<semaphore_mem>>) src(%dma_wait3A_157 : memref<100000xi32, #tpu.memory_space<hbm>>) dst(%arg10 : memref<16xi32, #tpu.memory_space<vmem>>)
      %get3A_158 = arith.constant 0 : index
      %get3A_159 = tpu.vector_load %arg9[%get3A_158] {strides = array<i32>} : memref<16xi32, #tpu.memory_space<vmem>>, vector<16xi32>,
      %get3A_160 = vector.shape_cast %get3A_159 : vector<16xi32> to vector<16xi32>
      %get3A_161 = arith.constant 0 : index
      %get3A_162 = tpu.vector_load %arg10[%get3A_161] {strides = array<i32>} : memref<16xi32, #tpu.memory_space<vmem>>, vector<16xi32>,
      %get3A_163 = vector.shape_cast %get3A_162 : vector<16xi32> to vector<16xi32>
      %lt3A_164 = arith.cmpi slt, %get3A_160, %add3A_8 : vector<16xi32>
      %lt3A_165 = arith.cmpi slt, %get3A_163, %add3A_11 : vector<16xi32>
      %add3A_166 = arith.constant 1 : i32
      %add3A_167 = vector.broadcast %add3A_166 : i32 to vector<16xi32>
      %add3A_168 = arith.addi %shift_right_arithmetic3A_137, %add3A_167 : vector<16xi32>
      %select_n3A_169 = arith.select %lt3A_164, %add3A_168, %select_n3A_127 : vector<16xi1>, vector<16xi32>
      %select_n3A_170 = arith.select %lt3A_164, %select_n3A_128, %shift_right_arithmetic3A_137 : vector<16xi1>, vector<16xi32>
      %add3A_171 = arith.constant 1 : i32
      %add3A_172 = vector.broadcast %add3A_171 : i32 to vector<16xi32>
      %add3A_173 = arith.addi %shift_right_arithmetic3A_141, %add3A_172 : vector<16xi32>
      %select_n3A_174 = arith.select %lt3A_165, %add3A_173, %select_n3A_132 : vector<16xi1>, vector<16xi32>
      %select_n3A_175 = arith.select %lt3A_165, %select_n3A_133, %shift_right_arithmetic3A_141 : vector<16xi1>, vector<16xi32>
      %add3A_176 = arith.addi %select_n3A_169, %select_n3A_170 : vector<16xi32>
      %shift_right_arithmetic3A_177 = arith.constant 1 : i32
      %shift_right_arithmetic3A_178 = vector.broadcast %shift_right_arithmetic3A_177 : i32 to vector<16xi32>
      %shift_right_arithmetic3A_179 = arith.shrsi %add3A_176, %shift_right_arithmetic3A_178 : vector<16xi32>
      %add3A_180 = arith.addi %select_n3A_174, %select_n3A_175 : vector<16xi32>
      %shift_right_arithmetic3A_181 = arith.constant 1 : i32
      %shift_right_arithmetic3A_182 = vector.broadcast %shift_right_arithmetic3A_181 : i32 to vector<16xi32>
      %shift_right_arithmetic3A_183 = arith.shrsi %add3A_180, %shift_right_arithmetic3A_182 : vector<16xi32>
      %swap3A_184 = arith.constant 0 : index
      %swap3A_185 = tpu.vector_load %arg7[%swap3A_184] {strides = array<i32>} : memref<16xi32, #tpu.memory_space<vmem>>, vector<16xi32>,
      %swap3A_186 = vector.shape_cast %swap3A_185 : vector<16xi32> to vector<16xi32>
      %swap3A_187 = vector.shape_cast %shift_right_arithmetic3A_179 : vector<16xi32> to vector<16xi32>
      tpu.vector_store %arg7[%swap3A_184], %swap3A_187 {strides = array<i32>} : memref<16xi32, #tpu.memory_space<vmem>>, vector<16xi32>,
      %swap3A_188 = arith.constant 0 : index
      %swap3A_189 = tpu.vector_load %arg8[%swap3A_188] {strides = array<i32>} : memref<16xi32, #tpu.memory_space<vmem>>, vector<16xi32>,
      %swap3A_190 = vector.shape_cast %swap3A_189 : vector<16xi32> to vector<16xi32>
      %swap3A_191 = vector.shape_cast %shift_right_arithmetic3A_183 : vector<16xi32> to vector<16xi32>
      tpu.vector_store %arg8[%swap3A_188], %swap3A_191 {strides = array<i32>} : memref<16xi32, #tpu.memory_space<vmem>>, vector<16xi32>,
      %dma_start3A_192 = arith.constant 0 : i32
      %dma_start3A_193 = tpu.memref_slice %arg3[%dma_start3A_192] : memref<100000xi32, #tpu.memory_space<hbm>> -> memref<100000xi32, #tpu.memory_space<hbm>>
      tpu.enqueue_indirect_dma source(%dma_start3A_193 : memref<100000xi32, #tpu.memory_space<hbm>>) target(%arg9 : memref<16xi32, #tpu.memory_space<vmem>>) offsets(%arg7 : memref<16xi32, #tpu.memory_space<vmem>>) semaphore(%arg14 : memref<!tpu.dma_semaphore, #tpu.memory_space<semaphore_mem>>)
      %dma_start3A_194 = arith.constant 0 : i32
      %dma_start3A_195 = tpu.memref_slice %arg3[%dma_start3A_194] : memref<100000xi32, #tpu.memory_space<hbm>> -> memref<100000xi32, #tpu.memory_space<hbm>>
      tpu.enqueue_indirect_dma source(%dma_start3A_195 : memref<100000xi32, #tpu.memory_space<hbm>>) target(%arg10 : memref<16xi32, #tpu.memory_space<vmem>>) offsets(%arg8 : memref<16xi32, #tpu.memory_space<vmem>>) semaphore(%arg14 : memref<!tpu.dma_semaphore, #tpu.memory_space<semaphore_mem>>)
      %dma_wait3A_196 = arith.constant 0 : i32
      %dma_wait3A_197 = tpu.memref_slice %arg3[%dma_wait3A_196] : memref<100000xi32, #tpu.memory_space<hbm>> -> memref<100000xi32, #tpu.memory_space<hbm>>
      tpu.wait_indirect_dma semaphore(%arg14 : memref<!tpu.dma_semaphore, #tpu.memory_space<semaphore_mem>>) src(%dma_wait3A_197 : memref<100000xi32, #tpu.memory_space<hbm>>) dst(%arg9 : memref<16xi32, #tpu.memory_space<vmem>>)
      %dma_wait3A_198 = arith.constant 0 : i32
      %dma_wait3A_199 = tpu.memref_slice %arg3[%dma_wait3A_198] : memref<100000xi32, #tpu.memory_space<hbm>> -> memref<100000xi32, #tpu.memory_space<hbm>>
      tpu.wait_indirect_dma semaphore(%arg14 : memref<!tpu.dma_semaphore, #tpu.memory_space<semaphore_mem>>) src(%dma_wait3A_199 : memref<100000xi32, #tpu.memory_space<hbm>>) dst(%arg10 : memref<16xi32, #tpu.memory_space<vmem>>)
      %get3A_200 = arith.constant 0 : index
      %get3A_201 = tpu.vector_load %arg9[%get3A_200] {strides = array<i32>} : memref<16xi32, #tpu.memory_space<vmem>>, vector<16xi32>,
      %get3A_202 = vector.shape_cast %get3A_201 : vector<16xi32> to vector<16xi32>
      %get3A_203 = arith.constant 0 : index
      %get3A_204 = tpu.vector_load %arg10[%get3A_203] {strides = array<i32>} : memref<16xi32, #tpu.memory_space<vmem>>, vector<16xi32>,
      %get3A_205 = vector.shape_cast %get3A_204 : vector<16xi32> to vector<16xi32>
      %lt3A_206 = arith.cmpi slt, %get3A_202, %add3A_8 : vector<16xi32>
      %lt3A_207 = arith.cmpi slt, %get3A_205, %add3A_11 : vector<16xi32>
      %add3A_208 = arith.constant 1 : i32
      %add3A_209 = vector.broadcast %add3A_208 : i32 to vector<16xi32>
      %add3A_210 = arith.addi %shift_right_arithmetic3A_179, %add3A_209 : vector<16xi32>
      %select_n3A_211 = arith.select %lt3A_206, %add3A_210, %select_n3A_169 : vector<16xi1>, vector<16xi32>
      %select_n3A_212 = arith.select %lt3A_206, %select_n3A_170, %shift_right_arithmetic3A_179 : vector<16xi1>, vector<16xi32>
      %add3A_213 = arith.constant 1 : i32
      %add3A_214 = vector.broadcast %add3A_213 : i32 to vector<16xi32>
      %add3A_215 = arith.addi %shift_right_arithmetic3A_183, %add3A_214 : vector<16xi32>
      %select_n3A_216 = arith.select %lt3A_207, %add3A_215, %select_n3A_174 : vector<16xi1>, vector<16xi32>
      %select_n3A_217 = arith.select %lt3A_207, %select_n3A_175, %shift_right_arithmetic3A_183 : vector<16xi1>, vector<16xi32>
      %add3A_218 = arith.addi %select_n3A_211, %select_n3A_212 : vector<16xi32>
      %shift_right_arithmetic3A_219 = arith.constant 1 : i32
      %shift_right_arithmetic3A_220 = vector.broadcast %shift_right_arithmetic3A_219 : i32 to vector<16xi32>
      %shift_right_arithmetic3A_221 = arith.shrsi %add3A_218, %shift_right_arithmetic3A_220 : vector<16xi32>
      %add3A_222 = arith.addi %select_n3A_216, %select_n3A_217 : vector<16xi32>
      %shift_right_arithmetic3A_223 = arith.constant 1 : i32
      %shift_right_arithmetic3A_224 = vector.broadcast %shift_right_arithmetic3A_223 : i32 to vector<16xi32>
      %shift_right_arithmetic3A_225 = arith.shrsi %add3A_222, %shift_right_arithmetic3A_224 : vector<16xi32>
      %swap3A_226 = arith.constant 0 : index
      %swap3A_227 = tpu.vector_load %arg7[%swap3A_226] {strides = array<i32>} : memref<16xi32, #tpu.memory_space<vmem>>, vector<16xi32>,
      %swap3A_228 = vector.shape_cast %swap3A_227 : vector<16xi32> to vector<16xi32>
      %swap3A_229 = vector.shape_cast %shift_right_arithmetic3A_221 : vector<16xi32> to vector<16xi32>
      tpu.vector_store %arg7[%swap3A_226], %swap3A_229 {strides = array<i32>} : memref<16xi32, #tpu.memory_space<vmem>>, vector<16xi32>,
      %swap3A_230 = arith.constant 0 : index
      %swap3A_231 = tpu.vector_load %arg8[%swap3A_230] {strides = array<i32>} : memref<16xi32, #tpu.memory_space<vmem>>, vector<16xi32>,
      %swap3A_232 = vector.shape_cast %swap3A_231 : vector<16xi32> to vector<16xi32>
      %swap3A_233 = vector.shape_cast %shift_right_arithmetic3A_225 : vector<16xi32> to vector<16xi32>
      tpu.vector_store %arg8[%swap3A_230], %swap3A_233 {strides = array<i32>} : memref<16xi32, #tpu.memory_space<vmem>>, vector<16xi32>,
      %dma_start3A_234 = arith.constant 0 : i32
      %dma_start3A_235 = tpu.memref_slice %arg3[%dma_start3A_234] : memref<100000xi32, #tpu.memory_space<hbm>> -> memref<100000xi32, #tpu.memory_space<hbm>>
      tpu.enqueue_indirect_dma source(%dma_start3A_235 : memref<100000xi32, #tpu.memory_space<hbm>>) target(%arg9 : memref<16xi32, #tpu.memory_space<vmem>>) offsets(%arg7 : memref<16xi32, #tpu.memory_space<vmem>>) semaphore(%arg14 : memref<!tpu.dma_semaphore, #tpu.memory_space<semaphore_mem>>)
      %dma_start3A_236 = arith.constant 0 : i32
      %dma_start3A_237 = tpu.memref_slice %arg3[%dma_start3A_236] : memref<100000xi32, #tpu.memory_space<hbm>> -> memref<100000xi32, #tpu.memory_space<hbm>>
      tpu.enqueue_indirect_dma source(%dma_start3A_237 : memref<100000xi32, #tpu.memory_space<hbm>>) target(%arg10 : memref<16xi32, #tpu.memory_space<vmem>>) offsets(%arg8 : memref<16xi32, #tpu.memory_space<vmem>>) semaphore(%arg14 : memref<!tpu.dma_semaphore, #tpu.memory_space<semaphore_mem>>)
      %dma_wait3A_238 = arith.constant 0 : i32
      %dma_wait3A_239 = tpu.memref_slice %arg3[%dma_wait3A_238] : memref<100000xi32, #tpu.memory_space<hbm>> -> memref<100000xi32, #tpu.memory_space<hbm>>
      tpu.wait_indirect_dma semaphore(%arg14 : memref<!tpu.dma_semaphore, #tpu.memory_space<semaphore_mem>>) src(%dma_wait3A_239 : memref<100000xi32, #tpu.memory_space<hbm>>) dst(%arg9 : memref<16xi32, #tpu.memory_space<vmem>>)
      %dma_wait3A_240 = arith.constant 0 : i32
      %dma_wait3A_241 = tpu.memref_slice %arg3[%dma_wait3A_240] : memref<100000xi32, #tpu.memory_space<hbm>> -> memref<100000xi32, #tpu.memory_space<hbm>>
      tpu.wait_indirect_dma semaphore(%arg14 : memref<!tpu.dma_semaphore, #tpu.memory_space<semaphore_mem>>) src(%dma_wait3A_241 : memref<100000xi32, #tpu.memory_space<hbm>>) dst(%arg10 : memref<16xi32, #tpu.memory_space<vmem>>)
      %get3A_242 = arith.constant 0 : index
      %get3A_243 = tpu.vector_load %arg9[%get3A_242] {strides = array<i32>} : memref<16xi32, #tpu.memory_space<vmem>>, vector<16xi32>,
      %get3A_244 = vector.shape_cast %get3A_243 : vector<16xi32> to vector<16xi32>
      %get3A_245 = arith.constant 0 : index
      %get3A_246 = tpu.vector_load %arg10[%get3A_245] {strides = array<i32>} : memref<16xi32, #tpu.memory_space<vmem>>, vector<16xi32>,
      %get3A_247 = vector.shape_cast %get3A_246 : vector<16xi32> to vector<16xi32>
      %lt3A_248 = arith.cmpi slt, %get3A_244, %add3A_8 : vector<16xi32>
      %lt3A_249 = arith.cmpi slt, %get3A_247, %add3A_11 : vector<16xi32>
      %add3A_250 = arith.constant 1 : i32
      %add3A_251 = vector.broadcast %add3A_250 : i32 to vector<16xi32>
      %add3A_252 = arith.addi %shift_right_arithmetic3A_221, %add3A_251 : vector<16xi32>
      %select_n3A_253 = arith.select %lt3A_248, %add3A_252, %select_n3A_211 : vector<16xi1>, vector<16xi32>
      %select_n3A_254 = arith.select %lt3A_248, %select_n3A_212, %shift_right_arithmetic3A_221 : vector<16xi1>, vector<16xi32>
      %add3A_255 = arith.constant 1 : i32
      %add3A_256 = vector.broadcast %add3A_255 : i32 to vector<16xi32>
      %add3A_257 = arith.addi %shift_right_arithmetic3A_225, %add3A_256 : vector<16xi32>
      %select_n3A_258 = arith.select %lt3A_249, %add3A_257, %select_n3A_216 : vector<16xi1>, vector<16xi32>
      %select_n3A_259 = arith.select %lt3A_249, %select_n3A_217, %shift_right_arithmetic3A_225 : vector<16xi1>, vector<16xi32>
      %add3A_260 = arith.addi %select_n3A_253, %select_n3A_254 : vector<16xi32>
      %shift_right_arithmetic3A_261 = arith.constant 1 : i32
      %shift_right_arithmetic3A_262 = vector.broadcast %shift_right_arithmetic3A_261 : i32 to vector<16xi32>
      %shift_right_arithmetic3A_263 = arith.shrsi %add3A_260, %shift_right_arithmetic3A_262 : vector<16xi32>
      %add3A_264 = arith.addi %select_n3A_258, %select_n3A_259 : vector<16xi32>
      %shift_right_arithmetic3A_265 = arith.constant 1 : i32
      %shift_right_arithmetic3A_266 = vector.broadcast %shift_right_arithmetic3A_265 : i32 to vector<16xi32>
      %shift_right_arithmetic3A_267 = arith.shrsi %add3A_264, %shift_right_arithmetic3A_266 : vector<16xi32>
      %swap3A_268 = arith.constant 0 : index
      %swap3A_269 = tpu.vector_load %arg7[%swap3A_268] {strides = array<i32>} : memref<16xi32, #tpu.memory_space<vmem>>, vector<16xi32>,
      %swap3A_270 = vector.shape_cast %swap3A_269 : vector<16xi32> to vector<16xi32>
      %swap3A_271 = vector.shape_cast %shift_right_arithmetic3A_263 : vector<16xi32> to vector<16xi32>
      tpu.vector_store %arg7[%swap3A_268], %swap3A_271 {strides = array<i32>} : memref<16xi32, #tpu.memory_space<vmem>>, vector<16xi32>,
      %swap3A_272 = arith.constant 0 : index
      %swap3A_273 = tpu.vector_load %arg8[%swap3A_272] {strides = array<i32>} : memref<16xi32, #tpu.memory_space<vmem>>, vector<16xi32>,
      %swap3A_274 = vector.shape_cast %swap3A_273 : vector<16xi32> to vector<16xi32>
      %swap3A_275 = vector.shape_cast %shift_right_arithmetic3A_267 : vector<16xi32> to vector<16xi32>
      tpu.vector_store %arg8[%swap3A_272], %swap3A_275 {strides = array<i32>} : memref<16xi32, #tpu.memory_space<vmem>>, vector<16xi32>,
      %dma_start3A_276 = arith.constant 0 : i32
      %dma_start3A_277 = tpu.memref_slice %arg3[%dma_start3A_276] : memref<100000xi32, #tpu.memory_space<hbm>> -> memref<100000xi32, #tpu.memory_space<hbm>>
      tpu.enqueue_indirect_dma source(%dma_start3A_277 : memref<100000xi32, #tpu.memory_space<hbm>>) target(%arg9 : memref<16xi32, #tpu.memory_space<vmem>>) offsets(%arg7 : memref<16xi32, #tpu.memory_space<vmem>>) semaphore(%arg14 : memref<!tpu.dma_semaphore, #tpu.memory_space<semaphore_mem>>)
      %dma_start3A_278 = arith.constant 0 : i32
      %dma_start3A_279 = tpu.memref_slice %arg3[%dma_start3A_278] : memref<100000xi32, #tpu.memory_space<hbm>> -> memref<100000xi32, #tpu.memory_space<hbm>>
      tpu.enqueue_indirect_dma source(%dma_start3A_279 : memref<100000xi32, #tpu.memory_space<hbm>>) target(%arg10 : memref<16xi32, #tpu.memory_space<vmem>>) offsets(%arg8 : memref<16xi32, #tpu.memory_space<vmem>>) semaphore(%arg14 : memref<!tpu.dma_semaphore, #tpu.memory_space<semaphore_mem>>)
      %dma_wait3A_280 = arith.constant 0 : i32
      %dma_wait3A_281 = tpu.memref_slice %arg3[%dma_wait3A_280] : memref<100000xi32, #tpu.memory_space<hbm>> -> memref<100000xi32, #tpu.memory_space<hbm>>
      tpu.wait_indirect_dma semaphore(%arg14 : memref<!tpu.dma_semaphore, #tpu.memory_space<semaphore_mem>>) src(%dma_wait3A_281 : memref<100000xi32, #tpu.memory_space<hbm>>) dst(%arg9 : memref<16xi32, #tpu.memory_space<vmem>>)
      %dma_wait3A_282 = arith.constant 0 : i32
      %dma_wait3A_283 = tpu.memref_slice %arg3[%dma_wait3A_282] : memref<100000xi32, #tpu.memory_space<hbm>> -> memref<100000xi32, #tpu.memory_space<hbm>>
      tpu.wait_indirect_dma semaphore(%arg14 : memref<!tpu.dma_semaphore, #tpu.memory_space<semaphore_mem>>) src(%dma_wait3A_283 : memref<100000xi32, #tpu.memory_space<hbm>>) dst(%arg10 : memref<16xi32, #tpu.memory_space<vmem>>)
      %get3A_284 = arith.constant 0 : index
      %get3A_285 = tpu.vector_load %arg9[%get3A_284] {strides = array<i32>} : memref<16xi32, #tpu.memory_space<vmem>>, vector<16xi32>,
      %get3A_286 = vector.shape_cast %get3A_285 : vector<16xi32> to vector<16xi32>
      %get3A_287 = arith.constant 0 : index
      %get3A_288 = tpu.vector_load %arg10[%get3A_287] {strides = array<i32>} : memref<16xi32, #tpu.memory_space<vmem>>, vector<16xi32>,
      %get3A_289 = vector.shape_cast %get3A_288 : vector<16xi32> to vector<16xi32>
      %lt3A_290 = arith.cmpi slt, %get3A_286, %add3A_8 : vector<16xi32>
      %lt3A_291 = arith.cmpi slt, %get3A_289, %add3A_11 : vector<16xi32>
      %add3A_292 = arith.constant 1 : i32
      %add3A_293 = vector.broadcast %add3A_292 : i32 to vector<16xi32>
      %add3A_294 = arith.addi %shift_right_arithmetic3A_263, %add3A_293 : vector<16xi32>
      %select_n3A_295 = arith.select %lt3A_290, %add3A_294, %select_n3A_253 : vector<16xi1>, vector<16xi32>
      %select_n3A_296 = arith.select %lt3A_290, %select_n3A_254, %shift_right_arithmetic3A_263 : vector<16xi1>, vector<16xi32>
      %add3A_297 = arith.constant 1 : i32
      %add3A_298 = vector.broadcast %add3A_297 : i32 to vector<16xi32>
      %add3A_299 = arith.addi %shift_right_arithmetic3A_267, %add3A_298 : vector<16xi32>
      %select_n3A_300 = arith.select %lt3A_291, %add3A_299, %select_n3A_258 : vector<16xi1>, vector<16xi32>
      %select_n3A_301 = arith.select %lt3A_291, %select_n3A_259, %shift_right_arithmetic3A_267 : vector<16xi1>, vector<16xi32>
      %add3A_302 = arith.addi %select_n3A_295, %select_n3A_296 : vector<16xi32>
      %shift_right_arithmetic3A_303 = arith.constant 1 : i32
      %shift_right_arithmetic3A_304 = vector.broadcast %shift_right_arithmetic3A_303 : i32 to vector<16xi32>
      %shift_right_arithmetic3A_305 = arith.shrsi %add3A_302, %shift_right_arithmetic3A_304 : vector<16xi32>
      %add3A_306 = arith.addi %select_n3A_300, %select_n3A_301 : vector<16xi32>
      %shift_right_arithmetic3A_307 = arith.constant 1 : i32
      %shift_right_arithmetic3A_308 = vector.broadcast %shift_right_arithmetic3A_307 : i32 to vector<16xi32>
      %shift_right_arithmetic3A_309 = arith.shrsi %add3A_306, %shift_right_arithmetic3A_308 : vector<16xi32>
      %swap3A_310 = arith.constant 0 : index
      %swap3A_311 = tpu.vector_load %arg7[%swap3A_310] {strides = array<i32>} : memref<16xi32, #tpu.memory_space<vmem>>, vector<16xi32>,
      %swap3A_312 = vector.shape_cast %swap3A_311 : vector<16xi32> to vector<16xi32>
      %swap3A_313 = vector.shape_cast %shift_right_arithmetic3A_305 : vector<16xi32> to vector<16xi32>
      tpu.vector_store %arg7[%swap3A_310], %swap3A_313 {strides = array<i32>} : memref<16xi32, #tpu.memory_space<vmem>>, vector<16xi32>,
      %swap3A_314 = arith.constant 0 : index
      %swap3A_315 = tpu.vector_load %arg8[%swap3A_314] {strides = array<i32>} : memref<16xi32, #tpu.memory_space<vmem>>, vector<16xi32>,
      %swap3A_316 = vector.shape_cast %swap3A_315 : vector<16xi32> to vector<16xi32>
      %swap3A_317 = vector.shape_cast %shift_right_arithmetic3A_309 : vector<16xi32> to vector<16xi32>
      tpu.vector_store %arg8[%swap3A_314], %swap3A_317 {strides = array<i32>} : memref<16xi32, #tpu.memory_space<vmem>>, vector<16xi32>,
      %dma_start3A_318 = arith.constant 0 : i32
      %dma_start3A_319 = tpu.memref_slice %arg3[%dma_start3A_318] : memref<100000xi32, #tpu.memory_space<hbm>> -> memref<100000xi32, #tpu.memory_space<hbm>>
      tpu.enqueue_indirect_dma source(%dma_start3A_319 : memref<100000xi32, #tpu.memory_space<hbm>>) target(%arg9 : memref<16xi32, #tpu.memory_space<vmem>>) offsets(%arg7 : memref<16xi32, #tpu.memory_space<vmem>>) semaphore(%arg14 : memref<!tpu.dma_semaphore, #tpu.memory_space<semaphore_mem>>)
      %dma_start3A_320 = arith.constant 0 : i32
      %dma_start3A_321 = tpu.memref_slice %arg3[%dma_start3A_320] : memref<100000xi32, #tpu.memory_space<hbm>> -> memref<100000xi32, #tpu.memory_space<hbm>>
      tpu.enqueue_indirect_dma source(%dma_start3A_321 : memref<100000xi32, #tpu.memory_space<hbm>>) target(%arg10 : memref<16xi32, #tpu.memory_space<vmem>>) offsets(%arg8 : memref<16xi32, #tpu.memory_space<vmem>>) semaphore(%arg14 : memref<!tpu.dma_semaphore, #tpu.memory_space<semaphore_mem>>)
      %dma_wait3A_322 = arith.constant 0 : i32
      %dma_wait3A_323 = tpu.memref_slice %arg3[%dma_wait3A_322] : memref<100000xi32, #tpu.memory_space<hbm>> -> memref<100000xi32, #tpu.memory_space<hbm>>
      tpu.wait_indirect_dma semaphore(%arg14 : memref<!tpu.dma_semaphore, #tpu.memory_space<semaphore_mem>>) src(%dma_wait3A_323 : memref<100000xi32, #tpu.memory_space<hbm>>) dst(%arg9 : memref<16xi32, #tpu.memory_space<vmem>>)
      %dma_wait3A_324 = arith.constant 0 : i32
      %dma_wait3A_325 = tpu.memref_slice %arg3[%dma_wait3A_324] : memref<100000xi32, #tpu.memory_space<hbm>> -> memref<100000xi32, #tpu.memory_space<hbm>>
      tpu.wait_indirect_dma semaphore(%arg14 : memref<!tpu.dma_semaphore, #tpu.memory_space<semaphore_mem>>) src(%dma_wait3A_325 : memref<100000xi32, #tpu.memory_space<hbm>>) dst(%arg10 : memref<16xi32, #tpu.memory_space<vmem>>)
      %get3A_326 = arith.constant 0 : index
      %get3A_327 = tpu.vector_load %arg9[%get3A_326] {strides = array<i32>} : memref<16xi32, #tpu.memory_space<vmem>>, vector<16xi32>,
      %get3A_328 = vector.shape_cast %get3A_327 : vector<16xi32> to vector<16xi32>
      %get3A_329 = arith.constant 0 : index
      %get3A_330 = tpu.vector_load %arg10[%get3A_329] {strides = array<i32>} : memref<16xi32, #tpu.memory_space<vmem>>, vector<16xi32>,
      %get3A_331 = vector.shape_cast %get3A_330 : vector<16xi32> to vector<16xi32>
      %lt3A_332 = arith.cmpi slt, %get3A_328, %add3A_8 : vector<16xi32>
      %lt3A_333 = arith.cmpi slt, %get3A_331, %add3A_11 : vector<16xi32>
      %add3A_334 = arith.constant 1 : i32
      %add3A_335 = vector.broadcast %add3A_334 : i32 to vector<16xi32>
      %add3A_336 = arith.addi %shift_right_arithmetic3A_305, %add3A_335 : vector<16xi32>
      %select_n3A_337 = arith.select %lt3A_332, %add3A_336, %select_n3A_295 : vector<16xi1>, vector<16xi32>
      %select_n3A_338 = arith.select %lt3A_332, %select_n3A_296, %shift_right_arithmetic3A_305 : vector<16xi1>, vector<16xi32>
      %add3A_339 = arith.constant 1 : i32
      %add3A_340 = vector.broadcast %add3A_339 : i32 to vector<16xi32>
      %add3A_341 = arith.addi %shift_right_arithmetic3A_309, %add3A_340 : vector<16xi32>
      %select_n3A_342 = arith.select %lt3A_333, %add3A_341, %select_n3A_300 : vector<16xi1>, vector<16xi32>
      %select_n3A_343 = arith.select %lt3A_333, %select_n3A_301, %shift_right_arithmetic3A_309 : vector<16xi1>, vector<16xi32>
      %add3A_344 = arith.addi %select_n3A_337, %select_n3A_338 : vector<16xi32>
      %shift_right_arithmetic3A_345 = arith.constant 1 : i32
      %shift_right_arithmetic3A_346 = vector.broadcast %shift_right_arithmetic3A_345 : i32 to vector<16xi32>
      %shift_right_arithmetic3A_347 = arith.shrsi %add3A_344, %shift_right_arithmetic3A_346 : vector<16xi32>
      %add3A_348 = arith.addi %select_n3A_342, %select_n3A_343 : vector<16xi32>
      %shift_right_arithmetic3A_349 = arith.constant 1 : i32
      %shift_right_arithmetic3A_350 = vector.broadcast %shift_right_arithmetic3A_349 : i32 to vector<16xi32>
      %shift_right_arithmetic3A_351 = arith.shrsi %add3A_348, %shift_right_arithmetic3A_350 : vector<16xi32>
      %swap3A_352 = arith.constant 0 : index
      %swap3A_353 = tpu.vector_load %arg7[%swap3A_352] {strides = array<i32>} : memref<16xi32, #tpu.memory_space<vmem>>, vector<16xi32>,
      %swap3A_354 = vector.shape_cast %swap3A_353 : vector<16xi32> to vector<16xi32>
      %swap3A_355 = vector.shape_cast %shift_right_arithmetic3A_347 : vector<16xi32> to vector<16xi32>
      tpu.vector_store %arg7[%swap3A_352], %swap3A_355 {strides = array<i32>} : memref<16xi32, #tpu.memory_space<vmem>>, vector<16xi32>,
      %swap3A_356 = arith.constant 0 : index
      %swap3A_357 = tpu.vector_load %arg8[%swap3A_356] {strides = array<i32>} : memref<16xi32, #tpu.memory_space<vmem>>, vector<16xi32>,
      %swap3A_358 = vector.shape_cast %swap3A_357 : vector<16xi32> to vector<16xi32>
      %swap3A_359 = vector.shape_cast %shift_right_arithmetic3A_351 : vector<16xi32> to vector<16xi32>
      tpu.vector_store %arg8[%swap3A_356], %swap3A_359 {strides = array<i32>} : memref<16xi32, #tpu.memory_space<vmem>>, vector<16xi32>,
      %dma_start3A_360 = arith.constant 0 : i32
      %dma_start3A_361 = tpu.memref_slice %arg3[%dma_start3A_360] : memref<100000xi32, #tpu.memory_space<hbm>> -> memref<100000xi32, #tpu.memory_space<hbm>>
      tpu.enqueue_indirect_dma source(%dma_start3A_361 : memref<100000xi32, #tpu.memory_space<hbm>>) target(%arg9 : memref<16xi32, #tpu.memory_space<vmem>>) offsets(%arg7 : memref<16xi32, #tpu.memory_space<vmem>>) semaphore(%arg14 : memref<!tpu.dma_semaphore, #tpu.memory_space<semaphore_mem>>)
      %dma_start3A_362 = arith.constant 0 : i32
      %dma_start3A_363 = tpu.memref_slice %arg3[%dma_start3A_362] : memref<100000xi32, #tpu.memory_space<hbm>> -> memref<100000xi32, #tpu.memory_space<hbm>>
      tpu.enqueue_indirect_dma source(%dma_start3A_363 : memref<100000xi32, #tpu.memory_space<hbm>>) target(%arg10 : memref<16xi32, #tpu.memory_space<vmem>>) offsets(%arg8 : memref<16xi32, #tpu.memory_space<vmem>>) semaphore(%arg14 : memref<!tpu.dma_semaphore, #tpu.memory_space<semaphore_mem>>)
      %dma_wait3A_364 = arith.constant 0 : i32
      %dma_wait3A_365 = tpu.memref_slice %arg3[%dma_wait3A_364] : memref<100000xi32, #tpu.memory_space<hbm>> -> memref<100000xi32, #tpu.memory_space<hbm>>
      tpu.wait_indirect_dma semaphore(%arg14 : memref<!tpu.dma_semaphore, #tpu.memory_space<semaphore_mem>>) src(%dma_wait3A_365 : memref<100000xi32, #tpu.memory_space<hbm>>) dst(%arg9 : memref<16xi32, #tpu.memory_space<vmem>>)
      %dma_wait3A_366 = arith.constant 0 : i32
      %dma_wait3A_367 = tpu.memref_slice %arg3[%dma_wait3A_366] : memref<100000xi32, #tpu.memory_space<hbm>> -> memref<100000xi32, #tpu.memory_space<hbm>>
      tpu.wait_indirect_dma semaphore(%arg14 : memref<!tpu.dma_semaphore, #tpu.memory_space<semaphore_mem>>) src(%dma_wait3A_367 : memref<100000xi32, #tpu.memory_space<hbm>>) dst(%arg10 : memref<16xi32, #tpu.memory_space<vmem>>)
      %get3A_368 = arith.constant 0 : index
      %get3A_369 = tpu.vector_load %arg9[%get3A_368] {strides = array<i32>} : memref<16xi32, #tpu.memory_space<vmem>>, vector<16xi32>,
      %get3A_370 = vector.shape_cast %get3A_369 : vector<16xi32> to vector<16xi32>
      %get3A_371 = arith.constant 0 : index
      %get3A_372 = tpu.vector_load %arg10[%get3A_371] {strides = array<i32>} : memref<16xi32, #tpu.memory_space<vmem>>, vector<16xi32>,
      %get3A_373 = vector.shape_cast %get3A_372 : vector<16xi32> to vector<16xi32>
      %lt3A_374 = arith.cmpi slt, %get3A_370, %add3A_8 : vector<16xi32>
      %lt3A_375 = arith.cmpi slt, %get3A_373, %add3A_11 : vector<16xi32>
      %add3A_376 = arith.constant 1 : i32
      %add3A_377 = vector.broadcast %add3A_376 : i32 to vector<16xi32>
      %add3A_378 = arith.addi %shift_right_arithmetic3A_347, %add3A_377 : vector<16xi32>
      %select_n3A_379 = arith.select %lt3A_374, %add3A_378, %select_n3A_337 : vector<16xi1>, vector<16xi32>
      %select_n3A_380 = arith.select %lt3A_374, %select_n3A_338, %shift_right_arithmetic3A_347 : vector<16xi1>, vector<16xi32>
      %add3A_381 = arith.constant 1 : i32
      %add3A_382 = vector.broadcast %add3A_381 : i32 to vector<16xi32>
      %add3A_383 = arith.addi %shift_right_arithmetic3A_351, %add3A_382 : vector<16xi32>
      %select_n3A_384 = arith.select %lt3A_375, %add3A_383, %select_n3A_342 : vector<16xi1>, vector<16xi32>
      %select_n3A_385 = arith.select %lt3A_375, %select_n3A_343, %shift_right_arithmetic3A_351 : vector<16xi1>, vector<16xi32>
      %add3A_386 = arith.addi %select_n3A_379, %select_n3A_380 : vector<16xi32>
      %shift_right_arithmetic3A_387 = arith.constant 1 : i32
      %shift_right_arithmetic3A_388 = vector.broadcast %shift_right_arithmetic3A_387 : i32 to vector<16xi32>
      %shift_right_arithmetic3A_389 = arith.shrsi %add3A_386, %shift_right_arithmetic3A_388 : vector<16xi32>
      %add3A_390 = arith.addi %select_n3A_384, %select_n3A_385 : vector<16xi32>
      %shift_right_arithmetic3A_391 = arith.constant 1 : i32
      %shift_right_arithmetic3A_392 = vector.broadcast %shift_right_arithmetic3A_391 : i32 to vector<16xi32>
      %shift_right_arithmetic3A_393 = arith.shrsi %add3A_390, %shift_right_arithmetic3A_392 : vector<16xi32>
      %swap3A_394 = arith.constant 0 : index
      %swap3A_395 = tpu.vector_load %arg7[%swap3A_394] {strides = array<i32>} : memref<16xi32, #tpu.memory_space<vmem>>, vector<16xi32>,
      %swap3A_396 = vector.shape_cast %swap3A_395 : vector<16xi32> to vector<16xi32>
      %swap3A_397 = vector.shape_cast %shift_right_arithmetic3A_389 : vector<16xi32> to vector<16xi32>
      tpu.vector_store %arg7[%swap3A_394], %swap3A_397 {strides = array<i32>} : memref<16xi32, #tpu.memory_space<vmem>>, vector<16xi32>,
      %swap3A_398 = arith.constant 0 : index
      %swap3A_399 = tpu.vector_load %arg8[%swap3A_398] {strides = array<i32>} : memref<16xi32, #tpu.memory_space<vmem>>, vector<16xi32>,
      %swap3A_400 = vector.shape_cast %swap3A_399 : vector<16xi32> to vector<16xi32>
      %swap3A_401 = vector.shape_cast %shift_right_arithmetic3A_393 : vector<16xi32> to vector<16xi32>
      tpu.vector_store %arg8[%swap3A_398], %swap3A_401 {strides = array<i32>} : memref<16xi32, #tpu.memory_space<vmem>>, vector<16xi32>,
      %dma_start3A_402 = arith.constant 0 : i32
      %dma_start3A_403 = tpu.memref_slice %arg3[%dma_start3A_402] : memref<100000xi32, #tpu.memory_space<hbm>> -> memref<100000xi32, #tpu.memory_space<hbm>>
      tpu.enqueue_indirect_dma source(%dma_start3A_403 : memref<100000xi32, #tpu.memory_space<hbm>>) target(%arg9 : memref<16xi32, #tpu.memory_space<vmem>>) offsets(%arg7 : memref<16xi32, #tpu.memory_space<vmem>>) semaphore(%arg14 : memref<!tpu.dma_semaphore, #tpu.memory_space<semaphore_mem>>)
      %dma_start3A_404 = arith.constant 0 : i32
      %dma_start3A_405 = tpu.memref_slice %arg3[%dma_start3A_404] : memref<100000xi32, #tpu.memory_space<hbm>> -> memref<100000xi32, #tpu.memory_space<hbm>>
      tpu.enqueue_indirect_dma source(%dma_start3A_405 : memref<100000xi32, #tpu.memory_space<hbm>>) target(%arg10 : memref<16xi32, #tpu.memory_space<vmem>>) offsets(%arg8 : memref<16xi32, #tpu.memory_space<vmem>>) semaphore(%arg14 : memref<!tpu.dma_semaphore, #tpu.memory_space<semaphore_mem>>)
      %dma_wait3A_406 = arith.constant 0 : i32
      %dma_wait3A_407 = tpu.memref_slice %arg3[%dma_wait3A_406] : memref<100000xi32, #tpu.memory_space<hbm>> -> memref<100000xi32, #tpu.memory_space<hbm>>
      tpu.wait_indirect_dma semaphore(%arg14 : memref<!tpu.dma_semaphore, #tpu.memory_space<semaphore_mem>>) src(%dma_wait3A_407 : memref<100000xi32, #tpu.memory_space<hbm>>) dst(%arg9 : memref<16xi32, #tpu.memory_space<vmem>>)
      %dma_wait3A_408 = arith.constant 0 : i32
      %dma_wait3A_409 = tpu.memref_slice %arg3[%dma_wait3A_408] : memref<100000xi32, #tpu.memory_space<hbm>> -> memref<100000xi32, #tpu.memory_space<hbm>>
      tpu.wait_indirect_dma semaphore(%arg14 : memref<!tpu.dma_semaphore, #tpu.memory_space<semaphore_mem>>) src(%dma_wait3A_409 : memref<100000xi32, #tpu.memory_space<hbm>>) dst(%arg10 : memref<16xi32, #tpu.memory_space<vmem>>)
      %get3A_410 = arith.constant 0 : index
      %get3A_411 = tpu.vector_load %arg9[%get3A_410] {strides = array<i32>} : memref<16xi32, #tpu.memory_space<vmem>>, vector<16xi32>,
      %get3A_412 = vector.shape_cast %get3A_411 : vector<16xi32> to vector<16xi32>
      %get3A_413 = arith.constant 0 : index
      %get3A_414 = tpu.vector_load %arg10[%get3A_413] {strides = array<i32>} : memref<16xi32, #tpu.memory_space<vmem>>, vector<16xi32>,
      %get3A_415 = vector.shape_cast %get3A_414 : vector<16xi32> to vector<16xi32>
      %lt3A_416 = arith.cmpi slt, %get3A_412, %add3A_8 : vector<16xi32>
      %lt3A_417 = arith.cmpi slt, %get3A_415, %add3A_11 : vector<16xi32>
      %add3A_418 = arith.constant 1 : i32
      %add3A_419 = vector.broadcast %add3A_418 : i32 to vector<16xi32>
      %add3A_420 = arith.addi %shift_right_arithmetic3A_389, %add3A_419 : vector<16xi32>
      %select_n3A_421 = arith.select %lt3A_416, %add3A_420, %select_n3A_379 : vector<16xi1>, vector<16xi32>
      %select_n3A_422 = arith.select %lt3A_416, %select_n3A_380, %shift_right_arithmetic3A_389 : vector<16xi1>, vector<16xi32>
      %add3A_423 = arith.constant 1 : i32
      %add3A_424 = vector.broadcast %add3A_423 : i32 to vector<16xi32>
      %add3A_425 = arith.addi %shift_right_arithmetic3A_393, %add3A_424 : vector<16xi32>
      %select_n3A_426 = arith.select %lt3A_417, %add3A_425, %select_n3A_384 : vector<16xi1>, vector<16xi32>
      %select_n3A_427 = arith.select %lt3A_417, %select_n3A_385, %shift_right_arithmetic3A_393 : vector<16xi1>, vector<16xi32>
      %add3A_428 = arith.addi %select_n3A_421, %select_n3A_422 : vector<16xi32>
      %shift_right_arithmetic3A_429 = arith.constant 1 : i32
      %shift_right_arithmetic3A_430 = vector.broadcast %shift_right_arithmetic3A_429 : i32 to vector<16xi32>
      %shift_right_arithmetic3A_431 = arith.shrsi %add3A_428, %shift_right_arithmetic3A_430 : vector<16xi32>
      %add3A_432 = arith.addi %select_n3A_426, %select_n3A_427 : vector<16xi32>
      %shift_right_arithmetic3A_433 = arith.constant 1 : i32
      %shift_right_arithmetic3A_434 = vector.broadcast %shift_right_arithmetic3A_433 : i32 to vector<16xi32>
      %shift_right_arithmetic3A_435 = arith.shrsi %add3A_432, %shift_right_arithmetic3A_434 : vector<16xi32>
      %swap3A_436 = arith.constant 0 : index
      %swap3A_437 = tpu.vector_load %arg7[%swap3A_436] {strides = array<i32>} : memref<16xi32, #tpu.memory_space<vmem>>, vector<16xi32>,
      %swap3A_438 = vector.shape_cast %swap3A_437 : vector<16xi32> to vector<16xi32>
      %swap3A_439 = vector.shape_cast %shift_right_arithmetic3A_431 : vector<16xi32> to vector<16xi32>
      tpu.vector_store %arg7[%swap3A_436], %swap3A_439 {strides = array<i32>} : memref<16xi32, #tpu.memory_space<vmem>>, vector<16xi32>,
      %swap3A_440 = arith.constant 0 : index
      %swap3A_441 = tpu.vector_load %arg8[%swap3A_440] {strides = array<i32>} : memref<16xi32, #tpu.memory_space<vmem>>, vector<16xi32>,
      %swap3A_442 = vector.shape_cast %swap3A_441 : vector<16xi32> to vector<16xi32>
      %swap3A_443 = vector.shape_cast %shift_right_arithmetic3A_435 : vector<16xi32> to vector<16xi32>
      tpu.vector_store %arg8[%swap3A_440], %swap3A_443 {strides = array<i32>} : memref<16xi32, #tpu.memory_space<vmem>>, vector<16xi32>,
      %dma_start3A_444 = arith.constant 0 : i32
      %dma_start3A_445 = tpu.memref_slice %arg3[%dma_start3A_444] : memref<100000xi32, #tpu.memory_space<hbm>> -> memref<100000xi32, #tpu.memory_space<hbm>>
      tpu.enqueue_indirect_dma source(%dma_start3A_445 : memref<100000xi32, #tpu.memory_space<hbm>>) target(%arg9 : memref<16xi32, #tpu.memory_space<vmem>>) offsets(%arg7 : memref<16xi32, #tpu.memory_space<vmem>>) semaphore(%arg14 : memref<!tpu.dma_semaphore, #tpu.memory_space<semaphore_mem>>)
      %dma_start3A_446 = arith.constant 0 : i32
      %dma_start3A_447 = tpu.memref_slice %arg3[%dma_start3A_446] : memref<100000xi32, #tpu.memory_space<hbm>> -> memref<100000xi32, #tpu.memory_space<hbm>>
      tpu.enqueue_indirect_dma source(%dma_start3A_447 : memref<100000xi32, #tpu.memory_space<hbm>>) target(%arg10 : memref<16xi32, #tpu.memory_space<vmem>>) offsets(%arg8 : memref<16xi32, #tpu.memory_space<vmem>>) semaphore(%arg14 : memref<!tpu.dma_semaphore, #tpu.memory_space<semaphore_mem>>)
      %dma_wait3A_448 = arith.constant 0 : i32
      %dma_wait3A_449 = tpu.memref_slice %arg3[%dma_wait3A_448] : memref<100000xi32, #tpu.memory_space<hbm>> -> memref<100000xi32, #tpu.memory_space<hbm>>
      tpu.wait_indirect_dma semaphore(%arg14 : memref<!tpu.dma_semaphore, #tpu.memory_space<semaphore_mem>>) src(%dma_wait3A_449 : memref<100000xi32, #tpu.memory_space<hbm>>) dst(%arg9 : memref<16xi32, #tpu.memory_space<vmem>>)
      %dma_wait3A_450 = arith.constant 0 : i32
      %dma_wait3A_451 = tpu.memref_slice %arg3[%dma_wait3A_450] : memref<100000xi32, #tpu.memory_space<hbm>> -> memref<100000xi32, #tpu.memory_space<hbm>>
      tpu.wait_indirect_dma semaphore(%arg14 : memref<!tpu.dma_semaphore, #tpu.memory_space<semaphore_mem>>) src(%dma_wait3A_451 : memref<100000xi32, #tpu.memory_space<hbm>>) dst(%arg10 : memref<16xi32, #tpu.memory_space<vmem>>)
      %get3A_452 = arith.constant 0 : index
      %get3A_453 = tpu.vector_load %arg9[%get3A_452] {strides = array<i32>} : memref<16xi32, #tpu.memory_space<vmem>>, vector<16xi32>,
      %get3A_454 = vector.shape_cast %get3A_453 : vector<16xi32> to vector<16xi32>
      %get3A_455 = arith.constant 0 : index
      %get3A_456 = tpu.vector_load %arg10[%get3A_455] {strides = array<i32>} : memref<16xi32, #tpu.memory_space<vmem>>, vector<16xi32>,
      %get3A_457 = vector.shape_cast %get3A_456 : vector<16xi32> to vector<16xi32>
      %lt3A_458 = arith.cmpi slt, %get3A_454, %add3A_8 : vector<16xi32>
      %lt3A_459 = arith.cmpi slt, %get3A_457, %add3A_11 : vector<16xi32>
      %add3A_460 = arith.constant 1 : i32
      %add3A_461 = vector.broadcast %add3A_460 : i32 to vector<16xi32>
      %add3A_462 = arith.addi %shift_right_arithmetic3A_431, %add3A_461 : vector<16xi32>
      %select_n3A_463 = arith.select %lt3A_458, %add3A_462, %select_n3A_421 : vector<16xi1>, vector<16xi32>
      %select_n3A_464 = arith.select %lt3A_458, %select_n3A_422, %shift_right_arithmetic3A_431 : vector<16xi1>, vector<16xi32>
      %add3A_465 = arith.constant 1 : i32
      %add3A_466 = vector.broadcast %add3A_465 : i32 to vector<16xi32>
      %add3A_467 = arith.addi %shift_right_arithmetic3A_435, %add3A_466 : vector<16xi32>
      %select_n3A_468 = arith.select %lt3A_459, %add3A_467, %select_n3A_426 : vector<16xi1>, vector<16xi32>
      %select_n3A_469 = arith.select %lt3A_459, %select_n3A_427, %shift_right_arithmetic3A_435 : vector<16xi1>, vector<16xi32>
      %add3A_470 = arith.addi %select_n3A_463, %select_n3A_464 : vector<16xi32>
      %shift_right_arithmetic3A_471 = arith.constant 1 : i32
      %shift_right_arithmetic3A_472 = vector.broadcast %shift_right_arithmetic3A_471 : i32 to vector<16xi32>
      %shift_right_arithmetic3A_473 = arith.shrsi %add3A_470, %shift_right_arithmetic3A_472 : vector<16xi32>
      %add3A_474 = arith.addi %select_n3A_468, %select_n3A_469 : vector<16xi32>
      %shift_right_arithmetic3A_475 = arith.constant 1 : i32
      %shift_right_arithmetic3A_476 = vector.broadcast %shift_right_arithmetic3A_475 : i32 to vector<16xi32>
      %shift_right_arithmetic3A_477 = arith.shrsi %add3A_474, %shift_right_arithmetic3A_476 : vector<16xi32>
      %swap3A_478 = arith.constant 0 : index
      %swap3A_479 = tpu.vector_load %arg7[%swap3A_478] {strides = array<i32>} : memref<16xi32, #tpu.memory_space<vmem>>, vector<16xi32>,
      %swap3A_480 = vector.shape_cast %swap3A_479 : vector<16xi32> to vector<16xi32>
      %swap3A_481 = vector.shape_cast %shift_right_arithmetic3A_473 : vector<16xi32> to vector<16xi32>
      tpu.vector_store %arg7[%swap3A_478], %swap3A_481 {strides = array<i32>} : memref<16xi32, #tpu.memory_space<vmem>>, vector<16xi32>,
      %swap3A_482 = arith.constant 0 : index
      %swap3A_483 = tpu.vector_load %arg8[%swap3A_482] {strides = array<i32>} : memref<16xi32, #tpu.memory_space<vmem>>, vector<16xi32>,
      %swap3A_484 = vector.shape_cast %swap3A_483 : vector<16xi32> to vector<16xi32>
      %swap3A_485 = vector.shape_cast %shift_right_arithmetic3A_477 : vector<16xi32> to vector<16xi32>
      tpu.vector_store %arg8[%swap3A_482], %swap3A_485 {strides = array<i32>} : memref<16xi32, #tpu.memory_space<vmem>>, vector<16xi32>,
      %dma_start3A_486 = arith.constant 0 : i32
      %dma_start3A_487 = tpu.memref_slice %arg3[%dma_start3A_486] : memref<100000xi32, #tpu.memory_space<hbm>> -> memref<100000xi32, #tpu.memory_space<hbm>>
      tpu.enqueue_indirect_dma source(%dma_start3A_487 : memref<100000xi32, #tpu.memory_space<hbm>>) target(%arg9 : memref<16xi32, #tpu.memory_space<vmem>>) offsets(%arg7 : memref<16xi32, #tpu.memory_space<vmem>>) semaphore(%arg14 : memref<!tpu.dma_semaphore, #tpu.memory_space<semaphore_mem>>)
      %dma_start3A_488 = arith.constant 0 : i32
      %dma_start3A_489 = tpu.memref_slice %arg3[%dma_start3A_488] : memref<100000xi32, #tpu.memory_space<hbm>> -> memref<100000xi32, #tpu.memory_space<hbm>>
      tpu.enqueue_indirect_dma source(%dma_start3A_489 : memref<100000xi32, #tpu.memory_space<hbm>>) target(%arg10 : memref<16xi32, #tpu.memory_space<vmem>>) offsets(%arg8 : memref<16xi32, #tpu.memory_space<vmem>>) semaphore(%arg14 : memref<!tpu.dma_semaphore, #tpu.memory_space<semaphore_mem>>)
      %dma_wait3A_490 = arith.constant 0 : i32
      %dma_wait3A_491 = tpu.memref_slice %arg3[%dma_wait3A_490] : memref<100000xi32, #tpu.memory_space<hbm>> -> memref<100000xi32, #tpu.memory_space<hbm>>
      tpu.wait_indirect_dma semaphore(%arg14 : memref<!tpu.dma_semaphore, #tpu.memory_space<semaphore_mem>>) src(%dma_wait3A_491 : memref<100000xi32, #tpu.memory_space<hbm>>) dst(%arg9 : memref<16xi32, #tpu.memory_space<vmem>>)
      %dma_wait3A_492 = arith.constant 0 : i32
      %dma_wait3A_493 = tpu.memref_slice %arg3[%dma_wait3A_492] : memref<100000xi32, #tpu.memory_space<hbm>> -> memref<100000xi32, #tpu.memory_space<hbm>>
      tpu.wait_indirect_dma semaphore(%arg14 : memref<!tpu.dma_semaphore, #tpu.memory_space<semaphore_mem>>) src(%dma_wait3A_493 : memref<100000xi32, #tpu.memory_space<hbm>>) dst(%arg10 : memref<16xi32, #tpu.memory_space<vmem>>)
      %get3A_494 = arith.constant 0 : index
      %get3A_495 = tpu.vector_load %arg9[%get3A_494] {strides = array<i32>} : memref<16xi32, #tpu.memory_space<vmem>>, vector<16xi32>,
      %get3A_496 = vector.shape_cast %get3A_495 : vector<16xi32> to vector<16xi32>
      %get3A_497 = arith.constant 0 : index
      %get3A_498 = tpu.vector_load %arg10[%get3A_497] {strides = array<i32>} : memref<16xi32, #tpu.memory_space<vmem>>, vector<16xi32>,
      %get3A_499 = vector.shape_cast %get3A_498 : vector<16xi32> to vector<16xi32>
      %lt3A_500 = arith.cmpi slt, %get3A_496, %add3A_8 : vector<16xi32>
      %lt3A_501 = arith.cmpi slt, %get3A_499, %add3A_11 : vector<16xi32>
      %add3A_502 = arith.constant 1 : i32
      %add3A_503 = vector.broadcast %add3A_502 : i32 to vector<16xi32>
      %add3A_504 = arith.addi %shift_right_arithmetic3A_473, %add3A_503 : vector<16xi32>
      %select_n3A_505 = arith.select %lt3A_500, %add3A_504, %select_n3A_463 : vector<16xi1>, vector<16xi32>
      %select_n3A_506 = arith.select %lt3A_500, %select_n3A_464, %shift_right_arithmetic3A_473 : vector<16xi1>, vector<16xi32>
      %add3A_507 = arith.constant 1 : i32
      %add3A_508 = vector.broadcast %add3A_507 : i32 to vector<16xi32>
      %add3A_509 = arith.addi %shift_right_arithmetic3A_477, %add3A_508 : vector<16xi32>
      %select_n3A_510 = arith.select %lt3A_501, %add3A_509, %select_n3A_468 : vector<16xi1>, vector<16xi32>
      %select_n3A_511 = arith.select %lt3A_501, %select_n3A_469, %shift_right_arithmetic3A_477 : vector<16xi1>, vector<16xi32>
      %add3A_512 = arith.addi %select_n3A_505, %select_n3A_506 : vector<16xi32>
      %shift_right_arithmetic3A_513 = arith.constant 1 : i32
      %shift_right_arithmetic3A_514 = vector.broadcast %shift_right_arithmetic3A_513 : i32 to vector<16xi32>
      %shift_right_arithmetic3A_515 = arith.shrsi %add3A_512, %shift_right_arithmetic3A_514 : vector<16xi32>
      %add3A_516 = arith.addi %select_n3A_510, %select_n3A_511 : vector<16xi32>
      %shift_right_arithmetic3A_517 = arith.constant 1 : i32
      %shift_right_arithmetic3A_518 = vector.broadcast %shift_right_arithmetic3A_517 : i32 to vector<16xi32>
      %shift_right_arithmetic3A_519 = arith.shrsi %add3A_516, %shift_right_arithmetic3A_518 : vector<16xi32>
      %swap3A_520 = arith.constant 0 : index
      %swap3A_521 = tpu.vector_load %arg7[%swap3A_520] {strides = array<i32>} : memref<16xi32, #tpu.memory_space<vmem>>, vector<16xi32>,
      %swap3A_522 = vector.shape_cast %swap3A_521 : vector<16xi32> to vector<16xi32>
      %swap3A_523 = vector.shape_cast %shift_right_arithmetic3A_515 : vector<16xi32> to vector<16xi32>
      tpu.vector_store %arg7[%swap3A_520], %swap3A_523 {strides = array<i32>} : memref<16xi32, #tpu.memory_space<vmem>>, vector<16xi32>,
      %swap3A_524 = arith.constant 0 : index
      %swap3A_525 = tpu.vector_load %arg8[%swap3A_524] {strides = array<i32>} : memref<16xi32, #tpu.memory_space<vmem>>, vector<16xi32>,
      %swap3A_526 = vector.shape_cast %swap3A_525 : vector<16xi32> to vector<16xi32>
      %swap3A_527 = vector.shape_cast %shift_right_arithmetic3A_519 : vector<16xi32> to vector<16xi32>
      tpu.vector_store %arg8[%swap3A_524], %swap3A_527 {strides = array<i32>} : memref<16xi32, #tpu.memory_space<vmem>>, vector<16xi32>,
      %dma_start3A_528 = arith.constant 0 : i32
      %dma_start3A_529 = tpu.memref_slice %arg3[%dma_start3A_528] : memref<100000xi32, #tpu.memory_space<hbm>> -> memref<100000xi32, #tpu.memory_space<hbm>>
      tpu.enqueue_indirect_dma source(%dma_start3A_529 : memref<100000xi32, #tpu.memory_space<hbm>>) target(%arg9 : memref<16xi32, #tpu.memory_space<vmem>>) offsets(%arg7 : memref<16xi32, #tpu.memory_space<vmem>>) semaphore(%arg14 : memref<!tpu.dma_semaphore, #tpu.memory_space<semaphore_mem>>)
      %dma_start3A_530 = arith.constant 0 : i32
      %dma_start3A_531 = tpu.memref_slice %arg3[%dma_start3A_530] : memref<100000xi32, #tpu.memory_space<hbm>> -> memref<100000xi32, #tpu.memory_space<hbm>>
      tpu.enqueue_indirect_dma source(%dma_start3A_531 : memref<100000xi32, #tpu.memory_space<hbm>>) target(%arg10 : memref<16xi32, #tpu.memory_space<vmem>>) offsets(%arg8 : memref<16xi32, #tpu.memory_space<vmem>>) semaphore(%arg14 : memref<!tpu.dma_semaphore, #tpu.memory_space<semaphore_mem>>)
      %dma_wait3A_532 = arith.constant 0 : i32
      %dma_wait3A_533 = tpu.memref_slice %arg3[%dma_wait3A_532] : memref<100000xi32, #tpu.memory_space<hbm>> -> memref<100000xi32, #tpu.memory_space<hbm>>
      tpu.wait_indirect_dma semaphore(%arg14 : memref<!tpu.dma_semaphore, #tpu.memory_space<semaphore_mem>>) src(%dma_wait3A_533 : memref<100000xi32, #tpu.memory_space<hbm>>) dst(%arg9 : memref<16xi32, #tpu.memory_space<vmem>>)
      %dma_wait3A_534 = arith.constant 0 : i32
      %dma_wait3A_535 = tpu.memref_slice %arg3[%dma_wait3A_534] : memref<100000xi32, #tpu.memory_space<hbm>> -> memref<100000xi32, #tpu.memory_space<hbm>>
      tpu.wait_indirect_dma semaphore(%arg14 : memref<!tpu.dma_semaphore, #tpu.memory_space<semaphore_mem>>) src(%dma_wait3A_535 : memref<100000xi32, #tpu.memory_space<hbm>>) dst(%arg10 : memref<16xi32, #tpu.memory_space<vmem>>)
      %get3A_536 = arith.constant 0 : index
      %get3A_537 = tpu.vector_load %arg9[%get3A_536] {strides = array<i32>} : memref<16xi32, #tpu.memory_space<vmem>>, vector<16xi32>,
      %get3A_538 = vector.shape_cast %get3A_537 : vector<16xi32> to vector<16xi32>
      %get3A_539 = arith.constant 0 : index
      %get3A_540 = tpu.vector_load %arg10[%get3A_539] {strides = array<i32>} : memref<16xi32, #tpu.memory_space<vmem>>, vector<16xi32>,
      %get3A_541 = vector.shape_cast %get3A_540 : vector<16xi32> to vector<16xi32>
      %lt3A_542 = arith.cmpi slt, %get3A_538, %add3A_8 : vector<16xi32>
      %lt3A_543 = arith.cmpi slt, %get3A_541, %add3A_11 : vector<16xi32>
      %add3A_544 = arith.constant 1 : i32
      %add3A_545 = vector.broadcast %add3A_544 : i32 to vector<16xi32>
      %add3A_546 = arith.addi %shift_right_arithmetic3A_515, %add3A_545 : vector<16xi32>
      %select_n3A_547 = arith.select %lt3A_542, %add3A_546, %select_n3A_505 : vector<16xi1>, vector<16xi32>
      %select_n3A_548 = arith.select %lt3A_542, %select_n3A_506, %shift_right_arithmetic3A_515 : vector<16xi1>, vector<16xi32>
      %add3A_549 = arith.constant 1 : i32
      %add3A_550 = vector.broadcast %add3A_549 : i32 to vector<16xi32>
      %add3A_551 = arith.addi %shift_right_arithmetic3A_519, %add3A_550 : vector<16xi32>
      %select_n3A_552 = arith.select %lt3A_543, %add3A_551, %select_n3A_510 : vector<16xi1>, vector<16xi32>
      %select_n3A_553 = arith.select %lt3A_543, %select_n3A_511, %shift_right_arithmetic3A_519 : vector<16xi1>, vector<16xi32>
      %add3A_554 = arith.addi %select_n3A_547, %select_n3A_548 : vector<16xi32>
      %shift_right_arithmetic3A_555 = arith.constant 1 : i32
      %shift_right_arithmetic3A_556 = vector.broadcast %shift_right_arithmetic3A_555 : i32 to vector<16xi32>
      %shift_right_arithmetic3A_557 = arith.shrsi %add3A_554, %shift_right_arithmetic3A_556 : vector<16xi32>
      %add3A_558 = arith.addi %select_n3A_552, %select_n3A_553 : vector<16xi32>
      %shift_right_arithmetic3A_559 = arith.constant 1 : i32
      %shift_right_arithmetic3A_560 = vector.broadcast %shift_right_arithmetic3A_559 : i32 to vector<16xi32>
      %shift_right_arithmetic3A_561 = arith.shrsi %add3A_558, %shift_right_arithmetic3A_560 : vector<16xi32>
      %swap3A_562 = arith.constant 0 : index
      %swap3A_563 = tpu.vector_load %arg7[%swap3A_562] {strides = array<i32>} : memref<16xi32, #tpu.memory_space<vmem>>, vector<16xi32>,
      %swap3A_564 = vector.shape_cast %swap3A_563 : vector<16xi32> to vector<16xi32>
      %swap3A_565 = vector.shape_cast %shift_right_arithmetic3A_557 : vector<16xi32> to vector<16xi32>
      tpu.vector_store %arg7[%swap3A_562], %swap3A_565 {strides = array<i32>} : memref<16xi32, #tpu.memory_space<vmem>>, vector<16xi32>,
      %swap3A_566 = arith.constant 0 : index
      %swap3A_567 = tpu.vector_load %arg8[%swap3A_566] {strides = array<i32>} : memref<16xi32, #tpu.memory_space<vmem>>, vector<16xi32>,
      %swap3A_568 = vector.shape_cast %swap3A_567 : vector<16xi32> to vector<16xi32>
      %swap3A_569 = vector.shape_cast %shift_right_arithmetic3A_561 : vector<16xi32> to vector<16xi32>
      tpu.vector_store %arg8[%swap3A_566], %swap3A_569 {strides = array<i32>} : memref<16xi32, #tpu.memory_space<vmem>>, vector<16xi32>,
      %dma_start3A_570 = arith.constant 0 : i32
      %dma_start3A_571 = tpu.memref_slice %arg3[%dma_start3A_570] : memref<100000xi32, #tpu.memory_space<hbm>> -> memref<100000xi32, #tpu.memory_space<hbm>>
      tpu.enqueue_indirect_dma source(%dma_start3A_571 : memref<100000xi32, #tpu.memory_space<hbm>>) target(%arg9 : memref<16xi32, #tpu.memory_space<vmem>>) offsets(%arg7 : memref<16xi32, #tpu.memory_space<vmem>>) semaphore(%arg14 : memref<!tpu.dma_semaphore, #tpu.memory_space<semaphore_mem>>)
      %dma_start3A_572 = arith.constant 0 : i32
      %dma_start3A_573 = tpu.memref_slice %arg3[%dma_start3A_572] : memref<100000xi32, #tpu.memory_space<hbm>> -> memref<100000xi32, #tpu.memory_space<hbm>>
      tpu.enqueue_indirect_dma source(%dma_start3A_573 : memref<100000xi32, #tpu.memory_space<hbm>>) target(%arg10 : memref<16xi32, #tpu.memory_space<vmem>>) offsets(%arg8 : memref<16xi32, #tpu.memory_space<vmem>>) semaphore(%arg14 : memref<!tpu.dma_semaphore, #tpu.memory_space<semaphore_mem>>)
      %dma_wait3A_574 = arith.constant 0 : i32
      %dma_wait3A_575 = tpu.memref_slice %arg3[%dma_wait3A_574] : memref<100000xi32, #tpu.memory_space<hbm>> -> memref<100000xi32, #tpu.memory_space<hbm>>
      tpu.wait_indirect_dma semaphore(%arg14 : memref<!tpu.dma_semaphore, #tpu.memory_space<semaphore_mem>>) src(%dma_wait3A_575 : memref<100000xi32, #tpu.memory_space<hbm>>) dst(%arg9 : memref<16xi32, #tpu.memory_space<vmem>>)
      %dma_wait3A_576 = arith.constant 0 : i32
      %dma_wait3A_577 = tpu.memref_slice %arg3[%dma_wait3A_576] : memref<100000xi32, #tpu.memory_space<hbm>> -> memref<100000xi32, #tpu.memory_space<hbm>>
      tpu.wait_indirect_dma semaphore(%arg14 : memref<!tpu.dma_semaphore, #tpu.memory_space<semaphore_mem>>) src(%dma_wait3A_577 : memref<100000xi32, #tpu.memory_space<hbm>>) dst(%arg10 : memref<16xi32, #tpu.memory_space<vmem>>)
      %get3A_578 = arith.constant 0 : index
      %get3A_579 = tpu.vector_load %arg9[%get3A_578] {strides = array<i32>} : memref<16xi32, #tpu.memory_space<vmem>>, vector<16xi32>,
      %get3A_580 = vector.shape_cast %get3A_579 : vector<16xi32> to vector<16xi32>
      %get3A_581 = arith.constant 0 : index
      %get3A_582 = tpu.vector_load %arg10[%get3A_581] {strides = array<i32>} : memref<16xi32, #tpu.memory_space<vmem>>, vector<16xi32>,
      %get3A_583 = vector.shape_cast %get3A_582 : vector<16xi32> to vector<16xi32>
      %lt3A_584 = arith.cmpi slt, %get3A_580, %add3A_8 : vector<16xi32>
      %lt3A_585 = arith.cmpi slt, %get3A_583, %add3A_11 : vector<16xi32>
      %add3A_586 = arith.constant 1 : i32
      %add3A_587 = vector.broadcast %add3A_586 : i32 to vector<16xi32>
      %add3A_588 = arith.addi %shift_right_arithmetic3A_557, %add3A_587 : vector<16xi32>
      %select_n3A_589 = arith.select %lt3A_584, %add3A_588, %select_n3A_547 : vector<16xi1>, vector<16xi32>
      %select_n3A_590 = arith.select %lt3A_584, %select_n3A_548, %shift_right_arithmetic3A_557 : vector<16xi1>, vector<16xi32>
      %add3A_591 = arith.constant 1 : i32
      %add3A_592 = vector.broadcast %add3A_591 : i32 to vector<16xi32>
      %add3A_593 = arith.addi %shift_right_arithmetic3A_561, %add3A_592 : vector<16xi32>
      %select_n3A_594 = arith.select %lt3A_585, %add3A_593, %select_n3A_552 : vector<16xi1>, vector<16xi32>
      %select_n3A_595 = arith.select %lt3A_585, %select_n3A_553, %shift_right_arithmetic3A_561 : vector<16xi1>, vector<16xi32>
      %add3A_596 = arith.addi %select_n3A_589, %select_n3A_590 : vector<16xi32>
      %shift_right_arithmetic3A_597 = arith.constant 1 : i32
      %shift_right_arithmetic3A_598 = vector.broadcast %shift_right_arithmetic3A_597 : i32 to vector<16xi32>
      %shift_right_arithmetic3A_599 = arith.shrsi %add3A_596, %shift_right_arithmetic3A_598 : vector<16xi32>
      %add3A_600 = arith.addi %select_n3A_594, %select_n3A_595 : vector<16xi32>
      %shift_right_arithmetic3A_601 = arith.constant 1 : i32
      %shift_right_arithmetic3A_602 = vector.broadcast %shift_right_arithmetic3A_601 : i32 to vector<16xi32>
      %shift_right_arithmetic3A_603 = arith.shrsi %add3A_600, %shift_right_arithmetic3A_602 : vector<16xi32>
      %swap3A_604 = arith.constant 0 : index
      %swap3A_605 = tpu.vector_load %arg7[%swap3A_604] {strides = array<i32>} : memref<16xi32, #tpu.memory_space<vmem>>, vector<16xi32>,
      %swap3A_606 = vector.shape_cast %swap3A_605 : vector<16xi32> to vector<16xi32>
      %swap3A_607 = vector.shape_cast %shift_right_arithmetic3A_599 : vector<16xi32> to vector<16xi32>
      tpu.vector_store %arg7[%swap3A_604], %swap3A_607 {strides = array<i32>} : memref<16xi32, #tpu.memory_space<vmem>>, vector<16xi32>,
      %swap3A_608 = arith.constant 0 : index
      %swap3A_609 = tpu.vector_load %arg8[%swap3A_608] {strides = array<i32>} : memref<16xi32, #tpu.memory_space<vmem>>, vector<16xi32>,
      %swap3A_610 = vector.shape_cast %swap3A_609 : vector<16xi32> to vector<16xi32>
      %swap3A_611 = vector.shape_cast %shift_right_arithmetic3A_603 : vector<16xi32> to vector<16xi32>
      tpu.vector_store %arg8[%swap3A_608], %swap3A_611 {strides = array<i32>} : memref<16xi32, #tpu.memory_space<vmem>>, vector<16xi32>,
      %dma_start3A_612 = arith.constant 0 : i32
      %dma_start3A_613 = tpu.memref_slice %arg3[%dma_start3A_612] : memref<100000xi32, #tpu.memory_space<hbm>> -> memref<100000xi32, #tpu.memory_space<hbm>>
      tpu.enqueue_indirect_dma source(%dma_start3A_613 : memref<100000xi32, #tpu.memory_space<hbm>>) target(%arg9 : memref<16xi32, #tpu.memory_space<vmem>>) offsets(%arg7 : memref<16xi32, #tpu.memory_space<vmem>>) semaphore(%arg14 : memref<!tpu.dma_semaphore, #tpu.memory_space<semaphore_mem>>)
      %dma_start3A_614 = arith.constant 0 : i32
      %dma_start3A_615 = tpu.memref_slice %arg3[%dma_start3A_614] : memref<100000xi32, #tpu.memory_space<hbm>> -> memref<100000xi32, #tpu.memory_space<hbm>>
      tpu.enqueue_indirect_dma source(%dma_start3A_615 : memref<100000xi32, #tpu.memory_space<hbm>>) target(%arg10 : memref<16xi32, #tpu.memory_space<vmem>>) offsets(%arg8 : memref<16xi32, #tpu.memory_space<vmem>>) semaphore(%arg14 : memref<!tpu.dma_semaphore, #tpu.memory_space<semaphore_mem>>)
      %dma_wait3A_616 = arith.constant 0 : i32
      %dma_wait3A_617 = tpu.memref_slice %arg3[%dma_wait3A_616] : memref<100000xi32, #tpu.memory_space<hbm>> -> memref<100000xi32, #tpu.memory_space<hbm>>
      tpu.wait_indirect_dma semaphore(%arg14 : memref<!tpu.dma_semaphore, #tpu.memory_space<semaphore_mem>>) src(%dma_wait3A_617 : memref<100000xi32, #tpu.memory_space<hbm>>) dst(%arg9 : memref<16xi32, #tpu.memory_space<vmem>>)
      %dma_wait3A_618 = arith.constant 0 : i32
      %dma_wait3A_619 = tpu.memref_slice %arg3[%dma_wait3A_618] : memref<100000xi32, #tpu.memory_space<hbm>> -> memref<100000xi32, #tpu.memory_space<hbm>>
      tpu.wait_indirect_dma semaphore(%arg14 : memref<!tpu.dma_semaphore, #tpu.memory_space<semaphore_mem>>) src(%dma_wait3A_619 : memref<100000xi32, #tpu.memory_space<hbm>>) dst(%arg10 : memref<16xi32, #tpu.memory_space<vmem>>)
      %get3A_620 = arith.constant 0 : index
      %get3A_621 = tpu.vector_load %arg9[%get3A_620] {strides = array<i32>} : memref<16xi32, #tpu.memory_space<vmem>>, vector<16xi32>,
      %get3A_622 = vector.shape_cast %get3A_621 : vector<16xi32> to vector<16xi32>
      %get3A_623 = arith.constant 0 : index
      %get3A_624 = tpu.vector_load %arg10[%get3A_623] {strides = array<i32>} : memref<16xi32, #tpu.memory_space<vmem>>, vector<16xi32>,
      %get3A_625 = vector.shape_cast %get3A_624 : vector<16xi32> to vector<16xi32>
      %lt3A_626 = arith.cmpi slt, %get3A_622, %add3A_8 : vector<16xi32>
      %lt3A_627 = arith.cmpi slt, %get3A_625, %add3A_11 : vector<16xi32>
      %add3A_628 = arith.constant 1 : i32
      %add3A_629 = vector.broadcast %add3A_628 : i32 to vector<16xi32>
      %add3A_630 = arith.addi %shift_right_arithmetic3A_599, %add3A_629 : vector<16xi32>
      %select_n3A_631 = arith.select %lt3A_626, %add3A_630, %select_n3A_589 : vector<16xi1>, vector<16xi32>
      %select_n3A_632 = arith.select %lt3A_626, %select_n3A_590, %shift_right_arithmetic3A_599 : vector<16xi1>, vector<16xi32>
      %add3A_633 = arith.constant 1 : i32
      %add3A_634 = vector.broadcast %add3A_633 : i32 to vector<16xi32>
      %add3A_635 = arith.addi %shift_right_arithmetic3A_603, %add3A_634 : vector<16xi32>
      %select_n3A_636 = arith.select %lt3A_627, %add3A_635, %select_n3A_594 : vector<16xi1>, vector<16xi32>
      %select_n3A_637 = arith.select %lt3A_627, %select_n3A_595, %shift_right_arithmetic3A_603 : vector<16xi1>, vector<16xi32>
      %add3A_638 = arith.addi %select_n3A_631, %select_n3A_632 : vector<16xi32>
      %shift_right_arithmetic3A_639 = arith.constant 1 : i32
      %shift_right_arithmetic3A_640 = vector.broadcast %shift_right_arithmetic3A_639 : i32 to vector<16xi32>
      %shift_right_arithmetic3A_641 = arith.shrsi %add3A_638, %shift_right_arithmetic3A_640 : vector<16xi32>
      %add3A_642 = arith.addi %select_n3A_636, %select_n3A_637 : vector<16xi32>
      %shift_right_arithmetic3A_643 = arith.constant 1 : i32
      %shift_right_arithmetic3A_644 = vector.broadcast %shift_right_arithmetic3A_643 : i32 to vector<16xi32>
      %shift_right_arithmetic3A_645 = arith.shrsi %add3A_642, %shift_right_arithmetic3A_644 : vector<16xi32>
      %swap3A_646 = arith.constant 0 : index
      %swap3A_647 = tpu.vector_load %arg7[%swap3A_646] {strides = array<i32>} : memref<16xi32, #tpu.memory_space<vmem>>, vector<16xi32>,
      %swap3A_648 = vector.shape_cast %swap3A_647 : vector<16xi32> to vector<16xi32>
      %swap3A_649 = vector.shape_cast %shift_right_arithmetic3A_641 : vector<16xi32> to vector<16xi32>
      tpu.vector_store %arg7[%swap3A_646], %swap3A_649 {strides = array<i32>} : memref<16xi32, #tpu.memory_space<vmem>>, vector<16xi32>,
      %swap3A_650 = arith.constant 0 : index
      %swap3A_651 = tpu.vector_load %arg8[%swap3A_650] {strides = array<i32>} : memref<16xi32, #tpu.memory_space<vmem>>, vector<16xi32>,
      %swap3A_652 = vector.shape_cast %swap3A_651 : vector<16xi32> to vector<16xi32>
      %swap3A_653 = vector.shape_cast %shift_right_arithmetic3A_645 : vector<16xi32> to vector<16xi32>
      tpu.vector_store %arg8[%swap3A_650], %swap3A_653 {strides = array<i32>} : memref<16xi32, #tpu.memory_space<vmem>>, vector<16xi32>,
      %dma_start3A_654 = arith.constant 0 : i32
      %dma_start3A_655 = tpu.memref_slice %arg3[%dma_start3A_654] : memref<100000xi32, #tpu.memory_space<hbm>> -> memref<100000xi32, #tpu.memory_space<hbm>>
      tpu.enqueue_indirect_dma source(%dma_start3A_655 : memref<100000xi32, #tpu.memory_space<hbm>>) target(%arg9 : memref<16xi32, #tpu.memory_space<vmem>>) offsets(%arg7 : memref<16xi32, #tpu.memory_space<vmem>>) semaphore(%arg14 : memref<!tpu.dma_semaphore, #tpu.memory_space<semaphore_mem>>)
      %dma_start3A_656 = arith.constant 0 : i32
      %dma_start3A_657 = tpu.memref_slice %arg3[%dma_start3A_656] : memref<100000xi32, #tpu.memory_space<hbm>> -> memref<100000xi32, #tpu.memory_space<hbm>>
      tpu.enqueue_indirect_dma source(%dma_start3A_657 : memref<100000xi32, #tpu.memory_space<hbm>>) target(%arg10 : memref<16xi32, #tpu.memory_space<vmem>>) offsets(%arg8 : memref<16xi32, #tpu.memory_space<vmem>>) semaphore(%arg14 : memref<!tpu.dma_semaphore, #tpu.memory_space<semaphore_mem>>)
      %dma_wait3A_658 = arith.constant 0 : i32
      %dma_wait3A_659 = tpu.memref_slice %arg3[%dma_wait3A_658] : memref<100000xi32, #tpu.memory_space<hbm>> -> memref<100000xi32, #tpu.memory_space<hbm>>
      tpu.wait_indirect_dma semaphore(%arg14 : memref<!tpu.dma_semaphore, #tpu.memory_space<semaphore_mem>>) src(%dma_wait3A_659 : memref<100000xi32, #tpu.memory_space<hbm>>) dst(%arg9 : memref<16xi32, #tpu.memory_space<vmem>>)
      %dma_wait3A_660 = arith.constant 0 : i32
      %dma_wait3A_661 = tpu.memref_slice %arg3[%dma_wait3A_660] : memref<100000xi32, #tpu.memory_space<hbm>> -> memref<100000xi32, #tpu.memory_space<hbm>>
      tpu.wait_indirect_dma semaphore(%arg14 : memref<!tpu.dma_semaphore, #tpu.memory_space<semaphore_mem>>) src(%dma_wait3A_661 : memref<100000xi32, #tpu.memory_space<hbm>>) dst(%arg10 : memref<16xi32, #tpu.memory_space<vmem>>)
      %get3A_662 = arith.constant 0 : index
      %get3A_663 = tpu.vector_load %arg9[%get3A_662] {strides = array<i32>} : memref<16xi32, #tpu.memory_space<vmem>>, vector<16xi32>,
      %get3A_664 = vector.shape_cast %get3A_663 : vector<16xi32> to vector<16xi32>
      %get3A_665 = arith.constant 0 : index
      %get3A_666 = tpu.vector_load %arg10[%get3A_665] {strides = array<i32>} : memref<16xi32, #tpu.memory_space<vmem>>, vector<16xi32>,
      %get3A_667 = vector.shape_cast %get3A_666 : vector<16xi32> to vector<16xi32>
      %lt3A_668 = arith.cmpi slt, %get3A_664, %add3A_8 : vector<16xi32>
      %lt3A_669 = arith.cmpi slt, %get3A_667, %add3A_11 : vector<16xi32>
      %add3A_670 = arith.constant 1 : i32
      %add3A_671 = vector.broadcast %add3A_670 : i32 to vector<16xi32>
      %add3A_672 = arith.addi %shift_right_arithmetic3A_641, %add3A_671 : vector<16xi32>
      %select_n3A_673 = arith.select %lt3A_668, %add3A_672, %select_n3A_631 : vector<16xi1>, vector<16xi32>
      %select_n3A_674 = arith.select %lt3A_668, %select_n3A_632, %shift_right_arithmetic3A_641 : vector<16xi1>, vector<16xi32>
      %add3A_675 = arith.constant 1 : i32
      %add3A_676 = vector.broadcast %add3A_675 : i32 to vector<16xi32>
      %add3A_677 = arith.addi %shift_right_arithmetic3A_645, %add3A_676 : vector<16xi32>
      %select_n3A_678 = arith.select %lt3A_669, %add3A_677, %select_n3A_636 : vector<16xi1>, vector<16xi32>
      %select_n3A_679 = arith.select %lt3A_669, %select_n3A_637, %shift_right_arithmetic3A_645 : vector<16xi1>, vector<16xi32>
      %add3A_680 = arith.addi %select_n3A_673, %select_n3A_674 : vector<16xi32>
      %shift_right_arithmetic3A_681 = arith.constant 1 : i32
      %shift_right_arithmetic3A_682 = vector.broadcast %shift_right_arithmetic3A_681 : i32 to vector<16xi32>
      %shift_right_arithmetic3A_683 = arith.shrsi %add3A_680, %shift_right_arithmetic3A_682 : vector<16xi32>
      %add3A_684 = arith.addi %select_n3A_678, %select_n3A_679 : vector<16xi32>
      %shift_right_arithmetic3A_685 = arith.constant 1 : i32
      %shift_right_arithmetic3A_686 = vector.broadcast %shift_right_arithmetic3A_685 : i32 to vector<16xi32>
      %shift_right_arithmetic3A_687 = arith.shrsi %add3A_684, %shift_right_arithmetic3A_686 : vector<16xi32>
      %swap3A_688 = arith.constant 0 : index
      %swap3A_689 = tpu.vector_load %arg7[%swap3A_688] {strides = array<i32>} : memref<16xi32, #tpu.memory_space<vmem>>, vector<16xi32>,
      %swap3A_690 = vector.shape_cast %swap3A_689 : vector<16xi32> to vector<16xi32>
      %swap3A_691 = vector.shape_cast %shift_right_arithmetic3A_683 : vector<16xi32> to vector<16xi32>
      tpu.vector_store %arg7[%swap3A_688], %swap3A_691 {strides = array<i32>} : memref<16xi32, #tpu.memory_space<vmem>>, vector<16xi32>,
      %swap3A_692 = arith.constant 0 : index
      %swap3A_693 = tpu.vector_load %arg8[%swap3A_692] {strides = array<i32>} : memref<16xi32, #tpu.memory_space<vmem>>, vector<16xi32>,
      %swap3A_694 = vector.shape_cast %swap3A_693 : vector<16xi32> to vector<16xi32>
      %swap3A_695 = vector.shape_cast %shift_right_arithmetic3A_687 : vector<16xi32> to vector<16xi32>
      tpu.vector_store %arg8[%swap3A_692], %swap3A_695 {strides = array<i32>} : memref<16xi32, #tpu.memory_space<vmem>>, vector<16xi32>,
      %dma_start3A_696 = arith.constant 0 : i32
      %dma_start3A_697 = tpu.memref_slice %arg3[%dma_start3A_696] : memref<100000xi32, #tpu.memory_space<hbm>> -> memref<100000xi32, #tpu.memory_space<hbm>>
      tpu.enqueue_indirect_dma source(%dma_start3A_697 : memref<100000xi32, #tpu.memory_space<hbm>>) target(%arg9 : memref<16xi32, #tpu.memory_space<vmem>>) offsets(%arg7 : memref<16xi32, #tpu.memory_space<vmem>>) semaphore(%arg14 : memref<!tpu.dma_semaphore, #tpu.memory_space<semaphore_mem>>)
      %dma_start3A_698 = arith.constant 0 : i32
      %dma_start3A_699 = tpu.memref_slice %arg3[%dma_start3A_698] : memref<100000xi32, #tpu.memory_space<hbm>> -> memref<100000xi32, #tpu.memory_space<hbm>>
      tpu.enqueue_indirect_dma source(%dma_start3A_699 : memref<100000xi32, #tpu.memory_space<hbm>>) target(%arg10 : memref<16xi32, #tpu.memory_space<vmem>>) offsets(%arg8 : memref<16xi32, #tpu.memory_space<vmem>>) semaphore(%arg14 : memref<!tpu.dma_semaphore, #tpu.memory_space<semaphore_mem>>)
      %dma_wait3A_700 = arith.constant 0 : i32
      %dma_wait3A_701 = tpu.memref_slice %arg3[%dma_wait3A_700] : memref<100000xi32, #tpu.memory_space<hbm>> -> memref<100000xi32, #tpu.memory_space<hbm>>
      tpu.wait_indirect_dma semaphore(%arg14 : memref<!tpu.dma_semaphore, #tpu.memory_space<semaphore_mem>>) src(%dma_wait3A_701 : memref<100000xi32, #tpu.memory_space<hbm>>) dst(%arg9 : memref<16xi32, #tpu.memory_space<vmem>>)
      %dma_wait3A_702 = arith.constant 0 : i32
      %dma_wait3A_703 = tpu.memref_slice %arg3[%dma_wait3A_702] : memref<100000xi32, #tpu.memory_space<hbm>> -> memref<100000xi32, #tpu.memory_space<hbm>>
      tpu.wait_indirect_dma semaphore(%arg14 : memref<!tpu.dma_semaphore, #tpu.memory_space<semaphore_mem>>) src(%dma_wait3A_703 : memref<100000xi32, #tpu.memory_space<hbm>>) dst(%arg10 : memref<16xi32, #tpu.memory_space<vmem>>)
      %get3A_704 = arith.constant 0 : index
      %get3A_705 = tpu.vector_load %arg9[%get3A_704] {strides = array<i32>} : memref<16xi32, #tpu.memory_space<vmem>>, vector<16xi32>,
      %get3A_706 = vector.shape_cast %get3A_705 : vector<16xi32> to vector<16xi32>
      %get3A_707 = arith.constant 0 : index
      %get3A_708 = tpu.vector_load %arg10[%get3A_707] {strides = array<i32>} : memref<16xi32, #tpu.memory_space<vmem>>, vector<16xi32>,
      %get3A_709 = vector.shape_cast %get3A_708 : vector<16xi32> to vector<16xi32>
      %lt3A_710 = arith.cmpi slt, %get3A_706, %add3A_8 : vector<16xi32>
      %lt3A_711 = arith.cmpi slt, %get3A_709, %add3A_11 : vector<16xi32>
      %add3A_712 = arith.constant 1 : i32
      %add3A_713 = vector.broadcast %add3A_712 : i32 to vector<16xi32>
      %add3A_714 = arith.addi %shift_right_arithmetic3A_683, %add3A_713 : vector<16xi32>
      %select_n3A_715 = arith.select %lt3A_710, %add3A_714, %select_n3A_673 : vector<16xi1>, vector<16xi32>
      %select_n3A_716 = arith.select %lt3A_710, %select_n3A_674, %shift_right_arithmetic3A_683 : vector<16xi1>, vector<16xi32>
      %add3A_717 = arith.constant 1 : i32
      %add3A_718 = vector.broadcast %add3A_717 : i32 to vector<16xi32>
      %add3A_719 = arith.addi %shift_right_arithmetic3A_687, %add3A_718 : vector<16xi32>
      %select_n3A_720 = arith.select %lt3A_711, %add3A_719, %select_n3A_678 : vector<16xi1>, vector<16xi32>
      %select_n3A_721 = arith.select %lt3A_711, %select_n3A_679, %shift_right_arithmetic3A_687 : vector<16xi1>, vector<16xi32>
      %sub3A = arith.subi %select_n3A_720, %select_n3A_715 : vector<16xi32>
      %convert_element_type3A_722 = arith.sitofp %sub3A : vector<16xi32> to vector<16xf32>
      %swap3A_723 = arith.constant 0 : index
      %swap3A_724 = tpu.vector_load %arg11[%swap3A_723] {strides = array<i32>} : memref<16xf32, #tpu.memory_space<vmem>>, vector<16xf32>,
      %swap3A_725 = vector.shape_cast %swap3A_724 : vector<16xf32> to vector<16xf32>
      %swap3A_726 = vector.shape_cast %convert_element_type3A_722 : vector<16xf32> to vector<16xf32>
      tpu.vector_store %arg11[%swap3A_723], %swap3A_726 {strides = array<i32>} : memref<16xf32, #tpu.memory_space<vmem>>, vector<16xf32>,
      %mul3A_727 = arith.constant 16 : i32
      %mul3A_728 = arith.muli %mul3A_727, %arg1 : i32
      "tpu.region"() ({
        %run_scoped3A = tpu.sem_alloc : memref<!tpu.dma_semaphore, #tpu.memory_space<semaphore_mem>>
        %dma_start3A_734 = tpu.memref_slice %arg4[%arg0, %mul3A_728] : memref<2x256xf32, #tpu.memory_space<hbm>> -> memref<1x16xf32, #tpu.memory_space<hbm>>
        %dma_start3A_735 = tpu.memref_squeeze %dma_start3A_734 : memref<1x16xf32, #tpu.memory_space<hbm>> -> memref<16xf32, #tpu.memory_space<hbm>>
        %dma_start3A_736 = tpu.memref_slice %arg4[%arg0, %mul3A_728] : memref<2x256xf32, #tpu.memory_space<hbm>> -> memref<1x16xf32, #tpu.memory_space<hbm>>
        %dma_start3A_737 = tpu.memref_squeeze %dma_start3A_736 : memref<1x16xf32, #tpu.memory_space<hbm>> -> memref<16xf32, #tpu.memory_space<hbm>>
        tpu.enqueue_dma source(%arg11 : memref<16xf32, #tpu.memory_space<vmem>>) target(%dma_start3A_737 : memref<16xf32, #tpu.memory_space<hbm>>) target_semaphore(%run_scoped3A : memref<!tpu.dma_semaphore, #tpu.memory_space<semaphore_mem>>)
        %dma_wait3A_738 = tpu.memref_slice %arg4[%arg0, %mul3A_728] : memref<2x256xf32, #tpu.memory_space<hbm>> -> memref<1x16xf32, #tpu.memory_space<hbm>>
        %dma_wait3A_739 = tpu.memref_squeeze %dma_wait3A_738 : memref<1x16xf32, #tpu.memory_space<hbm>> -> memref<16xf32, #tpu.memory_space<hbm>>
        %dma_wait3A_740 = tpu.memref_slice %arg4[%arg0, %mul3A_728] : memref<2x256xf32, #tpu.memory_space<hbm>> -> memref<1x16xf32, #tpu.memory_space<hbm>>
        %dma_wait3A_741 = tpu.memref_squeeze %dma_wait3A_740 : memref<1x16xf32, #tpu.memory_space<hbm>> -> memref<16xf32, #tpu.memory_space<hbm>>
        tpu.wait_dma2 semaphore(%run_scoped3A : memref<!tpu.dma_semaphore, #tpu.memory_space<semaphore_mem>>) src(%arg11 : memref<16xf32, #tpu.memory_space<vmem>>) dst(%dma_wait3A_741 : memref<16xf32, #tpu.memory_space<hbm>>)
        tpu.yield
      }) : () -> ()
      %eq3A_729 = arith.constant 0 : i32
      %eq3A_730 = arith.cmpi eq, %arg1, %eq3A_729 : i32
      %convert_element_type3A_731 = arith.extui %eq3A_730 : i1 to i32
      %cond3A_732 = arith.constant 0 : i32
      %cond3A_733 = arith.cmpi ne, %convert_element_type3A_731, %cond3A_732 : i32
      scf.if %cond3A_733 {
        %add3A_734 = arith.constant 0 : i32
        %add3A_735 = vector.broadcast %add3A_734 : i32 to vector<16xi32>
        %add3A_736 = arith.addi %iota3A, %add3A_735 : vector<16xi32>
        %min3A = arith.constant 24 : i32
        %min3A_737 = vector.broadcast %min3A : i32 to vector<16xi32>
        %min3A_738 = arith.minsi %add3A_736, %min3A_737 : vector<16xi32>
        %mul3A_739 = arith.constant 4000 : i32
        %mul3A_740 = vector.broadcast %mul3A_739 : i32 to vector<16xi32>
        %mul3A_741 = arith.muli %min3A_738, %mul3A_740 : vector<16xi32>
        %mul3A_742 = arith.constant 4000 : i32
        %mul3A_743 = vector.broadcast %mul3A_742 : i32 to vector<16xi32>
        %mul3A_744 = arith.muli %min3A_738, %mul3A_743 : vector<16xi32>
        %add3A_745 = arith.constant 3999 : i32
        %add3A_746 = vector.broadcast %add3A_745 : i32 to vector<16xi32>
        %add3A_747 = arith.addi %mul3A_744, %add3A_746 : vector<16xi32>
        %swap3A_748 = arith.constant 0 : index
        %swap3A_749 = tpu.vector_load %arg7[%swap3A_748] {strides = array<i32>} : memref<16xi32, #tpu.memory_space<vmem>>, vector<16xi32>,
        %swap3A_750 = vector.shape_cast %swap3A_749 : vector<16xi32> to vector<16xi32>
        %swap3A_751 = vector.shape_cast %mul3A_741 : vector<16xi32> to vector<16xi32>
        tpu.vector_store %arg7[%swap3A_748], %swap3A_751 {strides = array<i32>} : memref<16xi32, #tpu.memory_space<vmem>>, vector<16xi32>,
        %swap3A_752 = arith.constant 0 : index
        %swap3A_753 = tpu.vector_load %arg8[%swap3A_752] {strides = array<i32>} : memref<16xi32, #tpu.memory_space<vmem>>, vector<16xi32>,
        %swap3A_754 = vector.shape_cast %swap3A_753 : vector<16xi32> to vector<16xi32>
        %swap3A_755 = vector.shape_cast %add3A_747 : vector<16xi32> to vector<16xi32>
        tpu.vector_store %arg8[%swap3A_752], %swap3A_755 {strides = array<i32>} : memref<16xi32, #tpu.memory_space<vmem>>, vector<16xi32>,
        %dma_start3A_756 = arith.constant 0 : i32
        %dma_start3A_757 = tpu.memref_slice %arg3[%dma_start3A_756] : memref<100000xi32, #tpu.memory_space<hbm>> -> memref<100000xi32, #tpu.memory_space<hbm>>
        tpu.enqueue_indirect_dma source(%dma_start3A_757 : memref<100000xi32, #tpu.memory_space<hbm>>) target(%arg9 : memref<16xi32, #tpu.memory_space<vmem>>) offsets(%arg7 : memref<16xi32, #tpu.memory_space<vmem>>) semaphore(%arg14 : memref<!tpu.dma_semaphore, #tpu.memory_space<semaphore_mem>>)
        %dma_start3A_758 = arith.constant 0 : i32
        %dma_start3A_759 = tpu.memref_slice %arg3[%dma_start3A_758] : memref<100000xi32, #tpu.memory_space<hbm>> -> memref<100000xi32, #tpu.memory_space<hbm>>
        tpu.enqueue_indirect_dma source(%dma_start3A_759 : memref<100000xi32, #tpu.memory_space<hbm>>) target(%arg10 : memref<16xi32, #tpu.memory_space<vmem>>) offsets(%arg8 : memref<16xi32, #tpu.memory_space<vmem>>) semaphore(%arg14 : memref<!tpu.dma_semaphore, #tpu.memory_space<semaphore_mem>>)
        %dma_wait3A_760 = arith.constant 0 : i32
        %dma_wait3A_761 = tpu.memref_slice %arg3[%dma_wait3A_760] : memref<100000xi32, #tpu.memory_space<hbm>> -> memref<100000xi32, #tpu.memory_space<hbm>>
        tpu.wait_indirect_dma semaphore(%arg14 : memref<!tpu.dma_semaphore, #tpu.memory_space<semaphore_mem>>) src(%dma_wait3A_761 : memref<100000xi32, #tpu.memory_space<hbm>>) dst(%arg9 : memref<16xi32, #tpu.memory_space<vmem>>)
        %dma_wait3A_762 = arith.constant 0 : i32
        %dma_wait3A_763 = tpu.memref_slice %arg3[%dma_wait3A_762] : memref<100000xi32, #tpu.memory_space<hbm>> -> memref<100000xi32, #tpu.memory_space<hbm>>
        tpu.wait_indirect_dma semaphore(%arg14 : memref<!tpu.dma_semaphore, #tpu.memory_space<semaphore_mem>>) src(%dma_wait3A_763 : memref<100000xi32, #tpu.memory_space<hbm>>) dst(%arg10 : memref<16xi32, #tpu.memory_space<vmem>>)
        %get3A_764 = arith.constant 0 : index
        %get3A_765 = tpu.vector_load %arg9[%get3A_764] {strides = array<i32>} : memref<16xi32, #tpu.memory_space<vmem>>, vector<16xi32>,
        %get3A_766 = vector.shape_cast %get3A_765 : vector<16xi32> to vector<16xi32>
        %get3A_767 = arith.constant 0 : index
        %get3A_768 = tpu.vector_load %arg10[%get3A_767] {strides = array<i32>} : memref<16xi32, #tpu.memory_space<vmem>>, vector<16xi32>,
        %get3A_769 = vector.shape_cast %get3A_768 : vector<16xi32> to vector<16xi32>
        %swap3A_770 = arith.constant 0 : index
        %swap3A_771 = tpu.vector_load %arg12[%swap3A_770] {strides = array<i32>} : memref<32xi32, #tpu.memory_space<vmem>>, vector<16xi32>,
        %swap3A_772 = vector.shape_cast %swap3A_771 : vector<16xi32> to vector<16xi32>
        %swap3A_773 = vector.shape_cast %get3A_766 : vector<16xi32> to vector<16xi32>
        tpu.vector_store %arg12[%swap3A_770], %swap3A_773 {strides = array<i32>} : memref<32xi32, #tpu.memory_space<vmem>>, vector<16xi32>,
        %swap3A_774 = arith.constant 0 : index
        %swap3A_775 = tpu.vector_load %arg13[%swap3A_774] {strides = array<i32>} : memref<32xi32, #tpu.memory_space<vmem>>, vector<16xi32>,
        %swap3A_776 = vector.shape_cast %swap3A_775 : vector<16xi32> to vector<16xi32>
        %swap3A_777 = vector.shape_cast %get3A_769 : vector<16xi32> to vector<16xi32>
        tpu.vector_store %arg13[%swap3A_774], %swap3A_777 {strides = array<i32>} : memref<32xi32, #tpu.memory_space<vmem>>, vector<16xi32>,
        %add3A_778 = arith.constant 16 : i32
        %add3A_779 = vector.broadcast %add3A_778 : i32 to vector<16xi32>
        %add3A_780 = arith.addi %iota3A, %add3A_779 : vector<16xi32>
        %min3A_781 = arith.constant 24 : i32
        %min3A_782 = vector.broadcast %min3A_781 : i32 to vector<16xi32>
        %min3A_783 = arith.minsi %add3A_780, %min3A_782 : vector<16xi32>
        %mul3A_784 = arith.constant 4000 : i32
        %mul3A_785 = vector.broadcast %mul3A_784 : i32 to vector<16xi32>
        %mul3A_786 = arith.muli %min3A_783, %mul3A_785 : vector<16xi32>
        %mul3A_787 = arith.constant 4000 : i32
        %mul3A_788 = vector.broadcast %mul3A_787 : i32 to vector<16xi32>
        %mul3A_789 = arith.muli %min3A_783, %mul3A_788 : vector<16xi32>
        %add3A_790 = arith.constant 3999 : i32
        %add3A_791 = vector.broadcast %add3A_790 : i32 to vector<16xi32>
        %add3A_792 = arith.addi %mul3A_789, %add3A_791 : vector<16xi32>
        %swap3A_793 = arith.constant 0 : index
        %swap3A_794 = tpu.vector_load %arg7[%swap3A_793] {strides = array<i32>} : memref<16xi32, #tpu.memory_space<vmem>>, vector<16xi32>,
        %swap3A_795 = vector.shape_cast %swap3A_794 : vector<16xi32> to vector<16xi32>
        %swap3A_796 = vector.shape_cast %mul3A_786 : vector<16xi32> to vector<16xi32>
        tpu.vector_store %arg7[%swap3A_793], %swap3A_796 {strides = array<i32>} : memref<16xi32, #tpu.memory_space<vmem>>, vector<16xi32>,
        %swap3A_797 = arith.constant 0 : index
        %swap3A_798 = tpu.vector_load %arg8[%swap3A_797] {strides = array<i32>} : memref<16xi32, #tpu.memory_space<vmem>>, vector<16xi32>,
        %swap3A_799 = vector.shape_cast %swap3A_798 : vector<16xi32> to vector<16xi32>
        %swap3A_800 = vector.shape_cast %add3A_792 : vector<16xi32> to vector<16xi32>
        tpu.vector_store %arg8[%swap3A_797], %swap3A_800 {strides = array<i32>} : memref<16xi32, #tpu.memory_space<vmem>>, vector<16xi32>,
        %dma_start3A_801 = arith.constant 0 : i32
        %dma_start3A_802 = tpu.memref_slice %arg3[%dma_start3A_801] : memref<100000xi32, #tpu.memory_space<hbm>> -> memref<100000xi32, #tpu.memory_space<hbm>>
        tpu.enqueue_indirect_dma source(%dma_start3A_802 : memref<100000xi32, #tpu.memory_space<hbm>>) target(%arg9 : memref<16xi32, #tpu.memory_space<vmem>>) offsets(%arg7 : memref<16xi32, #tpu.memory_space<vmem>>) semaphore(%arg14 : memref<!tpu.dma_semaphore, #tpu.memory_space<semaphore_mem>>)
        %dma_start3A_803 = arith.constant 0 : i32
        %dma_start3A_804 = tpu.memref_slice %arg3[%dma_start3A_803] : memref<100000xi32, #tpu.memory_space<hbm>> -> memref<100000xi32, #tpu.memory_space<hbm>>
        tpu.enqueue_indirect_dma source(%dma_start3A_804 : memref<100000xi32, #tpu.memory_space<hbm>>) target(%arg10 : memref<16xi32, #tpu.memory_space<vmem>>) offsets(%arg8 : memref<16xi32, #tpu.memory_space<vmem>>) semaphore(%arg14 : memref<!tpu.dma_semaphore, #tpu.memory_space<semaphore_mem>>)
        %dma_wait3A_805 = arith.constant 0 : i32
        %dma_wait3A_806 = tpu.memref_slice %arg3[%dma_wait3A_805] : memref<100000xi32, #tpu.memory_space<hbm>> -> memref<100000xi32, #tpu.memory_space<hbm>>
        tpu.wait_indirect_dma semaphore(%arg14 : memref<!tpu.dma_semaphore, #tpu.memory_space<semaphore_mem>>) src(%dma_wait3A_806 : memref<100000xi32, #tpu.memory_space<hbm>>) dst(%arg9 : memref<16xi32, #tpu.memory_space<vmem>>)
        %dma_wait3A_807 = arith.constant 0 : i32
        %dma_wait3A_808 = tpu.memref_slice %arg3[%dma_wait3A_807] : memref<100000xi32, #tpu.memory_space<hbm>> -> memref<100000xi32, #tpu.memory_space<hbm>>
        tpu.wait_indirect_dma semaphore(%arg14 : memref<!tpu.dma_semaphore, #tpu.memory_space<semaphore_mem>>) src(%dma_wait3A_808 : memref<100000xi32, #tpu.memory_space<hbm>>) dst(%arg10 : memref<16xi32, #tpu.memory_space<vmem>>)
        %get3A_809 = arith.constant 0 : index
        %get3A_810 = tpu.vector_load %arg9[%get3A_809] {strides = array<i32>} : memref<16xi32, #tpu.memory_space<vmem>>, vector<16xi32>,
        %get3A_811 = vector.shape_cast %get3A_810 : vector<16xi32> to vector<16xi32>
        %get3A_812 = arith.constant 0 : index
        %get3A_813 = tpu.vector_load %arg10[%get3A_812] {strides = array<i32>} : memref<16xi32, #tpu.memory_space<vmem>>, vector<16xi32>,
        %get3A_814 = vector.shape_cast %get3A_813 : vector<16xi32> to vector<16xi32>
        %swap3A_815 = arith.constant 16 : index
        %swap3A_816 = tpu.vector_load %arg12[%swap3A_815] {strides = array<i32>} : memref<32xi32, #tpu.memory_space<vmem>>, vector<16xi32>,
        %swap3A_817 = vector.shape_cast %swap3A_816 : vector<16xi32> to vector<16xi32>
        %swap3A_818 = vector.shape_cast %get3A_811 : vector<16xi32> to vector<16xi32>
        tpu.vector_store %arg12[%swap3A_815], %swap3A_818 {strides = array<i32>} : memref<32xi32, #tpu.memory_space<vmem>>, vector<16xi32>,
        %swap3A_819 = arith.constant 16 : index
        %swap3A_820 = tpu.vector_load %arg13[%swap3A_819] {strides = array<i32>} : memref<32xi32, #tpu.memory_space<vmem>>, vector<16xi32>,
        %swap3A_821 = vector.shape_cast %swap3A_820 : vector<16xi32> to vector<16xi32>
        %swap3A_822 = vector.shape_cast %get3A_814 : vector<16xi32> to vector<16xi32>
        tpu.vector_store %arg13[%swap3A_819], %swap3A_822 {strides = array<i32>} : memref<32xi32, #tpu.memory_space<vmem>>, vector<16xi32>,
        "tpu.region"() ({
          %run_scoped3A = tpu.sem_alloc : memref<!tpu.dma_semaphore, #tpu.memory_space<semaphore_mem>>
          %dma_start3A_823 = arith.constant 0 : i32
          %dma_start3A_824 = tpu.memref_slice %arg5[%arg0, %dma_start3A_823] : memref<2x32xi32, #tpu.memory_space<hbm>> -> memref<1x32xi32, #tpu.memory_space<hbm>>
          %dma_start3A_825 = tpu.memref_squeeze %dma_start3A_824 : memref<1x32xi32, #tpu.memory_space<hbm>> -> memref<32xi32, #tpu.memory_space<hbm>>
          %dma_start3A_826 = arith.constant 0 : i32
          %dma_start3A_827 = tpu.memref_slice %arg5[%arg0, %dma_start3A_826] : memref<2x32xi32, #tpu.memory_space<hbm>> -> memref<1x32xi32, #tpu.memory_space<hbm>>
          %dma_start3A_828 = tpu.memref_squeeze %dma_start3A_827 : memref<1x32xi32, #tpu.memory_space<hbm>> -> memref<32xi32, #tpu.memory_space<hbm>>
          tpu.enqueue_dma source(%arg12 : memref<32xi32, #tpu.memory_space<vmem>>) target(%dma_start3A_828 : memref<32xi32, #tpu.memory_space<hbm>>) target_semaphore(%run_scoped3A : memref<!tpu.dma_semaphore, #tpu.memory_space<semaphore_mem>>)
          %dma_wait3A_829 = arith.constant 0 : i32
          %dma_wait3A_830 = tpu.memref_slice %arg5[%arg0, %dma_wait3A_829] : memref<2x32xi32, #tpu.memory_space<hbm>> -> memref<1x32xi32, #tpu.memory_space<hbm>>
          %dma_wait3A_831 = tpu.memref_squeeze %dma_wait3A_830 : memref<1x32xi32, #tpu.memory_space<hbm>> -> memref<32xi32, #tpu.memory_space<hbm>>
          %dma_wait3A_832 = arith.constant 0 : i32
          %dma_wait3A_833 = tpu.memref_slice %arg5[%arg0, %dma_wait3A_832] : memref<2x32xi32, #tpu.memory_space<hbm>> -> memref<1x32xi32, #tpu.memory_space<hbm>>
          %dma_wait3A_834 = tpu.memref_squeeze %dma_wait3A_833 : memref<1x32xi32, #tpu.memory_space<hbm>> -> memref<32xi32, #tpu.memory_space<hbm>>
          tpu.wait_dma2 semaphore(%run_scoped3A : memref<!tpu.dma_semaphore, #tpu.memory_space<semaphore_mem>>) src(%arg12 : memref<32xi32, #tpu.memory_space<vmem>>) dst(%dma_wait3A_834 : memref<32xi32, #tpu.memory_space<hbm>>)
          tpu.yield
        }) : () -> ()
        "tpu.region"() ({
          %run_scoped3A = tpu.sem_alloc : memref<!tpu.dma_semaphore, #tpu.memory_space<semaphore_mem>>
          %dma_start3A_823 = arith.constant 0 : i32
          %dma_start3A_824 = tpu.memref_slice %arg6[%arg0, %dma_start3A_823] : memref<2x32xi32, #tpu.memory_space<hbm>> -> memref<1x32xi32, #tpu.memory_space<hbm>>
          %dma_start3A_825 = tpu.memref_squeeze %dma_start3A_824 : memref<1x32xi32, #tpu.memory_space<hbm>> -> memref<32xi32, #tpu.memory_space<hbm>>
          %dma_start3A_826 = arith.constant 0 : i32
          %dma_start3A_827 = tpu.memref_slice %arg6[%arg0, %dma_start3A_826] : memref<2x32xi32, #tpu.memory_space<hbm>> -> memref<1x32xi32, #tpu.memory_space<hbm>>
          %dma_start3A_828 = tpu.memref_squeeze %dma_start3A_827 : memref<1x32xi32, #tpu.memory_space<hbm>> -> memref<32xi32, #tpu.memory_space<hbm>>
          tpu.enqueue_dma source(%arg13 : memref<32xi32, #tpu.memory_space<vmem>>) target(%dma_start3A_828 : memref<32xi32, #tpu.memory_space<hbm>>) target_semaphore(%run_scoped3A : memref<!tpu.dma_semaphore, #tpu.memory_space<semaphore_mem>>)
          %dma_wait3A_829 = arith.constant 0 : i32
          %dma_wait3A_830 = tpu.memref_slice %arg6[%arg0, %dma_wait3A_829] : memref<2x32xi32, #tpu.memory_space<hbm>> -> memref<1x32xi32, #tpu.memory_space<hbm>>
          %dma_wait3A_831 = tpu.memref_squeeze %dma_wait3A_830 : memref<1x32xi32, #tpu.memory_space<hbm>> -> memref<32xi32, #tpu.memory_space<hbm>>
          %dma_wait3A_832 = arith.constant 0 : i32
          %dma_wait3A_833 = tpu.memref_slice %arg6[%arg0, %dma_wait3A_832] : memref<2x32xi32, #tpu.memory_space<hbm>> -> memref<1x32xi32, #tpu.memory_space<hbm>>
          %dma_wait3A_834 = tpu.memref_squeeze %dma_wait3A_833 : memref<1x32xi32, #tpu.memory_space<hbm>> -> memref<32xi32, #tpu.memory_space<hbm>>
          tpu.wait_dma2 semaphore(%run_scoped3A : memref<!tpu.dma_semaphore, #tpu.memory_space<semaphore_mem>>) src(%arg13 : memref<32xi32, #tpu.memory_space<vmem>>) dst(%dma_wait3A_834 : memref<32xi32, #tpu.memory_space<hbm>>)
          tpu.yield
        }) : () -> ()
      } else {
      }
    } else {
    }
    return
  }
}

module attributes {stable_mosaic.version = 14 : i64} {
  func.func @body(%arg0: i32, %arg1: memref<2x25xi32, #tpu.memory_space<smem>>, %arg2: memref<2x25xi32, #tpu.memory_space<smem>>, %arg3: memref<1x1x4000xi32, #tpu.memory_space<vmem>>, %arg4: memref<1x1x4000xi32, #tpu.memory_space<vmem>>, %arg5: memref<4000x128xf32, #tpu.memory_space<vmem>>, %arg6: memref<4000x128xf32, #tpu.memory_space<vmem>>, %arg7: memref<256x128xf32, #tpu.memory_space<vmem>>, %arg8: memref<256x128xf32, #tpu.memory_space<vmem>>, %arg9: memref<128x128xf32, #tpu.memory_space<vmem>>, %arg10: memref<128x128xf32, #tpu.memory_space<vmem>>, %arg11: memref<1x128xf32, #tpu.memory_space<vmem>>, %arg12: memref<128x128xf32, #tpu.memory_space<vmem>>, %arg13: memref<128x128xf32, #tpu.memory_space<vmem>>, %arg14: memref<1x128xf32, #tpu.memory_space<vmem>>, %arg15: memref<256x128xf32, #tpu.memory_space<vmem>>, %arg16: memref<256x128xf32, #tpu.memory_space<vmem>>, %arg17: memref<272x128xf32, #tpu.memory_space<vmem>>, %arg18: memref<272x128xf32, #tpu.memory_space<vmem>>, %arg19: memref<272x128xf32, #tpu.memory_space<vmem>>, %arg20: memref<272x128xf32, #tpu.memory_space<vmem>>) attributes {dimension_semantics = [#tpu.dimension_semantics<arbitrary>], iteration_bounds = array<i64: 25>, scalar_prefetch = 0 : i64, scratch_operands = 4 : i64, tpu.core_type = #tpu.core_type<tc>, window_params = [{transform_indices = @transform_0, window_bounds = array<i64: 2, 25>}, {transform_indices = @transform_1, window_bounds = array<i64: 2, 25>}, {transform_indices = @transform_2, window_bounds = array<i64: 1, 1, 4000>}, {transform_indices = @transform_3, window_bounds = array<i64: 1, 1, 4000>}, {transform_indices = @transform_4, window_bounds = array<i64: 4000, 128>}, {transform_indices = @transform_5, window_bounds = array<i64: 4000, 128>}, {pipeline_mode = #tpu.pipeline_mode<synchronous>, transform_indices = @transform_6, window_bounds = array<i64: 256, 128>}, {pipeline_mode = #tpu.pipeline_mode<synchronous>, transform_indices = @transform_7, window_bounds = array<i64: 256, 128>}, {pipeline_mode = #tpu.pipeline_mode<synchronous>, transform_indices = @transform_8, window_bounds = array<i64: 128, 128>}, {pipeline_mode = #tpu.pipeline_mode<synchronous>, transform_indices = @transform_9, window_bounds = array<i64: 128, 128>}, {pipeline_mode = #tpu.pipeline_mode<synchronous>, transform_indices = @transform_10, window_bounds = array<i64: 1, 128>}, {pipeline_mode = #tpu.pipeline_mode<synchronous>, transform_indices = @transform_11, window_bounds = array<i64: 128, 128>}, {pipeline_mode = #tpu.pipeline_mode<synchronous>, transform_indices = @transform_12, window_bounds = array<i64: 128, 128>}, {pipeline_mode = #tpu.pipeline_mode<synchronous>, transform_indices = @transform_13, window_bounds = array<i64: 1, 128>}, {pipeline_mode = #tpu.pipeline_mode<synchronous>, transform_indices = @transform_14, window_bounds = array<i64: 256, 128>}, {pipeline_mode = #tpu.pipeline_mode<synchronous>, transform_indices = @transform_15, window_bounds = array<i64: 256, 128>}]} {
    %eq3A = arith.constant 0 : i32
    %eq3A_0 = arith.cmpi eq, %arg0, %eq3A : i32
    %convert_element_type3A = arith.extui %eq3A_0 : i1 to i32
    %cond3A = arith.constant 0 : i32
    %cond3A_1 = arith.cmpi ne, %convert_element_type3A, %cond3A : i32
    scf.if %cond3A_1 {
      %broadcast_in_dim3A = arith.constant 0.000000e+00 : f32
      %broadcast_in_dim3A_38 = vector.broadcast %broadcast_in_dim3A : f32 to vector<272x128xf32>
      %swap3A = arith.constant 0 : index
      %swap3A_39 = arith.constant 0 : index
      %swap3A_40 = vector.load %arg17[%swap3A, %swap3A_39] : memref<272x128xf32, #tpu.memory_space<vmem>>, vector<272x128xf32>
      tpu.vector_store %arg17[%swap3A, %swap3A_39], %broadcast_in_dim3A_38 {strides = array<i32>} : memref<272x128xf32, #tpu.memory_space<vmem>>, vector<272x128xf32>,
      %broadcast_in_dim3A_41 = arith.constant 0.000000e+00 : f32
      %broadcast_in_dim3A_42 = vector.broadcast %broadcast_in_dim3A_41 : f32 to vector<272x128xf32>
      %swap3A_43 = arith.constant 0 : index
      %swap3A_44 = arith.constant 0 : index
      %swap3A_45 = vector.load %arg18[%swap3A_43, %swap3A_44] : memref<272x128xf32, #tpu.memory_space<vmem>>, vector<272x128xf32>
      tpu.vector_store %arg18[%swap3A_43, %swap3A_44], %broadcast_in_dim3A_42 {strides = array<i32>} : memref<272x128xf32, #tpu.memory_space<vmem>>, vector<272x128xf32>,
      %get3A_46 = arith.constant 0 : index
      %get3A_47 = arith.constant 0 : index
      %get3A_48 = vector.load %arg7[%get3A_46, %get3A_47] : memref<256x128xf32, #tpu.memory_space<vmem>>, vector<256x128xf32>
      %get3A_49 = arith.constant 0 : index
      %get3A_50 = arith.constant 0 : index
      %get3A_51 = vector.load %arg10[%get3A_49, %get3A_50] : memref<128x128xf32, #tpu.memory_space<vmem>>, vector<128x128xf32>
      %dot_general3A = arith.constant dense<0.000000e+00> : vector<256x128xf32>
      %dot_general3A_52 = tpu.matmul %get3A_48, %get3A_51, %dot_general3A {dimension_numbers = #tpu.dot_dimension_numbers<[1], [0], [0], [1], [0, 0, 1, 1], [], []>, transpose_lhs_hint = false} : vector<256x128xf32>, vector<128x128xf32>, vector<256x128xf32> -> vector<256x128xf32>
      %get3A_53 = arith.constant 0 : index
      %get3A_54 = arith.constant 0 : index
      %get3A_55 = vector.load %arg11[%get3A_53, %get3A_54] : memref<1x128xf32, #tpu.memory_space<vmem>>, vector<1x128xf32>
      %add3A = vector.broadcast %get3A_55 : vector<1x128xf32> to vector<256x128xf32>
      %add3A_56 = arith.addf %dot_general3A_52, %add3A : vector<256x128xf32>
      %swap3A_57 = arith.constant 0 : index
      %swap3A_58 = arith.constant 0 : index
      %swap3A_59 = vector.load %arg17[%swap3A_57, %swap3A_58] : memref<272x128xf32, #tpu.memory_space<vmem>>, vector<256x128xf32>
      tpu.vector_store %arg17[%swap3A_57, %swap3A_58], %add3A_56 {strides = array<i32>} : memref<272x128xf32, #tpu.memory_space<vmem>>, vector<256x128xf32>,
      %get3A_60 = arith.constant 0 : index
      %get3A_61 = arith.constant 0 : index
      %get3A_62 = vector.load %arg8[%get3A_60, %get3A_61] : memref<256x128xf32, #tpu.memory_space<vmem>>, vector<256x128xf32>
      %get3A_63 = arith.constant 0 : index
      %get3A_64 = arith.constant 0 : index
      %get3A_65 = vector.load %arg13[%get3A_63, %get3A_64] : memref<128x128xf32, #tpu.memory_space<vmem>>, vector<128x128xf32>
      %dot_general3A_66 = arith.constant dense<0.000000e+00> : vector<256x128xf32>
      %dot_general3A_67 = tpu.matmul %get3A_62, %get3A_65, %dot_general3A_66 {dimension_numbers = #tpu.dot_dimension_numbers<[1], [0], [0], [1], [0, 0, 1, 1], [], []>, transpose_lhs_hint = false} : vector<256x128xf32>, vector<128x128xf32>, vector<256x128xf32> -> vector<256x128xf32>
      %get3A_68 = arith.constant 0 : index
      %get3A_69 = arith.constant 0 : index
      %get3A_70 = vector.load %arg14[%get3A_68, %get3A_69] : memref<1x128xf32, #tpu.memory_space<vmem>>, vector<1x128xf32>
      %add3A_71 = vector.broadcast %get3A_70 : vector<1x128xf32> to vector<256x128xf32>
      %add3A_72 = arith.addf %dot_general3A_67, %add3A_71 : vector<256x128xf32>
      %swap3A_73 = arith.constant 0 : index
      %swap3A_74 = arith.constant 0 : index
      %swap3A_75 = vector.load %arg18[%swap3A_73, %swap3A_74] : memref<272x128xf32, #tpu.memory_space<vmem>>, vector<256x128xf32>
      tpu.vector_store %arg18[%swap3A_73, %swap3A_74], %add3A_72 {strides = array<i32>} : memref<272x128xf32, #tpu.memory_space<vmem>>, vector<256x128xf32>,
      %broadcast_in_dim3A_76 = arith.constant 0.000000e+00 : f32
      %broadcast_in_dim3A_77 = vector.broadcast %broadcast_in_dim3A_76 : f32 to vector<272x128xf32>
      %swap3A_78 = arith.constant 0 : index
      %swap3A_79 = arith.constant 0 : index
      %swap3A_80 = vector.load %arg19[%swap3A_78, %swap3A_79] : memref<272x128xf32, #tpu.memory_space<vmem>>, vector<272x128xf32>
      tpu.vector_store %arg19[%swap3A_78, %swap3A_79], %broadcast_in_dim3A_77 {strides = array<i32>} : memref<272x128xf32, #tpu.memory_space<vmem>>, vector<272x128xf32>,
      %broadcast_in_dim3A_81 = arith.constant 0.000000e+00 : f32
      %broadcast_in_dim3A_82 = vector.broadcast %broadcast_in_dim3A_81 : f32 to vector<272x128xf32>
      %swap3A_83 = arith.constant 0 : index
      %swap3A_84 = arith.constant 0 : index
      %swap3A_85 = vector.load %arg20[%swap3A_83, %swap3A_84] : memref<272x128xf32, #tpu.memory_space<vmem>>, vector<272x128xf32>
      tpu.vector_store %arg20[%swap3A_83, %swap3A_84], %broadcast_in_dim3A_82 {strides = array<i32>} : memref<272x128xf32, #tpu.memory_space<vmem>>, vector<272x128xf32>,
    } else {
    }
    %iota3A = tpu.iota {dimensions = array<i32: 0>} : vector<16x4000xi32>
    %iota3A_2 = tpu.iota {dimensions = array<i32: 0>} : vector<256x4000xi32>
    %get3A = arith.constant 0 : index
    %get3A_3 = arith.index_cast %arg0 : i32 to index
    %get3A_4 = memref.load %arg1[%get3A, %get3A_3] : memref<2x25xi32, #tpu.memory_space<smem>>
    %get3A_5 = arith.constant 0 : index
    %get3A_6 = arith.index_cast %arg0 : i32 to index
    %get3A_7 = memref.load %arg2[%get3A_5, %get3A_6] : memref<2x25xi32, #tpu.memory_space<smem>>
    %sub3A = arith.subi %get3A_7, %get3A_4 : i32
    %lt3A = arith.constant 16 : i32
    %lt3A_8 = arith.cmpi slt, %sub3A, %lt3A : i32
    %convert_element_type3A_9 = arith.extui %lt3A_8 : i1 to i32
    %cond3A_10 = arith.constant 0 : i32
    %cond3A_11 = arith.cmpi ne, %convert_element_type3A_9, %cond3A_10 : i32
    scf.if %cond3A_11 {
      %get3A_38 = arith.constant 0 : index
      %get3A_39 = arith.constant 0 : index
      %get3A_40 = arith.constant 0 : index
      %get3A_41 = vector.load %arg3[%get3A_38, %get3A_39, %get3A_40] : memref<1x1x4000xi32, #tpu.memory_space<vmem>>, vector<1x1x4000xi32>
      %get3A_42 = vector.shape_cast %get3A_41 : vector<1x1x4000xi32> to vector<1x4000xi32>
      %add3A = vector.broadcast %get3A_4 : i32 to vector<16x4000xi32>
      %add3A_43 = arith.addi %iota3A, %add3A : vector<16x4000xi32>
      %eq3A_44 = vector.broadcast %get3A_42 : vector<1x4000xi32> to vector<16x4000xi32>
      %eq3A_45 = arith.cmpi eq, %eq3A_44, %add3A_43 : vector<16x4000xi32>
      %convert_element_type3A_46 = arith.extui %eq3A_45 : vector<16x4000xi1> to vector<16x4000xi32>
      %convert_element_type3A_47 = arith.sitofp %convert_element_type3A_46 : vector<16x4000xi32> to vector<16x4000xf32>
      %transpose3A = tpu.transpose %convert_element_type3A_47, [1, 0] : vector<16x4000xf32> -> vector<4000x16xf32>
      %get3A_48 = arith.constant 0 : index
      %get3A_49 = arith.constant 0 : index
      %get3A_50 = vector.load %arg5[%get3A_48, %get3A_49] : memref<4000x128xf32, #tpu.memory_space<vmem>>, vector<4000x128xf32>
      %get3A_51 = arith.constant 0 : index
      %get3A_52 = arith.constant 0 : index
      %get3A_53 = vector.load %arg9[%get3A_51, %get3A_52] : memref<128x128xf32, #tpu.memory_space<vmem>>, vector<128x128xf32>
      %dot_general3A = arith.constant dense<0.000000e+00> : vector<4000x128xf32>
      %dot_general3A_54 = tpu.matmul %get3A_50, %get3A_53, %dot_general3A {dimension_numbers = #tpu.dot_dimension_numbers<[1], [0], [0], [1], [0, 0, 1, 1], [], []>, transpose_lhs_hint = false} : vector<4000x128xf32>, vector<128x128xf32>, vector<4000x128xf32> -> vector<4000x128xf32>
      %get3A_55 = arith.index_cast %get3A_4 : i32 to index
      %get3A_56 = arith.constant 0 : index
      %get3A_57 = vector.load %arg17[%get3A_55, %get3A_56] : memref<272x128xf32, #tpu.memory_space<vmem>>, vector<16x128xf32>
      %dot_general3A_58 = arith.constant dense<0.000000e+00> : vector<4000x128xf32>
      %dot_general3A_59 = tpu.matmul %transpose3A, %get3A_57, %dot_general3A_58 {dimension_numbers = #tpu.dot_dimension_numbers<[1], [0], [0], [1], [0, 0, 1, 1], [], []>, transpose_lhs_hint = false} : vector<4000x16xf32>, vector<16x128xf32>, vector<4000x128xf32> -> vector<4000x128xf32>
      %add3A_60 = arith.addf %dot_general3A_54, %dot_general3A_59 : vector<4000x128xf32>
      %max3A = arith.constant 0.000000e+00 : f32
      %max3A_61 = vector.broadcast %max3A : f32 to vector<4000x128xf32>
      %max3A_62 = arith.maximumf %add3A_60, %max3A_61 : vector<4000x128xf32>
      %get3A_63 = arith.index_cast %get3A_4 : i32 to index
      %get3A_64 = arith.constant 0 : index
      %get3A_65 = vector.load %arg19[%get3A_63, %get3A_64] : memref<272x128xf32, #tpu.memory_space<vmem>>, vector<16x128xf32>
      %dot_general3A_66 = arith.constant dense<0.000000e+00> : vector<16x128xf32>
      %dot_general3A_67 = tpu.matmul %convert_element_type3A_47, %max3A_62, %dot_general3A_66 {dimension_numbers = #tpu.dot_dimension_numbers<[1], [0], [0], [1], [0, 0, 1, 1], [], []>, transpose_lhs_hint = false} : vector<16x4000xf32>, vector<4000x128xf32>, vector<16x128xf32> -> vector<16x128xf32>
      %add3A_68 = arith.addf %get3A_65, %dot_general3A_67 : vector<16x128xf32>
      %swap3A = arith.index_cast %get3A_4 : i32 to index
      %swap3A_69 = arith.constant 0 : index
      %swap3A_70 = vector.load %arg19[%swap3A, %swap3A_69] : memref<272x128xf32, #tpu.memory_space<vmem>>, vector<16x128xf32>
      tpu.vector_store %arg19[%swap3A, %swap3A_69], %add3A_68 {strides = array<i32>} : memref<272x128xf32, #tpu.memory_space<vmem>>, vector<16x128xf32>,
    } else {
    }
    %not3A = arith.constant true
    %not3A_12 = arith.xori %lt3A_8, %not3A : i1
    %convert_element_type3A_13 = arith.extui %not3A_12 : i1 to i32
    %cond3A_14 = arith.constant 0 : i32
    %cond3A_15 = arith.cmpi ne, %convert_element_type3A_13, %cond3A_14 : i32
    scf.if %cond3A_15 {
      %get3A_38 = arith.constant 0 : index
      %get3A_39 = arith.constant 0 : index
      %get3A_40 = arith.constant 0 : index
      %get3A_41 = vector.load %arg3[%get3A_38, %get3A_39, %get3A_40] : memref<1x1x4000xi32, #tpu.memory_space<vmem>>, vector<1x1x4000xi32>
      %get3A_42 = vector.shape_cast %get3A_41 : vector<1x1x4000xi32> to vector<1x4000xi32>
      %eq3A_43 = vector.broadcast %get3A_42 : vector<1x4000xi32> to vector<256x4000xi32>
      %eq3A_44 = arith.cmpi eq, %eq3A_43, %iota3A_2 : vector<256x4000xi32>
      %convert_element_type3A_45 = arith.extui %eq3A_44 : vector<256x4000xi1> to vector<256x4000xi32>
      %convert_element_type3A_46 = arith.sitofp %convert_element_type3A_45 : vector<256x4000xi32> to vector<256x4000xf32>
      %transpose3A = tpu.transpose %convert_element_type3A_46, [1, 0] : vector<256x4000xf32> -> vector<4000x256xf32>
      %get3A_47 = arith.constant 0 : index
      %get3A_48 = arith.constant 0 : index
      %get3A_49 = vector.load %arg5[%get3A_47, %get3A_48] : memref<4000x128xf32, #tpu.memory_space<vmem>>, vector<4000x128xf32>
      %get3A_50 = arith.constant 0 : index
      %get3A_51 = arith.constant 0 : index
      %get3A_52 = vector.load %arg9[%get3A_50, %get3A_51] : memref<128x128xf32, #tpu.memory_space<vmem>>, vector<128x128xf32>
      %dot_general3A = arith.constant dense<0.000000e+00> : vector<4000x128xf32>
      %dot_general3A_53 = tpu.matmul %get3A_49, %get3A_52, %dot_general3A {dimension_numbers = #tpu.dot_dimension_numbers<[1], [0], [0], [1], [0, 0, 1, 1], [], []>, transpose_lhs_hint = false} : vector<4000x128xf32>, vector<128x128xf32>, vector<4000x128xf32> -> vector<4000x128xf32>
      %get3A_54 = arith.constant 0 : index
      %get3A_55 = arith.constant 0 : index
      %get3A_56 = vector.load %arg17[%get3A_54, %get3A_55] : memref<272x128xf32, #tpu.memory_space<vmem>>, vector<256x128xf32>
      %dot_general3A_57 = arith.constant dense<0.000000e+00> : vector<4000x128xf32>
      %dot_general3A_58 = tpu.matmul %transpose3A, %get3A_56, %dot_general3A_57 {dimension_numbers = #tpu.dot_dimension_numbers<[1], [0], [0], [1], [0, 0, 1, 1], [], []>, transpose_lhs_hint = false} : vector<4000x256xf32>, vector<256x128xf32>, vector<4000x128xf32> -> vector<4000x128xf32>
      %add3A = arith.addf %dot_general3A_53, %dot_general3A_58 : vector<4000x128xf32>
      %max3A = arith.constant 0.000000e+00 : f32
      %max3A_59 = vector.broadcast %max3A : f32 to vector<4000x128xf32>
      %max3A_60 = arith.maximumf %add3A, %max3A_59 : vector<4000x128xf32>
      %get3A_61 = arith.constant 0 : index
      %get3A_62 = arith.constant 0 : index
      %get3A_63 = vector.load %arg19[%get3A_61, %get3A_62] : memref<272x128xf32, #tpu.memory_space<vmem>>, vector<256x128xf32>
      %dot_general3A_64 = arith.constant dense<0.000000e+00> : vector<256x128xf32>
      %dot_general3A_65 = tpu.matmul %convert_element_type3A_46, %max3A_60, %dot_general3A_64 {dimension_numbers = #tpu.dot_dimension_numbers<[1], [0], [0], [1], [0, 0, 1, 1], [], []>, transpose_lhs_hint = false} : vector<256x4000xf32>, vector<4000x128xf32>, vector<256x128xf32> -> vector<256x128xf32>
      %add3A_66 = arith.addf %get3A_63, %dot_general3A_65 : vector<256x128xf32>
      %swap3A = arith.constant 0 : index
      %swap3A_67 = arith.constant 0 : index
      %swap3A_68 = vector.load %arg19[%swap3A, %swap3A_67] : memref<272x128xf32, #tpu.memory_space<vmem>>, vector<256x128xf32>
      tpu.vector_store %arg19[%swap3A, %swap3A_67], %add3A_66 {strides = array<i32>} : memref<272x128xf32, #tpu.memory_space<vmem>>, vector<256x128xf32>,
    } else {
    }
    %get3A_16 = arith.constant 1 : index
    %get3A_17 = arith.index_cast %arg0 : i32 to index
    %get3A_18 = memref.load %arg1[%get3A_16, %get3A_17] : memref<2x25xi32, #tpu.memory_space<smem>>
    %get3A_19 = arith.constant 1 : index
    %get3A_20 = arith.index_cast %arg0 : i32 to index
    %get3A_21 = memref.load %arg2[%get3A_19, %get3A_20] : memref<2x25xi32, #tpu.memory_space<smem>>
    %sub3A_22 = arith.subi %get3A_21, %get3A_18 : i32
    %lt3A_23 = arith.constant 16 : i32
    %lt3A_24 = arith.cmpi slt, %sub3A_22, %lt3A_23 : i32
    %convert_element_type3A_25 = arith.extui %lt3A_24 : i1 to i32
    %cond3A_26 = arith.constant 0 : i32
    %cond3A_27 = arith.cmpi ne, %convert_element_type3A_25, %cond3A_26 : i32
    scf.if %cond3A_27 {
      %get3A_38 = arith.constant 0 : index
      %get3A_39 = arith.constant 0 : index
      %get3A_40 = arith.constant 0 : index
      %get3A_41 = vector.load %arg4[%get3A_38, %get3A_39, %get3A_40] : memref<1x1x4000xi32, #tpu.memory_space<vmem>>, vector<1x1x4000xi32>
      %get3A_42 = vector.shape_cast %get3A_41 : vector<1x1x4000xi32> to vector<1x4000xi32>
      %add3A = vector.broadcast %get3A_18 : i32 to vector<16x4000xi32>
      %add3A_43 = arith.addi %iota3A, %add3A : vector<16x4000xi32>
      %eq3A_44 = vector.broadcast %get3A_42 : vector<1x4000xi32> to vector<16x4000xi32>
      %eq3A_45 = arith.cmpi eq, %eq3A_44, %add3A_43 : vector<16x4000xi32>
      %convert_element_type3A_46 = arith.extui %eq3A_45 : vector<16x4000xi1> to vector<16x4000xi32>
      %convert_element_type3A_47 = arith.sitofp %convert_element_type3A_46 : vector<16x4000xi32> to vector<16x4000xf32>
      %transpose3A = tpu.transpose %convert_element_type3A_47, [1, 0] : vector<16x4000xf32> -> vector<4000x16xf32>
      %get3A_48 = arith.constant 0 : index
      %get3A_49 = arith.constant 0 : index
      %get3A_50 = vector.load %arg6[%get3A_48, %get3A_49] : memref<4000x128xf32, #tpu.memory_space<vmem>>, vector<4000x128xf32>
      %get3A_51 = arith.constant 0 : index
      %get3A_52 = arith.constant 0 : index
      %get3A_53 = vector.load %arg12[%get3A_51, %get3A_52] : memref<128x128xf32, #tpu.memory_space<vmem>>, vector<128x128xf32>
      %dot_general3A = arith.constant dense<0.000000e+00> : vector<4000x128xf32>
      %dot_general3A_54 = tpu.matmul %get3A_50, %get3A_53, %dot_general3A {dimension_numbers = #tpu.dot_dimension_numbers<[1], [0], [0], [1], [0, 0, 1, 1], [], []>, transpose_lhs_hint = false} : vector<4000x128xf32>, vector<128x128xf32>, vector<4000x128xf32> -> vector<4000x128xf32>
      %get3A_55 = arith.index_cast %get3A_18 : i32 to index
      %get3A_56 = arith.constant 0 : index
      %get3A_57 = vector.load %arg18[%get3A_55, %get3A_56] : memref<272x128xf32, #tpu.memory_space<vmem>>, vector<16x128xf32>
      %dot_general3A_58 = arith.constant dense<0.000000e+00> : vector<4000x128xf32>
      %dot_general3A_59 = tpu.matmul %transpose3A, %get3A_57, %dot_general3A_58 {dimension_numbers = #tpu.dot_dimension_numbers<[1], [0], [0], [1], [0, 0, 1, 1], [], []>, transpose_lhs_hint = false} : vector<4000x16xf32>, vector<16x128xf32>, vector<4000x128xf32> -> vector<4000x128xf32>
      %add3A_60 = arith.addf %dot_general3A_54, %dot_general3A_59 : vector<4000x128xf32>
      %max3A = arith.constant 0.000000e+00 : f32
      %max3A_61 = vector.broadcast %max3A : f32 to vector<4000x128xf32>
      %max3A_62 = arith.maximumf %add3A_60, %max3A_61 : vector<4000x128xf32>
      %get3A_63 = arith.index_cast %get3A_18 : i32 to index
      %get3A_64 = arith.constant 0 : index
      %get3A_65 = vector.load %arg20[%get3A_63, %get3A_64] : memref<272x128xf32, #tpu.memory_space<vmem>>, vector<16x128xf32>
      %dot_general3A_66 = arith.constant dense<0.000000e+00> : vector<16x128xf32>
      %dot_general3A_67 = tpu.matmul %convert_element_type3A_47, %max3A_62, %dot_general3A_66 {dimension_numbers = #tpu.dot_dimension_numbers<[1], [0], [0], [1], [0, 0, 1, 1], [], []>, transpose_lhs_hint = false} : vector<16x4000xf32>, vector<4000x128xf32>, vector<16x128xf32> -> vector<16x128xf32>
      %add3A_68 = arith.addf %get3A_65, %dot_general3A_67 : vector<16x128xf32>
      %swap3A = arith.index_cast %get3A_18 : i32 to index
      %swap3A_69 = arith.constant 0 : index
      %swap3A_70 = vector.load %arg20[%swap3A, %swap3A_69] : memref<272x128xf32, #tpu.memory_space<vmem>>, vector<16x128xf32>
      tpu.vector_store %arg20[%swap3A, %swap3A_69], %add3A_68 {strides = array<i32>} : memref<272x128xf32, #tpu.memory_space<vmem>>, vector<16x128xf32>,
    } else {
    }
    %not3A_28 = arith.constant true
    %not3A_29 = arith.xori %lt3A_24, %not3A_28 : i1
    %convert_element_type3A_30 = arith.extui %not3A_29 : i1 to i32
    %cond3A_31 = arith.constant 0 : i32
    %cond3A_32 = arith.cmpi ne, %convert_element_type3A_30, %cond3A_31 : i32
    scf.if %cond3A_32 {
      %get3A_38 = arith.constant 0 : index
      %get3A_39 = arith.constant 0 : index
      %get3A_40 = arith.constant 0 : index
      %get3A_41 = vector.load %arg4[%get3A_38, %get3A_39, %get3A_40] : memref<1x1x4000xi32, #tpu.memory_space<vmem>>, vector<1x1x4000xi32>
      %get3A_42 = vector.shape_cast %get3A_41 : vector<1x1x4000xi32> to vector<1x4000xi32>
      %eq3A_43 = vector.broadcast %get3A_42 : vector<1x4000xi32> to vector<256x4000xi32>
      %eq3A_44 = arith.cmpi eq, %eq3A_43, %iota3A_2 : vector<256x4000xi32>
      %convert_element_type3A_45 = arith.extui %eq3A_44 : vector<256x4000xi1> to vector<256x4000xi32>
      %convert_element_type3A_46 = arith.sitofp %convert_element_type3A_45 : vector<256x4000xi32> to vector<256x4000xf32>
      %transpose3A = tpu.transpose %convert_element_type3A_46, [1, 0] : vector<256x4000xf32> -> vector<4000x256xf32>
      %get3A_47 = arith.constant 0 : index
      %get3A_48 = arith.constant 0 : index
      %get3A_49 = vector.load %arg6[%get3A_47, %get3A_48] : memref<4000x128xf32, #tpu.memory_space<vmem>>, vector<4000x128xf32>
      %get3A_50 = arith.constant 0 : index
      %get3A_51 = arith.constant 0 : index
      %get3A_52 = vector.load %arg12[%get3A_50, %get3A_51] : memref<128x128xf32, #tpu.memory_space<vmem>>, vector<128x128xf32>
      %dot_general3A = arith.constant dense<0.000000e+00> : vector<4000x128xf32>
      %dot_general3A_53 = tpu.matmul %get3A_49, %get3A_52, %dot_general3A {dimension_numbers = #tpu.dot_dimension_numbers<[1], [0], [0], [1], [0, 0, 1, 1], [], []>, transpose_lhs_hint = false} : vector<4000x128xf32>, vector<128x128xf32>, vector<4000x128xf32> -> vector<4000x128xf32>
      %get3A_54 = arith.constant 0 : index
      %get3A_55 = arith.constant 0 : index
      %get3A_56 = vector.load %arg18[%get3A_54, %get3A_55] : memref<272x128xf32, #tpu.memory_space<vmem>>, vector<256x128xf32>
      %dot_general3A_57 = arith.constant dense<0.000000e+00> : vector<4000x128xf32>
      %dot_general3A_58 = tpu.matmul %transpose3A, %get3A_56, %dot_general3A_57 {dimension_numbers = #tpu.dot_dimension_numbers<[1], [0], [0], [1], [0, 0, 1, 1], [], []>, transpose_lhs_hint = false} : vector<4000x256xf32>, vector<256x128xf32>, vector<4000x128xf32> -> vector<4000x128xf32>
      %add3A = arith.addf %dot_general3A_53, %dot_general3A_58 : vector<4000x128xf32>
      %max3A = arith.constant 0.000000e+00 : f32
      %max3A_59 = vector.broadcast %max3A : f32 to vector<4000x128xf32>
      %max3A_60 = arith.maximumf %add3A, %max3A_59 : vector<4000x128xf32>
      %get3A_61 = arith.constant 0 : index
      %get3A_62 = arith.constant 0 : index
      %get3A_63 = vector.load %arg20[%get3A_61, %get3A_62] : memref<272x128xf32, #tpu.memory_space<vmem>>, vector<256x128xf32>
      %dot_general3A_64 = arith.constant dense<0.000000e+00> : vector<256x128xf32>
      %dot_general3A_65 = tpu.matmul %convert_element_type3A_46, %max3A_60, %dot_general3A_64 {dimension_numbers = #tpu.dot_dimension_numbers<[1], [0], [0], [1], [0, 0, 1, 1], [], []>, transpose_lhs_hint = false} : vector<256x4000xf32>, vector<4000x128xf32>, vector<256x128xf32> -> vector<256x128xf32>
      %add3A_66 = arith.addf %get3A_63, %dot_general3A_65 : vector<256x128xf32>
      %swap3A = arith.constant 0 : index
      %swap3A_67 = arith.constant 0 : index
      %swap3A_68 = vector.load %arg20[%swap3A, %swap3A_67] : memref<272x128xf32, #tpu.memory_space<vmem>>, vector<256x128xf32>
      tpu.vector_store %arg20[%swap3A, %swap3A_67], %add3A_66 {strides = array<i32>} : memref<272x128xf32, #tpu.memory_space<vmem>>, vector<256x128xf32>,
    } else {
    }
    %eq3A_33 = arith.constant 24 : i32
    %eq3A_34 = arith.cmpi eq, %arg0, %eq3A_33 : i32
    %convert_element_type3A_35 = arith.extui %eq3A_34 : i1 to i32
    %cond3A_36 = arith.constant 0 : i32
    %cond3A_37 = arith.cmpi ne, %convert_element_type3A_35, %cond3A_36 : i32
    scf.if %cond3A_37 {
      %get3A_38 = arith.constant 0 : index
      %get3A_39 = arith.constant 0 : index
      %get3A_40 = vector.load %arg19[%get3A_38, %get3A_39] : memref<272x128xf32, #tpu.memory_space<vmem>>, vector<256x128xf32>
      %swap3A = arith.constant 0 : index
      %swap3A_41 = arith.constant 0 : index
      %swap3A_42 = vector.load %arg15[%swap3A, %swap3A_41] : memref<256x128xf32, #tpu.memory_space<vmem>>, vector<256x128xf32>
      tpu.vector_store %arg15[%swap3A, %swap3A_41], %get3A_40 {strides = array<i32>} : memref<256x128xf32, #tpu.memory_space<vmem>>, vector<256x128xf32>,
      %get3A_43 = arith.constant 0 : index
      %get3A_44 = arith.constant 0 : index
      %get3A_45 = vector.load %arg20[%get3A_43, %get3A_44] : memref<272x128xf32, #tpu.memory_space<vmem>>, vector<256x128xf32>
      %swap3A_46 = arith.constant 0 : index
      %swap3A_47 = arith.constant 0 : index
      %swap3A_48 = vector.load %arg16[%swap3A_46, %swap3A_47] : memref<256x128xf32, #tpu.memory_space<vmem>>, vector<256x128xf32>
      tpu.vector_store %arg16[%swap3A_46, %swap3A_47], %get3A_45 {strides = array<i32>} : memref<256x128xf32, #tpu.memory_space<vmem>>, vector<256x128xf32>,
    } else {
    }
    return
  }
  func.func @transform_0(%arg0: i32) -> (i32, i32) {
    %c0_i32 = arith.constant 0 : i32
    %c0_i32_0 = arith.constant 0 : i32
    %c0_i32_1 = arith.constant 0 : i32
    return %c0_i32, %c0_i32_0 : i32, i32
  }
  func.func @transform_1(%arg0: i32) -> (i32, i32) {
    %c0_i32 = arith.constant 0 : i32
    %c0_i32_0 = arith.constant 0 : i32
    %c0_i32_1 = arith.constant 0 : i32
    return %c0_i32, %c0_i32_0 : i32, i32
  }
  func.func @transform_2(%arg0: i32) -> (i32, i32, i32) {
    %c0_i32 = arith.constant 0 : i32
    %c0_i32_0 = arith.constant 0 : i32
    %c0_i32_1 = arith.constant 0 : i32
    return %arg0, %c0_i32, %c0_i32_0 : i32, i32, i32
  }
  func.func @transform_3(%arg0: i32) -> (i32, i32, i32) {
    %c0_i32 = arith.constant 0 : i32
    %c0_i32_0 = arith.constant 0 : i32
    %c0_i32_1 = arith.constant 0 : i32
    return %arg0, %c0_i32, %c0_i32_0 : i32, i32, i32
  }
  func.func @transform_4(%arg0: i32) -> (i32, i32) {
    %c0_i32 = arith.constant 0 : i32
    %c0_i32_0 = arith.constant 0 : i32
    return %arg0, %c0_i32 : i32, i32
  }
  func.func @transform_5(%arg0: i32) -> (i32, i32) {
    %c0_i32 = arith.constant 0 : i32
    %c0_i32_0 = arith.constant 0 : i32
    return %arg0, %c0_i32 : i32, i32
  }
  func.func @transform_6(%arg0: i32) -> (i32, i32) {
    %c0_i32 = arith.constant 0 : i32
    %c0_i32_0 = arith.constant 0 : i32
    %c0_i32_1 = arith.constant 0 : i32
    return %c0_i32, %c0_i32_0 : i32, i32
  }
  func.func @transform_7(%arg0: i32) -> (i32, i32) {
    %c0_i32 = arith.constant 0 : i32
    %c0_i32_0 = arith.constant 0 : i32
    %c0_i32_1 = arith.constant 0 : i32
    return %c0_i32, %c0_i32_0 : i32, i32
  }
  func.func @transform_8(%arg0: i32) -> (i32, i32) {
    %c0_i32 = arith.constant 0 : i32
    %c0_i32_0 = arith.constant 0 : i32
    %c0_i32_1 = arith.constant 0 : i32
    return %c0_i32, %c0_i32_0 : i32, i32
  }
  func.func @transform_9(%arg0: i32) -> (i32, i32) {
    %c0_i32 = arith.constant 0 : i32
    %c0_i32_0 = arith.constant 0 : i32
    %c0_i32_1 = arith.constant 0 : i32
    return %c0_i32, %c0_i32_0 : i32, i32
  }
  func.func @transform_10(%arg0: i32) -> (i32, i32) {
    %c0_i32 = arith.constant 0 : i32
    %c0_i32_0 = arith.constant 0 : i32
    %c0_i32_1 = arith.constant 0 : i32
    return %c0_i32, %c0_i32_0 : i32, i32
  }
  func.func @transform_11(%arg0: i32) -> (i32, i32) {
    %c0_i32 = arith.constant 0 : i32
    %c0_i32_0 = arith.constant 0 : i32
    %c0_i32_1 = arith.constant 0 : i32
    return %c0_i32, %c0_i32_0 : i32, i32
  }
  func.func @transform_12(%arg0: i32) -> (i32, i32) {
    %c0_i32 = arith.constant 0 : i32
    %c0_i32_0 = arith.constant 0 : i32
    %c0_i32_1 = arith.constant 0 : i32
    return %c0_i32, %c0_i32_0 : i32, i32
  }
  func.func @transform_13(%arg0: i32) -> (i32, i32) {
    %c0_i32 = arith.constant 0 : i32
    %c0_i32_0 = arith.constant 0 : i32
    %c0_i32_1 = arith.constant 0 : i32
    return %c0_i32, %c0_i32_0 : i32, i32
  }
  func.func @transform_14(%arg0: i32) -> (i32, i32) {
    %c0_i32 = arith.constant 0 : i32
    %c0_i32_0 = arith.constant 0 : i32
    %c0_i32_1 = arith.constant 0 : i32
    return %c0_i32, %c0_i32_0 : i32, i32
  }
  func.func @transform_15(%arg0: i32) -> (i32, i32) {
    %c0_i32 = arith.constant 0 : i32
    %c0_i32_0 = arith.constant 0 : i32
    %c0_i32_1 = arith.constant 0 : i32
    return %c0_i32, %c0_i32_0 : i32, i32
  }
}

module attributes {stable_mosaic.version = 14 : i64} {
  func.func @body(%arg0: i32, %arg1: memref<2x25xi32, #tpu.memory_space<smem>>, %arg2: memref<2x25xi32, #tpu.memory_space<smem>>, %arg3: memref<1x1x4000xi32, #tpu.memory_space<vmem>>, %arg4: memref<1x1x4000xi32, #tpu.memory_space<vmem>>, %arg5: memref<4000x128xf32, #tpu.memory_space<vmem>>, %arg6: memref<4000x128xf32, #tpu.memory_space<vmem>>, %arg7: memref<256x128xf32, #tpu.memory_space<vmem>>, %arg8: memref<256x128xf32, #tpu.memory_space<vmem>>, %arg9: memref<256x128xf32, #tpu.memory_space<vmem>>, %arg10: memref<256x128xf32, #tpu.memory_space<vmem>>, %arg11: memref<256x1xf32, #tpu.memory_space<vmem>>, %arg12: memref<256x1xf32, #tpu.memory_space<vmem>>, %arg13: memref<128x128xf32, #tpu.memory_space<vmem>>, %arg14: memref<128x128xf32, #tpu.memory_space<vmem>>, %arg15: memref<1x128xf32, #tpu.memory_space<vmem>>, %arg16: memref<128x128xf32, #tpu.memory_space<vmem>>, %arg17: memref<1x128xf32, #tpu.memory_space<vmem>>, %arg18: memref<128x128xf32, #tpu.memory_space<vmem>>, %arg19: memref<128x128xf32, #tpu.memory_space<vmem>>, %arg20: memref<1x128xf32, #tpu.memory_space<vmem>>, %arg21: memref<128x128xf32, #tpu.memory_space<vmem>>, %arg22: memref<1x128xf32, #tpu.memory_space<vmem>>, %arg23: memref<128x128xf32, #tpu.memory_space<vmem>>, %arg24: memref<128x128xf32, #tpu.memory_space<vmem>>, %arg25: memref<1x128xf32, #tpu.memory_space<vmem>>, %arg26: memref<128x128xf32, #tpu.memory_space<vmem>>, %arg27: memref<1x128xf32, #tpu.memory_space<vmem>>, %arg28: memref<128x128xf32, #tpu.memory_space<vmem>>, %arg29: memref<128x128xf32, #tpu.memory_space<vmem>>, %arg30: memref<1x128xf32, #tpu.memory_space<vmem>>, %arg31: memref<128x128xf32, #tpu.memory_space<vmem>>, %arg32: memref<1x128xf32, #tpu.memory_space<vmem>>, %arg33: memref<128x128xf32, #tpu.memory_space<vmem>>, %arg34: memref<128x128xf32, #tpu.memory_space<vmem>>, %arg35: memref<1x128xf32, #tpu.memory_space<vmem>>, %arg36: memref<128x2xf32, #tpu.memory_space<vmem>>, %arg37: memref<1x2xf32, #tpu.memory_space<vmem>>, %arg38: memref<2x256x2xf32, #tpu.memory_space<vmem>>, %arg39: memref<272x128xf32, #tpu.memory_space<vmem>>, %arg40: memref<272x128xf32, #tpu.memory_space<vmem>>, %arg41: memref<128x128xf32, #tpu.memory_space<vmem>>, %arg42: memref<256x128xf32, #tpu.memory_space<vmem>>, %arg43: memref<272x128xf32, #tpu.memory_space<vmem>>, %arg44: memref<272x128xf32, #tpu.memory_space<vmem>>, %arg45: memref<272x128xf32, #tpu.memory_space<vmem>>, %arg46: memref<128x128xf32, #tpu.memory_space<vmem>>, %arg47: memref<256x128xf32, #tpu.memory_space<vmem>>, %arg48: memref<272x128xf32, #tpu.memory_space<vmem>>) attributes {dimension_semantics = [#tpu.dimension_semantics<arbitrary>], iteration_bounds = array<i64: 25>, scalar_prefetch = 0 : i64, scratch_operands = 10 : i64, tpu.core_type = #tpu.core_type<tc>, window_params = [{transform_indices = @transform_0, window_bounds = array<i64: 2, 25>}, {transform_indices = @transform_1, window_bounds = array<i64: 2, 25>}, {transform_indices = @transform_2, window_bounds = array<i64: 1, 1, 4000>}, {transform_indices = @transform_3, window_bounds = array<i64: 1, 1, 4000>}, {transform_indices = @transform_4, window_bounds = array<i64: 4000, 128>}, {transform_indices = @transform_5, window_bounds = array<i64: 4000, 128>}, {pipeline_mode = #tpu.pipeline_mode<synchronous>, transform_indices = @transform_6, window_bounds = array<i64: 256, 128>}, {pipeline_mode = #tpu.pipeline_mode<synchronous>, transform_indices = @transform_7, window_bounds = array<i64: 256, 128>}, {pipeline_mode = #tpu.pipeline_mode<synchronous>, transform_indices = @transform_8, window_bounds = array<i64: 256, 128>}, {pipeline_mode = #tpu.pipeline_mode<synchronous>, transform_indices = @transform_9, window_bounds = array<i64: 256, 128>}, {pipeline_mode = #tpu.pipeline_mode<synchronous>, transform_indices = @transform_10, window_bounds = array<i64: 256, 1>}, {pipeline_mode = #tpu.pipeline_mode<synchronous>, transform_indices = @transform_11, window_bounds = array<i64: 256, 1>}, {pipeline_mode = #tpu.pipeline_mode<synchronous>, transform_indices = @transform_12, window_bounds = array<i64: 128, 128>}, {pipeline_mode = #tpu.pipeline_mode<synchronous>, transform_indices = @transform_13, window_bounds = array<i64: 128, 128>}, {pipeline_mode = #tpu.pipeline_mode<synchronous>, transform_indices = @transform_14, window_bounds = array<i64: 1, 128>}, {pipeline_mode = #tpu.pipeline_mode<synchronous>, transform_indices = @transform_15, window_bounds = array<i64: 128, 128>}, {pipeline_mode = #tpu.pipeline_mode<synchronous>, transform_indices = @transform_16, window_bounds = array<i64: 1, 128>}, {pipeline_mode = #tpu.pipeline_mode<synchronous>, transform_indices = @transform_17, window_bounds = array<i64: 128, 128>}, {pipeline_mode = #tpu.pipeline_mode<synchronous>, transform_indices = @transform_18, window_bounds = array<i64: 128, 128>}, {pipeline_mode = #tpu.pipeline_mode<synchronous>, transform_indices = @transform_19, window_bounds = array<i64: 1, 128>}, {pipeline_mode = #tpu.pipeline_mode<synchronous>, transform_indices = @transform_20, window_bounds = array<i64: 128, 128>}, {pipeline_mode = #tpu.pipeline_mode<synchronous>, transform_indices = @transform_21, window_bounds = array<i64: 1, 128>}, {pipeline_mode = #tpu.pipeline_mode<synchronous>, transform_indices = @transform_22, window_bounds = array<i64: 128, 128>}, {pipeline_mode = #tpu.pipeline_mode<synchronous>, transform_indices = @transform_23, window_bounds = array<i64: 128, 128>}, {pipeline_mode = #tpu.pipeline_mode<synchronous>, transform_indices = @transform_24, window_bounds = array<i64: 1, 128>}, {pipeline_mode = #tpu.pipeline_mode<synchronous>, transform_indices = @transform_25, window_bounds = array<i64: 128, 128>}, {pipeline_mode = #tpu.pipeline_mode<synchronous>, transform_indices = @transform_26, window_bounds = array<i64: 1, 128>}, {pipeline_mode = #tpu.pipeline_mode<synchronous>, transform_indices = @transform_27, window_bounds = array<i64: 128, 128>}, {pipeline_mode = #tpu.pipeline_mode<synchronous>, transform_indices = @transform_28, window_bounds = array<i64: 128, 128>}, {pipeline_mode = #tpu.pipeline_mode<synchronous>, transform_indices = @transform_29, window_bounds = array<i64: 1, 128>}, {pipeline_mode = #tpu.pipeline_mode<synchronous>, transform_indices = @transform_30, window_bounds = array<i64: 128, 128>}, {pipeline_mode = #tpu.pipeline_mode<synchronous>, transform_indices = @transform_31, window_bounds = array<i64: 1, 128>}, {pipeline_mode = #tpu.pipeline_mode<synchronous>, transform_indices = @transform_32, window_bounds = array<i64: 128, 128>}, {pipeline_mode = #tpu.pipeline_mode<synchronous>, transform_indices = @transform_33, window_bounds = array<i64: 128, 128>}, {pipeline_mode = #tpu.pipeline_mode<synchronous>, transform_indices = @transform_34, window_bounds = array<i64: 1, 128>}, {pipeline_mode = #tpu.pipeline_mode<synchronous>, transform_indices = @transform_35, window_bounds = array<i64: 128, 2>}, {pipeline_mode = #tpu.pipeline_mode<synchronous>, transform_indices = @transform_36, window_bounds = array<i64: 1, 2>}, {pipeline_mode = #tpu.pipeline_mode<synchronous>, transform_indices = @transform_37, window_bounds = array<i64: 2, 256, 2>}]} {
    %eq3A = arith.constant 0 : i32
    %eq3A_0 = arith.cmpi eq, %arg0, %eq3A : i32
    %convert_element_type3A = arith.extui %eq3A_0 : i1 to i32
    %cond3A = arith.constant 0 : i32
    %cond3A_1 = arith.cmpi ne, %convert_element_type3A, %cond3A : i32
    scf.if %cond3A_1 {
      %get3A_38 = arith.constant 0 : index
      %get3A_39 = arith.constant 0 : index
      %get3A_40 = vector.load %arg9[%get3A_38, %get3A_39] : memref<256x128xf32, #tpu.memory_space<vmem>>, vector<256x128xf32>
      %get3A_41 = arith.constant 0 : index
      %get3A_42 = arith.constant 0 : index
      %get3A_43 = vector.load %arg16[%get3A_41, %get3A_42] : memref<128x128xf32, #tpu.memory_space<vmem>>, vector<128x128xf32>
      %dot_general3A = arith.constant dense<0.000000e+00> : vector<256x128xf32>
      %dot_general3A_44 = tpu.matmul %get3A_40, %get3A_43, %dot_general3A {dimension_numbers = #tpu.dot_dimension_numbers<[1], [0], [0], [1], [0, 0, 1, 1], [], []>, transpose_lhs_hint = false} : vector<256x128xf32>, vector<128x128xf32>, vector<256x128xf32> -> vector<256x128xf32>
      %get3A_45 = arith.constant 0 : index
      %get3A_46 = arith.constant 0 : index
      %get3A_47 = vector.load %arg11[%get3A_45, %get3A_46] : memref<256x1xf32, #tpu.memory_space<vmem>>, vector<256x1xf32>
      %get3A_48 = arith.constant 0 : index
      %get3A_49 = arith.constant 0 : index
      %get3A_50 = vector.load %arg17[%get3A_48, %get3A_49] : memref<1x128xf32, #tpu.memory_space<vmem>>, vector<1x128xf32>
      %mul3A = vector.broadcast %get3A_47 : vector<256x1xf32> to vector<256x128xf32>
      %mul3A_51 = vector.broadcast %get3A_50 : vector<1x128xf32> to vector<256x128xf32>
      %mul3A_52 = arith.mulf %mul3A, %mul3A_51 : vector<256x128xf32>
      %add3A = arith.addf %dot_general3A_44, %mul3A_52 : vector<256x128xf32>
      %get3A_53 = arith.constant 0 : index
      %get3A_54 = arith.constant 0 : index
      %get3A_55 = vector.load %arg18[%get3A_53, %get3A_54] : memref<128x128xf32, #tpu.memory_space<vmem>>, vector<128x128xf32>
      %dot_general3A_56 = arith.constant dense<0.000000e+00> : vector<256x128xf32>
      %dot_general3A_57 = tpu.matmul %add3A, %get3A_55, %dot_general3A_56 {dimension_numbers = #tpu.dot_dimension_numbers<[1], [0], [0], [1], [0, 0, 1, 1], [], []>, transpose_lhs_hint = false} : vector<256x128xf32>, vector<128x128xf32>, vector<256x128xf32> -> vector<256x128xf32>
      %get3A_58 = arith.constant 0 : index
      %get3A_59 = arith.constant 0 : index
      %get3A_60 = vector.load %arg7[%get3A_58, %get3A_59] : memref<256x128xf32, #tpu.memory_space<vmem>>, vector<256x128xf32>
      %get3A_61 = arith.constant 0 : index
      %get3A_62 = arith.constant 0 : index
      %get3A_63 = vector.load %arg19[%get3A_61, %get3A_62] : memref<128x128xf32, #tpu.memory_space<vmem>>, vector<128x128xf32>
      %dot_general3A_64 = arith.constant dense<0.000000e+00> : vector<256x128xf32>
      %dot_general3A_65 = tpu.matmul %get3A_60, %get3A_63, %dot_general3A_64 {dimension_numbers = #tpu.dot_dimension_numbers<[1], [0], [0], [1], [0, 0, 1, 1], [], []>, transpose_lhs_hint = false} : vector<256x128xf32>, vector<128x128xf32>, vector<256x128xf32> -> vector<256x128xf32>
      %add3A_66 = arith.addf %dot_general3A_57, %dot_general3A_65 : vector<256x128xf32>
      %get3A_67 = arith.constant 0 : index
      %get3A_68 = arith.constant 0 : index
      %get3A_69 = vector.load %arg20[%get3A_67, %get3A_68] : memref<1x128xf32, #tpu.memory_space<vmem>>, vector<1x128xf32>
      %add3A_70 = vector.broadcast %get3A_69 : vector<1x128xf32> to vector<256x128xf32>
      %add3A_71 = arith.addf %add3A_66, %add3A_70 : vector<256x128xf32>
      %max3A = arith.constant 0.000000e+00 : f32
      %max3A_72 = vector.broadcast %max3A : f32 to vector<256x128xf32>
      %max3A_73 = arith.maximumf %add3A_71, %max3A_72 : vector<256x128xf32>
      %get3A_74 = arith.constant 0 : index
      %get3A_75 = arith.constant 0 : index
      %get3A_76 = vector.load %arg21[%get3A_74, %get3A_75] : memref<128x128xf32, #tpu.memory_space<vmem>>, vector<128x128xf32>
      %dot_general3A_77 = arith.constant dense<0.000000e+00> : vector<256x128xf32>
      %dot_general3A_78 = tpu.matmul %max3A_73, %get3A_76, %dot_general3A_77 {dimension_numbers = #tpu.dot_dimension_numbers<[1], [0], [0], [1], [0, 0, 1, 1], [], []>, transpose_lhs_hint = false} : vector<256x128xf32>, vector<128x128xf32>, vector<256x128xf32> -> vector<256x128xf32>
      %get3A_79 = arith.constant 0 : index
      %get3A_80 = arith.constant 0 : index
      %get3A_81 = vector.load %arg22[%get3A_79, %get3A_80] : memref<1x128xf32, #tpu.memory_space<vmem>>, vector<1x128xf32>
      %add3A_82 = vector.broadcast %get3A_81 : vector<1x128xf32> to vector<256x128xf32>
      %add3A_83 = arith.addf %dot_general3A_78, %add3A_82 : vector<256x128xf32>
      %swap3A = arith.constant 0 : index
      %swap3A_84 = arith.constant 0 : index
      %swap3A_85 = vector.load %arg42[%swap3A, %swap3A_84] : memref<256x128xf32, #tpu.memory_space<vmem>>, vector<256x128xf32>
      tpu.vector_store %arg42[%swap3A, %swap3A_84], %add3A_83 {strides = array<i32>} : memref<256x128xf32, #tpu.memory_space<vmem>>, vector<256x128xf32>,
      %broadcast_in_dim3A = arith.constant 0.000000e+00 : f32
      %broadcast_in_dim3A_86 = vector.broadcast %broadcast_in_dim3A : f32 to vector<272x128xf32>
      %swap3A_87 = arith.constant 0 : index
      %swap3A_88 = arith.constant 0 : index
      %swap3A_89 = vector.load %arg39[%swap3A_87, %swap3A_88] : memref<272x128xf32, #tpu.memory_space<vmem>>, vector<272x128xf32>
      tpu.vector_store %arg39[%swap3A_87, %swap3A_88], %broadcast_in_dim3A_86 {strides = array<i32>} : memref<272x128xf32, #tpu.memory_space<vmem>>, vector<272x128xf32>,
      %broadcast_in_dim3A_90 = arith.constant 0.000000e+00 : f32
      %broadcast_in_dim3A_91 = vector.broadcast %broadcast_in_dim3A_90 : f32 to vector<272x128xf32>
      %swap3A_92 = arith.constant 0 : index
      %swap3A_93 = arith.constant 0 : index
      %swap3A_94 = vector.load %arg40[%swap3A_92, %swap3A_93] : memref<272x128xf32, #tpu.memory_space<vmem>>, vector<272x128xf32>
      tpu.vector_store %arg40[%swap3A_92, %swap3A_93], %broadcast_in_dim3A_91 {strides = array<i32>} : memref<272x128xf32, #tpu.memory_space<vmem>>, vector<272x128xf32>,
      %get3A_95 = arith.constant 0 : index
      %get3A_96 = arith.constant 0 : index
      %get3A_97 = vector.load %arg7[%get3A_95, %get3A_96] : memref<256x128xf32, #tpu.memory_space<vmem>>, vector<256x128xf32>
      %get3A_98 = arith.constant 0 : index
      %get3A_99 = arith.constant 0 : index
      %get3A_100 = vector.load %arg14[%get3A_98, %get3A_99] : memref<128x128xf32, #tpu.memory_space<vmem>>, vector<128x128xf32>
      %dot_general3A_101 = arith.constant dense<0.000000e+00> : vector<256x128xf32>
      %dot_general3A_102 = tpu.matmul %get3A_97, %get3A_100, %dot_general3A_101 {dimension_numbers = #tpu.dot_dimension_numbers<[1], [0], [0], [1], [0, 0, 1, 1], [], []>, transpose_lhs_hint = false} : vector<256x128xf32>, vector<128x128xf32>, vector<256x128xf32> -> vector<256x128xf32>
      %get3A_103 = arith.constant 0 : index
      %get3A_104 = arith.constant 0 : index
      %get3A_105 = vector.load %arg15[%get3A_103, %get3A_104] : memref<1x128xf32, #tpu.memory_space<vmem>>, vector<1x128xf32>
      %add3A_106 = vector.broadcast %get3A_105 : vector<1x128xf32> to vector<256x128xf32>
      %add3A_107 = arith.addf %dot_general3A_102, %add3A_106 : vector<256x128xf32>
      %swap3A_108 = arith.constant 0 : index
      %swap3A_109 = arith.constant 0 : index
      %swap3A_110 = vector.load %arg39[%swap3A_108, %swap3A_109] : memref<272x128xf32, #tpu.memory_space<vmem>>, vector<256x128xf32>
      tpu.vector_store %arg39[%swap3A_108, %swap3A_109], %add3A_107 {strides = array<i32>} : memref<272x128xf32, #tpu.memory_space<vmem>>, vector<256x128xf32>,
      %get3A_111 = arith.constant 0 : index
      %get3A_112 = arith.constant 0 : index
      %get3A_113 = vector.load %arg16[%get3A_111, %get3A_112] : memref<128x128xf32, #tpu.memory_space<vmem>>, vector<128x128xf32>
      %get3A_114 = arith.constant 0 : index
      %get3A_115 = arith.constant 0 : index
      %get3A_116 = vector.load %arg13[%get3A_114, %get3A_115] : memref<128x128xf32, #tpu.memory_space<vmem>>, vector<128x128xf32>
      %dot_general3A_117 = arith.constant dense<0.000000e+00> : vector<128x128xf32>
      %dot_general3A_118 = tpu.matmul %get3A_113, %get3A_116, %dot_general3A_117 {dimension_numbers = #tpu.dot_dimension_numbers<[1], [0], [0], [1], [0, 0, 1, 1], [], []>, transpose_lhs_hint = false} : vector<128x128xf32>, vector<128x128xf32>, vector<128x128xf32> -> vector<128x128xf32>
      %swap3A_119 = arith.constant 0 : index
      %swap3A_120 = arith.constant 0 : index
      %swap3A_121 = vector.load %arg41[%swap3A_119, %swap3A_120] : memref<128x128xf32, #tpu.memory_space<vmem>>, vector<128x128xf32>
      tpu.vector_store %arg41[%swap3A_119, %swap3A_120], %dot_general3A_118 {strides = array<i32>} : memref<128x128xf32, #tpu.memory_space<vmem>>, vector<128x128xf32>,
      %get3A_122 = arith.constant 0 : index
      %get3A_123 = arith.constant 0 : index
      %get3A_124 = vector.load %arg17[%get3A_122, %get3A_123] : memref<1x128xf32, #tpu.memory_space<vmem>>, vector<1x128xf32>
      %get3A_125 = arith.constant 0 : index
      %get3A_126 = arith.constant 0 : index
      %get3A_127 = vector.load %arg13[%get3A_125, %get3A_126] : memref<128x128xf32, #tpu.memory_space<vmem>>, vector<128x128xf32>
      %dot_general3A_128 = arith.constant dense<0.000000e+00> : vector<1x128xf32>
      %dot_general3A_129 = tpu.matmul %get3A_124, %get3A_127, %dot_general3A_128 {dimension_numbers = #tpu.dot_dimension_numbers<[1], [0], [0], [1], [0, 0, 1, 1], [], []>, transpose_lhs_hint = false} : vector<1x128xf32>, vector<128x128xf32>, vector<1x128xf32> -> vector<1x128xf32>
      %get3A_130 = arith.constant 0 : index
      %get3A_131 = arith.constant 0 : index
      %get3A_132 = vector.load %arg14[%get3A_130, %get3A_131] : memref<128x128xf32, #tpu.memory_space<vmem>>, vector<128x128xf32>
      %dot_general3A_133 = arith.constant dense<0.000000e+00> : vector<256x128xf32>
      %dot_general3A_134 = tpu.matmul %add3A_83, %get3A_132, %dot_general3A_133 {dimension_numbers = #tpu.dot_dimension_numbers<[1], [0], [0], [1], [0, 0, 1, 1], [], []>, transpose_lhs_hint = false} : vector<256x128xf32>, vector<128x128xf32>, vector<256x128xf32> -> vector<256x128xf32>
      %get3A_135 = arith.constant 0 : index
      %get3A_136 = arith.constant 0 : index
      %get3A_137 = vector.load %arg15[%get3A_135, %get3A_136] : memref<1x128xf32, #tpu.memory_space<vmem>>, vector<1x128xf32>
      %add3A_138 = vector.broadcast %get3A_137 : vector<1x128xf32> to vector<256x128xf32>
      %add3A_139 = arith.addf %dot_general3A_134, %add3A_138 : vector<256x128xf32>
      %add3A_140 = vector.broadcast %dot_general3A_129 : vector<1x128xf32> to vector<256x128xf32>
      %add3A_141 = arith.addf %add3A_139, %add3A_140 : vector<256x128xf32>
      %swap3A_142 = arith.constant 0 : index
      %swap3A_143 = arith.constant 0 : index
      %swap3A_144 = vector.load %arg40[%swap3A_142, %swap3A_143] : memref<272x128xf32, #tpu.memory_space<vmem>>, vector<256x128xf32>
      tpu.vector_store %arg40[%swap3A_142, %swap3A_143], %add3A_141 {strides = array<i32>} : memref<272x128xf32, #tpu.memory_space<vmem>>, vector<256x128xf32>,
      %broadcast_in_dim3A_145 = arith.constant 0.000000e+00 : f32
      %broadcast_in_dim3A_146 = vector.broadcast %broadcast_in_dim3A_145 : f32 to vector<272x128xf32>
      %swap3A_147 = arith.constant 0 : index
      %swap3A_148 = arith.constant 0 : index
      %swap3A_149 = vector.load %arg43[%swap3A_147, %swap3A_148] : memref<272x128xf32, #tpu.memory_space<vmem>>, vector<272x128xf32>
      tpu.vector_store %arg43[%swap3A_147, %swap3A_148], %broadcast_in_dim3A_146 {strides = array<i32>} : memref<272x128xf32, #tpu.memory_space<vmem>>, vector<272x128xf32>,
      %get3A_150 = arith.constant 0 : index
      %get3A_151 = arith.constant 0 : index
      %get3A_152 = vector.load %arg10[%get3A_150, %get3A_151] : memref<256x128xf32, #tpu.memory_space<vmem>>, vector<256x128xf32>
      %get3A_153 = arith.constant 0 : index
      %get3A_154 = arith.constant 0 : index
      %get3A_155 = vector.load %arg26[%get3A_153, %get3A_154] : memref<128x128xf32, #tpu.memory_space<vmem>>, vector<128x128xf32>
      %dot_general3A_156 = arith.constant dense<0.000000e+00> : vector<256x128xf32>
      %dot_general3A_157 = tpu.matmul %get3A_152, %get3A_155, %dot_general3A_156 {dimension_numbers = #tpu.dot_dimension_numbers<[1], [0], [0], [1], [0, 0, 1, 1], [], []>, transpose_lhs_hint = false} : vector<256x128xf32>, vector<128x128xf32>, vector<256x128xf32> -> vector<256x128xf32>
      %get3A_158 = arith.constant 0 : index
      %get3A_159 = arith.constant 0 : index
      %get3A_160 = vector.load %arg12[%get3A_158, %get3A_159] : memref<256x1xf32, #tpu.memory_space<vmem>>, vector<256x1xf32>
      %get3A_161 = arith.constant 0 : index
      %get3A_162 = arith.constant 0 : index
      %get3A_163 = vector.load %arg27[%get3A_161, %get3A_162] : memref<1x128xf32, #tpu.memory_space<vmem>>, vector<1x128xf32>
      %mul3A_164 = vector.broadcast %get3A_160 : vector<256x1xf32> to vector<256x128xf32>
      %mul3A_165 = vector.broadcast %get3A_163 : vector<1x128xf32> to vector<256x128xf32>
      %mul3A_166 = arith.mulf %mul3A_164, %mul3A_165 : vector<256x128xf32>
      %add3A_167 = arith.addf %dot_general3A_157, %mul3A_166 : vector<256x128xf32>
      %get3A_168 = arith.constant 0 : index
      %get3A_169 = arith.constant 0 : index
      %get3A_170 = vector.load %arg28[%get3A_168, %get3A_169] : memref<128x128xf32, #tpu.memory_space<vmem>>, vector<128x128xf32>
      %dot_general3A_171 = arith.constant dense<0.000000e+00> : vector<256x128xf32>
      %dot_general3A_172 = tpu.matmul %add3A_167, %get3A_170, %dot_general3A_171 {dimension_numbers = #tpu.dot_dimension_numbers<[1], [0], [0], [1], [0, 0, 1, 1], [], []>, transpose_lhs_hint = false} : vector<256x128xf32>, vector<128x128xf32>, vector<256x128xf32> -> vector<256x128xf32>
      %get3A_173 = arith.constant 0 : index
      %get3A_174 = arith.constant 0 : index
      %get3A_175 = vector.load %arg8[%get3A_173, %get3A_174] : memref<256x128xf32, #tpu.memory_space<vmem>>, vector<256x128xf32>
      %get3A_176 = arith.constant 0 : index
      %get3A_177 = arith.constant 0 : index
      %get3A_178 = vector.load %arg29[%get3A_176, %get3A_177] : memref<128x128xf32, #tpu.memory_space<vmem>>, vector<128x128xf32>
      %dot_general3A_179 = arith.constant dense<0.000000e+00> : vector<256x128xf32>
      %dot_general3A_180 = tpu.matmul %get3A_175, %get3A_178, %dot_general3A_179 {dimension_numbers = #tpu.dot_dimension_numbers<[1], [0], [0], [1], [0, 0, 1, 1], [], []>, transpose_lhs_hint = false} : vector<256x128xf32>, vector<128x128xf32>, vector<256x128xf32> -> vector<256x128xf32>
      %add3A_181 = arith.addf %dot_general3A_172, %dot_general3A_180 : vector<256x128xf32>
      %get3A_182 = arith.constant 0 : index
      %get3A_183 = arith.constant 0 : index
      %get3A_184 = vector.load %arg30[%get3A_182, %get3A_183] : memref<1x128xf32, #tpu.memory_space<vmem>>, vector<1x128xf32>
      %add3A_185 = vector.broadcast %get3A_184 : vector<1x128xf32> to vector<256x128xf32>
      %add3A_186 = arith.addf %add3A_181, %add3A_185 : vector<256x128xf32>
      %max3A_187 = arith.constant 0.000000e+00 : f32
      %max3A_188 = vector.broadcast %max3A_187 : f32 to vector<256x128xf32>
      %max3A_189 = arith.maximumf %add3A_186, %max3A_188 : vector<256x128xf32>
      %get3A_190 = arith.constant 0 : index
      %get3A_191 = arith.constant 0 : index
      %get3A_192 = vector.load %arg31[%get3A_190, %get3A_191] : memref<128x128xf32, #tpu.memory_space<vmem>>, vector<128x128xf32>
      %dot_general3A_193 = arith.constant dense<0.000000e+00> : vector<256x128xf32>
      %dot_general3A_194 = tpu.matmul %max3A_189, %get3A_192, %dot_general3A_193 {dimension_numbers = #tpu.dot_dimension_numbers<[1], [0], [0], [1], [0, 0, 1, 1], [], []>, transpose_lhs_hint = false} : vector<256x128xf32>, vector<128x128xf32>, vector<256x128xf32> -> vector<256x128xf32>
      %get3A_195 = arith.constant 0 : index
      %get3A_196 = arith.constant 0 : index
      %get3A_197 = vector.load %arg32[%get3A_195, %get3A_196] : memref<1x128xf32, #tpu.memory_space<vmem>>, vector<1x128xf32>
      %add3A_198 = vector.broadcast %get3A_197 : vector<1x128xf32> to vector<256x128xf32>
      %add3A_199 = arith.addf %dot_general3A_194, %add3A_198 : vector<256x128xf32>
      %swap3A_200 = arith.constant 0 : index
      %swap3A_201 = arith.constant 0 : index
      %swap3A_202 = vector.load %arg47[%swap3A_200, %swap3A_201] : memref<256x128xf32, #tpu.memory_space<vmem>>, vector<256x128xf32>
      tpu.vector_store %arg47[%swap3A_200, %swap3A_201], %add3A_199 {strides = array<i32>} : memref<256x128xf32, #tpu.memory_space<vmem>>, vector<256x128xf32>,
      %broadcast_in_dim3A_203 = arith.constant 0.000000e+00 : f32
      %broadcast_in_dim3A_204 = vector.broadcast %broadcast_in_dim3A_203 : f32 to vector<272x128xf32>
      %swap3A_205 = arith.constant 0 : index
      %swap3A_206 = arith.constant 0 : index
      %swap3A_207 = vector.load %arg44[%swap3A_205, %swap3A_206] : memref<272x128xf32, #tpu.memory_space<vmem>>, vector<272x128xf32>
      tpu.vector_store %arg44[%swap3A_205, %swap3A_206], %broadcast_in_dim3A_204 {strides = array<i32>} : memref<272x128xf32, #tpu.memory_space<vmem>>, vector<272x128xf32>,
      %broadcast_in_dim3A_208 = arith.constant 0.000000e+00 : f32
      %broadcast_in_dim3A_209 = vector.broadcast %broadcast_in_dim3A_208 : f32 to vector<272x128xf32>
      %swap3A_210 = arith.constant 0 : index
      %swap3A_211 = arith.constant 0 : index
      %swap3A_212 = vector.load %arg45[%swap3A_210, %swap3A_211] : memref<272x128xf32, #tpu.memory_space<vmem>>, vector<272x128xf32>
      tpu.vector_store %arg45[%swap3A_210, %swap3A_211], %broadcast_in_dim3A_209 {strides = array<i32>} : memref<272x128xf32, #tpu.memory_space<vmem>>, vector<272x128xf32>,
      %get3A_213 = arith.constant 0 : index
      %get3A_214 = arith.constant 0 : index
      %get3A_215 = vector.load %arg8[%get3A_213, %get3A_214] : memref<256x128xf32, #tpu.memory_space<vmem>>, vector<256x128xf32>
      %get3A_216 = arith.constant 0 : index
      %get3A_217 = arith.constant 0 : index
      %get3A_218 = vector.load %arg24[%get3A_216, %get3A_217] : memref<128x128xf32, #tpu.memory_space<vmem>>, vector<128x128xf32>
      %dot_general3A_219 = arith.constant dense<0.000000e+00> : vector<256x128xf32>
      %dot_general3A_220 = tpu.matmul %get3A_215, %get3A_218, %dot_general3A_219 {dimension_numbers = #tpu.dot_dimension_numbers<[1], [0], [0], [1], [0, 0, 1, 1], [], []>, transpose_lhs_hint = false} : vector<256x128xf32>, vector<128x128xf32>, vector<256x128xf32> -> vector<256x128xf32>
      %get3A_221 = arith.constant 0 : index
      %get3A_222 = arith.constant 0 : index
      %get3A_223 = vector.load %arg25[%get3A_221, %get3A_222] : memref<1x128xf32, #tpu.memory_space<vmem>>, vector<1x128xf32>
      %add3A_224 = vector.broadcast %get3A_223 : vector<1x128xf32> to vector<256x128xf32>
      %add3A_225 = arith.addf %dot_general3A_220, %add3A_224 : vector<256x128xf32>
      %swap3A_226 = arith.constant 0 : index
      %swap3A_227 = arith.constant 0 : index
      %swap3A_228 = vector.load %arg44[%swap3A_226, %swap3A_227] : memref<272x128xf32, #tpu.memory_space<vmem>>, vector<256x128xf32>
      tpu.vector_store %arg44[%swap3A_226, %swap3A_227], %add3A_225 {strides = array<i32>} : memref<272x128xf32, #tpu.memory_space<vmem>>, vector<256x128xf32>,
      %get3A_229 = arith.constant 0 : index
      %get3A_230 = arith.constant 0 : index
      %get3A_231 = vector.load %arg26[%get3A_229, %get3A_230] : memref<128x128xf32, #tpu.memory_space<vmem>>, vector<128x128xf32>
      %get3A_232 = arith.constant 0 : index
      %get3A_233 = arith.constant 0 : index
      %get3A_234 = vector.load %arg23[%get3A_232, %get3A_233] : memref<128x128xf32, #tpu.memory_space<vmem>>, vector<128x128xf32>
      %dot_general3A_235 = arith.constant dense<0.000000e+00> : vector<128x128xf32>
      %dot_general3A_236 = tpu.matmul %get3A_231, %get3A_234, %dot_general3A_235 {dimension_numbers = #tpu.dot_dimension_numbers<[1], [0], [0], [1], [0, 0, 1, 1], [], []>, transpose_lhs_hint = false} : vector<128x128xf32>, vector<128x128xf32>, vector<128x128xf32> -> vector<128x128xf32>
      %swap3A_237 = arith.constant 0 : index
      %swap3A_238 = arith.constant 0 : index
      %swap3A_239 = vector.load %arg46[%swap3A_237, %swap3A_238] : memref<128x128xf32, #tpu.memory_space<vmem>>, vector<128x128xf32>
      tpu.vector_store %arg46[%swap3A_237, %swap3A_238], %dot_general3A_236 {strides = array<i32>} : memref<128x128xf32, #tpu.memory_space<vmem>>, vector<128x128xf32>,
      %get3A_240 = arith.constant 0 : index
      %get3A_241 = arith.constant 0 : index
      %get3A_242 = vector.load %arg27[%get3A_240, %get3A_241] : memref<1x128xf32, #tpu.memory_space<vmem>>, vector<1x128xf32>
      %get3A_243 = arith.constant 0 : index
      %get3A_244 = arith.constant 0 : index
      %get3A_245 = vector.load %arg23[%get3A_243, %get3A_244] : memref<128x128xf32, #tpu.memory_space<vmem>>, vector<128x128xf32>
      %dot_general3A_246 = arith.constant dense<0.000000e+00> : vector<1x128xf32>
      %dot_general3A_247 = tpu.matmul %get3A_242, %get3A_245, %dot_general3A_246 {dimension_numbers = #tpu.dot_dimension_numbers<[1], [0], [0], [1], [0, 0, 1, 1], [], []>, transpose_lhs_hint = false} : vector<1x128xf32>, vector<128x128xf32>, vector<1x128xf32> -> vector<1x128xf32>
      %get3A_248 = arith.constant 0 : index
      %get3A_249 = arith.constant 0 : index
      %get3A_250 = vector.load %arg24[%get3A_248, %get3A_249] : memref<128x128xf32, #tpu.memory_space<vmem>>, vector<128x128xf32>
      %dot_general3A_251 = arith.constant dense<0.000000e+00> : vector<256x128xf32>
      %dot_general3A_252 = tpu.matmul %add3A_199, %get3A_250, %dot_general3A_251 {dimension_numbers = #tpu.dot_dimension_numbers<[1], [0], [0], [1], [0, 0, 1, 1], [], []>, transpose_lhs_hint = false} : vector<256x128xf32>, vector<128x128xf32>, vector<256x128xf32> -> vector<256x128xf32>
      %get3A_253 = arith.constant 0 : index
      %get3A_254 = arith.constant 0 : index
      %get3A_255 = vector.load %arg25[%get3A_253, %get3A_254] : memref<1x128xf32, #tpu.memory_space<vmem>>, vector<1x128xf32>
      %add3A_256 = vector.broadcast %get3A_255 : vector<1x128xf32> to vector<256x128xf32>
      %add3A_257 = arith.addf %dot_general3A_252, %add3A_256 : vector<256x128xf32>
      %add3A_258 = vector.broadcast %dot_general3A_247 : vector<1x128xf32> to vector<256x128xf32>
      %add3A_259 = arith.addf %add3A_257, %add3A_258 : vector<256x128xf32>
      %swap3A_260 = arith.constant 0 : index
      %swap3A_261 = arith.constant 0 : index
      %swap3A_262 = vector.load %arg45[%swap3A_260, %swap3A_261] : memref<272x128xf32, #tpu.memory_space<vmem>>, vector<256x128xf32>
      tpu.vector_store %arg45[%swap3A_260, %swap3A_261], %add3A_259 {strides = array<i32>} : memref<272x128xf32, #tpu.memory_space<vmem>>, vector<256x128xf32>,
      %broadcast_in_dim3A_263 = arith.constant 0.000000e+00 : f32
      %broadcast_in_dim3A_264 = vector.broadcast %broadcast_in_dim3A_263 : f32 to vector<272x128xf32>
      %swap3A_265 = arith.constant 0 : index
      %swap3A_266 = arith.constant 0 : index
      %swap3A_267 = vector.load %arg48[%swap3A_265, %swap3A_266] : memref<272x128xf32, #tpu.memory_space<vmem>>, vector<272x128xf32>
      tpu.vector_store %arg48[%swap3A_265, %swap3A_266], %broadcast_in_dim3A_264 {strides = array<i32>} : memref<272x128xf32, #tpu.memory_space<vmem>>, vector<272x128xf32>,
      %get3A_268 = arith.constant 0 : index
      %get3A_269 = arith.constant 0 : index
      %get3A_270 = vector.load %arg42[%get3A_268, %get3A_269] : memref<256x128xf32, #tpu.memory_space<vmem>>, vector<256x128xf32>
      %get3A_271 = arith.constant 0 : index
      %get3A_272 = arith.constant 0 : index
      %get3A_273 = vector.load %arg33[%get3A_271, %get3A_272] : memref<128x128xf32, #tpu.memory_space<vmem>>, vector<128x128xf32>
      %dot_general3A_274 = arith.constant dense<0.000000e+00> : vector<256x128xf32>
      %dot_general3A_275 = tpu.matmul %get3A_270, %get3A_273, %dot_general3A_274 {dimension_numbers = #tpu.dot_dimension_numbers<[1], [0], [0], [1], [0, 0, 1, 1], [], []>, transpose_lhs_hint = false} : vector<256x128xf32>, vector<128x128xf32>, vector<256x128xf32> -> vector<256x128xf32>
      %get3A_276 = arith.constant 0 : index
      %get3A_277 = arith.constant 0 : index
      %get3A_278 = vector.load %arg47[%get3A_276, %get3A_277] : memref<256x128xf32, #tpu.memory_space<vmem>>, vector<256x128xf32>
      %get3A_279 = arith.constant 0 : index
      %get3A_280 = arith.constant 0 : index
      %get3A_281 = vector.load %arg34[%get3A_279, %get3A_280] : memref<128x128xf32, #tpu.memory_space<vmem>>, vector<128x128xf32>
      %dot_general3A_282 = arith.constant dense<0.000000e+00> : vector<256x128xf32>
      %dot_general3A_283 = tpu.matmul %get3A_278, %get3A_281, %dot_general3A_282 {dimension_numbers = #tpu.dot_dimension_numbers<[1], [0], [0], [1], [0, 0, 1, 1], [], []>, transpose_lhs_hint = false} : vector<256x128xf32>, vector<128x128xf32>, vector<256x128xf32> -> vector<256x128xf32>
      %add3A_284 = arith.addf %dot_general3A_275, %dot_general3A_283 : vector<256x128xf32>
      %get3A_285 = arith.constant 0 : index
      %get3A_286 = arith.constant 0 : index
      %get3A_287 = vector.load %arg35[%get3A_285, %get3A_286] : memref<1x128xf32, #tpu.memory_space<vmem>>, vector<1x128xf32>
      %add3A_288 = vector.broadcast %get3A_287 : vector<1x128xf32> to vector<256x128xf32>
      %add3A_289 = arith.addf %add3A_284, %add3A_288 : vector<256x128xf32>
      %max3A_290 = arith.constant 0.000000e+00 : f32
      %max3A_291 = vector.broadcast %max3A_290 : f32 to vector<256x128xf32>
      %max3A_292 = arith.maximumf %add3A_289, %max3A_291 : vector<256x128xf32>
      %get3A_293 = arith.constant 0 : index
      %get3A_294 = arith.constant 0 : index
      %get3A_295 = vector.load %arg36[%get3A_293, %get3A_294] : memref<128x2xf32, #tpu.memory_space<vmem>>, vector<128x2xf32>
      %dot_general3A_296 = arith.constant dense<0.000000e+00> : vector<256x2xf32>
      %dot_general3A_297 = tpu.matmul %max3A_292, %get3A_295, %dot_general3A_296 {dimension_numbers = #tpu.dot_dimension_numbers<[1], [0], [0], [1], [0, 0, 1, 1], [], []>, transpose_lhs_hint = false} : vector<256x128xf32>, vector<128x2xf32>, vector<256x2xf32> -> vector<256x2xf32>
      %get3A_298 = arith.constant 0 : index
      %get3A_299 = arith.constant 0 : index
      %get3A_300 = vector.load %arg37[%get3A_298, %get3A_299] : memref<1x2xf32, #tpu.memory_space<vmem>>, vector<1x2xf32>
      %add3A_301 = vector.broadcast %get3A_300 : vector<1x2xf32> to vector<256x2xf32>
      %add3A_302 = arith.addf %dot_general3A_297, %add3A_301 : vector<256x2xf32>
      %swap3A_303 = arith.constant 0 : index
      %swap3A_304 = arith.constant 0 : index
      %swap3A_305 = arith.constant 0 : index
      %swap3A_306 = vector.load %arg38[%swap3A_303, %swap3A_304, %swap3A_305] : memref<2x256x2xf32, #tpu.memory_space<vmem>>, vector<1x256x2xf32>
      %swap3A_307 = vector.shape_cast %swap3A_306 : vector<1x256x2xf32> to vector<256x2xf32>
      %swap3A_308 = vector.shape_cast %add3A_302 : vector<256x2xf32> to vector<1x256x2xf32>
      tpu.vector_store %arg38[%swap3A_303, %swap3A_304, %swap3A_305], %swap3A_308 {strides = array<i32>} : memref<2x256x2xf32, #tpu.memory_space<vmem>>, vector<1x256x2xf32>,
    } else {
    }
    %iota3A = tpu.iota {dimensions = array<i32: 0>} : vector<16x4000xi32>
    %iota3A_2 = tpu.iota {dimensions = array<i32: 0>} : vector<256x4000xi32>
    %get3A = arith.constant 0 : index
    %get3A_3 = arith.index_cast %arg0 : i32 to index
    %get3A_4 = memref.load %arg1[%get3A, %get3A_3] : memref<2x25xi32, #tpu.memory_space<smem>>
    %get3A_5 = arith.constant 0 : index
    %get3A_6 = arith.index_cast %arg0 : i32 to index
    %get3A_7 = memref.load %arg2[%get3A_5, %get3A_6] : memref<2x25xi32, #tpu.memory_space<smem>>
    %sub3A = arith.subi %get3A_7, %get3A_4 : i32
    %lt3A = arith.constant 16 : i32
    %lt3A_8 = arith.cmpi slt, %sub3A, %lt3A : i32
    %convert_element_type3A_9 = arith.extui %lt3A_8 : i1 to i32
    %cond3A_10 = arith.constant 0 : i32
    %cond3A_11 = arith.cmpi ne, %convert_element_type3A_9, %cond3A_10 : i32
    scf.if %cond3A_11 {
      %get3A_38 = arith.constant 0 : index
      %get3A_39 = arith.constant 0 : index
      %get3A_40 = arith.constant 0 : index
      %get3A_41 = vector.load %arg3[%get3A_38, %get3A_39, %get3A_40] : memref<1x1x4000xi32, #tpu.memory_space<vmem>>, vector<1x1x4000xi32>
      %get3A_42 = vector.shape_cast %get3A_41 : vector<1x1x4000xi32> to vector<1x4000xi32>
      %add3A = vector.broadcast %get3A_4 : i32 to vector<16x4000xi32>
      %add3A_43 = arith.addi %iota3A, %add3A : vector<16x4000xi32>
      %eq3A_44 = vector.broadcast %get3A_42 : vector<1x4000xi32> to vector<16x4000xi32>
      %eq3A_45 = arith.cmpi eq, %eq3A_44, %add3A_43 : vector<16x4000xi32>
      %convert_element_type3A_46 = arith.extui %eq3A_45 : vector<16x4000xi1> to vector<16x4000xi32>
      %convert_element_type3A_47 = arith.sitofp %convert_element_type3A_46 : vector<16x4000xi32> to vector<16x4000xf32>
      %transpose3A = tpu.transpose %convert_element_type3A_47, [1, 0] : vector<16x4000xf32> -> vector<4000x16xf32>
      %get3A_48 = arith.constant 0 : index
      %get3A_49 = arith.constant 0 : index
      %get3A_50 = vector.load %arg5[%get3A_48, %get3A_49] : memref<4000x128xf32, #tpu.memory_space<vmem>>, vector<4000x128xf32>
      %get3A_51 = arith.constant 0 : index
      %get3A_52 = arith.constant 0 : index
      %get3A_53 = vector.load %arg13[%get3A_51, %get3A_52] : memref<128x128xf32, #tpu.memory_space<vmem>>, vector<128x128xf32>
      %dot_general3A = arith.constant dense<0.000000e+00> : vector<4000x128xf32>
      %dot_general3A_54 = tpu.matmul %get3A_50, %get3A_53, %dot_general3A {dimension_numbers = #tpu.dot_dimension_numbers<[1], [0], [0], [1], [0, 0, 1, 1], [], []>, transpose_lhs_hint = false} : vector<4000x128xf32>, vector<128x128xf32>, vector<4000x128xf32> -> vector<4000x128xf32>
      %get3A_55 = arith.index_cast %get3A_4 : i32 to index
      %get3A_56 = arith.constant 0 : index
      %get3A_57 = vector.load %arg39[%get3A_55, %get3A_56] : memref<272x128xf32, #tpu.memory_space<vmem>>, vector<16x128xf32>
      %dot_general3A_58 = arith.constant dense<0.000000e+00> : vector<4000x128xf32>
      %dot_general3A_59 = tpu.matmul %transpose3A, %get3A_57, %dot_general3A_58 {dimension_numbers = #tpu.dot_dimension_numbers<[1], [0], [0], [1], [0, 0, 1, 1], [], []>, transpose_lhs_hint = false} : vector<4000x16xf32>, vector<16x128xf32>, vector<4000x128xf32> -> vector<4000x128xf32>
      %add3A_60 = arith.addf %dot_general3A_54, %dot_general3A_59 : vector<4000x128xf32>
      %max3A = arith.constant 0.000000e+00 : f32
      %max3A_61 = vector.broadcast %max3A : f32 to vector<4000x128xf32>
      %max3A_62 = arith.maximumf %add3A_60, %max3A_61 : vector<4000x128xf32>
      %get3A_63 = arith.constant 0 : index
      %get3A_64 = arith.constant 0 : index
      %get3A_65 = vector.load %arg41[%get3A_63, %get3A_64] : memref<128x128xf32, #tpu.memory_space<vmem>>, vector<128x128xf32>
      %dot_general3A_66 = arith.constant dense<0.000000e+00> : vector<4000x128xf32>
      %dot_general3A_67 = tpu.matmul %max3A_62, %get3A_65, %dot_general3A_66 {dimension_numbers = #tpu.dot_dimension_numbers<[1], [0], [0], [1], [0, 0, 1, 1], [], []>, transpose_lhs_hint = false} : vector<4000x128xf32>, vector<128x128xf32>, vector<4000x128xf32> -> vector<4000x128xf32>
      %get3A_68 = arith.index_cast %get3A_4 : i32 to index
      %get3A_69 = arith.constant 0 : index
      %get3A_70 = vector.load %arg40[%get3A_68, %get3A_69] : memref<272x128xf32, #tpu.memory_space<vmem>>, vector<16x128xf32>
      %dot_general3A_71 = arith.constant dense<0.000000e+00> : vector<4000x128xf32>
      %dot_general3A_72 = tpu.matmul %transpose3A, %get3A_70, %dot_general3A_71 {dimension_numbers = #tpu.dot_dimension_numbers<[1], [0], [0], [1], [0, 0, 1, 1], [], []>, transpose_lhs_hint = false} : vector<4000x16xf32>, vector<16x128xf32>, vector<4000x128xf32> -> vector<4000x128xf32>
      %add3A_73 = arith.addf %dot_general3A_67, %dot_general3A_72 : vector<4000x128xf32>
      %max3A_74 = arith.constant 0.000000e+00 : f32
      %max3A_75 = vector.broadcast %max3A_74 : f32 to vector<4000x128xf32>
      %max3A_76 = arith.maximumf %add3A_73, %max3A_75 : vector<4000x128xf32>
      %get3A_77 = arith.index_cast %get3A_4 : i32 to index
      %get3A_78 = arith.constant 0 : index
      %get3A_79 = vector.load %arg43[%get3A_77, %get3A_78] : memref<272x128xf32, #tpu.memory_space<vmem>>, vector<16x128xf32>
      %dot_general3A_80 = arith.constant dense<0.000000e+00> : vector<16x128xf32>
      %dot_general3A_81 = tpu.matmul %convert_element_type3A_47, %max3A_76, %dot_general3A_80 {dimension_numbers = #tpu.dot_dimension_numbers<[1], [0], [0], [1], [0, 0, 1, 1], [], []>, transpose_lhs_hint = false} : vector<16x4000xf32>, vector<4000x128xf32>, vector<16x128xf32> -> vector<16x128xf32>
      %add3A_82 = arith.addf %get3A_79, %dot_general3A_81 : vector<16x128xf32>
      %swap3A = arith.index_cast %get3A_4 : i32 to index
      %swap3A_83 = arith.constant 0 : index
      %swap3A_84 = vector.load %arg43[%swap3A, %swap3A_83] : memref<272x128xf32, #tpu.memory_space<vmem>>, vector<16x128xf32>
      tpu.vector_store %arg43[%swap3A, %swap3A_83], %add3A_82 {strides = array<i32>} : memref<272x128xf32, #tpu.memory_space<vmem>>, vector<16x128xf32>,
    } else {
    }
    %not3A = arith.constant true
    %not3A_12 = arith.xori %lt3A_8, %not3A : i1
    %convert_element_type3A_13 = arith.extui %not3A_12 : i1 to i32
    %cond3A_14 = arith.constant 0 : i32
    %cond3A_15 = arith.cmpi ne, %convert_element_type3A_13, %cond3A_14 : i32
    scf.if %cond3A_15 {
      %get3A_38 = arith.constant 0 : index
      %get3A_39 = arith.constant 0 : index
      %get3A_40 = arith.constant 0 : index
      %get3A_41 = vector.load %arg3[%get3A_38, %get3A_39, %get3A_40] : memref<1x1x4000xi32, #tpu.memory_space<vmem>>, vector<1x1x4000xi32>
      %get3A_42 = vector.shape_cast %get3A_41 : vector<1x1x4000xi32> to vector<1x4000xi32>
      %eq3A_43 = vector.broadcast %get3A_42 : vector<1x4000xi32> to vector<256x4000xi32>
      %eq3A_44 = arith.cmpi eq, %eq3A_43, %iota3A_2 : vector<256x4000xi32>
      %convert_element_type3A_45 = arith.extui %eq3A_44 : vector<256x4000xi1> to vector<256x4000xi32>
      %convert_element_type3A_46 = arith.sitofp %convert_element_type3A_45 : vector<256x4000xi32> to vector<256x4000xf32>
      %transpose3A = tpu.transpose %convert_element_type3A_46, [1, 0] : vector<256x4000xf32> -> vector<4000x256xf32>
      %get3A_47 = arith.constant 0 : index
      %get3A_48 = arith.constant 0 : index
      %get3A_49 = vector.load %arg5[%get3A_47, %get3A_48] : memref<4000x128xf32, #tpu.memory_space<vmem>>, vector<4000x128xf32>
      %get3A_50 = arith.constant 0 : index
      %get3A_51 = arith.constant 0 : index
      %get3A_52 = vector.load %arg13[%get3A_50, %get3A_51] : memref<128x128xf32, #tpu.memory_space<vmem>>, vector<128x128xf32>
      %dot_general3A = arith.constant dense<0.000000e+00> : vector<4000x128xf32>
      %dot_general3A_53 = tpu.matmul %get3A_49, %get3A_52, %dot_general3A {dimension_numbers = #tpu.dot_dimension_numbers<[1], [0], [0], [1], [0, 0, 1, 1], [], []>, transpose_lhs_hint = false} : vector<4000x128xf32>, vector<128x128xf32>, vector<4000x128xf32> -> vector<4000x128xf32>
      %get3A_54 = arith.constant 0 : index
      %get3A_55 = arith.constant 0 : index
      %get3A_56 = vector.load %arg39[%get3A_54, %get3A_55] : memref<272x128xf32, #tpu.memory_space<vmem>>, vector<256x128xf32>
      %dot_general3A_57 = arith.constant dense<0.000000e+00> : vector<4000x128xf32>
      %dot_general3A_58 = tpu.matmul %transpose3A, %get3A_56, %dot_general3A_57 {dimension_numbers = #tpu.dot_dimension_numbers<[1], [0], [0], [1], [0, 0, 1, 1], [], []>, transpose_lhs_hint = false} : vector<4000x256xf32>, vector<256x128xf32>, vector<4000x128xf32> -> vector<4000x128xf32>
      %add3A = arith.addf %dot_general3A_53, %dot_general3A_58 : vector<4000x128xf32>
      %max3A = arith.constant 0.000000e+00 : f32
      %max3A_59 = vector.broadcast %max3A : f32 to vector<4000x128xf32>
      %max3A_60 = arith.maximumf %add3A, %max3A_59 : vector<4000x128xf32>
      %get3A_61 = arith.constant 0 : index
      %get3A_62 = arith.constant 0 : index
      %get3A_63 = vector.load %arg41[%get3A_61, %get3A_62] : memref<128x128xf32, #tpu.memory_space<vmem>>, vector<128x128xf32>
      %dot_general3A_64 = arith.constant dense<0.000000e+00> : vector<4000x128xf32>
      %dot_general3A_65 = tpu.matmul %max3A_60, %get3A_63, %dot_general3A_64 {dimension_numbers = #tpu.dot_dimension_numbers<[1], [0], [0], [1], [0, 0, 1, 1], [], []>, transpose_lhs_hint = false} : vector<4000x128xf32>, vector<128x128xf32>, vector<4000x128xf32> -> vector<4000x128xf32>
      %get3A_66 = arith.constant 0 : index
      %get3A_67 = arith.constant 0 : index
      %get3A_68 = vector.load %arg40[%get3A_66, %get3A_67] : memref<272x128xf32, #tpu.memory_space<vmem>>, vector<256x128xf32>
      %dot_general3A_69 = arith.constant dense<0.000000e+00> : vector<4000x128xf32>
      %dot_general3A_70 = tpu.matmul %transpose3A, %get3A_68, %dot_general3A_69 {dimension_numbers = #tpu.dot_dimension_numbers<[1], [0], [0], [1], [0, 0, 1, 1], [], []>, transpose_lhs_hint = false} : vector<4000x256xf32>, vector<256x128xf32>, vector<4000x128xf32> -> vector<4000x128xf32>
      %add3A_71 = arith.addf %dot_general3A_65, %dot_general3A_70 : vector<4000x128xf32>
      %max3A_72 = arith.constant 0.000000e+00 : f32
      %max3A_73 = vector.broadcast %max3A_72 : f32 to vector<4000x128xf32>
      %max3A_74 = arith.maximumf %add3A_71, %max3A_73 : vector<4000x128xf32>
      %get3A_75 = arith.constant 0 : index
      %get3A_76 = arith.constant 0 : index
      %get3A_77 = vector.load %arg43[%get3A_75, %get3A_76] : memref<272x128xf32, #tpu.memory_space<vmem>>, vector<256x128xf32>
      %dot_general3A_78 = arith.constant dense<0.000000e+00> : vector<256x128xf32>
      %dot_general3A_79 = tpu.matmul %convert_element_type3A_46, %max3A_74, %dot_general3A_78 {dimension_numbers = #tpu.dot_dimension_numbers<[1], [0], [0], [1], [0, 0, 1, 1], [], []>, transpose_lhs_hint = false} : vector<256x4000xf32>, vector<4000x128xf32>, vector<256x128xf32> -> vector<256x128xf32>
      %add3A_80 = arith.addf %get3A_77, %dot_general3A_79 : vector<256x128xf32>
      %swap3A = arith.constant 0 : index
      %swap3A_81 = arith.constant 0 : index
      %swap3A_82 = vector.load %arg43[%swap3A, %swap3A_81] : memref<272x128xf32, #tpu.memory_space<vmem>>, vector<256x128xf32>
      tpu.vector_store %arg43[%swap3A, %swap3A_81], %add3A_80 {strides = array<i32>} : memref<272x128xf32, #tpu.memory_space<vmem>>, vector<256x128xf32>,
    } else {
    }
    %get3A_16 = arith.constant 1 : index
    %get3A_17 = arith.index_cast %arg0 : i32 to index
    %get3A_18 = memref.load %arg1[%get3A_16, %get3A_17] : memref<2x25xi32, #tpu.memory_space<smem>>
    %get3A_19 = arith.constant 1 : index
    %get3A_20 = arith.index_cast %arg0 : i32 to index
    %get3A_21 = memref.load %arg2[%get3A_19, %get3A_20] : memref<2x25xi32, #tpu.memory_space<smem>>
    %sub3A_22 = arith.subi %get3A_21, %get3A_18 : i32
    %lt3A_23 = arith.constant 16 : i32
    %lt3A_24 = arith.cmpi slt, %sub3A_22, %lt3A_23 : i32
    %convert_element_type3A_25 = arith.extui %lt3A_24 : i1 to i32
    %cond3A_26 = arith.constant 0 : i32
    %cond3A_27 = arith.cmpi ne, %convert_element_type3A_25, %cond3A_26 : i32
    scf.if %cond3A_27 {
      %get3A_38 = arith.constant 0 : index
      %get3A_39 = arith.constant 0 : index
      %get3A_40 = arith.constant 0 : index
      %get3A_41 = vector.load %arg4[%get3A_38, %get3A_39, %get3A_40] : memref<1x1x4000xi32, #tpu.memory_space<vmem>>, vector<1x1x4000xi32>
      %get3A_42 = vector.shape_cast %get3A_41 : vector<1x1x4000xi32> to vector<1x4000xi32>
      %add3A = vector.broadcast %get3A_18 : i32 to vector<16x4000xi32>
      %add3A_43 = arith.addi %iota3A, %add3A : vector<16x4000xi32>
      %eq3A_44 = vector.broadcast %get3A_42 : vector<1x4000xi32> to vector<16x4000xi32>
      %eq3A_45 = arith.cmpi eq, %eq3A_44, %add3A_43 : vector<16x4000xi32>
      %convert_element_type3A_46 = arith.extui %eq3A_45 : vector<16x4000xi1> to vector<16x4000xi32>
      %convert_element_type3A_47 = arith.sitofp %convert_element_type3A_46 : vector<16x4000xi32> to vector<16x4000xf32>
      %transpose3A = tpu.transpose %convert_element_type3A_47, [1, 0] : vector<16x4000xf32> -> vector<4000x16xf32>
      %get3A_48 = arith.constant 0 : index
      %get3A_49 = arith.constant 0 : index
      %get3A_50 = vector.load %arg6[%get3A_48, %get3A_49] : memref<4000x128xf32, #tpu.memory_space<vmem>>, vector<4000x128xf32>
      %get3A_51 = arith.constant 0 : index
      %get3A_52 = arith.constant 0 : index
      %get3A_53 = vector.load %arg23[%get3A_51, %get3A_52] : memref<128x128xf32, #tpu.memory_space<vmem>>, vector<128x128xf32>
      %dot_general3A = arith.constant dense<0.000000e+00> : vector<4000x128xf32>
      %dot_general3A_54 = tpu.matmul %get3A_50, %get3A_53, %dot_general3A {dimension_numbers = #tpu.dot_dimension_numbers<[1], [0], [0], [1], [0, 0, 1, 1], [], []>, transpose_lhs_hint = false} : vector<4000x128xf32>, vector<128x128xf32>, vector<4000x128xf32> -> vector<4000x128xf32>
      %get3A_55 = arith.index_cast %get3A_18 : i32 to index
      %get3A_56 = arith.constant 0 : index
      %get3A_57 = vector.load %arg44[%get3A_55, %get3A_56] : memref<272x128xf32, #tpu.memory_space<vmem>>, vector<16x128xf32>
      %dot_general3A_58 = arith.constant dense<0.000000e+00> : vector<4000x128xf32>
      %dot_general3A_59 = tpu.matmul %transpose3A, %get3A_57, %dot_general3A_58 {dimension_numbers = #tpu.dot_dimension_numbers<[1], [0], [0], [1], [0, 0, 1, 1], [], []>, transpose_lhs_hint = false} : vector<4000x16xf32>, vector<16x128xf32>, vector<4000x128xf32> -> vector<4000x128xf32>
      %add3A_60 = arith.addf %dot_general3A_54, %dot_general3A_59 : vector<4000x128xf32>
      %max3A = arith.constant 0.000000e+00 : f32
      %max3A_61 = vector.broadcast %max3A : f32 to vector<4000x128xf32>
      %max3A_62 = arith.maximumf %add3A_60, %max3A_61 : vector<4000x128xf32>
      %get3A_63 = arith.constant 0 : index
      %get3A_64 = arith.constant 0 : index
      %get3A_65 = vector.load %arg46[%get3A_63, %get3A_64] : memref<128x128xf32, #tpu.memory_space<vmem>>, vector<128x128xf32>
      %dot_general3A_66 = arith.constant dense<0.000000e+00> : vector<4000x128xf32>
      %dot_general3A_67 = tpu.matmul %max3A_62, %get3A_65, %dot_general3A_66 {dimension_numbers = #tpu.dot_dimension_numbers<[1], [0], [0], [1], [0, 0, 1, 1], [], []>, transpose_lhs_hint = false} : vector<4000x128xf32>, vector<128x128xf32>, vector<4000x128xf32> -> vector<4000x128xf32>
      %get3A_68 = arith.index_cast %get3A_18 : i32 to index
      %get3A_69 = arith.constant 0 : index
      %get3A_70 = vector.load %arg45[%get3A_68, %get3A_69] : memref<272x128xf32, #tpu.memory_space<vmem>>, vector<16x128xf32>
      %dot_general3A_71 = arith.constant dense<0.000000e+00> : vector<4000x128xf32>
      %dot_general3A_72 = tpu.matmul %transpose3A, %get3A_70, %dot_general3A_71 {dimension_numbers = #tpu.dot_dimension_numbers<[1], [0], [0], [1], [0, 0, 1, 1], [], []>, transpose_lhs_hint = false} : vector<4000x16xf32>, vector<16x128xf32>, vector<4000x128xf32> -> vector<4000x128xf32>
      %add3A_73 = arith.addf %dot_general3A_67, %dot_general3A_72 : vector<4000x128xf32>
      %max3A_74 = arith.constant 0.000000e+00 : f32
      %max3A_75 = vector.broadcast %max3A_74 : f32 to vector<4000x128xf32>
      %max3A_76 = arith.maximumf %add3A_73, %max3A_75 : vector<4000x128xf32>
      %get3A_77 = arith.index_cast %get3A_18 : i32 to index
      %get3A_78 = arith.constant 0 : index
      %get3A_79 = vector.load %arg48[%get3A_77, %get3A_78] : memref<272x128xf32, #tpu.memory_space<vmem>>, vector<16x128xf32>
      %dot_general3A_80 = arith.constant dense<0.000000e+00> : vector<16x128xf32>
      %dot_general3A_81 = tpu.matmul %convert_element_type3A_47, %max3A_76, %dot_general3A_80 {dimension_numbers = #tpu.dot_dimension_numbers<[1], [0], [0], [1], [0, 0, 1, 1], [], []>, transpose_lhs_hint = false} : vector<16x4000xf32>, vector<4000x128xf32>, vector<16x128xf32> -> vector<16x128xf32>
      %add3A_82 = arith.addf %get3A_79, %dot_general3A_81 : vector<16x128xf32>
      %swap3A = arith.index_cast %get3A_18 : i32 to index
      %swap3A_83 = arith.constant 0 : index
      %swap3A_84 = vector.load %arg48[%swap3A, %swap3A_83] : memref<272x128xf32, #tpu.memory_space<vmem>>, vector<16x128xf32>
      tpu.vector_store %arg48[%swap3A, %swap3A_83], %add3A_82 {strides = array<i32>} : memref<272x128xf32, #tpu.memory_space<vmem>>, vector<16x128xf32>,
    } else {
    }
    %not3A_28 = arith.constant true
    %not3A_29 = arith.xori %lt3A_24, %not3A_28 : i1
    %convert_element_type3A_30 = arith.extui %not3A_29 : i1 to i32
    %cond3A_31 = arith.constant 0 : i32
    %cond3A_32 = arith.cmpi ne, %convert_element_type3A_30, %cond3A_31 : i32
    scf.if %cond3A_32 {
      %get3A_38 = arith.constant 0 : index
      %get3A_39 = arith.constant 0 : index
      %get3A_40 = arith.constant 0 : index
      %get3A_41 = vector.load %arg4[%get3A_38, %get3A_39, %get3A_40] : memref<1x1x4000xi32, #tpu.memory_space<vmem>>, vector<1x1x4000xi32>
      %get3A_42 = vector.shape_cast %get3A_41 : vector<1x1x4000xi32> to vector<1x4000xi32>
      %eq3A_43 = vector.broadcast %get3A_42 : vector<1x4000xi32> to vector<256x4000xi32>
      %eq3A_44 = arith.cmpi eq, %eq3A_43, %iota3A_2 : vector<256x4000xi32>
      %convert_element_type3A_45 = arith.extui %eq3A_44 : vector<256x4000xi1> to vector<256x4000xi32>
      %convert_element_type3A_46 = arith.sitofp %convert_element_type3A_45 : vector<256x4000xi32> to vector<256x4000xf32>
      %transpose3A = tpu.transpose %convert_element_type3A_46, [1, 0] : vector<256x4000xf32> -> vector<4000x256xf32>
      %get3A_47 = arith.constant 0 : index
      %get3A_48 = arith.constant 0 : index
      %get3A_49 = vector.load %arg6[%get3A_47, %get3A_48] : memref<4000x128xf32, #tpu.memory_space<vmem>>, vector<4000x128xf32>
      %get3A_50 = arith.constant 0 : index
      %get3A_51 = arith.constant 0 : index
      %get3A_52 = vector.load %arg23[%get3A_50, %get3A_51] : memref<128x128xf32, #tpu.memory_space<vmem>>, vector<128x128xf32>
      %dot_general3A = arith.constant dense<0.000000e+00> : vector<4000x128xf32>
      %dot_general3A_53 = tpu.matmul %get3A_49, %get3A_52, %dot_general3A {dimension_numbers = #tpu.dot_dimension_numbers<[1], [0], [0], [1], [0, 0, 1, 1], [], []>, transpose_lhs_hint = false} : vector<4000x128xf32>, vector<128x128xf32>, vector<4000x128xf32> -> vector<4000x128xf32>
      %get3A_54 = arith.constant 0 : index
      %get3A_55 = arith.constant 0 : index
      %get3A_56 = vector.load %arg44[%get3A_54, %get3A_55] : memref<272x128xf32, #tpu.memory_space<vmem>>, vector<256x128xf32>
      %dot_general3A_57 = arith.constant dense<0.000000e+00> : vector<4000x128xf32>
      %dot_general3A_58 = tpu.matmul %transpose3A, %get3A_56, %dot_general3A_57 {dimension_numbers = #tpu.dot_dimension_numbers<[1], [0], [0], [1], [0, 0, 1, 1], [], []>, transpose_lhs_hint = false} : vector<4000x256xf32>, vector<256x128xf32>, vector<4000x128xf32> -> vector<4000x128xf32>
      %add3A = arith.addf %dot_general3A_53, %dot_general3A_58 : vector<4000x128xf32>
      %max3A = arith.constant 0.000000e+00 : f32
      %max3A_59 = vector.broadcast %max3A : f32 to vector<4000x128xf32>
      %max3A_60 = arith.maximumf %add3A, %max3A_59 : vector<4000x128xf32>
      %get3A_61 = arith.constant 0 : index
      %get3A_62 = arith.constant 0 : index
      %get3A_63 = vector.load %arg46[%get3A_61, %get3A_62] : memref<128x128xf32, #tpu.memory_space<vmem>>, vector<128x128xf32>
      %dot_general3A_64 = arith.constant dense<0.000000e+00> : vector<4000x128xf32>
      %dot_general3A_65 = tpu.matmul %max3A_60, %get3A_63, %dot_general3A_64 {dimension_numbers = #tpu.dot_dimension_numbers<[1], [0], [0], [1], [0, 0, 1, 1], [], []>, transpose_lhs_hint = false} : vector<4000x128xf32>, vector<128x128xf32>, vector<4000x128xf32> -> vector<4000x128xf32>
      %get3A_66 = arith.constant 0 : index
      %get3A_67 = arith.constant 0 : index
      %get3A_68 = vector.load %arg45[%get3A_66, %get3A_67] : memref<272x128xf32, #tpu.memory_space<vmem>>, vector<256x128xf32>
      %dot_general3A_69 = arith.constant dense<0.000000e+00> : vector<4000x128xf32>
      %dot_general3A_70 = tpu.matmul %transpose3A, %get3A_68, %dot_general3A_69 {dimension_numbers = #tpu.dot_dimension_numbers<[1], [0], [0], [1], [0, 0, 1, 1], [], []>, transpose_lhs_hint = false} : vector<4000x256xf32>, vector<256x128xf32>, vector<4000x128xf32> -> vector<4000x128xf32>
      %add3A_71 = arith.addf %dot_general3A_65, %dot_general3A_70 : vector<4000x128xf32>
      %max3A_72 = arith.constant 0.000000e+00 : f32
      %max3A_73 = vector.broadcast %max3A_72 : f32 to vector<4000x128xf32>
      %max3A_74 = arith.maximumf %add3A_71, %max3A_73 : vector<4000x128xf32>
      %get3A_75 = arith.constant 0 : index
      %get3A_76 = arith.constant 0 : index
      %get3A_77 = vector.load %arg48[%get3A_75, %get3A_76] : memref<272x128xf32, #tpu.memory_space<vmem>>, vector<256x128xf32>
      %dot_general3A_78 = arith.constant dense<0.000000e+00> : vector<256x128xf32>
      %dot_general3A_79 = tpu.matmul %convert_element_type3A_46, %max3A_74, %dot_general3A_78 {dimension_numbers = #tpu.dot_dimension_numbers<[1], [0], [0], [1], [0, 0, 1, 1], [], []>, transpose_lhs_hint = false} : vector<256x4000xf32>, vector<4000x128xf32>, vector<256x128xf32> -> vector<256x128xf32>
      %add3A_80 = arith.addf %get3A_77, %dot_general3A_79 : vector<256x128xf32>
      %swap3A = arith.constant 0 : index
      %swap3A_81 = arith.constant 0 : index
      %swap3A_82 = vector.load %arg48[%swap3A, %swap3A_81] : memref<272x128xf32, #tpu.memory_space<vmem>>, vector<256x128xf32>
      tpu.vector_store %arg48[%swap3A, %swap3A_81], %add3A_80 {strides = array<i32>} : memref<272x128xf32, #tpu.memory_space<vmem>>, vector<256x128xf32>,
    } else {
    }
    %eq3A_33 = arith.constant 24 : i32
    %eq3A_34 = arith.cmpi eq, %arg0, %eq3A_33 : i32
    %convert_element_type3A_35 = arith.extui %eq3A_34 : i1 to i32
    %cond3A_36 = arith.constant 0 : i32
    %cond3A_37 = arith.cmpi ne, %convert_element_type3A_35, %cond3A_36 : i32
    scf.if %cond3A_37 {
      %get3A_38 = arith.constant 0 : index
      %get3A_39 = arith.constant 0 : index
      %get3A_40 = vector.load %arg43[%get3A_38, %get3A_39] : memref<272x128xf32, #tpu.memory_space<vmem>>, vector<256x128xf32>
      %get3A_41 = arith.constant 0 : index
      %get3A_42 = arith.constant 0 : index
      %get3A_43 = vector.load %arg16[%get3A_41, %get3A_42] : memref<128x128xf32, #tpu.memory_space<vmem>>, vector<128x128xf32>
      %dot_general3A = arith.constant dense<0.000000e+00> : vector<256x128xf32>
      %dot_general3A_44 = tpu.matmul %get3A_40, %get3A_43, %dot_general3A {dimension_numbers = #tpu.dot_dimension_numbers<[1], [0], [0], [1], [0, 0, 1, 1], [], []>, transpose_lhs_hint = false} : vector<256x128xf32>, vector<128x128xf32>, vector<256x128xf32> -> vector<256x128xf32>
      %get3A_45 = arith.constant 0 : index
      %get3A_46 = arith.constant 0 : index
      %get3A_47 = vector.load %arg11[%get3A_45, %get3A_46] : memref<256x1xf32, #tpu.memory_space<vmem>>, vector<256x1xf32>
      %get3A_48 = arith.constant 0 : index
      %get3A_49 = arith.constant 0 : index
      %get3A_50 = vector.load %arg17[%get3A_48, %get3A_49] : memref<1x128xf32, #tpu.memory_space<vmem>>, vector<1x128xf32>
      %mul3A = vector.broadcast %get3A_47 : vector<256x1xf32> to vector<256x128xf32>
      %mul3A_51 = vector.broadcast %get3A_50 : vector<1x128xf32> to vector<256x128xf32>
      %mul3A_52 = arith.mulf %mul3A, %mul3A_51 : vector<256x128xf32>
      %add3A = arith.addf %dot_general3A_44, %mul3A_52 : vector<256x128xf32>
      %get3A_53 = arith.constant 0 : index
      %get3A_54 = arith.constant 0 : index
      %get3A_55 = vector.load %arg18[%get3A_53, %get3A_54] : memref<128x128xf32, #tpu.memory_space<vmem>>, vector<128x128xf32>
      %dot_general3A_56 = arith.constant dense<0.000000e+00> : vector<256x128xf32>
      %dot_general3A_57 = tpu.matmul %add3A, %get3A_55, %dot_general3A_56 {dimension_numbers = #tpu.dot_dimension_numbers<[1], [0], [0], [1], [0, 0, 1, 1], [], []>, transpose_lhs_hint = false} : vector<256x128xf32>, vector<128x128xf32>, vector<256x128xf32> -> vector<256x128xf32>
      %get3A_58 = arith.constant 0 : index
      %get3A_59 = arith.constant 0 : index
      %get3A_60 = vector.load %arg42[%get3A_58, %get3A_59] : memref<256x128xf32, #tpu.memory_space<vmem>>, vector<256x128xf32>
      %get3A_61 = arith.constant 0 : index
      %get3A_62 = arith.constant 0 : index
      %get3A_63 = vector.load %arg19[%get3A_61, %get3A_62] : memref<128x128xf32, #tpu.memory_space<vmem>>, vector<128x128xf32>
      %dot_general3A_64 = arith.constant dense<0.000000e+00> : vector<256x128xf32>
      %dot_general3A_65 = tpu.matmul %get3A_60, %get3A_63, %dot_general3A_64 {dimension_numbers = #tpu.dot_dimension_numbers<[1], [0], [0], [1], [0, 0, 1, 1], [], []>, transpose_lhs_hint = false} : vector<256x128xf32>, vector<128x128xf32>, vector<256x128xf32> -> vector<256x128xf32>
      %add3A_66 = arith.addf %dot_general3A_57, %dot_general3A_65 : vector<256x128xf32>
      %get3A_67 = arith.constant 0 : index
      %get3A_68 = arith.constant 0 : index
      %get3A_69 = vector.load %arg20[%get3A_67, %get3A_68] : memref<1x128xf32, #tpu.memory_space<vmem>>, vector<1x128xf32>
      %add3A_70 = vector.broadcast %get3A_69 : vector<1x128xf32> to vector<256x128xf32>
      %add3A_71 = arith.addf %add3A_66, %add3A_70 : vector<256x128xf32>
      %max3A = arith.constant 0.000000e+00 : f32
      %max3A_72 = vector.broadcast %max3A : f32 to vector<256x128xf32>
      %max3A_73 = arith.maximumf %add3A_71, %max3A_72 : vector<256x128xf32>
      %get3A_74 = arith.constant 0 : index
      %get3A_75 = arith.constant 0 : index
      %get3A_76 = vector.load %arg21[%get3A_74, %get3A_75] : memref<128x128xf32, #tpu.memory_space<vmem>>, vector<128x128xf32>
      %dot_general3A_77 = arith.constant dense<0.000000e+00> : vector<256x128xf32>
      %dot_general3A_78 = tpu.matmul %max3A_73, %get3A_76, %dot_general3A_77 {dimension_numbers = #tpu.dot_dimension_numbers<[1], [0], [0], [1], [0, 0, 1, 1], [], []>, transpose_lhs_hint = false} : vector<256x128xf32>, vector<128x128xf32>, vector<256x128xf32> -> vector<256x128xf32>
      %get3A_79 = arith.constant 0 : index
      %get3A_80 = arith.constant 0 : index
      %get3A_81 = vector.load %arg22[%get3A_79, %get3A_80] : memref<1x128xf32, #tpu.memory_space<vmem>>, vector<1x128xf32>
      %add3A_82 = vector.broadcast %get3A_81 : vector<1x128xf32> to vector<256x128xf32>
      %add3A_83 = arith.addf %dot_general3A_78, %add3A_82 : vector<256x128xf32>
      %get3A_84 = arith.constant 0 : index
      %get3A_85 = arith.constant 0 : index
      %get3A_86 = vector.load %arg48[%get3A_84, %get3A_85] : memref<272x128xf32, #tpu.memory_space<vmem>>, vector<256x128xf32>
      %get3A_87 = arith.constant 0 : index
      %get3A_88 = arith.constant 0 : index
      %get3A_89 = vector.load %arg26[%get3A_87, %get3A_88] : memref<128x128xf32, #tpu.memory_space<vmem>>, vector<128x128xf32>
      %dot_general3A_90 = arith.constant dense<0.000000e+00> : vector<256x128xf32>
      %dot_general3A_91 = tpu.matmul %get3A_86, %get3A_89, %dot_general3A_90 {dimension_numbers = #tpu.dot_dimension_numbers<[1], [0], [0], [1], [0, 0, 1, 1], [], []>, transpose_lhs_hint = false} : vector<256x128xf32>, vector<128x128xf32>, vector<256x128xf32> -> vector<256x128xf32>
      %get3A_92 = arith.constant 0 : index
      %get3A_93 = arith.constant 0 : index
      %get3A_94 = vector.load %arg12[%get3A_92, %get3A_93] : memref<256x1xf32, #tpu.memory_space<vmem>>, vector<256x1xf32>
      %get3A_95 = arith.constant 0 : index
      %get3A_96 = arith.constant 0 : index
      %get3A_97 = vector.load %arg27[%get3A_95, %get3A_96] : memref<1x128xf32, #tpu.memory_space<vmem>>, vector<1x128xf32>
      %mul3A_98 = vector.broadcast %get3A_94 : vector<256x1xf32> to vector<256x128xf32>
      %mul3A_99 = vector.broadcast %get3A_97 : vector<1x128xf32> to vector<256x128xf32>
      %mul3A_100 = arith.mulf %mul3A_98, %mul3A_99 : vector<256x128xf32>
      %add3A_101 = arith.addf %dot_general3A_91, %mul3A_100 : vector<256x128xf32>
      %get3A_102 = arith.constant 0 : index
      %get3A_103 = arith.constant 0 : index
      %get3A_104 = vector.load %arg28[%get3A_102, %get3A_103] : memref<128x128xf32, #tpu.memory_space<vmem>>, vector<128x128xf32>
      %dot_general3A_105 = arith.constant dense<0.000000e+00> : vector<256x128xf32>
      %dot_general3A_106 = tpu.matmul %add3A_101, %get3A_104, %dot_general3A_105 {dimension_numbers = #tpu.dot_dimension_numbers<[1], [0], [0], [1], [0, 0, 1, 1], [], []>, transpose_lhs_hint = false} : vector<256x128xf32>, vector<128x128xf32>, vector<256x128xf32> -> vector<256x128xf32>
      %get3A_107 = arith.constant 0 : index
      %get3A_108 = arith.constant 0 : index
      %get3A_109 = vector.load %arg47[%get3A_107, %get3A_108] : memref<256x128xf32, #tpu.memory_space<vmem>>, vector<256x128xf32>
      %get3A_110 = arith.constant 0 : index
      %get3A_111 = arith.constant 0 : index
      %get3A_112 = vector.load %arg29[%get3A_110, %get3A_111] : memref<128x128xf32, #tpu.memory_space<vmem>>, vector<128x128xf32>
      %dot_general3A_113 = arith.constant dense<0.000000e+00> : vector<256x128xf32>
      %dot_general3A_114 = tpu.matmul %get3A_109, %get3A_112, %dot_general3A_113 {dimension_numbers = #tpu.dot_dimension_numbers<[1], [0], [0], [1], [0, 0, 1, 1], [], []>, transpose_lhs_hint = false} : vector<256x128xf32>, vector<128x128xf32>, vector<256x128xf32> -> vector<256x128xf32>
      %add3A_115 = arith.addf %dot_general3A_106, %dot_general3A_114 : vector<256x128xf32>
      %get3A_116 = arith.constant 0 : index
      %get3A_117 = arith.constant 0 : index
      %get3A_118 = vector.load %arg30[%get3A_116, %get3A_117] : memref<1x128xf32, #tpu.memory_space<vmem>>, vector<1x128xf32>
      %add3A_119 = vector.broadcast %get3A_118 : vector<1x128xf32> to vector<256x128xf32>
      %add3A_120 = arith.addf %add3A_115, %add3A_119 : vector<256x128xf32>
      %max3A_121 = arith.constant 0.000000e+00 : f32
      %max3A_122 = vector.broadcast %max3A_121 : f32 to vector<256x128xf32>
      %max3A_123 = arith.maximumf %add3A_120, %max3A_122 : vector<256x128xf32>
      %get3A_124 = arith.constant 0 : index
      %get3A_125 = arith.constant 0 : index
      %get3A_126 = vector.load %arg31[%get3A_124, %get3A_125] : memref<128x128xf32, #tpu.memory_space<vmem>>, vector<128x128xf32>
      %dot_general3A_127 = arith.constant dense<0.000000e+00> : vector<256x128xf32>
      %dot_general3A_128 = tpu.matmul %max3A_123, %get3A_126, %dot_general3A_127 {dimension_numbers = #tpu.dot_dimension_numbers<[1], [0], [0], [1], [0, 0, 1, 1], [], []>, transpose_lhs_hint = false} : vector<256x128xf32>, vector<128x128xf32>, vector<256x128xf32> -> vector<256x128xf32>
      %get3A_129 = arith.constant 0 : index
      %get3A_130 = arith.constant 0 : index
      %get3A_131 = vector.load %arg32[%get3A_129, %get3A_130] : memref<1x128xf32, #tpu.memory_space<vmem>>, vector<1x128xf32>
      %add3A_132 = vector.broadcast %get3A_131 : vector<1x128xf32> to vector<256x128xf32>
      %add3A_133 = arith.addf %dot_general3A_128, %add3A_132 : vector<256x128xf32>
      %get3A_134 = arith.constant 0 : index
      %get3A_135 = arith.constant 0 : index
      %get3A_136 = vector.load %arg33[%get3A_134, %get3A_135] : memref<128x128xf32, #tpu.memory_space<vmem>>, vector<128x128xf32>
      %dot_general3A_137 = arith.constant dense<0.000000e+00> : vector<256x128xf32>
      %dot_general3A_138 = tpu.matmul %add3A_83, %get3A_136, %dot_general3A_137 {dimension_numbers = #tpu.dot_dimension_numbers<[1], [0], [0], [1], [0, 0, 1, 1], [], []>, transpose_lhs_hint = false} : vector<256x128xf32>, vector<128x128xf32>, vector<256x128xf32> -> vector<256x128xf32>
      %get3A_139 = arith.constant 0 : index
      %get3A_140 = arith.constant 0 : index
      %get3A_141 = vector.load %arg34[%get3A_139, %get3A_140] : memref<128x128xf32, #tpu.memory_space<vmem>>, vector<128x128xf32>
      %dot_general3A_142 = arith.constant dense<0.000000e+00> : vector<256x128xf32>
      %dot_general3A_143 = tpu.matmul %add3A_133, %get3A_141, %dot_general3A_142 {dimension_numbers = #tpu.dot_dimension_numbers<[1], [0], [0], [1], [0, 0, 1, 1], [], []>, transpose_lhs_hint = false} : vector<256x128xf32>, vector<128x128xf32>, vector<256x128xf32> -> vector<256x128xf32>
      %add3A_144 = arith.addf %dot_general3A_138, %dot_general3A_143 : vector<256x128xf32>
      %get3A_145 = arith.constant 0 : index
      %get3A_146 = arith.constant 0 : index
      %get3A_147 = vector.load %arg35[%get3A_145, %get3A_146] : memref<1x128xf32, #tpu.memory_space<vmem>>, vector<1x128xf32>
      %add3A_148 = vector.broadcast %get3A_147 : vector<1x128xf32> to vector<256x128xf32>
      %add3A_149 = arith.addf %add3A_144, %add3A_148 : vector<256x128xf32>
      %max3A_150 = arith.constant 0.000000e+00 : f32
      %max3A_151 = vector.broadcast %max3A_150 : f32 to vector<256x128xf32>
      %max3A_152 = arith.maximumf %add3A_149, %max3A_151 : vector<256x128xf32>
      %get3A_153 = arith.constant 0 : index
      %get3A_154 = arith.constant 0 : index
      %get3A_155 = vector.load %arg36[%get3A_153, %get3A_154] : memref<128x2xf32, #tpu.memory_space<vmem>>, vector<128x2xf32>
      %dot_general3A_156 = arith.constant dense<0.000000e+00> : vector<256x2xf32>
      %dot_general3A_157 = tpu.matmul %max3A_152, %get3A_155, %dot_general3A_156 {dimension_numbers = #tpu.dot_dimension_numbers<[1], [0], [0], [1], [0, 0, 1, 1], [], []>, transpose_lhs_hint = false} : vector<256x128xf32>, vector<128x2xf32>, vector<256x2xf32> -> vector<256x2xf32>
      %get3A_158 = arith.constant 0 : index
      %get3A_159 = arith.constant 0 : index
      %get3A_160 = vector.load %arg37[%get3A_158, %get3A_159] : memref<1x2xf32, #tpu.memory_space<vmem>>, vector<1x2xf32>
      %add3A_161 = vector.broadcast %get3A_160 : vector<1x2xf32> to vector<256x2xf32>
      %add3A_162 = arith.addf %dot_general3A_157, %add3A_161 : vector<256x2xf32>
      %swap3A = arith.constant 1 : index
      %swap3A_163 = arith.constant 0 : index
      %swap3A_164 = arith.constant 0 : index
      %swap3A_165 = vector.load %arg38[%swap3A, %swap3A_163, %swap3A_164] : memref<2x256x2xf32, #tpu.memory_space<vmem>>, vector<1x256x2xf32>
      %swap3A_166 = vector.shape_cast %swap3A_165 : vector<1x256x2xf32> to vector<256x2xf32>
      %swap3A_167 = vector.shape_cast %add3A_162 : vector<256x2xf32> to vector<1x256x2xf32>
      tpu.vector_store %arg38[%swap3A, %swap3A_163, %swap3A_164], %swap3A_167 {strides = array<i32>} : memref<2x256x2xf32, #tpu.memory_space<vmem>>, vector<1x256x2xf32>,
    } else {
    }
    return
  }
  func.func @transform_0(%arg0: i32) -> (i32, i32) {
    %c0_i32 = arith.constant 0 : i32
    %c0_i32_0 = arith.constant 0 : i32
    %c0_i32_1 = arith.constant 0 : i32
    return %c0_i32, %c0_i32_0 : i32, i32
  }
  func.func @transform_1(%arg0: i32) -> (i32, i32) {
    %c0_i32 = arith.constant 0 : i32
    %c0_i32_0 = arith.constant 0 : i32
    %c0_i32_1 = arith.constant 0 : i32
    return %c0_i32, %c0_i32_0 : i32, i32
  }
  func.func @transform_2(%arg0: i32) -> (i32, i32, i32) {
    %c0_i32 = arith.constant 0 : i32
    %c0_i32_0 = arith.constant 0 : i32
    %c0_i32_1 = arith.constant 0 : i32
    return %arg0, %c0_i32, %c0_i32_0 : i32, i32, i32
  }
  func.func @transform_3(%arg0: i32) -> (i32, i32, i32) {
    %c0_i32 = arith.constant 0 : i32
    %c0_i32_0 = arith.constant 0 : i32
    %c0_i32_1 = arith.constant 0 : i32
    return %arg0, %c0_i32, %c0_i32_0 : i32, i32, i32
  }
  func.func @transform_4(%arg0: i32) -> (i32, i32) {
    %c0_i32 = arith.constant 0 : i32
    %c0_i32_0 = arith.constant 0 : i32
    return %arg0, %c0_i32 : i32, i32
  }
  func.func @transform_5(%arg0: i32) -> (i32, i32) {
    %c0_i32 = arith.constant 0 : i32
    %c0_i32_0 = arith.constant 0 : i32
    return %arg0, %c0_i32 : i32, i32
  }
  func.func @transform_6(%arg0: i32) -> (i32, i32) {
    %c0_i32 = arith.constant 0 : i32
    %c0_i32_0 = arith.constant 0 : i32
    %c0_i32_1 = arith.constant 0 : i32
    return %c0_i32, %c0_i32_0 : i32, i32
  }
  func.func @transform_7(%arg0: i32) -> (i32, i32) {
    %c0_i32 = arith.constant 0 : i32
    %c0_i32_0 = arith.constant 0 : i32
    %c0_i32_1 = arith.constant 0 : i32
    return %c0_i32, %c0_i32_0 : i32, i32
  }
  func.func @transform_8(%arg0: i32) -> (i32, i32) {
    %c0_i32 = arith.constant 0 : i32
    %c0_i32_0 = arith.constant 0 : i32
    %c0_i32_1 = arith.constant 0 : i32
    return %c0_i32, %c0_i32_0 : i32, i32
  }
  func.func @transform_9(%arg0: i32) -> (i32, i32) {
    %c0_i32 = arith.constant 0 : i32
    %c0_i32_0 = arith.constant 0 : i32
    %c0_i32_1 = arith.constant 0 : i32
    return %c0_i32, %c0_i32_0 : i32, i32
  }
  func.func @transform_10(%arg0: i32) -> (i32, i32) {
    %c0_i32 = arith.constant 0 : i32
    %c0_i32_0 = arith.constant 0 : i32
    %c0_i32_1 = arith.constant 0 : i32
    return %c0_i32, %c0_i32_0 : i32, i32
  }
  func.func @transform_11(%arg0: i32) -> (i32, i32) {
    %c0_i32 = arith.constant 0 : i32
    %c0_i32_0 = arith.constant 0 : i32
    %c0_i32_1 = arith.constant 0 : i32
    return %c0_i32, %c0_i32_0 : i32, i32
  }
  func.func @transform_12(%arg0: i32) -> (i32, i32) {
    %c0_i32 = arith.constant 0 : i32
    %c0_i32_0 = arith.constant 0 : i32
    %c0_i32_1 = arith.constant 0 : i32
    return %c0_i32, %c0_i32_0 : i32, i32
  }
  func.func @transform_13(%arg0: i32) -> (i32, i32) {
    %c0_i32 = arith.constant 0 : i32
    %c0_i32_0 = arith.constant 0 : i32
    %c0_i32_1 = arith.constant 0 : i32
    return %c0_i32, %c0_i32_0 : i32, i32
  }
  func.func @transform_14(%arg0: i32) -> (i32, i32) {
    %c0_i32 = arith.constant 0 : i32
    %c0_i32_0 = arith.constant 0 : i32
    %c0_i32_1 = arith.constant 0 : i32
    return %c0_i32, %c0_i32_0 : i32, i32
  }
  func.func @transform_15(%arg0: i32) -> (i32, i32) {
    %c0_i32 = arith.constant 0 : i32
    %c0_i32_0 = arith.constant 0 : i32
    %c0_i32_1 = arith.constant 0 : i32
    return %c0_i32, %c0_i32_0 : i32, i32
  }
  func.func @transform_16(%arg0: i32) -> (i32, i32) {
    %c0_i32 = arith.constant 0 : i32
    %c0_i32_0 = arith.constant 0 : i32
    %c0_i32_1 = arith.constant 0 : i32
    return %c0_i32, %c0_i32_0 : i32, i32
  }
  func.func @transform_17(%arg0: i32) -> (i32, i32) {
    %c0_i32 = arith.constant 0 : i32
    %c0_i32_0 = arith.constant 0 : i32
    %c0_i32_1 = arith.constant 0 : i32
    return %c0_i32, %c0_i32_0 : i32, i32
  }
  func.func @transform_18(%arg0: i32) -> (i32, i32) {
    %c0_i32 = arith.constant 0 : i32
    %c0_i32_0 = arith.constant 0 : i32
    %c0_i32_1 = arith.constant 0 : i32
    return %c0_i32, %c0_i32_0 : i32, i32
  }
  func.func @transform_19(%arg0: i32) -> (i32, i32) {
    %c0_i32 = arith.constant 0 : i32
    %c0_i32_0 = arith.constant 0 : i32
    %c0_i32_1 = arith.constant 0 : i32
    return %c0_i32, %c0_i32_0 : i32, i32
  }
  func.func @transform_20(%arg0: i32) -> (i32, i32) {
    %c0_i32 = arith.constant 0 : i32
    %c0_i32_0 = arith.constant 0 : i32
    %c0_i32_1 = arith.constant 0 : i32
    return %c0_i32, %c0_i32_0 : i32, i32
  }
  func.func @transform_21(%arg0: i32) -> (i32, i32) {
    %c0_i32 = arith.constant 0 : i32
    %c0_i32_0 = arith.constant 0 : i32
    %c0_i32_1 = arith.constant 0 : i32
    return %c0_i32, %c0_i32_0 : i32, i32
  }
  func.func @transform_22(%arg0: i32) -> (i32, i32) {
    %c0_i32 = arith.constant 0 : i32
    %c0_i32_0 = arith.constant 0 : i32
    %c0_i32_1 = arith.constant 0 : i32
    return %c0_i32, %c0_i32_0 : i32, i32
  }
  func.func @transform_23(%arg0: i32) -> (i32, i32) {
    %c0_i32 = arith.constant 0 : i32
    %c0_i32_0 = arith.constant 0 : i32
    %c0_i32_1 = arith.constant 0 : i32
    return %c0_i32, %c0_i32_0 : i32, i32
  }
  func.func @transform_24(%arg0: i32) -> (i32, i32) {
    %c0_i32 = arith.constant 0 : i32
    %c0_i32_0 = arith.constant 0 : i32
    %c0_i32_1 = arith.constant 0 : i32
    return %c0_i32, %c0_i32_0 : i32, i32
  }
  func.func @transform_25(%arg0: i32) -> (i32, i32) {
    %c0_i32 = arith.constant 0 : i32
    %c0_i32_0 = arith.constant 0 : i32
    %c0_i32_1 = arith.constant 0 : i32
    return %c0_i32, %c0_i32_0 : i32, i32
  }
  func.func @transform_26(%arg0: i32) -> (i32, i32) {
    %c0_i32 = arith.constant 0 : i32
    %c0_i32_0 = arith.constant 0 : i32
    %c0_i32_1 = arith.constant 0 : i32
    return %c0_i32, %c0_i32_0 : i32, i32
  }
  func.func @transform_27(%arg0: i32) -> (i32, i32) {
    %c0_i32 = arith.constant 0 : i32
    %c0_i32_0 = arith.constant 0 : i32
    %c0_i32_1 = arith.constant 0 : i32
    return %c0_i32, %c0_i32_0 : i32, i32
  }
  func.func @transform_28(%arg0: i32) -> (i32, i32) {
    %c0_i32 = arith.constant 0 : i32
    %c0_i32_0 = arith.constant 0 : i32
    %c0_i32_1 = arith.constant 0 : i32
    return %c0_i32, %c0_i32_0 : i32, i32
  }
  func.func @transform_29(%arg0: i32) -> (i32, i32) {
    %c0_i32 = arith.constant 0 : i32
    %c0_i32_0 = arith.constant 0 : i32
    %c0_i32_1 = arith.constant 0 : i32
    return %c0_i32, %c0_i32_0 : i32, i32
  }
  func.func @transform_30(%arg0: i32) -> (i32, i32) {
    %c0_i32 = arith.constant 0 : i32
    %c0_i32_0 = arith.constant 0 : i32
    %c0_i32_1 = arith.constant 0 : i32
    return %c0_i32, %c0_i32_0 : i32, i32
  }
  func.func @transform_31(%arg0: i32) -> (i32, i32) {
    %c0_i32 = arith.constant 0 : i32
    %c0_i32_0 = arith.constant 0 : i32
    %c0_i32_1 = arith.constant 0 : i32
    return %c0_i32, %c0_i32_0 : i32, i32
  }
  func.func @transform_32(%arg0: i32) -> (i32, i32) {
    %c0_i32 = arith.constant 0 : i32
    %c0_i32_0 = arith.constant 0 : i32
    %c0_i32_1 = arith.constant 0 : i32
    return %c0_i32, %c0_i32_0 : i32, i32
  }
  func.func @transform_33(%arg0: i32) -> (i32, i32) {
    %c0_i32 = arith.constant 0 : i32
    %c0_i32_0 = arith.constant 0 : i32
    %c0_i32_1 = arith.constant 0 : i32
    return %c0_i32, %c0_i32_0 : i32, i32
  }
  func.func @transform_34(%arg0: i32) -> (i32, i32) {
    %c0_i32 = arith.constant 0 : i32
    %c0_i32_0 = arith.constant 0 : i32
    %c0_i32_1 = arith.constant 0 : i32
    return %c0_i32, %c0_i32_0 : i32, i32
  }
  func.func @transform_35(%arg0: i32) -> (i32, i32) {
    %c0_i32 = arith.constant 0 : i32
    %c0_i32_0 = arith.constant 0 : i32
    %c0_i32_1 = arith.constant 0 : i32
    return %c0_i32, %c0_i32_0 : i32, i32
  }
  func.func @transform_36(%arg0: i32) -> (i32, i32) {
    %c0_i32 = arith.constant 0 : i32
    %c0_i32_0 = arith.constant 0 : i32
    %c0_i32_1 = arith.constant 0 : i32
    return %c0_i32, %c0_i32_0 : i32, i32
  }
  func.func @transform_37(%arg0: i32) -> (i32, i32, i32) {
    %c0_i32 = arith.constant 0 : i32
    %c0_i32_0 = arith.constant 0 : i32
    %c0_i32_1 = arith.constant 0 : i32
    %c0_i32_2 = arith.constant 0 : i32
    return %c0_i32, %c0_i32_0, %c0_i32_1 : i32, i32, i32
  }
}

</mosaic_0001>

<sc_bundles>
// kernel: kernel.5.cloned.1.call-start
scs
__scs_entry_jumppad:
0x0: {  	(pc) =	sbr.rel $0x88, $3  }
0x1: {  	(tag) =	ssettag $0x0;
	lr =	simm.s32 $0x1  }
0x2: {  	[smem:$0x3F87] =	sst lr;
	_ =	strace $0xD0000000  }
0x3: {  	_ = 	snop  }
0x4: {  	_ = 	snop  }
0x5: {  	_ = 	snop  }
0x6: {  	_ = 	snop  }
0x7: {  	_ = 	snop  }
__scs_overlays_trampoline_lowered:
0x8: {  	[smem:$0x3F96] =	sst s0  }
0x9: {  	[smem:$0x3F97] =	sst s1  }
0xa: {  	[smem:$0x3F98] =	sst s2  }
0xb: {  	[smem:$0x3F99] =	sst s3  }
0xc: {  	[smem:$0x3F9A] =	sst s4  }
0xd: {  	[smem:$0x3F9B] =	sst s5  }
0xe: {  	[smem:$0x3F9C] =	sst s6  }
0xf: {  	[smem:$0x3F9D] =	sst s7  }
0x10: {  	[smem:$0x3F9E] =	sst s8  }
0x11: {  	[smem:$0x3F9F] =	sst s9;
	s0 =	simm.s32 @!p0 $0x0  }
0x12: {  	s1 =	sld [smem:$0x3F85];
	s0 =	simm.s32 @p0 $0x1  }
0x13: {  	[smem:$0x3FA0] =	sst s0;
	s0 =	simm.s32 @!p1 $0x0  }
0x14: {  	s2 =	sld [smem:$0x3F84];
	s0 =	simm.s32 @p1 $0x1  }
0x15: {  	[smem:$0x3FA1] =	sst s0;
	s0 =	simm.s32 @!p2 $0x0  }
0x16: {  	s3 =	sld [smem:$0x3FDB];
	s0 =	simm.s32 @p2 $0x1  }
0x17: {  	s4 =	simm.s32 $0x1BF5;
	[smem:$0x3FA3] =	sst s0  }
0x18: {  	s0 =	sld [smem:$0x3F86];
	_ =	swait.ge [sflag:s4], $0x0  }
0x19: {  	s7 =	sld [smem:$0x3F87]  }
0x1a: {  	s8 =	sadd.s32 $0xFFFFE003, lr  }
0x1b: {  	s9 =	sadd.s32 $0xFFFFFEF7, lr;
	s5 =	simm.s32 $0xFFFFFFFF;
	p2 =	slt.u32 s8, $0xFFFFF086  }
0x1c: {  	p1 =	slt.u32 s9, $0xF7A;
	s5 =	simm.s32 @!p2 $0x0  }
0x1d: {  	s5 =	simm.s32 @p1 $0x1;
	p0 =	seq.s32 s7, s2  }
0x1e: {  	s7 =	smul.u32 @!p0 $0xF7A, s2;
	p2 =	seq.s32 @!p0 s5, $0x0  }
0x1f: {  	s9 =	smul.u32 $0xF7A, s1;
	s8 =	simm.s32 @!p0 $0x1BF5;
	p2 =	por !p2, p0  }
0x20: {  	[sflag:s8] =	ssyncset.s32 @!p0 $0xFFFFF086;
	s6 =	sadd.s32 @!p0 s3, s7;
	s7 =	simm.s32 @!p0 $0x108  }
0x21: {  	s3 =	sadd.s32 s3, s9;
	s6 =	sadd.s32 @!p0 $0x88, s6;
	s7 =	simm.s32 @p2 $0x1082  }
0x22: {  	[simem:s7], [sflag:s8] =	dma.local @!p0 [hbm:s6], $0xF7A  }
0x23: {  	s9 =	sor.u32 $0xD0000000, s2;
	s6 =	simm.s32 $0x108;
	_ =	swait.ge @!p0 [sflag:s8], $0x0  }
0x24: {  	s3 =	sadd.s32 $0x88, s3;
	s6 =	simm.s32 @!p1 $0x1082;
	[sflag:s4] =	ssyncset.s32 $0xFFFFF086  }
0x25: {  	[simem:s6], [sflag:s4] =	dma.local [hbm:s3], $0xF7A  }
0x26: {  	[smem:$0x3F87] =	sst s1;
	(tag) =	ssettag s2;
	_ =	strace s9  }
0x27: {  	s1 =	sld [smem:$0x3F97]  }
0x28: {  	s2 =	sld [smem:$0x3F98]  }
0x29: {  	s4 =	sld [smem:$0x3F9A]  }
0x2a: {  	p0 =	seq.s32 s5, $0x0;
	s5 =	sld [smem:$0x3F9B]  }
0x2b: {  	s6 =	sld [smem:$0x3F9C]  }
0x2c: {  	s7 =	sld [smem:$0x3F9D]  }
0x2d: {  	s3 =	simm.s32 $0x108;
	s8 =	sld [smem:$0x3F9E]  }
0x2e: {  	s3 =	simm.s32 @!p0 $0x1082;
	s9 =	sld [smem:$0x3F9F]  }
0x2f: {  	lr =	sadd.s32 s0, s3;
	s0 =	sld [smem:$0x3F96]  }
0x30: {  	s3 =	sld [smem:$0x3F99]  }
0x31: {  	[smem:$0x3FA2] =	sst s10  }
0x32: {  	s10 =	sld [smem:$0x3FA0];
	_ =	sdelay $0x3  }
0x33: {  	p0 =	seq.s32 s10, $0x1;
	s10 =	sld [smem:$0x3FA2];
	_ =	sdelay $0x3  }
0x34: {  	[smem:$0x3FA2] =	sst s10  }
0x35: {  	s10 =	sld [smem:$0x3FA1];
	_ =	sdelay $0x3  }
0x36: {  	p1 =	seq.s32 s10, $0x1;
	s10 =	sld [smem:$0x3FA2];
	_ =	sdelay $0x3  }
0x37: {  	[smem:$0x3FA2] =	sst s10  }
0x38: {  	s10 =	sld [smem:$0x3FA3]  }
0x39: {  	_ = 	snop;
	(pc) =	sbr.ind lr, $3  }
0x3a: {  	_ = 	snop  }
0x3b: {  	_ = 	snop  }
0x3c: {  	p2 =	seq.s32 s10, $0x1;
	s10 =	sld [smem:$0x3FA2]  }
0x3d: {  	_ =	shalt  }
0x3e: {  	_ =	shalt  }
0x3f: {  	_ =	shalt  }
0x40: {  	_ =	shalt  }
0x41: {  	_ =	shalt  }
0x42: {  	_ =	shalt  }
0x43: {  	_ =	shalt  }
0x44: {  	_ =	shalt  }
0x45: {  	_ =	shalt  }
0x46: {  	_ =	shalt  }
0x47: {  	_ =	shalt  }
0x48: {  	_ =	shalt  }
0x49: {  	_ =	shalt  }
0x4a: {  	_ =	shalt  }
0x4b: {  	_ =	shalt  }
0x4c: {  	_ =	shalt  }
0x4d: {  	_ =	shalt  }
0x4e: {  	_ =	shalt  }
0x4f: {  	_ =	shalt  }
0x50: {  	_ =	shalt  }
0x51: {  	_ =	shalt  }
0x52: {  	_ =	shalt  }
0x53: {  	_ =	shalt  }
0x54: {  	_ =	shalt  }
0x55: {  	_ =	shalt  }
0x56: {  	_ =	shalt  }
0x57: {  	_ =	shalt  }
0x58: {  	_ =	shalt  }
0x59: {  	_ =	shalt  }
0x5a: {  	_ =	shalt  }
0x5b: {  	_ =	shalt  }
0x5c: {  	_ =	shalt  }
0x5d: {  	_ =	shalt  }
0x5e: {  	_ =	shalt  }
0x5f: {  	_ =	shalt  }
0x60: {  	_ =	shalt  }
0x61: {  	_ =	shalt  }
0x62: {  	_ =	shalt  }
0x63: {  	_ =	shalt  }
0x64: {  	_ =	shalt  }
0x65: {  	_ =	shalt  }
0x66: {  	_ =	shalt  }
0x67: {  	_ =	shalt  }
0x68: {  	_ =	shalt  }
0x69: {  	_ =	shalt  }
0x6a: {  	_ =	shalt  }
0x6b: {  	_ =	shalt  }
0x6c: {  	_ =	shalt  }
0x6d: {  	_ =	shalt  }
0x6e: {  	_ =	shalt  }
0x6f: {  	_ =	shalt  }
0x70: {  	_ =	shalt  }
0x71: {  	_ =	shalt  }
0x72: {  	_ =	shalt  }
0x73: {  	_ =	shalt  }
0x74: {  	_ =	shalt  }
0x75: {  	_ =	shalt  }
0x76: {  	_ =	shalt  }
0x77: {  	_ =	shalt  }
0x78: {  	_ =	shalt  }
0x79: {  	_ =	shalt  }
0x7a: {  	_ =	shalt  }
0x7b: {  	_ =	shalt  }
0x7c: {  	_ =	shalt  }
0x7d: {  	_ =	shalt  }
0x7e: {  	_ =	shalt  }
0x7f: {  	_ =	shalt  }
0x80: {  	_ =	shalt  }
0x81: {  	_ =	shalt  }
0x82: {  	_ =	shalt  }
0x83: {  	_ =	shalt  }
0x84: {  	_ =	shalt  }
0x85: {  	_ =	shalt  }
0x86: {  	_ =	shalt  }
0x87: {  	_ =	shalt  }
.Lfunc_end0:
.L_simem_size_0:
called_computation_lowered:
.L_overlay_start_0:
0x88: {  	s2 =	sld [smem:$0x3FD9]  }
0x89: {  	s3 =	sld [smem:$0x3FFE];
	_ =	sdelay $0x1  }
0x8a: {  	s1 =	srdreg.scid  }
0x8b: {  	s0 =	sand.u32 $0x1, s1  }
0x8c: {  	s17 =	sshll.u32 s0, $0xA;
	s2 =	sadd.s32 s3, s2  }
0x8d: {  	s2 =	sadd.s32 s2, s17  }
0x8e: {  	[smem:$0x3FAE] =	sst s2  }
0x8f: {  	_ = 	snop  }
0x90: {  	s2 =	sld [smem:$0x3FC5]  }
0x91: {  	s18 =	sld [smem:$0x3FC4]  }
0x92: {  	s4 =	sld [smem:$0x3FD0];
	(tm) =	ssettm $0x1  }
0x93: {  	s5 =	sld [smem:$0x3FFB];
	_ =	sdelay $0x3  }
0x94: {  	_ =	strace s5  }
0x95: {  	s5 =	sld [smem:$0x3FFC];
	_ =	sdelay $0x3  }
0x96: {  	_ =	strace s5  }
0x97: {  	s5 =	sld [smem:$0x3FFD];
	_ =	sdelay $0x3  }
0x98: {  	_ =	strace s5  }
0x99: {  	_ =	strace $0x8FFFFFFF  }
0x9a: {  	s19 =	sld [smem:$0x3FDB];
	_ =	sdelay $0x1  }
0x9b: {  	s6 =	simm.s32 $_scs_section_size  }
0x9c: {  	s7 =	simm.s32 $_size__tile_overlayer_lowered;
	s8 =	simm.s32 $_tile_overlayer_lowered  }
0x9d: {  	s22 =	simm.s32 $0x1BFF;
	s21 =	sshll.u32 s8, $0x1;
	s5 =	sadd.s32 s6, s19  }
0x9e: {  	s9 =	simm.s32 $0x0;
	s20 =	sshll.u32 s7, $0x1;
	s7 =	sadd.s32 s21, s5  }
0x9f: {  	[timem:s9], [sflag:s22] =	dma.local [hbm:s7], s20  }
0xa0: {  	_ =	swait.ge [sflag:s22], s20  }
0xa1: {  	s6 =	ssub.s32 $0x0, s20;
	[sflag:s22] =	ssyncset.done $0x0  }
0xa2: {  	[sflag:s22] =	ssyncadd.s32 s6;
	_ =	sdelay $0x1  }
0xa3: {  	s23 =	simm.s32 $0x1B8B  }
0xa4: {  	_ =	swait.ge [sflag:s23], $0x1  }
0xa5: {  	[sflag:s23] =	ssyncset.done $0x0  }
0xa6: {  	s25 =	simm.s32 $0x1B8E;
	s24 =	sld [smem:$0x3FFE];
	[sflag:s23] =	ssyncadd.s32 $0xFFFFFFFF  }
0xa7: {  	s26 =	simm.s32 $execute0_lowered;
	[smem:$0x3FD2] =	sst s25  }
0xa8: {  	s7 =	sshll.u32 s26, $0x1;
	_ =	strace $0x80000046;
	[dreg:$0x1] =	wrdreg $0xFFFFFFFF  }
0xa9: {  	s28 =	simm.s32 $_size_execute0_lowered;
	s5 =	sadd.s32 s5, s7;
	[dreg:$0x0] =	wrdreg $0x0  }
0xaa: {  	s7 =	sshll.u32 s28, $0x1;
	[dreg:$0x2] =	wrdreg s5  }
0xab: {  	[dreg:$0x3] =	wrdreg s7  }
0xac: {  	[dreg:$0x4] =	wrdreg $0xC0  }
0xad: {  	_ =	task [dreg:s9], $0x5FFFF  }
0xae: {  	[dreg:$0x1] =	wrdreg $0xFFFFFFFF  }
0xaf: {  	[dreg:$0x0] =	wrdreg $0x60  }
0xb0: {  	[dreg:$0x2] =	wrdreg s2  }
0xb1: {  	[dreg:$0x3] =	wrdreg s18  }
0xb2: {  	[dreg:$0x4] =	wrdreg s4  }
0xb3: {  	[dreg:$0x5] =	wrdreg s24  }
0xb4: {  	[dreg:$0x6] =	wrdreg $0x9  }
0xb5: {  	_ =	task.clear_ibuf [dreg:s9], $0x7FFFF;
	_ =	strace $0x90000046  }
0xb6: {  	s29 =	simm.s32 $0x9;
	_ =	strace $0x80000048  }
0xb7: {  	_ =	swait.ge [sflag:s29], $0x1  }
0xb8: {  	[sflag:s29] =	ssyncadd.s32 $0xFFFFFFFF  }
0xb9: {  	_ =	strace $0x90000048  }
0xba: {  	_ =	sfence  }
0xbb: {  	s30 =	sld [smem:$0x0];
	_ =	sdelay $0x2  }
0xbc: {  	s31 =	sshll.u32 s1, $0xD;
	s1 =	sshrl.u32 s1, $0x2  }
0xbd: {  	s3 =	sand.u32 $0x4000, s31;
	s1 =	sadd.s32 s1, s30  }
0xbe: {  	s0 =	sor.u32 s3, s0;
	s1 =	sshll.u32 s1, $0x11  }
0xbf: {  	s0 =	sor.u32 s1, s0  }
0xc0: {  	s0 =	sadd.s32 $0x8F2B, s0  }
0xc1: {  	[sflag:s0] =	ssyncadd.remote.s32 $0x1  }
0xc2: {  	_ =	sfence.sel $0xFFFF  }
0xc3: {  	[dreg:$0x0] =	wrdreg $0xFFFFFFFF;
	(pc) =	sbr.abs _section_cstart, $3  }
0xc4: {  	[dreg:$0x1] =	wrdreg $0xFFFFFFFF  }
0xc5: {  	_ =	task.clear_ibuf [dreg:s9], $0x2FFFF;
	_ =	strace $0x9FFFFFFF  }
0xc6: {  	(tm) =	ssettm $0x7FFFFFFF  }
0xc7: {  	_ =	shalt  }
tec
execute0_lowered:
.L_overlay_start_1:
0x0: {  	(tag) =	ssettag $0x1  }
0x1: {  	s1 =	rddreg [dreg:$0x0]  }
0x2: {  	s2 =	rddreg [dreg:$0x1]  }
0x3: {  	s7 =	rddreg [dreg:$0x2]  }
0x4: {  	s9 =	rddreg [dreg:$0x3]  }
0x5: {  	s0 =	rddreg [dreg:$0x4];
	s3 =	simm.s32 $0x0  }
0x6: {  	s11 =	stileid.u32;
	s5 =	srdreg.scid;
	s15 =	simm.s32 $0x1  }
0x7: {  	v0 =	vlaneseq.u32;
	v3 =	vimm.s32 $0xC350;
	v4 =	vimm.s32 $0x0;
	s16 =	simm.s32 $0x200;
	s17 =	simm.s32 $0x2;
	s18 =	simm.s32 $0x280  }
0x8: {  	v5 =	vimm.s32 $0x17700;
	vm0 =	vcmask $0x300;
	v6 =	vimm.s32 $0x1869F;
	s19 =	simm.s32 $0x300;
	[smem:$0x7FF] =	sst s3;
	s6 =	sshll.u32 s11, $0x4  }
0x9: {  	vm1 =	vcmask $0x704;
	vm10 =	vcmask $0xB08;
	vm11 =	vcmask $0xF0C;
	s4 =	sadd.s32 $0x3600, s9;
	s8 =	sand.u32 $0x1, s5;
	s10 =	sshll.u32 s11, $0x5  }
0xa: {  	vm12 =	vcmask $0x1310;
	s5 =	sadd.s32 $0x3800, s9;
	v5 =	vsel vm0, $0xFA00, v5;
	v6 =	vsel vm0, $0x1099F, v6;
	p1 =	sne.s32 s11, $0x0;
	s11 =	simm.s32 $0x10  }
0xb: {  	vm13 =	vcmask $0x1714;
	_ =	strace $0x80000047;
	s12 =	ssub.s32 $0x2, s8;
	s10 =	sand.u32 $0x100, s10;
	v5 =	vsel vm1, $0x109A0, v5;
	v6 =	vsel vm1, $0x1193F, v6  }
0xc: {  	v2 =	vadd.s32 $0x1, v0;
	s14 =	sand.u32 $0x70, s6;
	p0 =	seq.s32 s8, $0x1;
	s8 =	sadd.s32 $0x3610, s9;
	v5 =	vsel vm10, $0x11940, v5;
	v6 =	vsel vm10, $0x128DF, v6  }
.Ltmp0:
0xd: {  	v1 =	vor.u32 s6, v0;
	s9 =	sadd.s32 $0x3810, s9;
	s13 =	sshrl.u32 s12, $0x1;
	v5 =	vsel vm11, $0x128E0, v5;
	v6 =	vsel vm11, $0x1387F, v6;
	(pc) =	sbr.rel .LBB2_1-.Ltmp0, $4  }
0xe: {  	v2 =	vadd.s32 s6, v2;
	s6 =	sor.u32 s6, s10;
	s10 =	sor.u32 s14, s10;
	s14 =	simm.s32 $0x180;
	v5 =	vsel vm12, $0x13880, v5;
	v6 =	vsel vm12, $0x1481F, v6  }
0xf: {  	vm14 =	vcmask $0x1B18;
	s12 =	ssub.s32 s12, s13;
	s6 =	sshrl.u32 s6, $0x3;
	s30 =	sshrl.u32 s10, $0x3;
	v5 =	vsel vm13, $0x14820, v5;
	v6 =	vsel vm13, $0x157BF, v6  }
0x10: {  	vm15 =	vcmask $0x1F1C;
	s13 =	simm.s32 $0x80;
	s31 =	sor.u32 $0x10, s6;
	s6 =	sadd.s32 s7, s30;
	v7 =	vsel vm14, $0x157C0, v5;
	v8 =	vsel vm14, $0x1675F, v6  }
0x11: {  	s10 =	smax.u32 s12, $0x1;
	s12 =	simm.s32 $0x100;
	s7 =	sadd.s32 s7, s31;
	v5 =	vimm.s32 $0x61A8;
	v6 =	vsel vm15, $0x16760, v7;
	v7 =	vsel vm15, $0x176FF, v8  }
.LBB2_6:
0x12: {  	_ =	swait.ge [sflag:s17], $0x80  }
0x13: {  	[sflag:s17] =	ssyncset.done $0x0  }
0x14: {  	[sflag:s17] =	ssyncadd.s32 $0xFFFFFF80  }
.LBB2_7:
0x15: {  	s10 =	sadd.s32 $0xFFFFFFFF, s10  }
0x16: {  	p2 =	sne.s32 s10, $0x0  }
.Ltmp1:
0x17: {  	_ = 	snop;
	(pc) =	sbr.rel @!p2 .LBB2_8-.Ltmp1, $1  }
0x18: {  	_ =	sdelay $0x3  }
.LBB2_1:
.Ltmp2:
0x19: {  	(pc) =	sbr.rel @!p0 .LBB2_2-.Ltmp2, $3  }
0x1a: {  	_ =	sdelay $0x1  }
0x1b: {  	[tilespmem:$0x0] =	vst v3  }
0x1c: {  	[tilespmem:$0x80] =	vst v3  }
0x1d: {  	[tilespmem:s12], [sflag:$0x1] =	stream.indirect.gather [hbm4b:s2+s11], $0x1, s3, s11, $0xb8;
	[tilespmem:$0x380] =	vst v63  }
0x1e: {  	_ = 	snop  }
0x1f: {  	[tilespmem:s14], [sflag:$0x1] =	stream.indirect.gather [hbm4b:s2+s11], $0x1, s13, s11, $0xb8;
	[tilespmem:$0x380] =	vst v63  }
0x20: {  	_ =	swait.ge [sflag:s15], $0x10  }
0x21: {  	[sflag:s15] =	ssyncset.done $0x0  }
0x22: {  	[sflag:s15] =	ssyncadd.s32 $0xFFFFFFF0  }
0x23: {  	_ =	swait.ge [sflag:s15], $0x10  }
0x24: {  	[sflag:s15] =	ssyncset.done $0x0  }
0x25: {  	[sflag:s15] =	ssyncadd.s32 $0xFFFFFFF0  }
0x26: {  	v8 =	vld [tilespmem:$0x100]  }
0x27: {  	v9 =	vld [tilespmem:$0x180];
	_ =	sdelay $0x3  }
0x28: {  	vm0 =	vlt.s32 v8, v1  }
0x29: {  	vm1 =	vlt.s32 v9, v2;
	v8 =	vsel vm0, $0x124F8, v5  }
0x2a: {  	v9 =	vsel vm1, $0x124F8, v5;
	[tilespmem:$0x0] =	vst v8  }
0x2b: {  	[tilespmem:$0x80] =	vst v9  }
0x2c: {  	[tilespmem:s12], [sflag:$0x1] =	stream.indirect.gather [hbm4b:s2+s11], $0x1, s3, s11, $0xb8;
	[tilespmem:$0x380] =	vst v63  }
0x2d: {  	_ = 	snop  }
0x2e: {  	[tilespmem:s14], [sflag:$0x1] =	stream.indirect.gather [hbm4b:s2+s11], $0x1, s13, s11, $0xb8;
	[tilespmem:$0x380] =	vst v63  }
0x2f: {  	_ =	swait.ge [sflag:s15], $0x10  }
0x30: {  	[sflag:s15] =	ssyncset.done $0x0  }
0x31: {  	[sflag:s15] =	ssyncadd.s32 $0xFFFFFFF0  }
0x32: {  	_ =	swait.ge [sflag:s15], $0x10  }
0x33: {  	[sflag:s15] =	ssyncset.done $0x0  }
0x34: {  	[sflag:s15] =	ssyncadd.s32 $0xFFFFFFF0  }
0x35: {  	v10 =	vld [tilespmem:$0x100]  }
0x36: {  	v11 =	vld [tilespmem:$0x180];
	_ =	sdelay $0x2  }
0x37: {  	v12 =	vsel vm0, $0xC351, v4;
	v13 =	vsel vm0, $0x186A0, v3;
	v14 =	vsel vm1, $0xC351, v4  }
0x38: {  	v15 =	vsel vm1, $0x186A0, v3;
	v30 =	vor.u32 $0x1, v8;
	vm8 =	vlt.s32 v10, v1  }
0x39: {  	v31 =	vor.u32 $0x1, v9;
	vm9 =	vlt.s32 v11, v2;
	v8 =	vsel vm8, v13, v8  }
0x3a: {  	v10 =	vsel vm8, v30, v12;
	v9 =	vsel vm9, v15, v9;
	v32 =	vadd.s32 $0xFFFFFFFF, v8  }
0x3b: {  	v11 =	vsel vm9, v31, v14;
	v34 =	vadd.s32 $0xFFFFFFFF, v9;
	v33 =	vxor.u32 v32, v10  }
0x3c: {  	v12 =	vor.u32 v32, v10;
	v35 =	vxor.u32 v34, v11;
	v13 =	vshrl.u32 v33, $0x1  }
0x3d: {  	v36 =	vor.u32 v34, v11;
	v37 =	vshrl.u32 v35, $0x1;
	v12 =	vsub.s32 v12, v13  }
0x3e: {  	v13 =	vsub.s32 v36, v37;
	[tilespmem:$0x0] =	vst v12  }
0x3f: {  	[tilespmem:$0x80] =	vst v13  }
0x40: {  	[tilespmem:s12], [sflag:$0x1] =	stream.indirect.gather [hbm4b:s2+s11], $0x1, s3, s11, $0xb8;
	[tilespmem:$0x380] =	vst v63  }
0x41: {  	_ = 	snop  }
0x42: {  	[tilespmem:s14], [sflag:$0x1] =	stream.indirect.gather [hbm4b:s2+s11], $0x1, s13, s11, $0xb8;
	[tilespmem:$0x380] =	vst v63  }
0x43: {  	_ =	swait.ge [sflag:s15], $0x10  }
0x44: {  	[sflag:s15] =	ssyncset.done $0x0  }
0x45: {  	[sflag:s15] =	ssyncadd.s32 $0xFFFFFFF0  }
0x46: {  	_ =	swait.ge [sflag:s15], $0x10  }
0x47: {  	[sflag:s15] =	ssyncset.done $0x0  }
0x48: {  	[sflag:s15] =	ssyncadd.s32 $0xFFFFFFF0  }
0x49: {  	v38 =	vld [tilespmem:$0x100]  }
0x4a: {  	v39 =	vld [tilespmem:$0x180];
	_ =	sdelay $0x3  }
0x4b: {  	v40 =	vor.u32 $0x1, v12;
	v41 =	vor.u32 $0x1, v13;
	vm10 =	vlt.s32 v38, v1  }
0x4c: {  	vm11 =	vlt.s32 v39, v2;
	v10 =	vsel vm10, v40, v10;
	v8 =	vsel vm10, v8, v12  }
0x4d: {  	v11 =	vsel vm11, v41, v11;
	v9 =	vsel vm11, v9, v13;
	v42 =	vxor.u32 v8, v10  }
0x4e: {  	v43 =	vand.u32 v8, v10;
	v44 =	vxor.u32 v9, v11;
	v12 =	vshrl.u32 v42, $0x1  }
0x4f: {  	v45 =	vand.u32 v9, v11;
	v14 =	vshrl.u32 v44, $0x1;
	v12 =	vadd.s32 v12, v43  }
0x50: {  	v13 =	vadd.s32 v14, v45;
	[tilespmem:$0x0] =	vst v12  }
0x51: {  	[tilespmem:$0x80] =	vst v13  }
0x52: {  	[tilespmem:s12], [sflag:$0x1] =	stream.indirect.gather [hbm4b:s2+s11], $0x1, s3, s11, $0xb8;
	[tilespmem:$0x380] =	vst v63  }
0x53: {  	_ = 	snop  }
0x54: {  	[tilespmem:s14], [sflag:$0x1] =	stream.indirect.gather [hbm4b:s2+s11], $0x1, s13, s11, $0xb8;
	[tilespmem:$0x380] =	vst v63  }
0x55: {  	_ =	swait.ge [sflag:s15], $0x10  }
0x56: {  	[sflag:s15] =	ssyncset.done $0x0  }
0x57: {  	[sflag:s15] =	ssyncadd.s32 $0xFFFFFFF0  }
0x58: {  	_ =	swait.ge [sflag:s15], $0x10  }
0x59: {  	[sflag:s15] =	ssyncset.done $0x0  }
0x5a: {  	[sflag:s15] =	ssyncadd.s32 $0xFFFFFFF0  }
0x5b: {  	v46 =	vld [tilespmem:$0x100]  }
0x5c: {  	v47 =	vld [tilespmem:$0x180];
	_ =	sdelay $0x3  }
0x5d: {  	v48 =	vadd.s32 $0x1, v12;
	v49 =	vadd.s32 $0x1, v13;
	vm12 =	vlt.s32 v46, v1  }
0x5e: {  	vm13 =	vlt.s32 v47, v2;
	v10 =	vsel vm12, v48, v10;
	v8 =	vsel vm12, v8, v12  }
0x5f: {  	v11 =	vsel vm13, v49, v11;
	v9 =	vsel vm13, v9, v13;
	v50 =	vadd.s32 v8, v10  }
0x60: {  	v13 =	vadd.s32 v9, v11;
	v12 =	vshrl.u32 v50, $0x1  }
0x61: {  	v13 =	vshrl.u32 v13, $0x1;
	[tilespmem:$0x0] =	vst v12  }
0x62: {  	[tilespmem:$0x80] =	vst v13  }
0x63: {  	[tilespmem:s12], [sflag:$0x1] =	stream.indirect.gather [hbm4b:s2+s11], $0x1, s3, s11, $0xb8;
	[tilespmem:$0x380] =	vst v63  }
0x64: {  	_ = 	snop  }
0x65: {  	[tilespmem:s14], [sflag:$0x1] =	stream.indirect.gather [hbm4b:s2+s11], $0x1, s13, s11, $0xb8;
	[tilespmem:$0x380] =	vst v63  }
0x66: {  	_ =	swait.ge [sflag:s15], $0x10  }
0x67: {  	[sflag:s15] =	ssyncset.done $0x0  }
0x68: {  	[sflag:s15] =	ssyncadd.s32 $0xFFFFFFF0  }
0x69: {  	_ =	swait.ge [sflag:s15], $0x10  }
0x6a: {  	[sflag:s15] =	ssyncset.done $0x0  }
0x6b: {  	[sflag:s15] =	ssyncadd.s32 $0xFFFFFFF0  }
0x6c: {  	v51 =	vld [tilespmem:$0x100]  }
0x6d: {  	v52 =	vld [tilespmem:$0x180];
	_ =	sdelay $0x3  }
0x6e: {  	v53 =	vadd.s32 $0x1, v12;
	v54 =	vadd.s32 $0x1, v13;
	vm14 =	vlt.s32 v51, v1  }
0x6f: {  	vm15 =	vlt.s32 v52, v2;
	v10 =	vsel vm14, v53, v10;
	v8 =	vsel vm14, v8, v12  }
0x70: {  	v11 =	vsel vm15, v54, v11;
	v9 =	vsel vm15, v9, v13;
	v55 =	vadd.s32 v8, v10  }
0x71: {  	v13 =	vadd.s32 v9, v11;
	v12 =	vshrl.u32 v55, $0x1  }
0x72: {  	v13 =	vshrl.u32 v13, $0x1;
	[tilespmem:$0x0] =	vst v12  }
0x73: {  	[tilespmem:$0x80] =	vst v13  }
0x74: {  	[tilespmem:s12], [sflag:$0x1] =	stream.indirect.gather [hbm4b:s2+s11], $0x1, s3, s11, $0xb8;
	[tilespmem:$0x380] =	vst v63  }
0x75: {  	_ = 	snop  }
0x76: {  	[tilespmem:s14], [sflag:$0x1] =	stream.indirect.gather [hbm4b:s2+s11], $0x1, s13, s11, $0xb8;
	[tilespmem:$0x380] =	vst v63  }
0x77: {  	_ =	swait.ge [sflag:s15], $0x10  }
0x78: {  	[sflag:s15] =	ssyncset.done $0x0  }
0x79: {  	[sflag:s15] =	ssyncadd.s32 $0xFFFFFFF0  }
0x7a: {  	_ =	swait.ge [sflag:s15], $0x10  }
0x7b: {  	[sflag:s15] =	ssyncset.done $0x0  }
0x7c: {  	[sflag:s15] =	ssyncadd.s32 $0xFFFFFFF0  }
0x7d: {  	v56 =	vld [tilespmem:$0x100]  }
0x7e: {  	v57 =	vld [tilespmem:$0x180];
	_ =	sdelay $0x3  }
0x7f: {  	v58 =	vadd.s32 $0x1, v12;
	v59 =	vadd.s32 $0x1, v13;
	vm4 =	vlt.s32 v56, v1  }
0x80: {  	vm5 =	vlt.s32 v57, v2;
	v10 =	vsel vm4, v58, v10;
	v8 =	vsel vm4, v8, v12  }
0x81: {  	v11 =	vsel vm5, v59, v11;
	v9 =	vsel vm5, v9, v13;
	v60 =	vadd.s32 v8, v10  }
0x82: {  	v13 =	vadd.s32 v9, v11;
	v12 =	vshrl.u32 v60, $0x1  }
0x83: {  	v13 =	vshrl.u32 v13, $0x1;
	[tilespmem:$0x0] =	vst v12  }
0x84: {  	[tilespmem:$0x80] =	vst v13  }
0x85: {  	[tilespmem:s12], [sflag:$0x1] =	stream.indirect.gather [hbm4b:s2+s11], $0x1, s3, s11, $0xb8;
	[tilespmem:$0x380] =	vst v63  }
0x86: {  	_ = 	snop  }
0x87: {  	[tilespmem:s14], [sflag:$0x1] =	stream.indirect.gather [hbm4b:s2+s11], $0x1, s13, s11, $0xb8;
	[tilespmem:$0x380] =	vst v63  }
0x88: {  	_ =	swait.ge [sflag:s15], $0x10  }
0x89: {  	[sflag:s15] =	ssyncset.done $0x0  }
0x8a: {  	[sflag:s15] =	ssyncadd.s32 $0xFFFFFFF0  }
0x8b: {  	_ =	swait.ge [sflag:s15], $0x10  }
0x8c: {  	[sflag:s15] =	ssyncset.done $0x0  }
0x8d: {  	[sflag:s15] =	ssyncadd.s32 $0xFFFFFFF0  }
0x8e: {  	v61 =	vld [tilespmem:$0x100]  }
0x8f: {  	v62 =	vld [tilespmem:$0x180];
	_ =	sdelay $0x3  }
0x90: {  	v63 =	vadd.s32 $0x1, v12;
	v16 =	vadd.s32 $0x1, v13;
	vm6 =	vlt.s32 v61, v1  }
0x91: {  	vm7 =	vlt.s32 v62, v2;
	v10 =	vsel vm6, v63, v10;
	v8 =	vsel vm6, v8, v12  }
0x92: {  	v11 =	vsel vm7, v16, v11;
	v9 =	vsel vm7, v9, v13;
	v17 =	vadd.s32 v8, v10  }
0x93: {  	v13 =	vadd.s32 v9, v11;
	v12 =	vshrl.u32 v17, $0x1  }
0x94: {  	v13 =	vshrl.u32 v13, $0x1;
	[tilespmem:$0x0] =	vst v12  }
0x95: {  	[tilespmem:$0x80] =	vst v13  }
0x96: {  	[tilespmem:s12], [sflag:$0x1] =	stream.indirect.gather [hbm4b:s2+s11], $0x1, s3, s11, $0xb8;
	[tilespmem:$0x380] =	vst v63  }
0x97: {  	_ = 	snop  }
0x98: {  	[tilespmem:s14], [sflag:$0x1] =	stream.indirect.gather [hbm4b:s2+s11], $0x1, s13, s11, $0xb8;
	[tilespmem:$0x380] =	vst v63  }
0x99: {  	_ =	swait.ge [sflag:s15], $0x10  }
0x9a: {  	[sflag:s15] =	ssyncset.done $0x0  }
0x9b: {  	[sflag:s15] =	ssyncadd.s32 $0xFFFFFFF0  }
0x9c: {  	_ =	swait.ge [sflag:s15], $0x10  }
0x9d: {  	[sflag:s15] =	ssyncset.done $0x0  }
0x9e: {  	[sflag:s15] =	ssyncadd.s32 $0xFFFFFFF0  }
0x9f: {  	v18 =	vld [tilespmem:$0x100]  }
0xa0: {  	v19 =	vld [tilespmem:$0x180];
	_ =	sdelay $0x3  }
0xa1: {  	v20 =	vadd.s32 $0x1, v12;
	v21 =	vadd.s32 $0x1, v13;
	vm8 =	vlt.s32 v18, v1  }
0xa2: {  	vm9 =	vlt.s32 v19, v2;
	v10 =	vsel vm8, v20, v10;
	v8 =	vsel vm8, v8, v12  }
0xa3: {  	v11 =	vsel vm9, v21, v11;
	v9 =	vsel vm9, v9, v13;
	v22 =	vadd.s32 v8, v10  }
0xa4: {  	v13 =	vadd.s32 v9, v11;
	v12 =	vshrl.u32 v22, $0x1  }
0xa5: {  	v13 =	vshrl.u32 v13, $0x1;
	[tilespmem:$0x0] =	vst v12  }
0xa6: {  	[tilespmem:$0x80] =	vst v13  }
0xa7: {  	[tilespmem:s12], [sflag:$0x1] =	stream.indirect.gather [hbm4b:s2+s11], $0x1, s3, s11, $0xb8;
	[tilespmem:$0x380] =	vst v63  }
0xa8: {  	_ = 	snop  }
0xa9: {  	[tilespmem:s14], [sflag:$0x1] =	stream.indirect.gather [hbm4b:s2+s11], $0x1, s13, s11, $0xb8;
	[tilespmem:$0x380] =	vst v63  }
0xaa: {  	_ =	swait.ge [sflag:s15], $0x10  }
0xab: {  	[sflag:s15] =	ssyncset.done $0x0  }
0xac: {  	[sflag:s15] =	ssyncadd.s32 $0xFFFFFFF0  }
0xad: {  	_ =	swait.ge [sflag:s15], $0x10  }
0xae: {  	[sflag:s15] =	ssyncset.done $0x0  }
0xaf: {  	[sflag:s15] =	ssyncadd.s32 $0xFFFFFFF0  }
0xb0: {  	v23 =	vld [tilespmem:$0x100]  }
0xb1: {  	v24 =	vld [tilespmem:$0x180];
	_ =	sdelay $0x3  }
0xb2: {  	v25 =	vadd.s32 $0x1, v12;
	v26 =	vadd.s32 $0x1, v13;
	vm10 =	vlt.s32 v23, v1  }
0xb3: {  	vm11 =	vlt.s32 v24, v2;
	v10 =	vsel vm10, v25, v10;
	v8 =	vsel vm10, v8, v12  }
0xb4: {  	v11 =	vsel vm11, v26, v11;
	v9 =	vsel vm11, v9, v13;
	v27 =	vadd.s32 v8, v10  }
0xb5: {  	v13 =	vadd.s32 v9, v11;
	v12 =	vshrl.u32 v27, $0x1  }
0xb6: {  	v13 =	vshrl.u32 v13, $0x1;
	[tilespmem:$0x0] =	vst v12  }
0xb7: {  	[tilespmem:$0x80] =	vst v13  }
0xb8: {  	[tilespmem:s12], [sflag:$0x1] =	stream.indirect.gather [hbm4b:s2+s11], $0x1, s3, s11, $0xb8;
	[tilespmem:$0x380] =	vst v63  }
0xb9: {  	_ = 	snop  }
0xba: {  	[tilespmem:s14], [sflag:$0x1] =	stream.indirect.gather [hbm4b:s2+s11], $0x1, s13, s11, $0xb8;
	[tilespmem:$0x380] =	vst v63  }
0xbb: {  	_ =	swait.ge [sflag:s15], $0x10  }
0xbc: {  	[sflag:s15] =	ssyncset.done $0x0  }
0xbd: {  	[sflag:s15] =	ssyncadd.s32 $0xFFFFFFF0  }
0xbe: {  	_ =	swait.ge [sflag:s15], $0x10  }
0xbf: {  	[sflag:s15] =	ssyncset.done $0x0  }
0xc0: {  	[sflag:s15] =	ssyncadd.s32 $0xFFFFFFF0  }
0xc1: {  	v28 =	vld [tilespmem:$0x100]  }
0xc2: {  	v29 =	vld [tilespmem:$0x180];
	_ =	sdelay $0x3  }
0xc3: {  	v30 =	vadd.s32 $0x1, v12;
	v31 =	vadd.s32 $0x1, v13;
	vm12 =	vlt.s32 v28, v1  }
0xc4: {  	vm13 =	vlt.s32 v29, v2;
	v10 =	vsel vm12, v30, v10;
	v8 =	vsel vm12, v8, v12  }
0xc5: {  	v11 =	vsel vm13, v31, v11;
	v9 =	vsel vm13, v9, v13;
	v32 =	vadd.s32 v8, v10  }
0xc6: {  	v13 =	vadd.s32 v9, v11;
	v12 =	vshrl.u32 v32, $0x1  }
0xc7: {  	v13 =	vshrl.u32 v13, $0x1;
	[tilespmem:$0x0] =	vst v12  }
0xc8: {  	[tilespmem:$0x80] =	vst v13  }
0xc9: {  	[tilespmem:s12], [sflag:$0x1] =	stream.indirect.gather [hbm4b:s2+s11], $0x1, s3, s11, $0xb8;
	[tilespmem:$0x380] =	vst v63  }
0xca: {  	_ = 	snop  }
0xcb: {  	[tilespmem:s14], [sflag:$0x1] =	stream.indirect.gather [hbm4b:s2+s11], $0x1, s13, s11, $0xb8;
	[tilespmem:$0x380] =	vst v63  }
0xcc: {  	_ =	swait.ge [sflag:s15], $0x10  }
0xcd: {  	[sflag:s15] =	ssyncset.done $0x0  }
0xce: {  	[sflag:s15] =	ssyncadd.s32 $0xFFFFFFF0  }
0xcf: {  	_ =	swait.ge [sflag:s15], $0x10  }
0xd0: {  	[sflag:s15] =	ssyncset.done $0x0  }
0xd1: {  	[sflag:s15] =	ssyncadd.s32 $0xFFFFFFF0  }
0xd2: {  	v33 =	vld [tilespmem:$0x100]  }
0xd3: {  	v34 =	vld [tilespmem:$0x180];
	_ =	sdelay $0x3  }
0xd4: {  	v35 =	vadd.s32 $0x1, v12;
	v36 =	vadd.s32 $0x1, v13;
	vm14 =	vlt.s32 v33, v1  }
0xd5: {  	vm15 =	vlt.s32 v34, v2;
	v10 =	vsel vm14, v35, v10;
	v8 =	vsel vm14, v8, v12  }
0xd6: {  	v11 =	vsel vm15, v36, v11;
	v9 =	vsel vm15, v9, v13;
	v37 =	vadd.s32 v8, v10  }
0xd7: {  	v13 =	vadd.s32 v9, v11;
	v12 =	vshrl.u32 v37, $0x1  }
0xd8: {  	v13 =	vshrl.u32 v13, $0x1;
	[tilespmem:$0x0] =	vst v12  }
0xd9: {  	[tilespmem:$0x80] =	vst v13  }
0xda: {  	[tilespmem:s12], [sflag:$0x1] =	stream.indirect.gather [hbm4b:s2+s11], $0x1, s3, s11, $0xb8;
	[tilespmem:$0x380] =	vst v63  }
0xdb: {  	_ = 	snop  }
0xdc: {  	[tilespmem:s14], [sflag:$0x1] =	stream.indirect.gather [hbm4b:s2+s11], $0x1, s13, s11, $0xb8;
	[tilespmem:$0x380] =	vst v63  }
0xdd: {  	_ =	swait.ge [sflag:s15], $0x10  }
0xde: {  	[sflag:s15] =	ssyncset.done $0x0  }
0xdf: {  	[sflag:s15] =	ssyncadd.s32 $0xFFFFFFF0  }
0xe0: {  	_ =	swait.ge [sflag:s15], $0x10  }
0xe1: {  	[sflag:s15] =	ssyncset.done $0x0  }
0xe2: {  	[sflag:s15] =	ssyncadd.s32 $0xFFFFFFF0  }
0xe3: {  	v38 =	vld [tilespmem:$0x100]  }
0xe4: {  	v39 =	vld [tilespmem:$0x180];
	_ =	sdelay $0x3  }
0xe5: {  	v40 =	vadd.s32 $0x1, v12;
	v41 =	vadd.s32 $0x1, v13;
	vm4 =	vlt.s32 v38, v1  }
0xe6: {  	vm5 =	vlt.s32 v39, v2;
	v10 =	vsel vm4, v40, v10;
	v8 =	vsel vm4, v8, v12  }
0xe7: {  	v11 =	vsel vm5, v41, v11;
	v9 =	vsel vm5, v9, v13;
	v42 =	vadd.s32 v8, v10  }
0xe8: {  	v13 =	vadd.s32 v9, v11;
	v12 =	vshrl.u32 v42, $0x1  }
0xe9: {  	v13 =	vshrl.u32 v13, $0x1;
	[tilespmem:$0x0] =	vst v12  }
0xea: {  	[tilespmem:$0x80] =	vst v13  }
0xeb: {  	[tilespmem:s12], [sflag:$0x1] =	stream.indirect.gather [hbm4b:s2+s11], $0x1, s3, s11, $0xb8;
	[tilespmem:$0x380] =	vst v63  }
0xec: {  	_ = 	snop  }
0xed: {  	[tilespmem:s14], [sflag:$0x1] =	stream.indirect.gather [hbm4b:s2+s11], $0x1, s13, s11, $0xb8;
	[tilespmem:$0x380] =	vst v63  }
0xee: {  	_ =	swait.ge [sflag:s15], $0x10  }
0xef: {  	[sflag:s15] =	ssyncset.done $0x0  }
0xf0: {  	[sflag:s15] =	ssyncadd.s32 $0xFFFFFFF0  }
0xf1: {  	_ =	swait.ge [sflag:s15], $0x10  }
0xf2: {  	[sflag:s15] =	ssyncset.done $0x0  }
0xf3: {  	[sflag:s15] =	ssyncadd.s32 $0xFFFFFFF0  }
0xf4: {  	v43 =	vld [tilespmem:$0x100]  }
0xf5: {  	v44 =	vld [tilespmem:$0x180];
	_ =	sdelay $0x3  }
0xf6: {  	v45 =	vadd.s32 $0x1, v12;
	v46 =	vadd.s32 $0x1, v13;
	vm6 =	vlt.s32 v43, v1  }
0xf7: {  	vm7 =	vlt.s32 v44, v2;
	v10 =	vsel vm6, v45, v10;
	v8 =	vsel vm6, v8, v12  }
0xf8: {  	v11 =	vsel vm7, v46, v11;
	v9 =	vsel vm7, v9, v13;
	v47 =	vadd.s32 v8, v10  }
0xf9: {  	v13 =	vadd.s32 v9, v11;
	v12 =	vshrl.u32 v47, $0x1  }
0xfa: {  	v13 =	vshrl.u32 v13, $0x1;
	[tilespmem:$0x0] =	vst v12  }
0xfb: {  	[tilespmem:$0x80] =	vst v13  }
0xfc: {  	[tilespmem:s12], [sflag:$0x1] =	stream.indirect.gather [hbm4b:s2+s11], $0x1, s3, s11, $0xb8;
	[tilespmem:$0x380] =	vst v63  }
0xfd: {  	_ = 	snop  }
0xfe: {  	[tilespmem:s14], [sflag:$0x1] =	stream.indirect.gather [hbm4b:s2+s11], $0x1, s13, s11, $0xb8;
	[tilespmem:$0x380] =	vst v63  }
0xff: {  	_ =	swait.ge [sflag:s15], $0x10  }
0x100: {  	[sflag:s15] =	ssyncset.done $0x0  }
0x101: {  	[sflag:s15] =	ssyncadd.s32 $0xFFFFFFF0  }
0x102: {  	_ =	swait.ge [sflag:s15], $0x10  }
0x103: {  	[sflag:s15] =	ssyncset.done $0x0  }
0x104: {  	[sflag:s15] =	ssyncadd.s32 $0xFFFFFFF0  }
0x105: {  	v48 =	vld [tilespmem:$0x100]  }
0x106: {  	v49 =	vld [tilespmem:$0x180];
	_ =	sdelay $0x3  }
0x107: {  	v50 =	vadd.s32 $0x1, v12;
	v51 =	vadd.s32 $0x1, v13;
	vm8 =	vlt.s32 v48, v1  }
0x108: {  	vm9 =	vlt.s32 v49, v2;
	v10 =	vsel vm8, v50, v10;
	v8 =	vsel vm8, v8, v12  }
0x109: {  	v11 =	vsel vm9, v51, v11;
	v9 =	vsel vm9, v9, v13;
	v52 =	vadd.s32 v8, v10  }
0x10a: {  	v13 =	vadd.s32 v9, v11;
	v12 =	vshrl.u32 v52, $0x1  }
0x10b: {  	v13 =	vshrl.u32 v13, $0x1;
	[tilespmem:$0x0] =	vst v12  }
0x10c: {  	[tilespmem:$0x80] =	vst v13  }
0x10d: {  	[tilespmem:s12], [sflag:$0x1] =	stream.indirect.gather [hbm4b:s2+s11], $0x1, s3, s11, $0xb8;
	[tilespmem:$0x380] =	vst v63  }
0x10e: {  	_ = 	snop  }
0x10f: {  	[tilespmem:s14], [sflag:$0x1] =	stream.indirect.gather [hbm4b:s2+s11], $0x1, s13, s11, $0xb8;
	[tilespmem:$0x380] =	vst v63  }
0x110: {  	_ =	swait.ge [sflag:s15], $0x10  }
0x111: {  	[sflag:s15] =	ssyncset.done $0x0  }
0x112: {  	[sflag:s15] =	ssyncadd.s32 $0xFFFFFFF0  }
0x113: {  	_ =	swait.ge [sflag:s15], $0x10  }
0x114: {  	[sflag:s15] =	ssyncset.done $0x0  }
0x115: {  	[sflag:s15] =	ssyncadd.s32 $0xFFFFFFF0  }
0x116: {  	v53 =	vld [tilespmem:$0x100]  }
0x117: {  	v54 =	vld [tilespmem:$0x180];
	_ =	sdelay $0x3  }
0x118: {  	v55 =	vadd.s32 $0x1, v12;
	v56 =	vadd.s32 $0x1, v13;
	vm10 =	vlt.s32 v53, v1  }
0x119: {  	vm11 =	vlt.s32 v54, v2;
	v10 =	vsel vm10, v55, v10;
	v8 =	vsel vm10, v8, v12  }
0x11a: {  	v11 =	vsel vm11, v56, v11;
	v9 =	vsel vm11, v9, v13;
	v57 =	vadd.s32 v8, v10  }
0x11b: {  	v13 =	vadd.s32 v9, v11;
	v12 =	vshrl.u32 v57, $0x1  }
0x11c: {  	v13 =	vshrl.u32 v13, $0x1;
	[tilespmem:$0x0] =	vst v12  }
0x11d: {  	[tilespmem:$0x80] =	vst v13  }
0x11e: {  	[tilespmem:s12], [sflag:$0x1] =	stream.indirect.gather [hbm4b:s2+s11], $0x1, s3, s11, $0xb8;
	[tilespmem:$0x380] =	vst v63  }
0x11f: {  	_ = 	snop  }
0x120: {  	[tilespmem:s14], [sflag:$0x1] =	stream.indirect.gather [hbm4b:s2+s11], $0x1, s13, s11, $0xb8;
	[tilespmem:$0x380] =	vst v63  }
0x121: {  	_ =	swait.ge [sflag:s15], $0x10  }
0x122: {  	[sflag:s15] =	ssyncset.done $0x0  }
0x123: {  	[sflag:s15] =	ssyncadd.s32 $0xFFFFFFF0  }
0x124: {  	_ =	swait.ge [sflag:s15], $0x10  }
0x125: {  	[sflag:s15] =	ssyncset.done $0x0  }
0x126: {  	[sflag:s15] =	ssyncadd.s32 $0xFFFFFFF0  }
0x127: {  	v58 =	vld [tilespmem:$0x100]  }
0x128: {  	v59 =	vld [tilespmem:$0x180];
	_ =	sdelay $0x3  }
0x129: {  	v60 =	vadd.s32 $0x1, v12;
	v61 =	vadd.s32 $0x1, v13;
	vm12 =	vlt.s32 v58, v1  }
0x12a: {  	vm13 =	vlt.s32 v59, v2;
	v10 =	vsel vm12, v60, v10;
	v8 =	vsel vm12, v8, v12  }
0x12b: {  	v11 =	vsel vm13, v61, v11;
	v9 =	vsel vm13, v9, v13;
	v8 =	vadd.s32 v8, v10  }
0x12c: {  	v9 =	vadd.s32 v9, v11;
	v8 =	vshrl.u32 v8, $0x1  }
0x12d: {  	v9 =	vshrl.u32 v9, $0x1;
	[tilespmem:$0x0] =	vst v8  }
0x12e: {  	[tilespmem:$0x80] =	vst v9  }
0x12f: {  	[tilespmem:s12], [sflag:$0x1] =	stream.indirect.gather [hbm4b:s2+s11], $0x1, s3, s11, $0xb8;
	[tilespmem:$0x380] =	vst v63  }
0x130: {  	_ = 	snop  }
0x131: {  	[tilespmem:s14], [sflag:$0x1] =	stream.indirect.gather [hbm4b:s2+s11], $0x1, s13, s11, $0xb8;
	[tilespmem:$0x380] =	vst v63  }
0x132: {  	_ =	swait.ge [sflag:s15], $0x10  }
0x133: {  	[sflag:s15] =	ssyncset.done $0x0  }
0x134: {  	[sflag:s15] =	ssyncadd.s32 $0xFFFFFFF0  }
0x135: {  	_ =	swait.ge [sflag:s15], $0x10  }
0x136: {  	[sflag:s15] =	ssyncset.done $0x0  }
0x137: {  	[sflag:s15] =	ssyncadd.s32 $0xFFFFFFF0  }
0x138: {  	v62 =	vld [tilespmem:$0x100]  }
0x139: {  	v63 =	vld [tilespmem:$0x180];
	_ =	sdelay $0x3  }
0x13a: {  	v8 =	vadd.s32 $0x1, v8  }
0x13b: {  	v9 =	vadd.s32 $0x1, v9;
	vm14 =	vlt.s32 v62, v1;
	vm15 =	vlt.s32 v63, v2  }
0x13c: {  	v8 =	vsel vm14, v8, v10;
	v9 =	vsel vm15, v9, v11  }
0x13d: {  	v8 =	vsub.s32 v9, v8  }
0x13e: {  	v8 =	vcvt.s32.f32 v8;
	_ =	sdelay $0x1  }
.Ltmp3:
0x13f: {  	[tilespmem:$0x200] =	vst v8;
	(pc) =	sbr.rel @p1 .LBB2_7-.Ltmp3, $4  }
0x140: {  	[hbm4b:s7+s3] =	stream.linear.scatter [tilespmem:s16], [sflag:$0x2], $0x10, $0x38;
	[tilespmem:$0x380] =	vst v63  }
0x141: {  	_ =	swait.ge [sflag:s17], $0x10  }
0x142: {  	[sflag:s17] =	ssyncset.done $0x0  }
0x143: {  	[sflag:s17] =	ssyncadd.s32 $0xFFFFFFF0  }
0x144: {  	v8 =	vmul.u32 $0xFA0, v0;
	_ =	sdelay $0x1  }
0x145: {  	[tilespmem:$0x0] =	vst v8;
	v8 =	vadd.s32 $0xF9F, v8  }
0x146: {  	[tilespmem:$0x80] =	vst v8  }
0x147: {  	[tilespmem:s12], [sflag:$0x1] =	stream.indirect.gather [hbm4b:s2+s11], $0x1, s3, s11, $0xb8;
	[tilespmem:$0x380] =	vst v63  }
0x148: {  	_ = 	snop  }
0x149: {  	[tilespmem:s14], [sflag:$0x1] =	stream.indirect.gather [hbm4b:s2+s11], $0x1, s13, s11, $0xb8;
	[tilespmem:$0x380] =	vst v63  }
0x14a: {  	_ =	swait.ge [sflag:s15], $0x10  }
0x14b: {  	[sflag:s15] =	ssyncset.done $0x0  }
0x14c: {  	[sflag:s15] =	ssyncadd.s32 $0xFFFFFFF0  }
0x14d: {  	_ =	swait.ge [sflag:s15], $0x10  }
0x14e: {  	[sflag:s15] =	ssyncset.done $0x0  }
0x14f: {  	[sflag:s15] =	ssyncadd.s32 $0xFFFFFFF0  }
0x150: {  	v8 =	vld [tilespmem:$0x100]  }
0x151: {  	v9 =	vld [tilespmem:$0x180];
	_ =	sdelay $0x1  }
0x152: {  	[tilespmem:$0x0] =	vst v6  }
0x153: {  	[tilespmem:$0x80] =	vst v7  }
0x154: {  	[tilespmem:$0x280] =	vst v8  }
0x155: {  	[tilespmem:$0x300] =	vst v9  }
0x156: {  	[tilespmem:s12], [sflag:$0x1] =	stream.indirect.gather [hbm4b:s2+s11], $0x1, s3, s11, $0xb8;
	[tilespmem:$0x380] =	vst v63  }
0x157: {  	_ = 	snop  }
0x158: {  	[tilespmem:s14], [sflag:$0x1] =	stream.indirect.gather [hbm4b:s2+s11], $0x1, s13, s11, $0xb8;
	[tilespmem:$0x380] =	vst v63  }
0x159: {  	_ =	swait.ge [sflag:s15], $0x10  }
0x15a: {  	[sflag:s15] =	ssyncset.done $0x0  }
0x15b: {  	[sflag:s15] =	ssyncadd.s32 $0xFFFFFFF0  }
0x15c: {  	_ =	swait.ge [sflag:s15], $0x10  }
0x15d: {  	[sflag:s15] =	ssyncset.done $0x0  }
0x15e: {  	[sflag:s15] =	ssyncadd.s32 $0xFFFFFFF0  }
0x15f: {  	v8 =	vld [tilespmem:$0x100]  }
0x160: {  	v63 =	vld [tilespmem:$0x180];
	_ =	sdelay $0x3  }
0x161: {  	[tilespmem:$0x290] =	vst v8  }
0x162: {  	[tilespmem:$0x310] =	vst v63  }
0x163: {  	[hbm4b:s8+s3] =	stream.linear.scatter [tilespmem:s18], [sflag:$0x2], $0x80, $0x38;
	[tilespmem:$0x380] =	vst v63  }
.Ltmp4:
0x164: {  	_ = 	snop;
	(pc) =	sbr.rel .LBB2_6-.Ltmp4, $4  }
0x165: {  	_ =	swait.ge [sflag:s17], $0x80  }
0x166: {  	[sflag:s17] =	ssyncset.done $0x0  }
0x167: {  	[sflag:s17] =	ssyncadd.s32 $0xFFFFFF80  }
0x168: {  	[hbm4b:s9+s3] =	stream.linear.scatter [tilespmem:s19], [sflag:$0x2], $0x80, $0x38;
	[tilespmem:$0x380] =	vst v63  }
.LBB2_2:
0x169: {  	[tilespmem:s12], [sflag:$0x1] =	stream.indirect.gather [hbm4b:s1+s11], $0x1, s3, s11, $0xb8;
	[tilespmem:$0x380] =	vst v63  }
0x16a: {  	_ = 	snop  }
0x16b: {  	[tilespmem:s14], [sflag:$0x1] =	stream.indirect.gather [hbm4b:s1+s11], $0x1, s13, s11, $0xb8;
	[tilespmem:$0x380] =	vst v63  }
0x16c: {  	_ =	swait.ge [sflag:s15], $0x10  }
0x16d: {  	[sflag:s15] =	ssyncset.done $0x0  }
0x16e: {  	[sflag:s15] =	ssyncadd.s32 $0xFFFFFFF0  }
0x16f: {  	_ =	swait.ge [sflag:s15], $0x10  }
0x170: {  	[sflag:s15] =	ssyncset.done $0x0  }
0x171: {  	[sflag:s15] =	ssyncadd.s32 $0xFFFFFFF0  }
0x172: {  	v8 =	vld [tilespmem:$0x100]  }
0x173: {  	v9 =	vld [tilespmem:$0x180];
	_ =	sdelay $0x3  }
0x174: {  	vm0 =	vlt.s32 v8, v1  }
0x175: {  	vm1 =	vlt.s32 v9, v2;
	v8 =	vsel vm0, $0x124F8, v5  }
0x176: {  	v9 =	vsel vm1, $0x124F8, v5;
	[tilespmem:$0x0] =	vst v8  }
0x177: {  	[tilespmem:$0x80] =	vst v9  }
0x178: {  	[tilespmem:s12], [sflag:$0x1] =	stream.indirect.gather [hbm4b:s1+s11], $0x1, s3, s11, $0xb8;
	[tilespmem:$0x380] =	vst v63  }
0x179: {  	_ = 	snop  }
0x17a: {  	[tilespmem:s14], [sflag:$0x1] =	stream.indirect.gather [hbm4b:s1+s11], $0x1, s13, s11, $0xb8;
	[tilespmem:$0x380] =	vst v63  }
0x17b: {  	_ =	swait.ge [sflag:s15], $0x10  }
0x17c: {  	[sflag:s15] =	ssyncset.done $0x0  }
0x17d: {  	[sflag:s15] =	ssyncadd.s32 $0xFFFFFFF0  }
0x17e: {  	_ =	swait.ge [sflag:s15], $0x10  }
0x17f: {  	[sflag:s15] =	ssyncset.done $0x0  }
0x180: {  	[sflag:s15] =	ssyncadd.s32 $0xFFFFFFF0  }
0x181: {  	v10 =	vld [tilespmem:$0x100]  }
0x182: {  	v11 =	vld [tilespmem:$0x180];
	_ =	sdelay $0x2  }
0x183: {  	v12 =	vsel vm0, $0xC351, v4;
	v13 =	vsel vm0, $0x186A0, v3;
	v14 =	vsel vm1, $0xC351, v4  }
0x184: {  	v15 =	vsel vm1, $0x186A0, v3;
	v30 =	vor.u32 $0x1, v8;
	vm8 =	vlt.s32 v10, v1  }
0x185: {  	v31 =	vor.u32 $0x1, v9;
	vm9 =	vlt.s32 v11, v2;
	v8 =	vsel vm8, v13, v8  }
0x186: {  	v10 =	vsel vm8, v30, v12;
	v9 =	vsel vm9, v15, v9;
	v32 =	vadd.s32 $0xFFFFFFFF, v8  }
0x187: {  	v11 =	vsel vm9, v31, v14;
	v34 =	vadd.s32 $0xFFFFFFFF, v9;
	v33 =	vxor.u32 v32, v10  }
0x188: {  	v12 =	vor.u32 v32, v10;
	v35 =	vxor.u32 v34, v11;
	v13 =	vshrl.u32 v33, $0x1  }
0x189: {  	v36 =	vor.u32 v34, v11;
	v37 =	vshrl.u32 v35, $0x1;
	v12 =	vsub.s32 v12, v13  }
0x18a: {  	v13 =	vsub.s32 v36, v37;
	[tilespmem:$0x0] =	vst v12  }
0x18b: {  	[tilespmem:$0x80] =	vst v13  }
0x18c: {  	[tilespmem:s12], [sflag:$0x1] =	stream.indirect.gather [hbm4b:s1+s11], $0x1, s3, s11, $0xb8;
	[tilespmem:$0x380] =	vst v63  }
0x18d: {  	_ = 	snop  }
0x18e: {  	[tilespmem:s14], [sflag:$0x1] =	stream.indirect.gather [hbm4b:s1+s11], $0x1, s13, s11, $0xb8;
	[tilespmem:$0x380] =	vst v63  }
0x18f: {  	_ =	swait.ge [sflag:s15], $0x10  }
0x190: {  	[sflag:s15] =	ssyncset.done $0x0  }
0x191: {  	[sflag:s15] =	ssyncadd.s32 $0xFFFFFFF0  }
0x192: {  	_ =	swait.ge [sflag:s15], $0x10  }
0x193: {  	[sflag:s15] =	ssyncset.done $0x0  }
0x194: {  	[sflag:s15] =	ssyncadd.s32 $0xFFFFFFF0  }
0x195: {  	v38 =	vld [tilespmem:$0x100]  }
0x196: {  	v39 =	vld [tilespmem:$0x180];
	_ =	sdelay $0x3  }
0x197: {  	v40 =	vor.u32 $0x1, v12;
	v41 =	vor.u32 $0x1, v13;
	vm10 =	vlt.s32 v38, v1  }
0x198: {  	vm11 =	vlt.s32 v39, v2;
	v10 =	vsel vm10, v40, v10;
	v8 =	vsel vm10, v8, v12  }
0x199: {  	v11 =	vsel vm11, v41, v11;
	v9 =	vsel vm11, v9, v13;
	v42 =	vxor.u32 v8, v10  }
0x19a: {  	v43 =	vand.u32 v8, v10;
	v44 =	vxor.u32 v9, v11;
	v12 =	vshrl.u32 v42, $0x1  }
0x19b: {  	v45 =	vand.u32 v9, v11;
	v14 =	vshrl.u32 v44, $0x1;
	v12 =	vadd.s32 v12, v43  }
0x19c: {  	v13 =	vadd.s32 v14, v45;
	[tilespmem:$0x0] =	vst v12  }
0x19d: {  	[tilespmem:$0x80] =	vst v13  }
0x19e: {  	[tilespmem:s12], [sflag:$0x1] =	stream.indirect.gather [hbm4b:s1+s11], $0x1, s3, s11, $0xb8;
	[tilespmem:$0x380] =	vst v63  }
0x19f: {  	_ = 	snop  }
0x1a0: {  	[tilespmem:s14], [sflag:$0x1] =	stream.indirect.gather [hbm4b:s1+s11], $0x1, s13, s11, $0xb8;
	[tilespmem:$0x380] =	vst v63  }
0x1a1: {  	_ =	swait.ge [sflag:s15], $0x10  }
0x1a2: {  	[sflag:s15] =	ssyncset.done $0x0  }
0x1a3: {  	[sflag:s15] =	ssyncadd.s32 $0xFFFFFFF0  }
0x1a4: {  	_ =	swait.ge [sflag:s15], $0x10  }
0x1a5: {  	[sflag:s15] =	ssyncset.done $0x0  }
0x1a6: {  	[sflag:s15] =	ssyncadd.s32 $0xFFFFFFF0  }
0x1a7: {  	v46 =	vld [tilespmem:$0x100]  }
0x1a8: {  	v47 =	vld [tilespmem:$0x180];
	_ =	sdelay $0x3  }
0x1a9: {  	v48 =	vadd.s32 $0x1, v12;
	v49 =	vadd.s32 $0x1, v13;
	vm12 =	vlt.s32 v46, v1  }
0x1aa: {  	vm13 =	vlt.s32 v47, v2;
	v10 =	vsel vm12, v48, v10;
	v8 =	vsel vm12, v8, v12  }
0x1ab: {  	v11 =	vsel vm13, v49, v11;
	v9 =	vsel vm13, v9, v13;
	v50 =	vadd.s32 v8, v10  }
0x1ac: {  	v13 =	vadd.s32 v9, v11;
	v12 =	vshrl.u32 v50, $0x1  }
0x1ad: {  	v13 =	vshrl.u32 v13, $0x1;
	[tilespmem:$0x0] =	vst v12  }
0x1ae: {  	[tilespmem:$0x80] =	vst v13  }
0x1af: {  	[tilespmem:s12], [sflag:$0x1] =	stream.indirect.gather [hbm4b:s1+s11], $0x1, s3, s11, $0xb8;
	[tilespmem:$0x380] =	vst v63  }
0x1b0: {  	_ = 	snop  }
0x1b1: {  	[tilespmem:s14], [sflag:$0x1] =	stream.indirect.gather [hbm4b:s1+s11], $0x1, s13, s11, $0xb8;
	[tilespmem:$0x380] =	vst v63  }
0x1b2: {  	_ =	swait.ge [sflag:s15], $0x10  }
0x1b3: {  	[sflag:s15] =	ssyncset.done $0x0  }
0x1b4: {  	[sflag:s15] =	ssyncadd.s32 $0xFFFFFFF0  }
0x1b5: {  	_ =	swait.ge [sflag:s15], $0x10  }
0x1b6: {  	[sflag:s15] =	ssyncset.done $0x0  }
0x1b7: {  	[sflag:s15] =	ssyncadd.s32 $0xFFFFFFF0  }
0x1b8: {  	v51 =	vld [tilespmem:$0x100]  }
0x1b9: {  	v52 =	vld [tilespmem:$0x180];
	_ =	sdelay $0x3  }
0x1ba: {  	v53 =	vadd.s32 $0x1, v12;
	v54 =	vadd.s32 $0x1, v13;
	vm14 =	vlt.s32 v51, v1  }
0x1bb: {  	vm15 =	vlt.s32 v52, v2;
	v10 =	vsel vm14, v53, v10;
	v8 =	vsel vm14, v8, v12  }
0x1bc: {  	v11 =	vsel vm15, v54, v11;
	v9 =	vsel vm15, v9, v13;
	v55 =	vadd.s32 v8, v10  }
0x1bd: {  	v13 =	vadd.s32 v9, v11;
	v12 =	vshrl.u32 v55, $0x1  }
0x1be: {  	v13 =	vshrl.u32 v13, $0x1;
	[tilespmem:$0x0] =	vst v12  }
0x1bf: {  	[tilespmem:$0x80] =	vst v13  }
0x1c0: {  	[tilespmem:s12], [sflag:$0x1] =	stream.indirect.gather [hbm4b:s1+s11], $0x1, s3, s11, $0xb8;
	[tilespmem:$0x380] =	vst v63  }
0x1c1: {  	_ = 	snop  }
0x1c2: {  	[tilespmem:s14], [sflag:$0x1] =	stream.indirect.gather [hbm4b:s1+s11], $0x1, s13, s11, $0xb8;
	[tilespmem:$0x380] =	vst v63  }
0x1c3: {  	_ =	swait.ge [sflag:s15], $0x10  }
0x1c4: {  	[sflag:s15] =	ssyncset.done $0x0  }
0x1c5: {  	[sflag:s15] =	ssyncadd.s32 $0xFFFFFFF0  }
0x1c6: {  	_ =	swait.ge [sflag:s15], $0x10  }
0x1c7: {  	[sflag:s15] =	ssyncset.done $0x0  }
0x1c8: {  	[sflag:s15] =	ssyncadd.s32 $0xFFFFFFF0  }
0x1c9: {  	v56 =	vld [tilespmem:$0x100]  }
0x1ca: {  	v57 =	vld [tilespmem:$0x180];
	_ =	sdelay $0x3  }
0x1cb: {  	v58 =	vadd.s32 $0x1, v12;
	v59 =	vadd.s32 $0x1, v13;
	vm4 =	vlt.s32 v56, v1  }
0x1cc: {  	vm5 =	vlt.s32 v57, v2;
	v10 =	vsel vm4, v58, v10;
	v8 =	vsel vm4, v8, v12  }
0x1cd: {  	v11 =	vsel vm5, v59, v11;
	v9 =	vsel vm5, v9, v13;
	v60 =	vadd.s32 v8, v10  }
0x1ce: {  	v13 =	vadd.s32 v9, v11;
	v12 =	vshrl.u32 v60, $0x1  }
0x1cf: {  	v13 =	vshrl.u32 v13, $0x1;
	[tilespmem:$0x0] =	vst v12  }
0x1d0: {  	[tilespmem:$0x80] =	vst v13  }
0x1d1: {  	[tilespmem:s12], [sflag:$0x1] =	stream.indirect.gather [hbm4b:s1+s11], $0x1, s3, s11, $0xb8;
	[tilespmem:$0x380] =	vst v63  }
0x1d2: {  	_ = 	snop  }
0x1d3: {  	[tilespmem:s14], [sflag:$0x1] =	stream.indirect.gather [hbm4b:s1+s11], $0x1, s13, s11, $0xb8;
	[tilespmem:$0x380] =	vst v63  }
0x1d4: {  	_ =	swait.ge [sflag:s15], $0x10  }
0x1d5: {  	[sflag:s15] =	ssyncset.done $0x0  }
0x1d6: {  	[sflag:s15] =	ssyncadd.s32 $0xFFFFFFF0  }
0x1d7: {  	_ =	swait.ge [sflag:s15], $0x10  }
0x1d8: {  	[sflag:s15] =	ssyncset.done $0x0  }
0x1d9: {  	[sflag:s15] =	ssyncadd.s32 $0xFFFFFFF0  }
0x1da: {  	v61 =	vld [tilespmem:$0x100]  }
0x1db: {  	v62 =	vld [tilespmem:$0x180];
	_ =	sdelay $0x3  }
0x1dc: {  	v63 =	vadd.s32 $0x1, v12;
	v16 =	vadd.s32 $0x1, v13;
	vm6 =	vlt.s32 v61, v1  }
0x1dd: {  	vm7 =	vlt.s32 v62, v2;
	v10 =	vsel vm6, v63, v10;
	v8 =	vsel vm6, v8, v12  }
0x1de: {  	v11 =	vsel vm7, v16, v11;
	v9 =	vsel vm7, v9, v13;
	v17 =	vadd.s32 v8, v10  }
0x1df: {  	v13 =	vadd.s32 v9, v11;
	v12 =	vshrl.u32 v17, $0x1  }
0x1e0: {  	v13 =	vshrl.u32 v13, $0x1;
	[tilespmem:$0x0] =	vst v12  }
0x1e1: {  	[tilespmem:$0x80] =	vst v13  }
0x1e2: {  	[tilespmem:s12], [sflag:$0x1] =	stream.indirect.gather [hbm4b:s1+s11], $0x1, s3, s11, $0xb8;
	[tilespmem:$0x380] =	vst v63  }
0x1e3: {  	_ = 	snop  }
0x1e4: {  	[tilespmem:s14], [sflag:$0x1] =	stream.indirect.gather [hbm4b:s1+s11], $0x1, s13, s11, $0xb8;
	[tilespmem:$0x380] =	vst v63  }
0x1e5: {  	_ =	swait.ge [sflag:s15], $0x10  }
0x1e6: {  	[sflag:s15] =	ssyncset.done $0x0  }
0x1e7: {  	[sflag:s15] =	ssyncadd.s32 $0xFFFFFFF0  }
0x1e8: {  	_ =	swait.ge [sflag:s15], $0x10  }
0x1e9: {  	[sflag:s15] =	ssyncset.done $0x0  }
0x1ea: {  	[sflag:s15] =	ssyncadd.s32 $0xFFFFFFF0  }
0x1eb: {  	v18 =	vld [tilespmem:$0x100]  }
0x1ec: {  	v19 =	vld [tilespmem:$0x180];
	_ =	sdelay $0x3  }
0x1ed: {  	v20 =	vadd.s32 $0x1, v12;
	v21 =	vadd.s32 $0x1, v13;
	vm8 =	vlt.s32 v18, v1  }
0x1ee: {  	vm9 =	vlt.s32 v19, v2;
	v10 =	vsel vm8, v20, v10;
	v8 =	vsel vm8, v8, v12  }
0x1ef: {  	v11 =	vsel vm9, v21, v11;
	v9 =	vsel vm9, v9, v13;
	v22 =	vadd.s32 v8, v10  }
0x1f0: {  	v13 =	vadd.s32 v9, v11;
	v12 =	vshrl.u32 v22, $0x1  }
0x1f1: {  	v13 =	vshrl.u32 v13, $0x1;
	[tilespmem:$0x0] =	vst v12  }
0x1f2: {  	[tilespmem:$0x80] =	vst v13  }
0x1f3: {  	[tilespmem:s12], [sflag:$0x1] =	stream.indirect.gather [hbm4b:s1+s11], $0x1, s3, s11, $0xb8;
	[tilespmem:$0x380] =	vst v63  }
0x1f4: {  	_ = 	snop  }
0x1f5: {  	[tilespmem:s14], [sflag:$0x1] =	stream.indirect.gather [hbm4b:s1+s11], $0x1, s13, s11, $0xb8;
	[tilespmem:$0x380] =	vst v63  }
0x1f6: {  	_ =	swait.ge [sflag:s15], $0x10  }
0x1f7: {  	[sflag:s15] =	ssyncset.done $0x0  }
0x1f8: {  	[sflag:s15] =	ssyncadd.s32 $0xFFFFFFF0  }
0x1f9: {  	_ =	swait.ge [sflag:s15], $0x10  }
0x1fa: {  	[sflag:s15] =	ssyncset.done $0x0  }
0x1fb: {  	[sflag:s15] =	ssyncadd.s32 $0xFFFFFFF0  }
0x1fc: {  	v23 =	vld [tilespmem:$0x100]  }
0x1fd: {  	v24 =	vld [tilespmem:$0x180];
	_ =	sdelay $0x3  }
0x1fe: {  	v25 =	vadd.s32 $0x1, v12;
	v26 =	vadd.s32 $0x1, v13;
	vm10 =	vlt.s32 v23, v1  }
0x1ff: {  	vm11 =	vlt.s32 v24, v2;
	v10 =	vsel vm10, v25, v10;
	v8 =	vsel vm10, v8, v12  }
0x200: {  	v11 =	vsel vm11, v26, v11;
	v9 =	vsel vm11, v9, v13;
	v27 =	vadd.s32 v8, v10  }
0x201: {  	v13 =	vadd.s32 v9, v11;
	v12 =	vshrl.u32 v27, $0x1  }
0x202: {  	v13 =	vshrl.u32 v13, $0x1;
	[tilespmem:$0x0] =	vst v12  }
0x203: {  	[tilespmem:$0x80] =	vst v13  }
0x204: {  	[tilespmem:s12], [sflag:$0x1] =	stream.indirect.gather [hbm4b:s1+s11], $0x1, s3, s11, $0xb8;
	[tilespmem:$0x380] =	vst v63  }
0x205: {  	_ = 	snop  }
0x206: {  	[tilespmem:s14], [sflag:$0x1] =	stream.indirect.gather [hbm4b:s1+s11], $0x1, s13, s11, $0xb8;
	[tilespmem:$0x380] =	vst v63  }
0x207: {  	_ =	swait.ge [sflag:s15], $0x10  }
0x208: {  	[sflag:s15] =	ssyncset.done $0x0  }
0x209: {  	[sflag:s15] =	ssyncadd.s32 $0xFFFFFFF0  }
0x20a: {  	_ =	swait.ge [sflag:s15], $0x10  }
0x20b: {  	[sflag:s15] =	ssyncset.done $0x0  }
0x20c: {  	[sflag:s15] =	ssyncadd.s32 $0xFFFFFFF0  }
0x20d: {  	v28 =	vld [tilespmem:$0x100]  }
0x20e: {  	v29 =	vld [tilespmem:$0x180];
	_ =	sdelay $0x3  }
0x20f: {  	v30 =	vadd.s32 $0x1, v12;
	v31 =	vadd.s32 $0x1, v13;
	vm12 =	vlt.s32 v28, v1  }
0x210: {  	vm13 =	vlt.s32 v29, v2;
	v10 =	vsel vm12, v30, v10;
	v8 =	vsel vm12, v8, v12  }
0x211: {  	v11 =	vsel vm13, v31, v11;
	v9 =	vsel vm13, v9, v13;
	v32 =	vadd.s32 v8, v10  }
0x212: {  	v13 =	vadd.s32 v9, v11;
	v12 =	vshrl.u32 v32, $0x1  }
0x213: {  	v13 =	vshrl.u32 v13, $0x1;
	[tilespmem:$0x0] =	vst v12  }
0x214: {  	[tilespmem:$0x80] =	vst v13  }
0x215: {  	[tilespmem:s12], [sflag:$0x1] =	stream.indirect.gather [hbm4b:s1+s11], $0x1, s3, s11, $0xb8;
	[tilespmem:$0x380] =	vst v63  }
0x216: {  	_ = 	snop  }
0x217: {  	[tilespmem:s14], [sflag:$0x1] =	stream.indirect.gather [hbm4b:s1+s11], $0x1, s13, s11, $0xb8;
	[tilespmem:$0x380] =	vst v63  }
0x218: {  	_ =	swait.ge [sflag:s15], $0x10  }
0x219: {  	[sflag:s15] =	ssyncset.done $0x0  }
0x21a: {  	[sflag:s15] =	ssyncadd.s32 $0xFFFFFFF0  }
0x21b: {  	_ =	swait.ge [sflag:s15], $0x10  }
0x21c: {  	[sflag:s15] =	ssyncset.done $0x0  }
0x21d: {  	[sflag:s15] =	ssyncadd.s32 $0xFFFFFFF0  }
0x21e: {  	v33 =	vld [tilespmem:$0x100]  }
0x21f: {  	v34 =	vld [tilespmem:$0x180];
	_ =	sdelay $0x3  }
0x220: {  	v35 =	vadd.s32 $0x1, v12;
	v36 =	vadd.s32 $0x1, v13;
	vm14 =	vlt.s32 v33, v1  }
0x221: {  	vm15 =	vlt.s32 v34, v2;
	v10 =	vsel vm14, v35, v10;
	v8 =	vsel vm14, v8, v12  }
0x222: {  	v11 =	vsel vm15, v36, v11;
	v9 =	vsel vm15, v9, v13;
	v37 =	vadd.s32 v8, v10  }
0x223: {  	v13 =	vadd.s32 v9, v11;
	v12 =	vshrl.u32 v37, $0x1  }
0x224: {  	v13 =	vshrl.u32 v13, $0x1;
	[tilespmem:$0x0] =	vst v12  }
0x225: {  	[tilespmem:$0x80] =	vst v13  }
0x226: {  	[tilespmem:s12], [sflag:$0x1] =	stream.indirect.gather [hbm4b:s1+s11], $0x1, s3, s11, $0xb8;
	[tilespmem:$0x380] =	vst v63  }
0x227: {  	_ = 	snop  }
0x228: {  	[tilespmem:s14], [sflag:$0x1] =	stream.indirect.gather [hbm4b:s1+s11], $0x1, s13, s11, $0xb8;
	[tilespmem:$0x380] =	vst v63  }
0x229: {  	_ =	swait.ge [sflag:s15], $0x10  }
0x22a: {  	[sflag:s15] =	ssyncset.done $0x0  }
0x22b: {  	[sflag:s15] =	ssyncadd.s32 $0xFFFFFFF0  }
0x22c: {  	_ =	swait.ge [sflag:s15], $0x10  }
0x22d: {  	[sflag:s15] =	ssyncset.done $0x0  }
0x22e: {  	[sflag:s15] =	ssyncadd.s32 $0xFFFFFFF0  }
0x22f: {  	v38 =	vld [tilespmem:$0x100]  }
0x230: {  	v39 =	vld [tilespmem:$0x180];
	_ =	sdelay $0x3  }
0x231: {  	v40 =	vadd.s32 $0x1, v12;
	v41 =	vadd.s32 $0x1, v13;
	vm4 =	vlt.s32 v38, v1  }
0x232: {  	vm5 =	vlt.s32 v39, v2;
	v10 =	vsel vm4, v40, v10;
	v8 =	vsel vm4, v8, v12  }
0x233: {  	v11 =	vsel vm5, v41, v11;
	v9 =	vsel vm5, v9, v13;
	v42 =	vadd.s32 v8, v10  }
0x234: {  	v13 =	vadd.s32 v9, v11;
	v12 =	vshrl.u32 v42, $0x1  }
0x235: {  	v13 =	vshrl.u32 v13, $0x1;
	[tilespmem:$0x0] =	vst v12  }
0x236: {  	[tilespmem:$0x80] =	vst v13  }
0x237: {  	[tilespmem:s12], [sflag:$0x1] =	stream.indirect.gather [hbm4b:s1+s11], $0x1, s3, s11, $0xb8;
	[tilespmem:$0x380] =	vst v63  }
0x238: {  	_ = 	snop  }
0x239: {  	[tilespmem:s14], [sflag:$0x1] =	stream.indirect.gather [hbm4b:s1+s11], $0x1, s13, s11, $0xb8;
	[tilespmem:$0x380] =	vst v63  }
0x23a: {  	_ =	swait.ge [sflag:s15], $0x10  }
0x23b: {  	[sflag:s15] =	ssyncset.done $0x0  }
0x23c: {  	[sflag:s15] =	ssyncadd.s32 $0xFFFFFFF0  }
0x23d: {  	_ =	swait.ge [sflag:s15], $0x10  }
0x23e: {  	[sflag:s15] =	ssyncset.done $0x0  }
0x23f: {  	[sflag:s15] =	ssyncadd.s32 $0xFFFFFFF0  }
0x240: {  	v43 =	vld [tilespmem:$0x100]  }
0x241: {  	v44 =	vld [tilespmem:$0x180];
	_ =	sdelay $0x3  }
0x242: {  	v45 =	vadd.s32 $0x1, v12;
	v46 =	vadd.s32 $0x1, v13;
	vm6 =	vlt.s32 v43, v1  }
0x243: {  	vm7 =	vlt.s32 v44, v2;
	v10 =	vsel vm6, v45, v10;
	v8 =	vsel vm6, v8, v12  }
0x244: {  	v11 =	vsel vm7, v46, v11;
	v9 =	vsel vm7, v9, v13;
	v47 =	vadd.s32 v8, v10  }
0x245: {  	v13 =	vadd.s32 v9, v11;
	v12 =	vshrl.u32 v47, $0x1  }
0x246: {  	v13 =	vshrl.u32 v13, $0x1;
	[tilespmem:$0x0] =	vst v12  }
0x247: {  	[tilespmem:$0x80] =	vst v13  }
0x248: {  	[tilespmem:s12], [sflag:$0x1] =	stream.indirect.gather [hbm4b:s1+s11], $0x1, s3, s11, $0xb8;
	[tilespmem:$0x380] =	vst v63  }
0x249: {  	_ = 	snop  }
0x24a: {  	[tilespmem:s14], [sflag:$0x1] =	stream.indirect.gather [hbm4b:s1+s11], $0x1, s13, s11, $0xb8;
	[tilespmem:$0x380] =	vst v63  }
0x24b: {  	_ =	swait.ge [sflag:s15], $0x10  }
0x24c: {  	[sflag:s15] =	ssyncset.done $0x0  }
0x24d: {  	[sflag:s15] =	ssyncadd.s32 $0xFFFFFFF0  }
0x24e: {  	_ =	swait.ge [sflag:s15], $0x10  }
0x24f: {  	[sflag:s15] =	ssyncset.done $0x0  }
0x250: {  	[sflag:s15] =	ssyncadd.s32 $0xFFFFFFF0  }
0x251: {  	v48 =	vld [tilespmem:$0x100]  }
0x252: {  	v49 =	vld [tilespmem:$0x180];
	_ =	sdelay $0x3  }
0x253: {  	v50 =	vadd.s32 $0x1, v12;
	v51 =	vadd.s32 $0x1, v13;
	vm8 =	vlt.s32 v48, v1  }
0x254: {  	vm9 =	vlt.s32 v49, v2;
	v10 =	vsel vm8, v50, v10;
	v8 =	vsel vm8, v8, v12  }
0x255: {  	v11 =	vsel vm9, v51, v11;
	v9 =	vsel vm9, v9, v13;
	v52 =	vadd.s32 v8, v10  }
0x256: {  	v13 =	vadd.s32 v9, v11;
	v12 =	vshrl.u32 v52, $0x1  }
0x257: {  	v13 =	vshrl.u32 v13, $0x1;
	[tilespmem:$0x0] =	vst v12  }
0x258: {  	[tilespmem:$0x80] =	vst v13  }
0x259: {  	[tilespmem:s12], [sflag:$0x1] =	stream.indirect.gather [hbm4b:s1+s11], $0x1, s3, s11, $0xb8;
	[tilespmem:$0x380] =	vst v63  }
0x25a: {  	_ = 	snop  }
0x25b: {  	[tilespmem:s14], [sflag:$0x1] =	stream.indirect.gather [hbm4b:s1+s11], $0x1, s13, s11, $0xb8;
	[tilespmem:$0x380] =	vst v63  }
0x25c: {  	_ =	swait.ge [sflag:s15], $0x10  }
0x25d: {  	[sflag:s15] =	ssyncset.done $0x0  }
0x25e: {  	[sflag:s15] =	ssyncadd.s32 $0xFFFFFFF0  }
0x25f: {  	_ =	swait.ge [sflag:s15], $0x10  }
0x260: {  	[sflag:s15] =	ssyncset.done $0x0  }
0x261: {  	[sflag:s15] =	ssyncadd.s32 $0xFFFFFFF0  }
0x262: {  	v53 =	vld [tilespmem:$0x100]  }
0x263: {  	v54 =	vld [tilespmem:$0x180];
	_ =	sdelay $0x3  }
0x264: {  	v55 =	vadd.s32 $0x1, v12;
	v56 =	vadd.s32 $0x1, v13;
	vm10 =	vlt.s32 v53, v1  }
0x265: {  	vm11 =	vlt.s32 v54, v2;
	v10 =	vsel vm10, v55, v10;
	v8 =	vsel vm10, v8, v12  }
0x266: {  	v11 =	vsel vm11, v56, v11;
	v9 =	vsel vm11, v9, v13;
	v57 =	vadd.s32 v8, v10  }
0x267: {  	v13 =	vadd.s32 v9, v11;
	v12 =	vshrl.u32 v57, $0x1  }
0x268: {  	v13 =	vshrl.u32 v13, $0x1;
	[tilespmem:$0x0] =	vst v12  }
0x269: {  	[tilespmem:$0x80] =	vst v13  }
0x26a: {  	[tilespmem:s12], [sflag:$0x1] =	stream.indirect.gather [hbm4b:s1+s11], $0x1, s3, s11, $0xb8;
	[tilespmem:$0x380] =	vst v63  }
0x26b: {  	_ = 	snop  }
0x26c: {  	[tilespmem:s14], [sflag:$0x1] =	stream.indirect.gather [hbm4b:s1+s11], $0x1, s13, s11, $0xb8;
	[tilespmem:$0x380] =	vst v63  }
0x26d: {  	_ =	swait.ge [sflag:s15], $0x10  }
0x26e: {  	[sflag:s15] =	ssyncset.done $0x0  }
0x26f: {  	[sflag:s15] =	ssyncadd.s32 $0xFFFFFFF0  }
0x270: {  	_ =	swait.ge [sflag:s15], $0x10  }
0x271: {  	[sflag:s15] =	ssyncset.done $0x0  }
0x272: {  	[sflag:s15] =	ssyncadd.s32 $0xFFFFFFF0  }
0x273: {  	v58 =	vld [tilespmem:$0x100]  }
0x274: {  	v59 =	vld [tilespmem:$0x180];
	_ =	sdelay $0x3  }
0x275: {  	v60 =	vadd.s32 $0x1, v12;
	v61 =	vadd.s32 $0x1, v13;
	vm12 =	vlt.s32 v58, v1  }
0x276: {  	vm13 =	vlt.s32 v59, v2;
	v10 =	vsel vm12, v60, v10;
	v8 =	vsel vm12, v8, v12  }
0x277: {  	v11 =	vsel vm13, v61, v11;
	v9 =	vsel vm13, v9, v13;
	v8 =	vadd.s32 v8, v10  }
0x278: {  	v9 =	vadd.s32 v9, v11;
	v8 =	vshrl.u32 v8, $0x1  }
0x279: {  	v9 =	vshrl.u32 v9, $0x1;
	[tilespmem:$0x0] =	vst v8  }
0x27a: {  	[tilespmem:$0x80] =	vst v9  }
0x27b: {  	[tilespmem:s12], [sflag:$0x1] =	stream.indirect.gather [hbm4b:s1+s11], $0x1, s3, s11, $0xb8;
	[tilespmem:$0x380] =	vst v63  }
0x27c: {  	_ = 	snop  }
0x27d: {  	[tilespmem:s14], [sflag:$0x1] =	stream.indirect.gather [hbm4b:s1+s11], $0x1, s13, s11, $0xb8;
	[tilespmem:$0x380] =	vst v63  }
0x27e: {  	_ =	swait.ge [sflag:s15], $0x10  }
0x27f: {  	[sflag:s15] =	ssyncset.done $0x0  }
0x280: {  	[sflag:s15] =	ssyncadd.s32 $0xFFFFFFF0  }
0x281: {  	_ =	swait.ge [sflag:s15], $0x10  }
0x282: {  	[sflag:s15] =	ssyncset.done $0x0  }
0x283: {  	[sflag:s15] =	ssyncadd.s32 $0xFFFFFFF0  }
0x284: {  	v62 =	vld [tilespmem:$0x100]  }
0x285: {  	v63 =	vld [tilespmem:$0x180];
	_ =	sdelay $0x3  }
0x286: {  	v8 =	vadd.s32 $0x1, v8  }
0x287: {  	v9 =	vadd.s32 $0x1, v9;
	vm14 =	vlt.s32 v62, v1;
	vm15 =	vlt.s32 v63, v2  }
0x288: {  	v8 =	vsel vm14, v8, v10;
	v9 =	vsel vm15, v9, v11  }
0x289: {  	v8 =	vsub.s32 v9, v8  }
0x28a: {  	v8 =	vcvt.s32.f32 v8;
	_ =	sdelay $0x1  }
.Ltmp5:
0x28b: {  	[tilespmem:$0x200] =	vst v8;
	(pc) =	sbr.rel @p1 .LBB2_7-.Ltmp5, $4  }
0x28c: {  	[hbm4b:s6+s3] =	stream.linear.scatter [tilespmem:s16], [sflag:$0x2], $0x10, $0x38;
	[tilespmem:$0x380] =	vst v63  }
0x28d: {  	_ =	swait.ge [sflag:s17], $0x10  }
0x28e: {  	[sflag:s17] =	ssyncset.done $0x0  }
0x28f: {  	[sflag:s17] =	ssyncadd.s32 $0xFFFFFFF0  }
0x290: {  	v8 =	vmul.u32 $0xFA0, v0;
	_ =	sdelay $0x1  }
0x291: {  	[tilespmem:$0x0] =	vst v8;
	v8 =	vadd.s32 $0xF9F, v8  }
0x292: {  	[tilespmem:$0x80] =	vst v8  }
0x293: {  	[tilespmem:s12], [sflag:$0x1] =	stream.indirect.gather [hbm4b:s1+s11], $0x1, s3, s11, $0xb8;
	[tilespmem:$0x380] =	vst v63  }
0x294: {  	_ = 	snop  }
0x295: {  	[tilespmem:s14], [sflag:$0x1] =	stream.indirect.gather [hbm4b:s1+s11], $0x1, s13, s11, $0xb8;
	[tilespmem:$0x380] =	vst v63  }
0x296: {  	_ =	swait.ge [sflag:s15], $0x10  }
0x297: {  	[sflag:s15] =	ssyncset.done $0x0  }
0x298: {  	[sflag:s15] =	ssyncadd.s32 $0xFFFFFFF0  }
0x299: {  	_ =	swait.ge [sflag:s15], $0x10  }
0x29a: {  	[sflag:s15] =	ssyncset.done $0x0  }
0x29b: {  	[sflag:s15] =	ssyncadd.s32 $0xFFFFFFF0  }
0x29c: {  	v8 =	vld [tilespmem:$0x100]  }
0x29d: {  	v9 =	vld [tilespmem:$0x180];
	_ =	sdelay $0x1  }
0x29e: {  	[tilespmem:$0x0] =	vst v6  }
0x29f: {  	[tilespmem:$0x80] =	vst v7  }
0x2a0: {  	[tilespmem:$0x280] =	vst v8  }
0x2a1: {  	[tilespmem:$0x300] =	vst v9  }
0x2a2: {  	[tilespmem:s12], [sflag:$0x1] =	stream.indirect.gather [hbm4b:s1+s11], $0x1, s3, s11, $0xb8;
	[tilespmem:$0x380] =	vst v63  }
0x2a3: {  	_ = 	snop  }
0x2a4: {  	[tilespmem:s14], [sflag:$0x1] =	stream.indirect.gather [hbm4b:s1+s11], $0x1, s13, s11, $0xb8;
	[tilespmem:$0x380] =	vst v63  }
0x2a5: {  	_ =	swait.ge [sflag:s15], $0x10  }
0x2a6: {  	[sflag:s15] =	ssyncset.done $0x0  }
0x2a7: {  	[sflag:s15] =	ssyncadd.s32 $0xFFFFFFF0  }
0x2a8: {  	_ =	swait.ge [sflag:s15], $0x10  }
0x2a9: {  	[sflag:s15] =	ssyncset.done $0x0  }
0x2aa: {  	[sflag:s15] =	ssyncadd.s32 $0xFFFFFFF0  }
0x2ab: {  	v8 =	vld [tilespmem:$0x100]  }
0x2ac: {  	v63 =	vld [tilespmem:$0x180];
	_ =	sdelay $0x3  }
0x2ad: {  	[tilespmem:$0x290] =	vst v8  }
0x2ae: {  	[tilespmem:$0x310] =	vst v63  }
0x2af: {  	[hbm4b:s4+s3] =	stream.linear.scatter [tilespmem:s18], [sflag:$0x2], $0x80, $0x38;
	[tilespmem:$0x380] =	vst v63  }
.Ltmp6:
0x2b0: {  	_ = 	snop;
	(pc) =	sbr.rel .LBB2_6-.Ltmp6, $4  }
0x2b1: {  	_ =	swait.ge [sflag:s17], $0x80  }
0x2b2: {  	[sflag:s17] =	ssyncset.done $0x0  }
0x2b3: {  	[sflag:s17] =	ssyncadd.s32 $0xFFFFFF80  }
0x2b4: {  	[hbm4b:s5+s3] =	stream.linear.scatter [tilespmem:s19], [sflag:$0x2], $0x80, $0x38;
	[tilespmem:$0x380] =	vst v63  }
.LBB2_8:
0x2b5: {  	_ =	sfence.sel $0x180000  }
0x2b6: {  	[bflag:$0x0] =	sbarrier.arrive $0xFFFF  }
0x2b7: {  	_ =	strace $0x90000047  }
0x2b8: {  	s0 =	sadd.s32 @!p1 $0x100000, s0;
	[bflag:$0x2] =	sbarrier.arrive $0xFFFF  }
0x2b9: {  	[sflag:s0] =	ssyncadd.tile.s32 @!p1 $0x1;
	_ =	shalt  }
.Lfunc_end2:
_tile_overlayer_lowered:
.L_overlay_start_2:
0x2ba: {  	(tag) =	ssettag $0x2  }
0x2bb: {  	s0 =	rddreg [dreg:$0x0];
	s2 =	stileid.u32  }
0x2bc: {  	s1 =	rddreg [dreg:$0x1];
	p0 =	sne.s32 s2, $0x0  }
0x2bd: {  	s3 =	rddreg [dreg:$0x2];
	[bflag:$0x3] =	sbarrier.arrive $0xFFFF;
	s2 =	simm.s32 @!p0 $0x1C02  }
0x2be: {  	[timem:s3], [sflag:s2] =	dma.local @!p0 [hbm:s0], s1  }
0x2bf: {  	s0 =	simm.s32 @!p0 $0x2  }
0x2c0: {  	_ =	swait.ge @!p0 [sflag:s0], s1  }
0x2c1: {  	s1 =	ssub.s32 @!p0 $0x0, s1;
	[sflag:s0] =	ssyncset.done @!p0 $0x0  }
0x2c2: {  	[sflag:s0] =	ssyncadd.s32 @!p0 s1  }
0x2c3: {  	[bflag:$0x3] =	sbarrier.arrive $0xFFFF  }
0x2c4: {  	_ =	shalt  }

</sc_bundles>
